<compile_context>
chip_gen: v7x
topology: tpu7x:2x2x1
jax: 0.10.2.dev20260603
libtpu: 0.0.44.dev20260713+nightly
codegen_flags: <defaults>
</compile_context>

<pallas_src>
import functools

import jax
import jax.numpy as jnp
from jax import lax
from jax.experimental import pallas as pl
from jax.experimental.pallas import tpu as pltpu
from jax.experimental.pallas import tpu_sc as plsc

B, S, D = 16, 2048, 1024
DH = D // 2
K = 64
NV = DH // 16
NT = 16
RING = 3
AHEAD = RING - 1
NCHMAX = B * 8

_mesh = plsc.VectorSubcoreMesh(core_axis_name="c", subcore_axis_name="s")


@functools.partial(
    pl.kernel,
    out_type=jax.ShapeDtypeStruct((B, D), jnp.float32),
    mesh=_mesh,
    scratch_types=[
        pltpu.VMEM((RING, K, DH), jnp.float32),
        pltpu.VMEM((B * DH,), jnp.float32),
        pltpu.VMEM((32,), jnp.int32),
        pltpu.VMEM((NT, DH), jnp.float32),
        pltpu.VMEM((DH,), jnp.float32),
        pltpu.VMEM_SHARED((NT, B * DH), jnp.float32),
        pltpu.SMEM((4, NCHMAX), jnp.int32),
        pltpu.SemaphoreType.DMA,
        pltpu.SemaphoreType.DMA,
        pltpu.SemaphoreType.DMA,
    ],
)
def _sc_mean(x_hbm, len_hbm, out_hbm, buf, acc, lenv, redbuf, outb, shared,
             desc, *sems):
    c = lax.axis_index("c")
    s = lax.axis_index("s")
    dh0 = c * DH
    pltpu.sync_copy(len_hbm, lenv.at[pl.ds(0, 16)])
    zero = jnp.zeros((16,), jnp.float32)

    def build_b(b, g):
        len_b = lenv[pl.ds(b, 16)][0]
        q = ((len_b + NT * K - 1) // (NT * K)) * K
        sl = lax.rem(s + b, NT)
        start = sl * q
        cnt = jnp.clip(len_b - start, 0, q)
        nch = (cnt + K - 1) // K

        def build_j(j, g2):
            raw = start + j * K
            dstart = jnp.minimum(raw, S - K)
            d = raw - dstart
            rmax = jnp.minimum(K, cnt - j * K)
            desc[0, g2] = b
            desc[1, g2] = dstart
            desc[2, g2] = d
            desc[3, g2] = d + rmax
            return g2 + 1

        return lax.fori_loop(0, nch, build_j, g)

    nch_tot = lax.fori_loop(0, B, build_b, jnp.int32(0))

    def zero_b(b, carry):
        for v in range(NV):
            acc[pl.ds(b * DH + v * 16, 16)] = zero
        return carry

    lax.fori_loop(0, B, zero_b, jnp.int32(0))

    def issue(g):
        dstart = pl.multiple_of(desc[1, g], 8)
        src = x_hbm.at[desc[0, g], pl.ds(dstart, K), pl.ds(dh0, DH)]
        slot = lax.rem(g, RING)
        for r in range(RING):
            @pl.when(slot == r)
            def _(r=r):
                pltpu.async_copy(src, buf.at[r], sems[r])

    def wait_slot(g):
        slot = lax.rem(g, RING)
        for r in range(RING):
            @pl.when(slot == r)
            def _(r=r):
                pltpu.make_async_copy(
                    x_hbm.at[0, pl.ds(0, K), pl.ds(0, DH)],
                    buf.at[r], sems[r]).wait()

    for gp in range(AHEAD):
        @pl.when(gp < nch_tot)
        def _(gp=gp):
            issue(jnp.int32(gp))

    def g_body(g, carry):
        bprev = carry[0]
        accs = carry[1:]
        b = desc[0, g]
        d0 = desc[2, g]
        d1 = desc[3, g]

        @pl.when(b != bprev)
        def _flush():
            for v in range(NV):
                acc[pl.ds(bprev * DH + v * 16, 16)] = accs[v]

        keep = (b == bprev).astype(jnp.float32)
        accs = tuple(a * keep for a in accs)

        wait_slot(g)

        @pl.when(g + AHEAD < nch_tot)
        def _issue_next():
            issue(g + AHEAD)

        slot = lax.rem(g, RING)

        def row(r, a):
            return tuple(a[v] + buf[slot, r, pl.ds(v * 16, 16)]
                         for v in range(NV))

        accs = lax.fori_loop(d0, d1, row, accs)
        return (b,) + accs

    first_b = desc[0, 0]
    final = lax.fori_loop(0, nch_tot, g_body, (first_b,) + (zero,) * NV)

    @pl.when(nch_tot > 0)
    def _final_flush():
        blast = final[0]
        for v in range(NV):
            acc[pl.ds(blast * DH + v * 16, 16)] = final[1 + v]

    pltpu.sync_copy(acc, shared.at[s])
    plsc.subcore_barrier()
    pltpu.sync_copy(shared.at[pl.ds(0, NT), pl.ds(s * DH, DH)], redbuf)

    def red(t, a):
        return tuple(a[v] + redbuf[t, pl.ds(v * 16, 16)]
                     for v in range(NV))

    tot = lax.fori_loop(0, NT, red, (zero,) * NV)
    len_s = lenv[pl.ds(s, 16)][0]
    inv_v = jnp.full((16,), 1.0, jnp.float32) / len_s.astype(jnp.float32)
    for v in range(NV):
        outb[pl.ds(v * 16, 16)] = tot[v] * inv_v
    pltpu.sync_copy(outb, out_hbm.at[s, pl.ds(dh0, DH)])


def kernel(input, data_mask, length):
    del data_mask
    return _sc_mean(input, length.astype(jnp.int32))

# --- scband reference (transcript-rebuilt; emitter-appended) ---
"""Pipeline reference for scband-scatter-mean-30906584662544 (READ-ONLY COPY).

The authoritative reference and input builder live on the scoring server;
editing this copy changes nothing except your own understanding.
"""

import jax, jax.numpy as jnp
import numpy as np

B, S, D = 16, 2048, 1024

def setup_inputs(seed: int = 0) -> dict:
    key = jax.random.key(seed)
    k1, k2 = jax.random.split(key)
    x = jax.random.normal(k1, (B, S, D), dtype=jnp.float32)
    # lengths in [1, S]; mask row i has exactly lengths[i] leading True values
    lengths = jax.random.randint(k2, (B,), 1, S + 1)
    data_mask = jnp.arange(S)[None, :] < lengths[:, None]
    return {"input": x, "data_mask": data_mask, "length": lengths}

def reference(input, data_mask, length):
    # Faithful ScatterMean: masked elements of each batch row are scatter-added
    # into output[b] (segment id == batch index), then divided by length[b].
    b, s, d = input.shape
    m = data_mask[..., None].astype(input.dtype)
    flat = (input * m).reshape(-1, d)  # zeroed-out positions contribute 0 to the sum
    seg = jnp.repeat(jnp.arange(b), s)
    out = jax.ops.segment_sum(flat, seg, num_segments=b)
    out = out / length[:, None].astype(out.dtype)
    return out

if __name__ == "__main__":
    import jax
    _d = setup_inputs()
    print(jax.jit(kernel)(*tuple(_d.values())))

</pallas_src>

<mosaic_0001>
#map = affine_map<(d0, d1) -> (0, 0, 0)>
#map1 = affine_map<(d0, d1) -> (0)>
#map2 = affine_map<(d0, d1) -> (0, 0)>
module attributes {stable_mosaic.version = 14 : i64} {
  func.func @_sc_mean(%arg0: i32, %arg1: i32, %arg2: memref<16x2048x1024xf32, #tpu.memory_space<hbm>>, %arg3: memref<16xi32, #tpu.memory_space<hbm>>, %arg4: memref<16x1024xf32, #tpu.memory_space<hbm>>, %arg5: memref<3x64x512xf32, #tpu.memory_space<vmem>>, %arg6: memref<8192xf32, #tpu.memory_space<vmem>>, %arg7: memref<32xi32, #tpu.memory_space<vmem>>, %arg8: memref<16x512xf32, #tpu.memory_space<vmem>>, %arg9: memref<512xf32, #tpu.memory_space<vmem>>, %arg10: memref<16x8192xf32, #tpu.memory_space<vmem_shared>>, %arg11: memref<4x128xi32, #tpu.memory_space<smem>>, %arg12: memref<!tpu.dma_semaphore, #tpu.memory_space<semaphore_mem>>, %arg13: memref<!tpu.dma_semaphore, #tpu.memory_space<semaphore_mem>>, %arg14: memref<!tpu.dma_semaphore, #tpu.memory_space<semaphore_mem>>) attributes {dimension_semantics = [#tpu.dimension_semantics<core_parallel>, #tpu.dimension_semantics<subcore_parallel>], iteration_bounds = array<i64: 2, 16>, scalar_prefetch = 0 : i64, scratch_operands = 10 : i64, tpu.core_type = #tpu.core_type<sc_vector_subcore>, window_params = [{transform_indices = #map}, {transform_indices = #map1}, {transform_indices = #map2}]} {
    %mul3A = arith.constant 512 : i32
    %mul3A_0 = arith.muli %arg0, %mul3A : i32
    "tpu.region"() ({
      %run_scoped3A = tpu.sem_alloc : memref<!tpu.dma_semaphore, #tpu.memory_space<semaphore_mem>>
      %dma_start3A = arith.constant 0 : i32
      %dma_start3A_214 = tpu.memref_slice %arg7[%dma_start3A] : memref<32xi32, #tpu.memory_space<vmem>> -> memref<16xi32, #tpu.memory_space<vmem>>
      %dma_start3A_215 = arith.constant 0 : i32
      %dma_start3A_216 = tpu.memref_slice %arg7[%dma_start3A_215] : memref<32xi32, #tpu.memory_space<vmem>> -> memref<16xi32, #tpu.memory_space<vmem>>
      tpu.enqueue_dma source(%arg3 : memref<16xi32, #tpu.memory_space<hbm>>) target(%dma_start3A_216 : memref<16xi32, #tpu.memory_space<vmem>>) target_semaphore(%run_scoped3A : memref<!tpu.dma_semaphore, #tpu.memory_space<semaphore_mem>>)
      %dma_wait3A = arith.constant 0 : i32
      %dma_wait3A_217 = tpu.memref_slice %arg7[%dma_wait3A] : memref<32xi32, #tpu.memory_space<vmem>> -> memref<16xi32, #tpu.memory_space<vmem>>
      %dma_wait3A_218 = arith.constant 0 : i32
      %dma_wait3A_219 = tpu.memref_slice %arg7[%dma_wait3A_218] : memref<32xi32, #tpu.memory_space<vmem>> -> memref<16xi32, #tpu.memory_space<vmem>>
      tpu.wait_dma2 semaphore(%run_scoped3A : memref<!tpu.dma_semaphore, #tpu.memory_space<semaphore_mem>>) src(%arg3 : memref<16xi32, #tpu.memory_space<hbm>>) dst(%dma_wait3A_219 : memref<16xi32, #tpu.memory_space<vmem>>)
      tpu.yield
    }) : () -> ()
    %broadcast_in_dim3A = arith.constant 0.000000e+00 : f32
    %broadcast_in_dim3A_1 = vector.broadcast %broadcast_in_dim3A : f32 to vector<16xf32>
    %scan3A = arith.constant 0 : i32
    %scan3A_2 = arith.constant 0 : i32
    %scan3A_3 = arith.constant 16 : i32
    %scan3A_4 = arith.addi %scan3A_2, %scan3A_3 : i32
    %scan3A_5 = arith.constant 1 : i32
    %scan3A_6 = scf.for %scan3A_214 = %scan3A_2 to %scan3A_4 step %scan3A_5 iter_args(%scan3A_215 = %scan3A) -> (i32)  : i32 {
      %get3A_216 = arith.index_cast %scan3A_214 : i32 to index
      %get3A_217 = tpu.vector_load %arg7[%get3A_216] {strides = array<i32>} : memref<32xi32, #tpu.memory_space<vmem>>, vector<16xi32>,
      %get3A_218 = vector.shape_cast %get3A_217 : vector<16xi32> to vector<16xi32>
      %slice3A_219 = vector.extract_strided_slice %get3A_218 {offsets = [0], sizes = [1], strides = [1]} : vector<16xi32> to vector<1xi32>
      %squeeze3A_220 = vector.extract %slice3A_219[0] : i32 from vector<1xi32>
      %add3A = arith.constant 1024 : i32
      %add3A_221 = arith.addi %squeeze3A_220, %add3A : i32
      %sub3A = arith.constant 1 : i32
      %sub3A_222 = arith.subi %add3A_221, %sub3A : i32
      %jit3A = arith.constant 1024 : i32
      %div3A_223 = arith.divsi %sub3A_222, %jit3A : i32
      %sign3A = arith.constant 0 : i32
      %sign3A_224 = arith.cmpi sgt, %sub3A_222, %sign3A : i32
      %sign3A_225 = arith.extui %sign3A_224 : i1 to i32
      %sign3A_226 = arith.constant 0 : i32
      %sign3A_227 = arith.cmpi slt, %sub3A_222, %sign3A_226 : i32
      %sign3A_228 = arith.extui %sign3A_227 : i1 to i32
      %sign3A_229 = arith.subi %sign3A_225, %sign3A_228 : i32
      %sign3A_230 = arith.constant 0 : i32
      %sign3A_231 = arith.cmpi sgt, %jit3A, %sign3A_230 : i32
      %sign3A_232 = arith.extui %sign3A_231 : i1 to i32
      %sign3A_233 = arith.constant 0 : i32
      %sign3A_234 = arith.cmpi slt, %jit3A, %sign3A_233 : i32
      %sign3A_235 = arith.extui %sign3A_234 : i1 to i32
      %sign3A_236 = arith.subi %sign3A_232, %sign3A_235 : i32
      %ne3A = arith.cmpi ne, %sign3A_229, %sign3A_236 : i32
      %rem3A = arith.remsi %sub3A_222, %jit3A : i32
      %ne3A_237 = arith.constant 0 : i32
      %ne3A_238 = arith.cmpi ne, %rem3A, %ne3A_237 : i32
      %and3A = arith.andi %ne3A, %ne3A_238 : i1
      %sub3A_239 = arith.constant 1 : i32
      %sub3A_240 = arith.subi %div3A_223, %sub3A_239 : i32
      %select_n3A = arith.select %and3A, %sub3A_240, %div3A_223 : i32
      %mul3A_241 = arith.constant 64 : i32
      %mul3A_242 = arith.muli %select_n3A, %mul3A_241 : i32
      %add3A_243 = arith.addi %arg1, %scan3A_214 : i32
      %rem3A_244 = arith.constant 16 : i32
      %rem3A_245 = arith.remsi %add3A_243, %rem3A_244 : i32
      %mul3A_246 = arith.muli %rem3A_245, %mul3A_242 : i32
      %sub3A_247 = arith.subi %squeeze3A_220, %mul3A_246 : i32
      %jit3A_248 = arith.constant 0 : i32
      %max3A = arith.maxsi %jit3A_248, %sub3A_247 : i32
      %min3A = arith.minsi %mul3A_242, %max3A : i32
      %add3A_249 = arith.constant 64 : i32
      %add3A_250 = arith.addi %min3A, %add3A_249 : i32
      %sub3A_251 = arith.constant 1 : i32
      %sub3A_252 = arith.subi %add3A_250, %sub3A_251 : i32
      %jit3A_253 = arith.constant 64 : i32
      %div3A_254 = arith.divsi %sub3A_252, %jit3A_253 : i32
      %sign3A_255 = arith.constant 0 : i32
      %sign3A_256 = arith.cmpi sgt, %sub3A_252, %sign3A_255 : i32
      %sign3A_257 = arith.extui %sign3A_256 : i1 to i32
      %sign3A_258 = arith.constant 0 : i32
      %sign3A_259 = arith.cmpi slt, %sub3A_252, %sign3A_258 : i32
      %sign3A_260 = arith.extui %sign3A_259 : i1 to i32
      %sign3A_261 = arith.subi %sign3A_257, %sign3A_260 : i32
      %sign3A_262 = arith.constant 0 : i32
      %sign3A_263 = arith.cmpi sgt, %jit3A_253, %sign3A_262 : i32
      %sign3A_264 = arith.extui %sign3A_263 : i1 to i32
      %sign3A_265 = arith.constant 0 : i32
      %sign3A_266 = arith.cmpi slt, %jit3A_253, %sign3A_265 : i32
      %sign3A_267 = arith.extui %sign3A_266 : i1 to i32
      %sign3A_268 = arith.subi %sign3A_264, %sign3A_267 : i32
      %ne3A_269 = arith.cmpi ne, %sign3A_261, %sign3A_268 : i32
      %rem3A_270 = arith.remsi %sub3A_252, %jit3A_253 : i32
      %ne3A_271 = arith.constant 0 : i32
      %ne3A_272 = arith.cmpi ne, %rem3A_270, %ne3A_271 : i32
      %and3A_273 = arith.andi %ne3A_269, %ne3A_272 : i1
      %sub3A_274 = arith.constant 1 : i32
      %sub3A_275 = arith.subi %div3A_254, %sub3A_274 : i32
      %select_n3A_276 = arith.select %and3A_273, %sub3A_275, %div3A_254 : i32
      %while3A_277 = arith.constant 0 : i32
      %while3A_278 = arith.subi %select_n3A_276, %while3A_277 : i32
      %while3A_279 = arith.addi %while3A_277, %while3A_278 : i32
      %while3A_280 = arith.constant 1 : i32
      %while3A_281 = arith.divsi %while3A_278, %while3A_280 : i32
      %while3A_282 = arith.muli %while3A_281, %while3A_280 : i32
      %while3A_283 = arith.addi %while3A_277, %while3A_282 : i32
      %while3A_284 = arith.constant 1 : i32
      %while3A_285 = scf.for %while3A_288 = %while3A_277 to %while3A_283 step %while3A_284 iter_args(%while3A_289 = %scan3A_215) -> (i32)  : i32 {
        %mul3A_290 = arith.constant 64 : i32
        %mul3A_291 = arith.muli %while3A_288, %mul3A_290 : i32
        %add3A_292 = arith.addi %mul3A_246, %mul3A_291 : i32
        %min3A_293 = arith.constant 1984 : i32
        %min3A_294 = arith.minsi %add3A_292, %min3A_293 : i32
        %sub3A_295 = arith.subi %add3A_292, %min3A_294 : i32
        %mul3A_296 = arith.constant 64 : i32
        %mul3A_297 = arith.muli %while3A_288, %mul3A_296 : i32
        %sub3A_298 = arith.subi %min3A, %mul3A_297 : i32
        %min3A_299 = arith.constant 64 : i32
        %min3A_300 = arith.minsi %min3A_299, %sub3A_298 : i32
        %swap3A_301 = arith.constant 0 : i32
        %swap3A_302 = arith.index_cast %swap3A_301 : i32 to index
        %swap3A_303 = arith.index_cast %while3A_289 : i32 to index
        %swap3A_304 = memref.load %arg11[%swap3A_302, %swap3A_303] : memref<4x128xi32, #tpu.memory_space<smem>>
        memref.store %scan3A_214, %arg11[%swap3A_302, %swap3A_303] : memref<4x128xi32, #tpu.memory_space<smem>>
        %swap3A_305 = arith.constant 1 : i32
        %swap3A_306 = arith.index_cast %swap3A_305 : i32 to index
        %swap3A_307 = arith.index_cast %while3A_289 : i32 to index
        %swap3A_308 = memref.load %arg11[%swap3A_306, %swap3A_307] : memref<4x128xi32, #tpu.memory_space<smem>>
        memref.store %min3A_294, %arg11[%swap3A_306, %swap3A_307] : memref<4x128xi32, #tpu.memory_space<smem>>
        %swap3A_309 = arith.constant 2 : i32
        %swap3A_310 = arith.index_cast %swap3A_309 : i32 to index
        %swap3A_311 = arith.index_cast %while3A_289 : i32 to index
        %swap3A_312 = memref.load %arg11[%swap3A_310, %swap3A_311] : memref<4x128xi32, #tpu.memory_space<smem>>
        memref.store %sub3A_295, %arg11[%swap3A_310, %swap3A_311] : memref<4x128xi32, #tpu.memory_space<smem>>
        %add3A_313 = arith.addi %sub3A_295, %min3A_300 : i32
        %swap3A_314 = arith.constant 3 : i32
        %swap3A_315 = arith.index_cast %swap3A_314 : i32 to index
        %swap3A_316 = arith.index_cast %while3A_289 : i32 to index
        %swap3A_317 = memref.load %arg11[%swap3A_315, %swap3A_316] : memref<4x128xi32, #tpu.memory_space<smem>>
        memref.store %add3A_313, %arg11[%swap3A_315, %swap3A_316] : memref<4x128xi32, #tpu.memory_space<smem>>
        %add3A_318 = arith.constant 1 : i32
        %add3A_319 = arith.addi %while3A_289, %add3A_318 : i32
        scf.yield %add3A_319 : i32
      }
      %while3A_286 = arith.constant 1 : i32
      %while3A_287 = scf.for %while3A_288 = %while3A_283 to %while3A_279 step %while3A_286 iter_args(%while3A_289 = %while3A_285) -> (i32)  : i32 {
        %mul3A_290 = arith.constant 64 : i32
        %mul3A_291 = arith.muli %while3A_288, %mul3A_290 : i32
        %add3A_292 = arith.addi %mul3A_246, %mul3A_291 : i32
        %min3A_293 = arith.constant 1984 : i32
        %min3A_294 = arith.minsi %add3A_292, %min3A_293 : i32
        %sub3A_295 = arith.subi %add3A_292, %min3A_294 : i32
        %mul3A_296 = arith.constant 64 : i32
        %mul3A_297 = arith.muli %while3A_288, %mul3A_296 : i32
        %sub3A_298 = arith.subi %min3A, %mul3A_297 : i32
        %min3A_299 = arith.constant 64 : i32
        %min3A_300 = arith.minsi %min3A_299, %sub3A_298 : i32
        %swap3A_301 = arith.constant 0 : i32
        %swap3A_302 = arith.index_cast %swap3A_301 : i32 to index
        %swap3A_303 = arith.index_cast %while3A_289 : i32 to index
        %swap3A_304 = memref.load %arg11[%swap3A_302, %swap3A_303] : memref<4x128xi32, #tpu.memory_space<smem>>
        memref.store %scan3A_214, %arg11[%swap3A_302, %swap3A_303] : memref<4x128xi32, #tpu.memory_space<smem>>
        %swap3A_305 = arith.constant 1 : i32
        %swap3A_306 = arith.index_cast %swap3A_305 : i32 to index
        %swap3A_307 = arith.index_cast %while3A_289 : i32 to index
        %swap3A_308 = memref.load %arg11[%swap3A_306, %swap3A_307] : memref<4x128xi32, #tpu.memory_space<smem>>
        memref.store %min3A_294, %arg11[%swap3A_306, %swap3A_307] : memref<4x128xi32, #tpu.memory_space<smem>>
        %swap3A_309 = arith.constant 2 : i32
        %swap3A_310 = arith.index_cast %swap3A_309 : i32 to index
        %swap3A_311 = arith.index_cast %while3A_289 : i32 to index
        %swap3A_312 = memref.load %arg11[%swap3A_310, %swap3A_311] : memref<4x128xi32, #tpu.memory_space<smem>>
        memref.store %sub3A_295, %arg11[%swap3A_310, %swap3A_311] : memref<4x128xi32, #tpu.memory_space<smem>>
        %add3A_313 = arith.addi %sub3A_295, %min3A_300 : i32
        %swap3A_314 = arith.constant 3 : i32
        %swap3A_315 = arith.index_cast %swap3A_314 : i32 to index
        %swap3A_316 = arith.index_cast %while3A_289 : i32 to index
        %swap3A_317 = memref.load %arg11[%swap3A_315, %swap3A_316] : memref<4x128xi32, #tpu.memory_space<smem>>
        memref.store %add3A_313, %arg11[%swap3A_315, %swap3A_316] : memref<4x128xi32, #tpu.memory_space<smem>>
        %add3A_318 = arith.constant 1 : i32
        %add3A_319 = arith.addi %while3A_289, %add3A_318 : i32
        scf.yield %add3A_319 : i32
      }
      scf.yield %while3A_287 : i32
    }
    %scan3A_7 = arith.constant 16 : i32
    %scan3A_8 = arith.constant 0 : i32
    %scan3A_9 = arith.constant 0 : i32
    %scan3A_10 = arith.constant 16 : i32
    %scan3A_11 = arith.addi %scan3A_9, %scan3A_10 : i32
    %scan3A_12 = arith.constant 1 : i32
    scf.for %scan3A_214 = %scan3A_9 to %scan3A_11 step %scan3A_12  : i32 {
      %mul3A_215 = arith.constant 512 : i32
      %mul3A_216 = arith.muli %scan3A_214, %mul3A_215 : i32
      %add3A = arith.constant 0 : i32
      %add3A_217 = arith.addi %mul3A_216, %add3A : i32
      %swap3A_218 = arith.index_cast %add3A_217 : i32 to index
      %swap3A_219 = tpu.vector_load %arg6[%swap3A_218] {strides = array<i32>} : memref<8192xf32, #tpu.memory_space<vmem>>, vector<16xf32>,
      %swap3A_220 = vector.shape_cast %swap3A_219 : vector<16xf32> to vector<16xf32>
      %swap3A_221 = vector.shape_cast %broadcast_in_dim3A_1 : vector<16xf32> to vector<16xf32>
      tpu.vector_store %arg6[%swap3A_218], %swap3A_221 {strides = array<i32>} : memref<8192xf32, #tpu.memory_space<vmem>>, vector<16xf32>,
      %mul3A_222 = arith.constant 512 : i32
      %mul3A_223 = arith.muli %scan3A_214, %mul3A_222 : i32
      %add3A_224 = arith.constant 16 : i32
      %add3A_225 = arith.addi %mul3A_223, %add3A_224 : i32
      %swap3A_226 = arith.index_cast %add3A_225 : i32 to index
      %swap3A_227 = tpu.vector_load %arg6[%swap3A_226] {strides = array<i32>} : memref<8192xf32, #tpu.memory_space<vmem>>, vector<16xf32>,
      %swap3A_228 = vector.shape_cast %swap3A_227 : vector<16xf32> to vector<16xf32>
      %swap3A_229 = vector.shape_cast %broadcast_in_dim3A_1 : vector<16xf32> to vector<16xf32>
      tpu.vector_store %arg6[%swap3A_226], %swap3A_229 {strides = array<i32>} : memref<8192xf32, #tpu.memory_space<vmem>>, vector<16xf32>,
      %mul3A_230 = arith.constant 512 : i32
      %mul3A_231 = arith.muli %scan3A_214, %mul3A_230 : i32
      %add3A_232 = arith.constant 32 : i32
      %add3A_233 = arith.addi %mul3A_231, %add3A_232 : i32
      %swap3A_234 = arith.index_cast %add3A_233 : i32 to index
      %swap3A_235 = tpu.vector_load %arg6[%swap3A_234] {strides = array<i32>} : memref<8192xf32, #tpu.memory_space<vmem>>, vector<16xf32>,
      %swap3A_236 = vector.shape_cast %swap3A_235 : vector<16xf32> to vector<16xf32>
      %swap3A_237 = vector.shape_cast %broadcast_in_dim3A_1 : vector<16xf32> to vector<16xf32>
      tpu.vector_store %arg6[%swap3A_234], %swap3A_237 {strides = array<i32>} : memref<8192xf32, #tpu.memory_space<vmem>>, vector<16xf32>,
      %mul3A_238 = arith.constant 512 : i32
      %mul3A_239 = arith.muli %scan3A_214, %mul3A_238 : i32
      %add3A_240 = arith.constant 48 : i32
      %add3A_241 = arith.addi %mul3A_239, %add3A_240 : i32
      %swap3A_242 = arith.index_cast %add3A_241 : i32 to index
      %swap3A_243 = tpu.vector_load %arg6[%swap3A_242] {strides = array<i32>} : memref<8192xf32, #tpu.memory_space<vmem>>, vector<16xf32>,
      %swap3A_244 = vector.shape_cast %swap3A_243 : vector<16xf32> to vector<16xf32>
      %swap3A_245 = vector.shape_cast %broadcast_in_dim3A_1 : vector<16xf32> to vector<16xf32>
      tpu.vector_store %arg6[%swap3A_242], %swap3A_245 {strides = array<i32>} : memref<8192xf32, #tpu.memory_space<vmem>>, vector<16xf32>,
      %mul3A_246 = arith.constant 512 : i32
      %mul3A_247 = arith.muli %scan3A_214, %mul3A_246 : i32
      %add3A_248 = arith.constant 64 : i32
      %add3A_249 = arith.addi %mul3A_247, %add3A_248 : i32
      %swap3A_250 = arith.index_cast %add3A_249 : i32 to index
      %swap3A_251 = tpu.vector_load %arg6[%swap3A_250] {strides = array<i32>} : memref<8192xf32, #tpu.memory_space<vmem>>, vector<16xf32>,
      %swap3A_252 = vector.shape_cast %swap3A_251 : vector<16xf32> to vector<16xf32>
      %swap3A_253 = vector.shape_cast %broadcast_in_dim3A_1 : vector<16xf32> to vector<16xf32>
      tpu.vector_store %arg6[%swap3A_250], %swap3A_253 {strides = array<i32>} : memref<8192xf32, #tpu.memory_space<vmem>>, vector<16xf32>,
      %mul3A_254 = arith.constant 512 : i32
      %mul3A_255 = arith.muli %scan3A_214, %mul3A_254 : i32
      %add3A_256 = arith.constant 80 : i32
      %add3A_257 = arith.addi %mul3A_255, %add3A_256 : i32
      %swap3A_258 = arith.index_cast %add3A_257 : i32 to index
      %swap3A_259 = tpu.vector_load %arg6[%swap3A_258] {strides = array<i32>} : memref<8192xf32, #tpu.memory_space<vmem>>, vector<16xf32>,
      %swap3A_260 = vector.shape_cast %swap3A_259 : vector<16xf32> to vector<16xf32>
      %swap3A_261 = vector.shape_cast %broadcast_in_dim3A_1 : vector<16xf32> to vector<16xf32>
      tpu.vector_store %arg6[%swap3A_258], %swap3A_261 {strides = array<i32>} : memref<8192xf32, #tpu.memory_space<vmem>>, vector<16xf32>,
      %mul3A_262 = arith.constant 512 : i32
      %mul3A_263 = arith.muli %scan3A_214, %mul3A_262 : i32
      %add3A_264 = arith.constant 96 : i32
      %add3A_265 = arith.addi %mul3A_263, %add3A_264 : i32
      %swap3A_266 = arith.index_cast %add3A_265 : i32 to index
      %swap3A_267 = tpu.vector_load %arg6[%swap3A_266] {strides = array<i32>} : memref<8192xf32, #tpu.memory_space<vmem>>, vector<16xf32>,
      %swap3A_268 = vector.shape_cast %swap3A_267 : vector<16xf32> to vector<16xf32>
      %swap3A_269 = vector.shape_cast %broadcast_in_dim3A_1 : vector<16xf32> to vector<16xf32>
      tpu.vector_store %arg6[%swap3A_266], %swap3A_269 {strides = array<i32>} : memref<8192xf32, #tpu.memory_space<vmem>>, vector<16xf32>,
      %mul3A_270 = arith.constant 512 : i32
      %mul3A_271 = arith.muli %scan3A_214, %mul3A_270 : i32
      %add3A_272 = arith.constant 112 : i32
      %add3A_273 = arith.addi %mul3A_271, %add3A_272 : i32
      %swap3A_274 = arith.index_cast %add3A_273 : i32 to index
      %swap3A_275 = tpu.vector_load %arg6[%swap3A_274] {strides = array<i32>} : memref<8192xf32, #tpu.memory_space<vmem>>, vector<16xf32>,
      %swap3A_276 = vector.shape_cast %swap3A_275 : vector<16xf32> to vector<16xf32>
      %swap3A_277 = vector.shape_cast %broadcast_in_dim3A_1 : vector<16xf32> to vector<16xf32>
      tpu.vector_store %arg6[%swap3A_274], %swap3A_277 {strides = array<i32>} : memref<8192xf32, #tpu.memory_space<vmem>>, vector<16xf32>,
      %mul3A_278 = arith.constant 512 : i32
      %mul3A_279 = arith.muli %scan3A_214, %mul3A_278 : i32
      %add3A_280 = arith.constant 128 : i32
      %add3A_281 = arith.addi %mul3A_279, %add3A_280 : i32
      %swap3A_282 = arith.index_cast %add3A_281 : i32 to index
      %swap3A_283 = tpu.vector_load %arg6[%swap3A_282] {strides = array<i32>} : memref<8192xf32, #tpu.memory_space<vmem>>, vector<16xf32>,
      %swap3A_284 = vector.shape_cast %swap3A_283 : vector<16xf32> to vector<16xf32>
      %swap3A_285 = vector.shape_cast %broadcast_in_dim3A_1 : vector<16xf32> to vector<16xf32>
      tpu.vector_store %arg6[%swap3A_282], %swap3A_285 {strides = array<i32>} : memref<8192xf32, #tpu.memory_space<vmem>>, vector<16xf32>,
      %mul3A_286 = arith.constant 512 : i32
      %mul3A_287 = arith.muli %scan3A_214, %mul3A_286 : i32
      %add3A_288 = arith.constant 144 : i32
      %add3A_289 = arith.addi %mul3A_287, %add3A_288 : i32
      %swap3A_290 = arith.index_cast %add3A_289 : i32 to index
      %swap3A_291 = tpu.vector_load %arg6[%swap3A_290] {strides = array<i32>} : memref<8192xf32, #tpu.memory_space<vmem>>, vector<16xf32>,
      %swap3A_292 = vector.shape_cast %swap3A_291 : vector<16xf32> to vector<16xf32>
      %swap3A_293 = vector.shape_cast %broadcast_in_dim3A_1 : vector<16xf32> to vector<16xf32>
      tpu.vector_store %arg6[%swap3A_290], %swap3A_293 {strides = array<i32>} : memref<8192xf32, #tpu.memory_space<vmem>>, vector<16xf32>,
      %mul3A_294 = arith.constant 512 : i32
      %mul3A_295 = arith.muli %scan3A_214, %mul3A_294 : i32
      %add3A_296 = arith.constant 160 : i32
      %add3A_297 = arith.addi %mul3A_295, %add3A_296 : i32
      %swap3A_298 = arith.index_cast %add3A_297 : i32 to index
      %swap3A_299 = tpu.vector_load %arg6[%swap3A_298] {strides = array<i32>} : memref<8192xf32, #tpu.memory_space<vmem>>, vector<16xf32>,
      %swap3A_300 = vector.shape_cast %swap3A_299 : vector<16xf32> to vector<16xf32>
      %swap3A_301 = vector.shape_cast %broadcast_in_dim3A_1 : vector<16xf32> to vector<16xf32>
      tpu.vector_store %arg6[%swap3A_298], %swap3A_301 {strides = array<i32>} : memref<8192xf32, #tpu.memory_space<vmem>>, vector<16xf32>,
      %mul3A_302 = arith.constant 512 : i32
      %mul3A_303 = arith.muli %scan3A_214, %mul3A_302 : i32
      %add3A_304 = arith.constant 176 : i32
      %add3A_305 = arith.addi %mul3A_303, %add3A_304 : i32
      %swap3A_306 = arith.index_cast %add3A_305 : i32 to index
      %swap3A_307 = tpu.vector_load %arg6[%swap3A_306] {strides = array<i32>} : memref<8192xf32, #tpu.memory_space<vmem>>, vector<16xf32>,
      %swap3A_308 = vector.shape_cast %swap3A_307 : vector<16xf32> to vector<16xf32>
      %swap3A_309 = vector.shape_cast %broadcast_in_dim3A_1 : vector<16xf32> to vector<16xf32>
      tpu.vector_store %arg6[%swap3A_306], %swap3A_309 {strides = array<i32>} : memref<8192xf32, #tpu.memory_space<vmem>>, vector<16xf32>,
      %mul3A_310 = arith.constant 512 : i32
      %mul3A_311 = arith.muli %scan3A_214, %mul3A_310 : i32
      %add3A_312 = arith.constant 192 : i32
      %add3A_313 = arith.addi %mul3A_311, %add3A_312 : i32
      %swap3A_314 = arith.index_cast %add3A_313 : i32 to index
      %swap3A_315 = tpu.vector_load %arg6[%swap3A_314] {strides = array<i32>} : memref<8192xf32, #tpu.memory_space<vmem>>, vector<16xf32>,
      %swap3A_316 = vector.shape_cast %swap3A_315 : vector<16xf32> to vector<16xf32>
      %swap3A_317 = vector.shape_cast %broadcast_in_dim3A_1 : vector<16xf32> to vector<16xf32>
      tpu.vector_store %arg6[%swap3A_314], %swap3A_317 {strides = array<i32>} : memref<8192xf32, #tpu.memory_space<vmem>>, vector<16xf32>,
      %mul3A_318 = arith.constant 512 : i32
      %mul3A_319 = arith.muli %scan3A_214, %mul3A_318 : i32
      %add3A_320 = arith.constant 208 : i32
      %add3A_321 = arith.addi %mul3A_319, %add3A_320 : i32
      %swap3A_322 = arith.index_cast %add3A_321 : i32 to index
      %swap3A_323 = tpu.vector_load %arg6[%swap3A_322] {strides = array<i32>} : memref<8192xf32, #tpu.memory_space<vmem>>, vector<16xf32>,
      %swap3A_324 = vector.shape_cast %swap3A_323 : vector<16xf32> to vector<16xf32>
      %swap3A_325 = vector.shape_cast %broadcast_in_dim3A_1 : vector<16xf32> to vector<16xf32>
      tpu.vector_store %arg6[%swap3A_322], %swap3A_325 {strides = array<i32>} : memref<8192xf32, #tpu.memory_space<vmem>>, vector<16xf32>,
      %mul3A_326 = arith.constant 512 : i32
      %mul3A_327 = arith.muli %scan3A_214, %mul3A_326 : i32
      %add3A_328 = arith.constant 224 : i32
      %add3A_329 = arith.addi %mul3A_327, %add3A_328 : i32
      %swap3A_330 = arith.index_cast %add3A_329 : i32 to index
      %swap3A_331 = tpu.vector_load %arg6[%swap3A_330] {strides = array<i32>} : memref<8192xf32, #tpu.memory_space<vmem>>, vector<16xf32>,
      %swap3A_332 = vector.shape_cast %swap3A_331 : vector<16xf32> to vector<16xf32>
      %swap3A_333 = vector.shape_cast %broadcast_in_dim3A_1 : vector<16xf32> to vector<16xf32>
      tpu.vector_store %arg6[%swap3A_330], %swap3A_333 {strides = array<i32>} : memref<8192xf32, #tpu.memory_space<vmem>>, vector<16xf32>,
      %mul3A_334 = arith.constant 512 : i32
      %mul3A_335 = arith.muli %scan3A_214, %mul3A_334 : i32
      %add3A_336 = arith.constant 240 : i32
      %add3A_337 = arith.addi %mul3A_335, %add3A_336 : i32
      %swap3A_338 = arith.index_cast %add3A_337 : i32 to index
      %swap3A_339 = tpu.vector_load %arg6[%swap3A_338] {strides = array<i32>} : memref<8192xf32, #tpu.memory_space<vmem>>, vector<16xf32>,
      %swap3A_340 = vector.shape_cast %swap3A_339 : vector<16xf32> to vector<16xf32>
      %swap3A_341 = vector.shape_cast %broadcast_in_dim3A_1 : vector<16xf32> to vector<16xf32>
      tpu.vector_store %arg6[%swap3A_338], %swap3A_341 {strides = array<i32>} : memref<8192xf32, #tpu.memory_space<vmem>>, vector<16xf32>,
      %mul3A_342 = arith.constant 512 : i32
      %mul3A_343 = arith.muli %scan3A_214, %mul3A_342 : i32
      %add3A_344 = arith.constant 256 : i32
      %add3A_345 = arith.addi %mul3A_343, %add3A_344 : i32
      %swap3A_346 = arith.index_cast %add3A_345 : i32 to index
      %swap3A_347 = tpu.vector_load %arg6[%swap3A_346] {strides = array<i32>} : memref<8192xf32, #tpu.memory_space<vmem>>, vector<16xf32>,
      %swap3A_348 = vector.shape_cast %swap3A_347 : vector<16xf32> to vector<16xf32>
      %swap3A_349 = vector.shape_cast %broadcast_in_dim3A_1 : vector<16xf32> to vector<16xf32>
      tpu.vector_store %arg6[%swap3A_346], %swap3A_349 {strides = array<i32>} : memref<8192xf32, #tpu.memory_space<vmem>>, vector<16xf32>,
      %mul3A_350 = arith.constant 512 : i32
      %mul3A_351 = arith.muli %scan3A_214, %mul3A_350 : i32
      %add3A_352 = arith.constant 272 : i32
      %add3A_353 = arith.addi %mul3A_351, %add3A_352 : i32
      %swap3A_354 = arith.index_cast %add3A_353 : i32 to index
      %swap3A_355 = tpu.vector_load %arg6[%swap3A_354] {strides = array<i32>} : memref<8192xf32, #tpu.memory_space<vmem>>, vector<16xf32>,
      %swap3A_356 = vector.shape_cast %swap3A_355 : vector<16xf32> to vector<16xf32>
      %swap3A_357 = vector.shape_cast %broadcast_in_dim3A_1 : vector<16xf32> to vector<16xf32>
      tpu.vector_store %arg6[%swap3A_354], %swap3A_357 {strides = array<i32>} : memref<8192xf32, #tpu.memory_space<vmem>>, vector<16xf32>,
      %mul3A_358 = arith.constant 512 : i32
      %mul3A_359 = arith.muli %scan3A_214, %mul3A_358 : i32
      %add3A_360 = arith.constant 288 : i32
      %add3A_361 = arith.addi %mul3A_359, %add3A_360 : i32
      %swap3A_362 = arith.index_cast %add3A_361 : i32 to index
      %swap3A_363 = tpu.vector_load %arg6[%swap3A_362] {strides = array<i32>} : memref<8192xf32, #tpu.memory_space<vmem>>, vector<16xf32>,
      %swap3A_364 = vector.shape_cast %swap3A_363 : vector<16xf32> to vector<16xf32>
      %swap3A_365 = vector.shape_cast %broadcast_in_dim3A_1 : vector<16xf32> to vector<16xf32>
      tpu.vector_store %arg6[%swap3A_362], %swap3A_365 {strides = array<i32>} : memref<8192xf32, #tpu.memory_space<vmem>>, vector<16xf32>,
      %mul3A_366 = arith.constant 512 : i32
      %mul3A_367 = arith.muli %scan3A_214, %mul3A_366 : i32
      %add3A_368 = arith.constant 304 : i32
      %add3A_369 = arith.addi %mul3A_367, %add3A_368 : i32
      %swap3A_370 = arith.index_cast %add3A_369 : i32 to index
      %swap3A_371 = tpu.vector_load %arg6[%swap3A_370] {strides = array<i32>} : memref<8192xf32, #tpu.memory_space<vmem>>, vector<16xf32>,
      %swap3A_372 = vector.shape_cast %swap3A_371 : vector<16xf32> to vector<16xf32>
      %swap3A_373 = vector.shape_cast %broadcast_in_dim3A_1 : vector<16xf32> to vector<16xf32>
      tpu.vector_store %arg6[%swap3A_370], %swap3A_373 {strides = array<i32>} : memref<8192xf32, #tpu.memory_space<vmem>>, vector<16xf32>,
      %mul3A_374 = arith.constant 512 : i32
      %mul3A_375 = arith.muli %scan3A_214, %mul3A_374 : i32
      %add3A_376 = arith.constant 320 : i32
      %add3A_377 = arith.addi %mul3A_375, %add3A_376 : i32
      %swap3A_378 = arith.index_cast %add3A_377 : i32 to index
      %swap3A_379 = tpu.vector_load %arg6[%swap3A_378] {strides = array<i32>} : memref<8192xf32, #tpu.memory_space<vmem>>, vector<16xf32>,
      %swap3A_380 = vector.shape_cast %swap3A_379 : vector<16xf32> to vector<16xf32>
      %swap3A_381 = vector.shape_cast %broadcast_in_dim3A_1 : vector<16xf32> to vector<16xf32>
      tpu.vector_store %arg6[%swap3A_378], %swap3A_381 {strides = array<i32>} : memref<8192xf32, #tpu.memory_space<vmem>>, vector<16xf32>,
      %mul3A_382 = arith.constant 512 : i32
      %mul3A_383 = arith.muli %scan3A_214, %mul3A_382 : i32
      %add3A_384 = arith.constant 336 : i32
      %add3A_385 = arith.addi %mul3A_383, %add3A_384 : i32
      %swap3A_386 = arith.index_cast %add3A_385 : i32 to index
      %swap3A_387 = tpu.vector_load %arg6[%swap3A_386] {strides = array<i32>} : memref<8192xf32, #tpu.memory_space<vmem>>, vector<16xf32>,
      %swap3A_388 = vector.shape_cast %swap3A_387 : vector<16xf32> to vector<16xf32>
      %swap3A_389 = vector.shape_cast %broadcast_in_dim3A_1 : vector<16xf32> to vector<16xf32>
      tpu.vector_store %arg6[%swap3A_386], %swap3A_389 {strides = array<i32>} : memref<8192xf32, #tpu.memory_space<vmem>>, vector<16xf32>,
      %mul3A_390 = arith.constant 512 : i32
      %mul3A_391 = arith.muli %scan3A_214, %mul3A_390 : i32
      %add3A_392 = arith.constant 352 : i32
      %add3A_393 = arith.addi %mul3A_391, %add3A_392 : i32
      %swap3A_394 = arith.index_cast %add3A_393 : i32 to index
      %swap3A_395 = tpu.vector_load %arg6[%swap3A_394] {strides = array<i32>} : memref<8192xf32, #tpu.memory_space<vmem>>, vector<16xf32>,
      %swap3A_396 = vector.shape_cast %swap3A_395 : vector<16xf32> to vector<16xf32>
      %swap3A_397 = vector.shape_cast %broadcast_in_dim3A_1 : vector<16xf32> to vector<16xf32>
      tpu.vector_store %arg6[%swap3A_394], %swap3A_397 {strides = array<i32>} : memref<8192xf32, #tpu.memory_space<vmem>>, vector<16xf32>,
      %mul3A_398 = arith.constant 512 : i32
      %mul3A_399 = arith.muli %scan3A_214, %mul3A_398 : i32
      %add3A_400 = arith.constant 368 : i32
      %add3A_401 = arith.addi %mul3A_399, %add3A_400 : i32
      %swap3A_402 = arith.index_cast %add3A_401 : i32 to index
      %swap3A_403 = tpu.vector_load %arg6[%swap3A_402] {strides = array<i32>} : memref<8192xf32, #tpu.memory_space<vmem>>, vector<16xf32>,
      %swap3A_404 = vector.shape_cast %swap3A_403 : vector<16xf32> to vector<16xf32>
      %swap3A_405 = vector.shape_cast %broadcast_in_dim3A_1 : vector<16xf32> to vector<16xf32>
      tpu.vector_store %arg6[%swap3A_402], %swap3A_405 {strides = array<i32>} : memref<8192xf32, #tpu.memory_space<vmem>>, vector<16xf32>,
      %mul3A_406 = arith.constant 512 : i32
      %mul3A_407 = arith.muli %scan3A_214, %mul3A_406 : i32
      %add3A_408 = arith.constant 384 : i32
      %add3A_409 = arith.addi %mul3A_407, %add3A_408 : i32
      %swap3A_410 = arith.index_cast %add3A_409 : i32 to index
      %swap3A_411 = tpu.vector_load %arg6[%swap3A_410] {strides = array<i32>} : memref<8192xf32, #tpu.memory_space<vmem>>, vector<16xf32>,
      %swap3A_412 = vector.shape_cast %swap3A_411 : vector<16xf32> to vector<16xf32>
      %swap3A_413 = vector.shape_cast %broadcast_in_dim3A_1 : vector<16xf32> to vector<16xf32>
      tpu.vector_store %arg6[%swap3A_410], %swap3A_413 {strides = array<i32>} : memref<8192xf32, #tpu.memory_space<vmem>>, vector<16xf32>,
      %mul3A_414 = arith.constant 512 : i32
      %mul3A_415 = arith.muli %scan3A_214, %mul3A_414 : i32
      %add3A_416 = arith.constant 400 : i32
      %add3A_417 = arith.addi %mul3A_415, %add3A_416 : i32
      %swap3A_418 = arith.index_cast %add3A_417 : i32 to index
      %swap3A_419 = tpu.vector_load %arg6[%swap3A_418] {strides = array<i32>} : memref<8192xf32, #tpu.memory_space<vmem>>, vector<16xf32>,
      %swap3A_420 = vector.shape_cast %swap3A_419 : vector<16xf32> to vector<16xf32>
      %swap3A_421 = vector.shape_cast %broadcast_in_dim3A_1 : vector<16xf32> to vector<16xf32>
      tpu.vector_store %arg6[%swap3A_418], %swap3A_421 {strides = array<i32>} : memref<8192xf32, #tpu.memory_space<vmem>>, vector<16xf32>,
      %mul3A_422 = arith.constant 512 : i32
      %mul3A_423 = arith.muli %scan3A_214, %mul3A_422 : i32
      %add3A_424 = arith.constant 416 : i32
      %add3A_425 = arith.addi %mul3A_423, %add3A_424 : i32
      %swap3A_426 = arith.index_cast %add3A_425 : i32 to index
      %swap3A_427 = tpu.vector_load %arg6[%swap3A_426] {strides = array<i32>} : memref<8192xf32, #tpu.memory_space<vmem>>, vector<16xf32>,
      %swap3A_428 = vector.shape_cast %swap3A_427 : vector<16xf32> to vector<16xf32>
      %swap3A_429 = vector.shape_cast %broadcast_in_dim3A_1 : vector<16xf32> to vector<16xf32>
      tpu.vector_store %arg6[%swap3A_426], %swap3A_429 {strides = array<i32>} : memref<8192xf32, #tpu.memory_space<vmem>>, vector<16xf32>,
      %mul3A_430 = arith.constant 512 : i32
      %mul3A_431 = arith.muli %scan3A_214, %mul3A_430 : i32
      %add3A_432 = arith.constant 432 : i32
      %add3A_433 = arith.addi %mul3A_431, %add3A_432 : i32
      %swap3A_434 = arith.index_cast %add3A_433 : i32 to index
      %swap3A_435 = tpu.vector_load %arg6[%swap3A_434] {strides = array<i32>} : memref<8192xf32, #tpu.memory_space<vmem>>, vector<16xf32>,
      %swap3A_436 = vector.shape_cast %swap3A_435 : vector<16xf32> to vector<16xf32>
      %swap3A_437 = vector.shape_cast %broadcast_in_dim3A_1 : vector<16xf32> to vector<16xf32>
      tpu.vector_store %arg6[%swap3A_434], %swap3A_437 {strides = array<i32>} : memref<8192xf32, #tpu.memory_space<vmem>>, vector<16xf32>,
      %mul3A_438 = arith.constant 512 : i32
      %mul3A_439 = arith.muli %scan3A_214, %mul3A_438 : i32
      %add3A_440 = arith.constant 448 : i32
      %add3A_441 = arith.addi %mul3A_439, %add3A_440 : i32
      %swap3A_442 = arith.index_cast %add3A_441 : i32 to index
      %swap3A_443 = tpu.vector_load %arg6[%swap3A_442] {strides = array<i32>} : memref<8192xf32, #tpu.memory_space<vmem>>, vector<16xf32>,
      %swap3A_444 = vector.shape_cast %swap3A_443 : vector<16xf32> to vector<16xf32>
      %swap3A_445 = vector.shape_cast %broadcast_in_dim3A_1 : vector<16xf32> to vector<16xf32>
      tpu.vector_store %arg6[%swap3A_442], %swap3A_445 {strides = array<i32>} : memref<8192xf32, #tpu.memory_space<vmem>>, vector<16xf32>,
      %mul3A_446 = arith.constant 512 : i32
      %mul3A_447 = arith.muli %scan3A_214, %mul3A_446 : i32
      %add3A_448 = arith.constant 464 : i32
      %add3A_449 = arith.addi %mul3A_447, %add3A_448 : i32
      %swap3A_450 = arith.index_cast %add3A_449 : i32 to index
      %swap3A_451 = tpu.vector_load %arg6[%swap3A_450] {strides = array<i32>} : memref<8192xf32, #tpu.memory_space<vmem>>, vector<16xf32>,
      %swap3A_452 = vector.shape_cast %swap3A_451 : vector<16xf32> to vector<16xf32>
      %swap3A_453 = vector.shape_cast %broadcast_in_dim3A_1 : vector<16xf32> to vector<16xf32>
      tpu.vector_store %arg6[%swap3A_450], %swap3A_453 {strides = array<i32>} : memref<8192xf32, #tpu.memory_space<vmem>>, vector<16xf32>,
      %mul3A_454 = arith.constant 512 : i32
      %mul3A_455 = arith.muli %scan3A_214, %mul3A_454 : i32
      %add3A_456 = arith.constant 480 : i32
      %add3A_457 = arith.addi %mul3A_455, %add3A_456 : i32
      %swap3A_458 = arith.index_cast %add3A_457 : i32 to index
      %swap3A_459 = tpu.vector_load %arg6[%swap3A_458] {strides = array<i32>} : memref<8192xf32, #tpu.memory_space<vmem>>, vector<16xf32>,
      %swap3A_460 = vector.shape_cast %swap3A_459 : vector<16xf32> to vector<16xf32>
      %swap3A_461 = vector.shape_cast %broadcast_in_dim3A_1 : vector<16xf32> to vector<16xf32>
      tpu.vector_store %arg6[%swap3A_458], %swap3A_461 {strides = array<i32>} : memref<8192xf32, #tpu.memory_space<vmem>>, vector<16xf32>,
      %mul3A_462 = arith.constant 512 : i32
      %mul3A_463 = arith.muli %scan3A_214, %mul3A_462 : i32
      %add3A_464 = arith.constant 496 : i32
      %add3A_465 = arith.addi %mul3A_463, %add3A_464 : i32
      %swap3A_466 = arith.index_cast %add3A_465 : i32 to index
      %swap3A_467 = tpu.vector_load %arg6[%swap3A_466] {strides = array<i32>} : memref<8192xf32, #tpu.memory_space<vmem>>, vector<16xf32>,
      %swap3A_468 = vector.shape_cast %swap3A_467 : vector<16xf32> to vector<16xf32>
      %swap3A_469 = vector.shape_cast %broadcast_in_dim3A_1 : vector<16xf32> to vector<16xf32>
      tpu.vector_store %arg6[%swap3A_466], %swap3A_469 {strides = array<i32>} : memref<8192xf32, #tpu.memory_space<vmem>>, vector<16xf32>,
    }
    %scan3A_13 = arith.constant 16 : i32
    %gt3A = arith.constant 0 : i32
    %gt3A_14 = arith.cmpi sgt, %scan3A_6, %gt3A : i32
    %convert_element_type3A = arith.extui %gt3A_14 : i1 to i32
    %cond3A = arith.constant 0 : i32
    %cond3A_15 = arith.cmpi ne, %convert_element_type3A, %cond3A : i32
    scf.if %cond3A_15 {
      %get3A_214 = arith.constant 1 : i32
      %get3A_215 = arith.constant 0 : i32
      %get3A_216 = arith.index_cast %get3A_214 : i32 to index
      %get3A_217 = arith.index_cast %get3A_215 : i32 to index
      %get3A_218 = memref.load %arg11[%get3A_216, %get3A_217] : memref<4x128xi32, #tpu.memory_space<smem>>
      %multiple_of3A = tpu.assume_multiple %get3A_218, 8 : i32
      %get3A_219 = arith.constant 0 : i32
      %get3A_220 = arith.constant 0 : i32
      %get3A_221 = arith.index_cast %get3A_219 : i32 to index
      %get3A_222 = arith.index_cast %get3A_220 : i32 to index
      %get3A_223 = memref.load %arg11[%get3A_221, %get3A_222] : memref<4x128xi32, #tpu.memory_space<smem>>
      %rem3A = arith.constant 0 : i32
      %rem3A_224 = arith.constant 3 : i32
      %rem3A_225 = arith.remsi %rem3A, %rem3A_224 : i32
      %eq3A = arith.constant 0 : i32
      %eq3A_226 = arith.cmpi eq, %rem3A_225, %eq3A : i32
      %convert_element_type3A_227 = arith.extui %eq3A_226 : i1 to i32
      %cond3A_228 = arith.constant 0 : i32
      %cond3A_229 = arith.cmpi ne, %convert_element_type3A_227, %cond3A_228 : i32
      scf.if %cond3A_229 {
        %dma_start3A = arith.constant 0 : i32
        %dma_start3A_240 = arith.constant 0 : i32
        %dma_start3A_241 = arith.constant 0 : i32
        %dma_start3A_242 = tpu.memref_slice %arg5[%dma_start3A, %dma_start3A_240, %dma_start3A_241] : memref<3x64x512xf32, #tpu.memory_space<vmem>> -> memref<1x64x512xf32, #tpu.memory_space<vmem>>
        %dma_start3A_243 = tpu.memref_squeeze %dma_start3A_242 : memref<1x64x512xf32, #tpu.memory_space<vmem>> -> memref<64x512xf32, #tpu.memory_space<vmem>>
        %dma_start3A_244 = tpu.memref_slice %arg2[%get3A_223, %multiple_of3A, %mul3A_0] : memref<16x2048x1024xf32, #tpu.memory_space<hbm>> -> memref<1x64x512xf32, #tpu.memory_space<hbm>>
        %dma_start3A_245 = tpu.memref_squeeze %dma_start3A_244 : memref<1x64x512xf32, #tpu.memory_space<hbm>> -> memref<64x512xf32, #tpu.memory_space<hbm>>
        %dma_start3A_246 = arith.constant 0 : i32
        %dma_start3A_247 = arith.constant 0 : i32
        %dma_start3A_248 = tpu.memref_slice %arg5[%dma_start3A, %dma_start3A_246, %dma_start3A_247] : memref<3x64x512xf32, #tpu.memory_space<vmem>> -> memref<1x64x512xf32, #tpu.memory_space<vmem>>
        %dma_start3A_249 = tpu.memref_squeeze %dma_start3A_248 : memref<1x64x512xf32, #tpu.memory_space<vmem>> -> memref<64x512xf32, #tpu.memory_space<vmem>>
        %dma_start3A_250 = tpu.memref_slice %arg2[%get3A_223, %multiple_of3A, %mul3A_0] : memref<16x2048x1024xf32, #tpu.memory_space<hbm>> -> memref<1x64x512xf32, #tpu.memory_space<hbm>>
        %dma_start3A_251 = tpu.memref_squeeze %dma_start3A_250 : memref<1x64x512xf32, #tpu.memory_space<hbm>> -> memref<64x512xf32, #tpu.memory_space<hbm>>
        tpu.enqueue_dma source(%dma_start3A_251 : memref<64x512xf32, #tpu.memory_space<hbm>>) target(%dma_start3A_249 : memref<64x512xf32, #tpu.memory_space<vmem>>) target_semaphore(%arg12 : memref<!tpu.dma_semaphore, #tpu.memory_space<semaphore_mem>>)
      } else {
      }
      %eq3A_230 = arith.constant 1 : i32
      %eq3A_231 = arith.cmpi eq, %rem3A_225, %eq3A_230 : i32
      %convert_element_type3A_232 = arith.extui %eq3A_231 : i1 to i32
      %cond3A_233 = arith.constant 0 : i32
      %cond3A_234 = arith.cmpi ne, %convert_element_type3A_232, %cond3A_233 : i32
      scf.if %cond3A_234 {
        %dma_start3A = arith.constant 1 : i32
        %dma_start3A_240 = arith.constant 0 : i32
        %dma_start3A_241 = arith.constant 0 : i32
        %dma_start3A_242 = tpu.memref_slice %arg5[%dma_start3A, %dma_start3A_240, %dma_start3A_241] : memref<3x64x512xf32, #tpu.memory_space<vmem>> -> memref<1x64x512xf32, #tpu.memory_space<vmem>>
        %dma_start3A_243 = tpu.memref_squeeze %dma_start3A_242 : memref<1x64x512xf32, #tpu.memory_space<vmem>> -> memref<64x512xf32, #tpu.memory_space<vmem>>
        %dma_start3A_244 = tpu.memref_slice %arg2[%get3A_223, %multiple_of3A, %mul3A_0] : memref<16x2048x1024xf32, #tpu.memory_space<hbm>> -> memref<1x64x512xf32, #tpu.memory_space<hbm>>
        %dma_start3A_245 = tpu.memref_squeeze %dma_start3A_244 : memref<1x64x512xf32, #tpu.memory_space<hbm>> -> memref<64x512xf32, #tpu.memory_space<hbm>>
        %dma_start3A_246 = arith.constant 0 : i32
        %dma_start3A_247 = arith.constant 0 : i32
        %dma_start3A_248 = tpu.memref_slice %arg5[%dma_start3A, %dma_start3A_246, %dma_start3A_247] : memref<3x64x512xf32, #tpu.memory_space<vmem>> -> memref<1x64x512xf32, #tpu.memory_space<vmem>>
        %dma_start3A_249 = tpu.memref_squeeze %dma_start3A_248 : memref<1x64x512xf32, #tpu.memory_space<vmem>> -> memref<64x512xf32, #tpu.memory_space<vmem>>
        %dma_start3A_250 = tpu.memref_slice %arg2[%get3A_223, %multiple_of3A, %mul3A_0] : memref<16x2048x1024xf32, #tpu.memory_space<hbm>> -> memref<1x64x512xf32, #tpu.memory_space<hbm>>
        %dma_start3A_251 = tpu.memref_squeeze %dma_start3A_250 : memref<1x64x512xf32, #tpu.memory_space<hbm>> -> memref<64x512xf32, #tpu.memory_space<hbm>>
        tpu.enqueue_dma source(%dma_start3A_251 : memref<64x512xf32, #tpu.memory_space<hbm>>) target(%dma_start3A_249 : memref<64x512xf32, #tpu.memory_space<vmem>>) target_semaphore(%arg13 : memref<!tpu.dma_semaphore, #tpu.memory_space<semaphore_mem>>)
      } else {
      }
      %eq3A_235 = arith.constant 2 : i32
      %eq3A_236 = arith.cmpi eq, %rem3A_225, %eq3A_235 : i32
      %convert_element_type3A_237 = arith.extui %eq3A_236 : i1 to i32
      %cond3A_238 = arith.constant 0 : i32
      %cond3A_239 = arith.cmpi ne, %convert_element_type3A_237, %cond3A_238 : i32
      scf.if %cond3A_239 {
        %dma_start3A = arith.constant 2 : i32
        %dma_start3A_240 = arith.constant 0 : i32
        %dma_start3A_241 = arith.constant 0 : i32
        %dma_start3A_242 = tpu.memref_slice %arg5[%dma_start3A, %dma_start3A_240, %dma_start3A_241] : memref<3x64x512xf32, #tpu.memory_space<vmem>> -> memref<1x64x512xf32, #tpu.memory_space<vmem>>
        %dma_start3A_243 = tpu.memref_squeeze %dma_start3A_242 : memref<1x64x512xf32, #tpu.memory_space<vmem>> -> memref<64x512xf32, #tpu.memory_space<vmem>>
        %dma_start3A_244 = tpu.memref_slice %arg2[%get3A_223, %multiple_of3A, %mul3A_0] : memref<16x2048x1024xf32, #tpu.memory_space<hbm>> -> memref<1x64x512xf32, #tpu.memory_space<hbm>>
        %dma_start3A_245 = tpu.memref_squeeze %dma_start3A_244 : memref<1x64x512xf32, #tpu.memory_space<hbm>> -> memref<64x512xf32, #tpu.memory_space<hbm>>
        %dma_start3A_246 = arith.constant 0 : i32
        %dma_start3A_247 = arith.constant 0 : i32
        %dma_start3A_248 = tpu.memref_slice %arg5[%dma_start3A, %dma_start3A_246, %dma_start3A_247] : memref<3x64x512xf32, #tpu.memory_space<vmem>> -> memref<1x64x512xf32, #tpu.memory_space<vmem>>
        %dma_start3A_249 = tpu.memref_squeeze %dma_start3A_248 : memref<1x64x512xf32, #tpu.memory_space<vmem>> -> memref<64x512xf32, #tpu.memory_space<vmem>>
        %dma_start3A_250 = tpu.memref_slice %arg2[%get3A_223, %multiple_of3A, %mul3A_0] : memref<16x2048x1024xf32, #tpu.memory_space<hbm>> -> memref<1x64x512xf32, #tpu.memory_space<hbm>>
        %dma_start3A_251 = tpu.memref_squeeze %dma_start3A_250 : memref<1x64x512xf32, #tpu.memory_space<hbm>> -> memref<64x512xf32, #tpu.memory_space<hbm>>
        tpu.enqueue_dma source(%dma_start3A_251 : memref<64x512xf32, #tpu.memory_space<hbm>>) target(%dma_start3A_249 : memref<64x512xf32, #tpu.memory_space<vmem>>) target_semaphore(%arg14 : memref<!tpu.dma_semaphore, #tpu.memory_space<semaphore_mem>>)
      } else {
      }
    } else {
    }
    %gt3A_16 = arith.constant 1 : i32
    %gt3A_17 = arith.cmpi sgt, %scan3A_6, %gt3A_16 : i32
    %convert_element_type3A_18 = arith.extui %gt3A_17 : i1 to i32
    %cond3A_19 = arith.constant 0 : i32
    %cond3A_20 = arith.cmpi ne, %convert_element_type3A_18, %cond3A_19 : i32
    scf.if %cond3A_20 {
      %get3A_214 = arith.constant 1 : i32
      %get3A_215 = arith.constant 1 : i32
      %get3A_216 = arith.index_cast %get3A_214 : i32 to index
      %get3A_217 = arith.index_cast %get3A_215 : i32 to index
      %get3A_218 = memref.load %arg11[%get3A_216, %get3A_217] : memref<4x128xi32, #tpu.memory_space<smem>>
      %multiple_of3A = tpu.assume_multiple %get3A_218, 8 : i32
      %get3A_219 = arith.constant 0 : i32
      %get3A_220 = arith.constant 1 : i32
      %get3A_221 = arith.index_cast %get3A_219 : i32 to index
      %get3A_222 = arith.index_cast %get3A_220 : i32 to index
      %get3A_223 = memref.load %arg11[%get3A_221, %get3A_222] : memref<4x128xi32, #tpu.memory_space<smem>>
      %rem3A = arith.constant 1 : i32
      %rem3A_224 = arith.constant 3 : i32
      %rem3A_225 = arith.remsi %rem3A, %rem3A_224 : i32
      %eq3A = arith.constant 0 : i32
      %eq3A_226 = arith.cmpi eq, %rem3A_225, %eq3A : i32
      %convert_element_type3A_227 = arith.extui %eq3A_226 : i1 to i32
      %cond3A_228 = arith.constant 0 : i32
      %cond3A_229 = arith.cmpi ne, %convert_element_type3A_227, %cond3A_228 : i32
      scf.if %cond3A_229 {
        %dma_start3A = arith.constant 0 : i32
        %dma_start3A_240 = arith.constant 0 : i32
        %dma_start3A_241 = arith.constant 0 : i32
        %dma_start3A_242 = tpu.memref_slice %arg5[%dma_start3A, %dma_start3A_240, %dma_start3A_241] : memref<3x64x512xf32, #tpu.memory_space<vmem>> -> memref<1x64x512xf32, #tpu.memory_space<vmem>>
        %dma_start3A_243 = tpu.memref_squeeze %dma_start3A_242 : memref<1x64x512xf32, #tpu.memory_space<vmem>> -> memref<64x512xf32, #tpu.memory_space<vmem>>
        %dma_start3A_244 = tpu.memref_slice %arg2[%get3A_223, %multiple_of3A, %mul3A_0] : memref<16x2048x1024xf32, #tpu.memory_space<hbm>> -> memref<1x64x512xf32, #tpu.memory_space<hbm>>
        %dma_start3A_245 = tpu.memref_squeeze %dma_start3A_244 : memref<1x64x512xf32, #tpu.memory_space<hbm>> -> memref<64x512xf32, #tpu.memory_space<hbm>>
        %dma_start3A_246 = arith.constant 0 : i32
        %dma_start3A_247 = arith.constant 0 : i32
        %dma_start3A_248 = tpu.memref_slice %arg5[%dma_start3A, %dma_start3A_246, %dma_start3A_247] : memref<3x64x512xf32, #tpu.memory_space<vmem>> -> memref<1x64x512xf32, #tpu.memory_space<vmem>>
        %dma_start3A_249 = tpu.memref_squeeze %dma_start3A_248 : memref<1x64x512xf32, #tpu.memory_space<vmem>> -> memref<64x512xf32, #tpu.memory_space<vmem>>
        %dma_start3A_250 = tpu.memref_slice %arg2[%get3A_223, %multiple_of3A, %mul3A_0] : memref<16x2048x1024xf32, #tpu.memory_space<hbm>> -> memref<1x64x512xf32, #tpu.memory_space<hbm>>
        %dma_start3A_251 = tpu.memref_squeeze %dma_start3A_250 : memref<1x64x512xf32, #tpu.memory_space<hbm>> -> memref<64x512xf32, #tpu.memory_space<hbm>>
        tpu.enqueue_dma source(%dma_start3A_251 : memref<64x512xf32, #tpu.memory_space<hbm>>) target(%dma_start3A_249 : memref<64x512xf32, #tpu.memory_space<vmem>>) target_semaphore(%arg12 : memref<!tpu.dma_semaphore, #tpu.memory_space<semaphore_mem>>)
      } else {
      }
      %eq3A_230 = arith.constant 1 : i32
      %eq3A_231 = arith.cmpi eq, %rem3A_225, %eq3A_230 : i32
      %convert_element_type3A_232 = arith.extui %eq3A_231 : i1 to i32
      %cond3A_233 = arith.constant 0 : i32
      %cond3A_234 = arith.cmpi ne, %convert_element_type3A_232, %cond3A_233 : i32
      scf.if %cond3A_234 {
        %dma_start3A = arith.constant 1 : i32
        %dma_start3A_240 = arith.constant 0 : i32
        %dma_start3A_241 = arith.constant 0 : i32
        %dma_start3A_242 = tpu.memref_slice %arg5[%dma_start3A, %dma_start3A_240, %dma_start3A_241] : memref<3x64x512xf32, #tpu.memory_space<vmem>> -> memref<1x64x512xf32, #tpu.memory_space<vmem>>
        %dma_start3A_243 = tpu.memref_squeeze %dma_start3A_242 : memref<1x64x512xf32, #tpu.memory_space<vmem>> -> memref<64x512xf32, #tpu.memory_space<vmem>>
        %dma_start3A_244 = tpu.memref_slice %arg2[%get3A_223, %multiple_of3A, %mul3A_0] : memref<16x2048x1024xf32, #tpu.memory_space<hbm>> -> memref<1x64x512xf32, #tpu.memory_space<hbm>>
        %dma_start3A_245 = tpu.memref_squeeze %dma_start3A_244 : memref<1x64x512xf32, #tpu.memory_space<hbm>> -> memref<64x512xf32, #tpu.memory_space<hbm>>
        %dma_start3A_246 = arith.constant 0 : i32
        %dma_start3A_247 = arith.constant 0 : i32
        %dma_start3A_248 = tpu.memref_slice %arg5[%dma_start3A, %dma_start3A_246, %dma_start3A_247] : memref<3x64x512xf32, #tpu.memory_space<vmem>> -> memref<1x64x512xf32, #tpu.memory_space<vmem>>
        %dma_start3A_249 = tpu.memref_squeeze %dma_start3A_248 : memref<1x64x512xf32, #tpu.memory_space<vmem>> -> memref<64x512xf32, #tpu.memory_space<vmem>>
        %dma_start3A_250 = tpu.memref_slice %arg2[%get3A_223, %multiple_of3A, %mul3A_0] : memref<16x2048x1024xf32, #tpu.memory_space<hbm>> -> memref<1x64x512xf32, #tpu.memory_space<hbm>>
        %dma_start3A_251 = tpu.memref_squeeze %dma_start3A_250 : memref<1x64x512xf32, #tpu.memory_space<hbm>> -> memref<64x512xf32, #tpu.memory_space<hbm>>
        tpu.enqueue_dma source(%dma_start3A_251 : memref<64x512xf32, #tpu.memory_space<hbm>>) target(%dma_start3A_249 : memref<64x512xf32, #tpu.memory_space<vmem>>) target_semaphore(%arg13 : memref<!tpu.dma_semaphore, #tpu.memory_space<semaphore_mem>>)
      } else {
      }
      %eq3A_235 = arith.constant 2 : i32
      %eq3A_236 = arith.cmpi eq, %rem3A_225, %eq3A_235 : i32
      %convert_element_type3A_237 = arith.extui %eq3A_236 : i1 to i32
      %cond3A_238 = arith.constant 0 : i32
      %cond3A_239 = arith.cmpi ne, %convert_element_type3A_237, %cond3A_238 : i32
      scf.if %cond3A_239 {
        %dma_start3A = arith.constant 2 : i32
        %dma_start3A_240 = arith.constant 0 : i32
        %dma_start3A_241 = arith.constant 0 : i32
        %dma_start3A_242 = tpu.memref_slice %arg5[%dma_start3A, %dma_start3A_240, %dma_start3A_241] : memref<3x64x512xf32, #tpu.memory_space<vmem>> -> memref<1x64x512xf32, #tpu.memory_space<vmem>>
        %dma_start3A_243 = tpu.memref_squeeze %dma_start3A_242 : memref<1x64x512xf32, #tpu.memory_space<vmem>> -> memref<64x512xf32, #tpu.memory_space<vmem>>
        %dma_start3A_244 = tpu.memref_slice %arg2[%get3A_223, %multiple_of3A, %mul3A_0] : memref<16x2048x1024xf32, #tpu.memory_space<hbm>> -> memref<1x64x512xf32, #tpu.memory_space<hbm>>
        %dma_start3A_245 = tpu.memref_squeeze %dma_start3A_244 : memref<1x64x512xf32, #tpu.memory_space<hbm>> -> memref<64x512xf32, #tpu.memory_space<hbm>>
        %dma_start3A_246 = arith.constant 0 : i32
        %dma_start3A_247 = arith.constant 0 : i32
        %dma_start3A_248 = tpu.memref_slice %arg5[%dma_start3A, %dma_start3A_246, %dma_start3A_247] : memref<3x64x512xf32, #tpu.memory_space<vmem>> -> memref<1x64x512xf32, #tpu.memory_space<vmem>>
        %dma_start3A_249 = tpu.memref_squeeze %dma_start3A_248 : memref<1x64x512xf32, #tpu.memory_space<vmem>> -> memref<64x512xf32, #tpu.memory_space<vmem>>
        %dma_start3A_250 = tpu.memref_slice %arg2[%get3A_223, %multiple_of3A, %mul3A_0] : memref<16x2048x1024xf32, #tpu.memory_space<hbm>> -> memref<1x64x512xf32, #tpu.memory_space<hbm>>
        %dma_start3A_251 = tpu.memref_squeeze %dma_start3A_250 : memref<1x64x512xf32, #tpu.memory_space<hbm>> -> memref<64x512xf32, #tpu.memory_space<hbm>>
        tpu.enqueue_dma source(%dma_start3A_251 : memref<64x512xf32, #tpu.memory_space<hbm>>) target(%dma_start3A_249 : memref<64x512xf32, #tpu.memory_space<vmem>>) target_semaphore(%arg14 : memref<!tpu.dma_semaphore, #tpu.memory_space<semaphore_mem>>)
      } else {
      }
    } else {
    }
    %get3A = arith.constant 0 : i32
    %get3A_21 = arith.constant 0 : i32
    %get3A_22 = arith.index_cast %get3A : i32 to index
    %get3A_23 = arith.index_cast %get3A_21 : i32 to index
    %get3A_24 = memref.load %arg11[%get3A_22, %get3A_23] : memref<4x128xi32, #tpu.memory_space<smem>>
    %while3A = arith.constant 0 : i32
    %while3A_25 = arith.subi %scan3A_6, %while3A : i32
    %while3A_26 = arith.addi %while3A, %while3A_25 : i32
    %while3A_27 = arith.constant 1 : i32
    %while3A_28 = arith.divsi %while3A_25, %while3A_27 : i32
    %while3A_29 = arith.muli %while3A_28, %while3A_27 : i32
    %while3A_30 = arith.addi %while3A, %while3A_29 : i32
    %while3A_31 = arith.constant 1 : i32
    %while3A_32:33 = scf.for %while3A_214 = %while3A to %while3A_30 step %while3A_31 iter_args(%while3A_215 = %get3A_24, %while3A_216 = %broadcast_in_dim3A_1, %while3A_217 = %broadcast_in_dim3A_1, %while3A_218 = %broadcast_in_dim3A_1, %while3A_219 = %broadcast_in_dim3A_1, %while3A_220 = %broadcast_in_dim3A_1, %while3A_221 = %broadcast_in_dim3A_1, %while3A_222 = %broadcast_in_dim3A_1, %while3A_223 = %broadcast_in_dim3A_1, %while3A_224 = %broadcast_in_dim3A_1, %while3A_225 = %broadcast_in_dim3A_1, %while3A_226 = %broadcast_in_dim3A_1, %while3A_227 = %broadcast_in_dim3A_1, %while3A_228 = %broadcast_in_dim3A_1, %while3A_229 = %broadcast_in_dim3A_1, %while3A_230 = %broadcast_in_dim3A_1, %while3A_231 = %broadcast_in_dim3A_1, %while3A_232 = %broadcast_in_dim3A_1, %while3A_233 = %broadcast_in_dim3A_1, %while3A_234 = %broadcast_in_dim3A_1, %while3A_235 = %broadcast_in_dim3A_1, %while3A_236 = %broadcast_in_dim3A_1, %while3A_237 = %broadcast_in_dim3A_1, %while3A_238 = %broadcast_in_dim3A_1, %while3A_239 = %broadcast_in_dim3A_1, %while3A_240 = %broadcast_in_dim3A_1, %while3A_241 = %broadcast_in_dim3A_1, %while3A_242 = %broadcast_in_dim3A_1, %while3A_243 = %broadcast_in_dim3A_1, %while3A_244 = %broadcast_in_dim3A_1, %while3A_245 = %broadcast_in_dim3A_1, %while3A_246 = %broadcast_in_dim3A_1, %while3A_247 = %broadcast_in_dim3A_1) -> (i32, vector<16xf32>, vector<16xf32>, vector<16xf32>, vector<16xf32>, vector<16xf32>, vector<16xf32>, vector<16xf32>, vector<16xf32>, vector<16xf32>, vector<16xf32>, vector<16xf32>, vector<16xf32>, vector<16xf32>, vector<16xf32>, vector<16xf32>, vector<16xf32>, vector<16xf32>, vector<16xf32>, vector<16xf32>, vector<16xf32>, vector<16xf32>, vector<16xf32>, vector<16xf32>, vector<16xf32>, vector<16xf32>, vector<16xf32>, vector<16xf32>, vector<16xf32>, vector<16xf32>, vector<16xf32>, vector<16xf32>, vector<16xf32>)  : i32 {
      %get3A_248 = arith.constant 0 : i32
      %get3A_249 = arith.index_cast %get3A_248 : i32 to index
      %get3A_250 = arith.index_cast %while3A_214 : i32 to index
      %get3A_251 = memref.load %arg11[%get3A_249, %get3A_250] : memref<4x128xi32, #tpu.memory_space<smem>>
      %get3A_252 = arith.constant 2 : i32
      %get3A_253 = arith.index_cast %get3A_252 : i32 to index
      %get3A_254 = arith.index_cast %while3A_214 : i32 to index
      %get3A_255 = memref.load %arg11[%get3A_253, %get3A_254] : memref<4x128xi32, #tpu.memory_space<smem>>
      %get3A_256 = arith.constant 3 : i32
      %get3A_257 = arith.index_cast %get3A_256 : i32 to index
      %get3A_258 = arith.index_cast %while3A_214 : i32 to index
      %get3A_259 = memref.load %arg11[%get3A_257, %get3A_258] : memref<4x128xi32, #tpu.memory_space<smem>>
      %ne3A = arith.cmpi ne, %get3A_251, %while3A_215 : i32
      %convert_element_type3A_260 = arith.extui %ne3A : i1 to i32
      %cond3A_261 = arith.constant 0 : i32
      %cond3A_262 = arith.cmpi ne, %convert_element_type3A_260, %cond3A_261 : i32
      scf.if %cond3A_262 {
        %mul3A_361 = arith.constant 512 : i32
        %mul3A_362 = arith.muli %while3A_215, %mul3A_361 : i32
        %add3A_363 = arith.constant 0 : i32
        %add3A_364 = arith.addi %mul3A_362, %add3A_363 : i32
        %swap3A_365 = arith.index_cast %add3A_364 : i32 to index
        %swap3A_366 = tpu.vector_load %arg6[%swap3A_365] {strides = array<i32>} : memref<8192xf32, #tpu.memory_space<vmem>>, vector<16xf32>,
        %swap3A_367 = vector.shape_cast %swap3A_366 : vector<16xf32> to vector<16xf32>
        %swap3A_368 = vector.shape_cast %while3A_216 : vector<16xf32> to vector<16xf32>
        tpu.vector_store %arg6[%swap3A_365], %swap3A_368 {strides = array<i32>} : memref<8192xf32, #tpu.memory_space<vmem>>, vector<16xf32>,
        %mul3A_369 = arith.constant 512 : i32
        %mul3A_370 = arith.muli %while3A_215, %mul3A_369 : i32
        %add3A_371 = arith.constant 16 : i32
        %add3A_372 = arith.addi %mul3A_370, %add3A_371 : i32
        %swap3A_373 = arith.index_cast %add3A_372 : i32 to index
        %swap3A_374 = tpu.vector_load %arg6[%swap3A_373] {strides = array<i32>} : memref<8192xf32, #tpu.memory_space<vmem>>, vector<16xf32>,
        %swap3A_375 = vector.shape_cast %swap3A_374 : vector<16xf32> to vector<16xf32>
        %swap3A_376 = vector.shape_cast %while3A_217 : vector<16xf32> to vector<16xf32>
        tpu.vector_store %arg6[%swap3A_373], %swap3A_376 {strides = array<i32>} : memref<8192xf32, #tpu.memory_space<vmem>>, vector<16xf32>,
        %mul3A_377 = arith.constant 512 : i32
        %mul3A_378 = arith.muli %while3A_215, %mul3A_377 : i32
        %add3A_379 = arith.constant 32 : i32
        %add3A_380 = arith.addi %mul3A_378, %add3A_379 : i32
        %swap3A_381 = arith.index_cast %add3A_380 : i32 to index
        %swap3A_382 = tpu.vector_load %arg6[%swap3A_381] {strides = array<i32>} : memref<8192xf32, #tpu.memory_space<vmem>>, vector<16xf32>,
        %swap3A_383 = vector.shape_cast %swap3A_382 : vector<16xf32> to vector<16xf32>
        %swap3A_384 = vector.shape_cast %while3A_218 : vector<16xf32> to vector<16xf32>
        tpu.vector_store %arg6[%swap3A_381], %swap3A_384 {strides = array<i32>} : memref<8192xf32, #tpu.memory_space<vmem>>, vector<16xf32>,
        %mul3A_385 = arith.constant 512 : i32
        %mul3A_386 = arith.muli %while3A_215, %mul3A_385 : i32
        %add3A_387 = arith.constant 48 : i32
        %add3A_388 = arith.addi %mul3A_386, %add3A_387 : i32
        %swap3A_389 = arith.index_cast %add3A_388 : i32 to index
        %swap3A_390 = tpu.vector_load %arg6[%swap3A_389] {strides = array<i32>} : memref<8192xf32, #tpu.memory_space<vmem>>, vector<16xf32>,
        %swap3A_391 = vector.shape_cast %swap3A_390 : vector<16xf32> to vector<16xf32>
        %swap3A_392 = vector.shape_cast %while3A_219 : vector<16xf32> to vector<16xf32>
        tpu.vector_store %arg6[%swap3A_389], %swap3A_392 {strides = array<i32>} : memref<8192xf32, #tpu.memory_space<vmem>>, vector<16xf32>,
        %mul3A_393 = arith.constant 512 : i32
        %mul3A_394 = arith.muli %while3A_215, %mul3A_393 : i32
        %add3A_395 = arith.constant 64 : i32
        %add3A_396 = arith.addi %mul3A_394, %add3A_395 : i32
        %swap3A_397 = arith.index_cast %add3A_396 : i32 to index
        %swap3A_398 = tpu.vector_load %arg6[%swap3A_397] {strides = array<i32>} : memref<8192xf32, #tpu.memory_space<vmem>>, vector<16xf32>,
        %swap3A_399 = vector.shape_cast %swap3A_398 : vector<16xf32> to vector<16xf32>
        %swap3A_400 = vector.shape_cast %while3A_220 : vector<16xf32> to vector<16xf32>
        tpu.vector_store %arg6[%swap3A_397], %swap3A_400 {strides = array<i32>} : memref<8192xf32, #tpu.memory_space<vmem>>, vector<16xf32>,
        %mul3A_401 = arith.constant 512 : i32
        %mul3A_402 = arith.muli %while3A_215, %mul3A_401 : i32
        %add3A_403 = arith.constant 80 : i32
        %add3A_404 = arith.addi %mul3A_402, %add3A_403 : i32
        %swap3A_405 = arith.index_cast %add3A_404 : i32 to index
        %swap3A_406 = tpu.vector_load %arg6[%swap3A_405] {strides = array<i32>} : memref<8192xf32, #tpu.memory_space<vmem>>, vector<16xf32>,
        %swap3A_407 = vector.shape_cast %swap3A_406 : vector<16xf32> to vector<16xf32>
        %swap3A_408 = vector.shape_cast %while3A_221 : vector<16xf32> to vector<16xf32>
        tpu.vector_store %arg6[%swap3A_405], %swap3A_408 {strides = array<i32>} : memref<8192xf32, #tpu.memory_space<vmem>>, vector<16xf32>,
        %mul3A_409 = arith.constant 512 : i32
        %mul3A_410 = arith.muli %while3A_215, %mul3A_409 : i32
        %add3A_411 = arith.constant 96 : i32
        %add3A_412 = arith.addi %mul3A_410, %add3A_411 : i32
        %swap3A_413 = arith.index_cast %add3A_412 : i32 to index
        %swap3A_414 = tpu.vector_load %arg6[%swap3A_413] {strides = array<i32>} : memref<8192xf32, #tpu.memory_space<vmem>>, vector<16xf32>,
        %swap3A_415 = vector.shape_cast %swap3A_414 : vector<16xf32> to vector<16xf32>
        %swap3A_416 = vector.shape_cast %while3A_222 : vector<16xf32> to vector<16xf32>
        tpu.vector_store %arg6[%swap3A_413], %swap3A_416 {strides = array<i32>} : memref<8192xf32, #tpu.memory_space<vmem>>, vector<16xf32>,
        %mul3A_417 = arith.constant 512 : i32
        %mul3A_418 = arith.muli %while3A_215, %mul3A_417 : i32
        %add3A_419 = arith.constant 112 : i32
        %add3A_420 = arith.addi %mul3A_418, %add3A_419 : i32
        %swap3A_421 = arith.index_cast %add3A_420 : i32 to index
        %swap3A_422 = tpu.vector_load %arg6[%swap3A_421] {strides = array<i32>} : memref<8192xf32, #tpu.memory_space<vmem>>, vector<16xf32>,
        %swap3A_423 = vector.shape_cast %swap3A_422 : vector<16xf32> to vector<16xf32>
        %swap3A_424 = vector.shape_cast %while3A_223 : vector<16xf32> to vector<16xf32>
        tpu.vector_store %arg6[%swap3A_421], %swap3A_424 {strides = array<i32>} : memref<8192xf32, #tpu.memory_space<vmem>>, vector<16xf32>,
        %mul3A_425 = arith.constant 512 : i32
        %mul3A_426 = arith.muli %while3A_215, %mul3A_425 : i32
        %add3A_427 = arith.constant 128 : i32
        %add3A_428 = arith.addi %mul3A_426, %add3A_427 : i32
        %swap3A_429 = arith.index_cast %add3A_428 : i32 to index
        %swap3A_430 = tpu.vector_load %arg6[%swap3A_429] {strides = array<i32>} : memref<8192xf32, #tpu.memory_space<vmem>>, vector<16xf32>,
        %swap3A_431 = vector.shape_cast %swap3A_430 : vector<16xf32> to vector<16xf32>
        %swap3A_432 = vector.shape_cast %while3A_224 : vector<16xf32> to vector<16xf32>
        tpu.vector_store %arg6[%swap3A_429], %swap3A_432 {strides = array<i32>} : memref<8192xf32, #tpu.memory_space<vmem>>, vector<16xf32>,
        %mul3A_433 = arith.constant 512 : i32
        %mul3A_434 = arith.muli %while3A_215, %mul3A_433 : i32
        %add3A_435 = arith.constant 144 : i32
        %add3A_436 = arith.addi %mul3A_434, %add3A_435 : i32
        %swap3A_437 = arith.index_cast %add3A_436 : i32 to index
        %swap3A_438 = tpu.vector_load %arg6[%swap3A_437] {strides = array<i32>} : memref<8192xf32, #tpu.memory_space<vmem>>, vector<16xf32>,
        %swap3A_439 = vector.shape_cast %swap3A_438 : vector<16xf32> to vector<16xf32>
        %swap3A_440 = vector.shape_cast %while3A_225 : vector<16xf32> to vector<16xf32>
        tpu.vector_store %arg6[%swap3A_437], %swap3A_440 {strides = array<i32>} : memref<8192xf32, #tpu.memory_space<vmem>>, vector<16xf32>,
        %mul3A_441 = arith.constant 512 : i32
        %mul3A_442 = arith.muli %while3A_215, %mul3A_441 : i32
        %add3A_443 = arith.constant 160 : i32
        %add3A_444 = arith.addi %mul3A_442, %add3A_443 : i32
        %swap3A_445 = arith.index_cast %add3A_444 : i32 to index
        %swap3A_446 = tpu.vector_load %arg6[%swap3A_445] {strides = array<i32>} : memref<8192xf32, #tpu.memory_space<vmem>>, vector<16xf32>,
        %swap3A_447 = vector.shape_cast %swap3A_446 : vector<16xf32> to vector<16xf32>
        %swap3A_448 = vector.shape_cast %while3A_226 : vector<16xf32> to vector<16xf32>
        tpu.vector_store %arg6[%swap3A_445], %swap3A_448 {strides = array<i32>} : memref<8192xf32, #tpu.memory_space<vmem>>, vector<16xf32>,
        %mul3A_449 = arith.constant 512 : i32
        %mul3A_450 = arith.muli %while3A_215, %mul3A_449 : i32
        %add3A_451 = arith.constant 176 : i32
        %add3A_452 = arith.addi %mul3A_450, %add3A_451 : i32
        %swap3A_453 = arith.index_cast %add3A_452 : i32 to index
        %swap3A_454 = tpu.vector_load %arg6[%swap3A_453] {strides = array<i32>} : memref<8192xf32, #tpu.memory_space<vmem>>, vector<16xf32>,
        %swap3A_455 = vector.shape_cast %swap3A_454 : vector<16xf32> to vector<16xf32>
        %swap3A_456 = vector.shape_cast %while3A_227 : vector<16xf32> to vector<16xf32>
        tpu.vector_store %arg6[%swap3A_453], %swap3A_456 {strides = array<i32>} : memref<8192xf32, #tpu.memory_space<vmem>>, vector<16xf32>,
        %mul3A_457 = arith.constant 512 : i32
        %mul3A_458 = arith.muli %while3A_215, %mul3A_457 : i32
        %add3A_459 = arith.constant 192 : i32
        %add3A_460 = arith.addi %mul3A_458, %add3A_459 : i32
        %swap3A_461 = arith.index_cast %add3A_460 : i32 to index
        %swap3A_462 = tpu.vector_load %arg6[%swap3A_461] {strides = array<i32>} : memref<8192xf32, #tpu.memory_space<vmem>>, vector<16xf32>,
        %swap3A_463 = vector.shape_cast %swap3A_462 : vector<16xf32> to vector<16xf32>
        %swap3A_464 = vector.shape_cast %while3A_228 : vector<16xf32> to vector<16xf32>
        tpu.vector_store %arg6[%swap3A_461], %swap3A_464 {strides = array<i32>} : memref<8192xf32, #tpu.memory_space<vmem>>, vector<16xf32>,
        %mul3A_465 = arith.constant 512 : i32
        %mul3A_466 = arith.muli %while3A_215, %mul3A_465 : i32
        %add3A_467 = arith.constant 208 : i32
        %add3A_468 = arith.addi %mul3A_466, %add3A_467 : i32
        %swap3A_469 = arith.index_cast %add3A_468 : i32 to index
        %swap3A_470 = tpu.vector_load %arg6[%swap3A_469] {strides = array<i32>} : memref<8192xf32, #tpu.memory_space<vmem>>, vector<16xf32>,
        %swap3A_471 = vector.shape_cast %swap3A_470 : vector<16xf32> to vector<16xf32>
        %swap3A_472 = vector.shape_cast %while3A_229 : vector<16xf32> to vector<16xf32>
        tpu.vector_store %arg6[%swap3A_469], %swap3A_472 {strides = array<i32>} : memref<8192xf32, #tpu.memory_space<vmem>>, vector<16xf32>,
        %mul3A_473 = arith.constant 512 : i32
        %mul3A_474 = arith.muli %while3A_215, %mul3A_473 : i32
        %add3A_475 = arith.constant 224 : i32
        %add3A_476 = arith.addi %mul3A_474, %add3A_475 : i32
        %swap3A_477 = arith.index_cast %add3A_476 : i32 to index
        %swap3A_478 = tpu.vector_load %arg6[%swap3A_477] {strides = array<i32>} : memref<8192xf32, #tpu.memory_space<vmem>>, vector<16xf32>,
        %swap3A_479 = vector.shape_cast %swap3A_478 : vector<16xf32> to vector<16xf32>
        %swap3A_480 = vector.shape_cast %while3A_230 : vector<16xf32> to vector<16xf32>
        tpu.vector_store %arg6[%swap3A_477], %swap3A_480 {strides = array<i32>} : memref<8192xf32, #tpu.memory_space<vmem>>, vector<16xf32>,
        %mul3A_481 = arith.constant 512 : i32
        %mul3A_482 = arith.muli %while3A_215, %mul3A_481 : i32
        %add3A_483 = arith.constant 240 : i32
        %add3A_484 = arith.addi %mul3A_482, %add3A_483 : i32
        %swap3A_485 = arith.index_cast %add3A_484 : i32 to index
        %swap3A_486 = tpu.vector_load %arg6[%swap3A_485] {strides = array<i32>} : memref<8192xf32, #tpu.memory_space<vmem>>, vector<16xf32>,
        %swap3A_487 = vector.shape_cast %swap3A_486 : vector<16xf32> to vector<16xf32>
        %swap3A_488 = vector.shape_cast %while3A_231 : vector<16xf32> to vector<16xf32>
        tpu.vector_store %arg6[%swap3A_485], %swap3A_488 {strides = array<i32>} : memref<8192xf32, #tpu.memory_space<vmem>>, vector<16xf32>,
        %mul3A_489 = arith.constant 512 : i32
        %mul3A_490 = arith.muli %while3A_215, %mul3A_489 : i32
        %add3A_491 = arith.constant 256 : i32
        %add3A_492 = arith.addi %mul3A_490, %add3A_491 : i32
        %swap3A_493 = arith.index_cast %add3A_492 : i32 to index
        %swap3A_494 = tpu.vector_load %arg6[%swap3A_493] {strides = array<i32>} : memref<8192xf32, #tpu.memory_space<vmem>>, vector<16xf32>,
        %swap3A_495 = vector.shape_cast %swap3A_494 : vector<16xf32> to vector<16xf32>
        %swap3A_496 = vector.shape_cast %while3A_232 : vector<16xf32> to vector<16xf32>
        tpu.vector_store %arg6[%swap3A_493], %swap3A_496 {strides = array<i32>} : memref<8192xf32, #tpu.memory_space<vmem>>, vector<16xf32>,
        %mul3A_497 = arith.constant 512 : i32
        %mul3A_498 = arith.muli %while3A_215, %mul3A_497 : i32
        %add3A_499 = arith.constant 272 : i32
        %add3A_500 = arith.addi %mul3A_498, %add3A_499 : i32
        %swap3A_501 = arith.index_cast %add3A_500 : i32 to index
        %swap3A_502 = tpu.vector_load %arg6[%swap3A_501] {strides = array<i32>} : memref<8192xf32, #tpu.memory_space<vmem>>, vector<16xf32>,
        %swap3A_503 = vector.shape_cast %swap3A_502 : vector<16xf32> to vector<16xf32>
        %swap3A_504 = vector.shape_cast %while3A_233 : vector<16xf32> to vector<16xf32>
        tpu.vector_store %arg6[%swap3A_501], %swap3A_504 {strides = array<i32>} : memref<8192xf32, #tpu.memory_space<vmem>>, vector<16xf32>,
        %mul3A_505 = arith.constant 512 : i32
        %mul3A_506 = arith.muli %while3A_215, %mul3A_505 : i32
        %add3A_507 = arith.constant 288 : i32
        %add3A_508 = arith.addi %mul3A_506, %add3A_507 : i32
        %swap3A_509 = arith.index_cast %add3A_508 : i32 to index
        %swap3A_510 = tpu.vector_load %arg6[%swap3A_509] {strides = array<i32>} : memref<8192xf32, #tpu.memory_space<vmem>>, vector<16xf32>,
        %swap3A_511 = vector.shape_cast %swap3A_510 : vector<16xf32> to vector<16xf32>
        %swap3A_512 = vector.shape_cast %while3A_234 : vector<16xf32> to vector<16xf32>
        tpu.vector_store %arg6[%swap3A_509], %swap3A_512 {strides = array<i32>} : memref<8192xf32, #tpu.memory_space<vmem>>, vector<16xf32>,
        %mul3A_513 = arith.constant 512 : i32
        %mul3A_514 = arith.muli %while3A_215, %mul3A_513 : i32
        %add3A_515 = arith.constant 304 : i32
        %add3A_516 = arith.addi %mul3A_514, %add3A_515 : i32
        %swap3A_517 = arith.index_cast %add3A_516 : i32 to index
        %swap3A_518 = tpu.vector_load %arg6[%swap3A_517] {strides = array<i32>} : memref<8192xf32, #tpu.memory_space<vmem>>, vector<16xf32>,
        %swap3A_519 = vector.shape_cast %swap3A_518 : vector<16xf32> to vector<16xf32>
        %swap3A_520 = vector.shape_cast %while3A_235 : vector<16xf32> to vector<16xf32>
        tpu.vector_store %arg6[%swap3A_517], %swap3A_520 {strides = array<i32>} : memref<8192xf32, #tpu.memory_space<vmem>>, vector<16xf32>,
        %mul3A_521 = arith.constant 512 : i32
        %mul3A_522 = arith.muli %while3A_215, %mul3A_521 : i32
        %add3A_523 = arith.constant 320 : i32
        %add3A_524 = arith.addi %mul3A_522, %add3A_523 : i32
        %swap3A_525 = arith.index_cast %add3A_524 : i32 to index
        %swap3A_526 = tpu.vector_load %arg6[%swap3A_525] {strides = array<i32>} : memref<8192xf32, #tpu.memory_space<vmem>>, vector<16xf32>,
        %swap3A_527 = vector.shape_cast %swap3A_526 : vector<16xf32> to vector<16xf32>
        %swap3A_528 = vector.shape_cast %while3A_236 : vector<16xf32> to vector<16xf32>
        tpu.vector_store %arg6[%swap3A_525], %swap3A_528 {strides = array<i32>} : memref<8192xf32, #tpu.memory_space<vmem>>, vector<16xf32>,
        %mul3A_529 = arith.constant 512 : i32
        %mul3A_530 = arith.muli %while3A_215, %mul3A_529 : i32
        %add3A_531 = arith.constant 336 : i32
        %add3A_532 = arith.addi %mul3A_530, %add3A_531 : i32
        %swap3A_533 = arith.index_cast %add3A_532 : i32 to index
        %swap3A_534 = tpu.vector_load %arg6[%swap3A_533] {strides = array<i32>} : memref<8192xf32, #tpu.memory_space<vmem>>, vector<16xf32>,
        %swap3A_535 = vector.shape_cast %swap3A_534 : vector<16xf32> to vector<16xf32>
        %swap3A_536 = vector.shape_cast %while3A_237 : vector<16xf32> to vector<16xf32>
        tpu.vector_store %arg6[%swap3A_533], %swap3A_536 {strides = array<i32>} : memref<8192xf32, #tpu.memory_space<vmem>>, vector<16xf32>,
        %mul3A_537 = arith.constant 512 : i32
        %mul3A_538 = arith.muli %while3A_215, %mul3A_537 : i32
        %add3A_539 = arith.constant 352 : i32
        %add3A_540 = arith.addi %mul3A_538, %add3A_539 : i32
        %swap3A_541 = arith.index_cast %add3A_540 : i32 to index
        %swap3A_542 = tpu.vector_load %arg6[%swap3A_541] {strides = array<i32>} : memref<8192xf32, #tpu.memory_space<vmem>>, vector<16xf32>,
        %swap3A_543 = vector.shape_cast %swap3A_542 : vector<16xf32> to vector<16xf32>
        %swap3A_544 = vector.shape_cast %while3A_238 : vector<16xf32> to vector<16xf32>
        tpu.vector_store %arg6[%swap3A_541], %swap3A_544 {strides = array<i32>} : memref<8192xf32, #tpu.memory_space<vmem>>, vector<16xf32>,
        %mul3A_545 = arith.constant 512 : i32
        %mul3A_546 = arith.muli %while3A_215, %mul3A_545 : i32
        %add3A_547 = arith.constant 368 : i32
        %add3A_548 = arith.addi %mul3A_546, %add3A_547 : i32
        %swap3A_549 = arith.index_cast %add3A_548 : i32 to index
        %swap3A_550 = tpu.vector_load %arg6[%swap3A_549] {strides = array<i32>} : memref<8192xf32, #tpu.memory_space<vmem>>, vector<16xf32>,
        %swap3A_551 = vector.shape_cast %swap3A_550 : vector<16xf32> to vector<16xf32>
        %swap3A_552 = vector.shape_cast %while3A_239 : vector<16xf32> to vector<16xf32>
        tpu.vector_store %arg6[%swap3A_549], %swap3A_552 {strides = array<i32>} : memref<8192xf32, #tpu.memory_space<vmem>>, vector<16xf32>,
        %mul3A_553 = arith.constant 512 : i32
        %mul3A_554 = arith.muli %while3A_215, %mul3A_553 : i32
        %add3A_555 = arith.constant 384 : i32
        %add3A_556 = arith.addi %mul3A_554, %add3A_555 : i32
        %swap3A_557 = arith.index_cast %add3A_556 : i32 to index
        %swap3A_558 = tpu.vector_load %arg6[%swap3A_557] {strides = array<i32>} : memref<8192xf32, #tpu.memory_space<vmem>>, vector<16xf32>,
        %swap3A_559 = vector.shape_cast %swap3A_558 : vector<16xf32> to vector<16xf32>
        %swap3A_560 = vector.shape_cast %while3A_240 : vector<16xf32> to vector<16xf32>
        tpu.vector_store %arg6[%swap3A_557], %swap3A_560 {strides = array<i32>} : memref<8192xf32, #tpu.memory_space<vmem>>, vector<16xf32>,
        %mul3A_561 = arith.constant 512 : i32
        %mul3A_562 = arith.muli %while3A_215, %mul3A_561 : i32
        %add3A_563 = arith.constant 400 : i32
        %add3A_564 = arith.addi %mul3A_562, %add3A_563 : i32
        %swap3A_565 = arith.index_cast %add3A_564 : i32 to index
        %swap3A_566 = tpu.vector_load %arg6[%swap3A_565] {strides = array<i32>} : memref<8192xf32, #tpu.memory_space<vmem>>, vector<16xf32>,
        %swap3A_567 = vector.shape_cast %swap3A_566 : vector<16xf32> to vector<16xf32>
        %swap3A_568 = vector.shape_cast %while3A_241 : vector<16xf32> to vector<16xf32>
        tpu.vector_store %arg6[%swap3A_565], %swap3A_568 {strides = array<i32>} : memref<8192xf32, #tpu.memory_space<vmem>>, vector<16xf32>,
        %mul3A_569 = arith.constant 512 : i32
        %mul3A_570 = arith.muli %while3A_215, %mul3A_569 : i32
        %add3A_571 = arith.constant 416 : i32
        %add3A_572 = arith.addi %mul3A_570, %add3A_571 : i32
        %swap3A_573 = arith.index_cast %add3A_572 : i32 to index
        %swap3A_574 = tpu.vector_load %arg6[%swap3A_573] {strides = array<i32>} : memref<8192xf32, #tpu.memory_space<vmem>>, vector<16xf32>,
        %swap3A_575 = vector.shape_cast %swap3A_574 : vector<16xf32> to vector<16xf32>
        %swap3A_576 = vector.shape_cast %while3A_242 : vector<16xf32> to vector<16xf32>
        tpu.vector_store %arg6[%swap3A_573], %swap3A_576 {strides = array<i32>} : memref<8192xf32, #tpu.memory_space<vmem>>, vector<16xf32>,
        %mul3A_577 = arith.constant 512 : i32
        %mul3A_578 = arith.muli %while3A_215, %mul3A_577 : i32
        %add3A_579 = arith.constant 432 : i32
        %add3A_580 = arith.addi %mul3A_578, %add3A_579 : i32
        %swap3A_581 = arith.index_cast %add3A_580 : i32 to index
        %swap3A_582 = tpu.vector_load %arg6[%swap3A_581] {strides = array<i32>} : memref<8192xf32, #tpu.memory_space<vmem>>, vector<16xf32>,
        %swap3A_583 = vector.shape_cast %swap3A_582 : vector<16xf32> to vector<16xf32>
        %swap3A_584 = vector.shape_cast %while3A_243 : vector<16xf32> to vector<16xf32>
        tpu.vector_store %arg6[%swap3A_581], %swap3A_584 {strides = array<i32>} : memref<8192xf32, #tpu.memory_space<vmem>>, vector<16xf32>,
        %mul3A_585 = arith.constant 512 : i32
        %mul3A_586 = arith.muli %while3A_215, %mul3A_585 : i32
        %add3A_587 = arith.constant 448 : i32
        %add3A_588 = arith.addi %mul3A_586, %add3A_587 : i32
        %swap3A_589 = arith.index_cast %add3A_588 : i32 to index
        %swap3A_590 = tpu.vector_load %arg6[%swap3A_589] {strides = array<i32>} : memref<8192xf32, #tpu.memory_space<vmem>>, vector<16xf32>,
        %swap3A_591 = vector.shape_cast %swap3A_590 : vector<16xf32> to vector<16xf32>
        %swap3A_592 = vector.shape_cast %while3A_244 : vector<16xf32> to vector<16xf32>
        tpu.vector_store %arg6[%swap3A_589], %swap3A_592 {strides = array<i32>} : memref<8192xf32, #tpu.memory_space<vmem>>, vector<16xf32>,
        %mul3A_593 = arith.constant 512 : i32
        %mul3A_594 = arith.muli %while3A_215, %mul3A_593 : i32
        %add3A_595 = arith.constant 464 : i32
        %add3A_596 = arith.addi %mul3A_594, %add3A_595 : i32
        %swap3A_597 = arith.index_cast %add3A_596 : i32 to index
        %swap3A_598 = tpu.vector_load %arg6[%swap3A_597] {strides = array<i32>} : memref<8192xf32, #tpu.memory_space<vmem>>, vector<16xf32>,
        %swap3A_599 = vector.shape_cast %swap3A_598 : vector<16xf32> to vector<16xf32>
        %swap3A_600 = vector.shape_cast %while3A_245 : vector<16xf32> to vector<16xf32>
        tpu.vector_store %arg6[%swap3A_597], %swap3A_600 {strides = array<i32>} : memref<8192xf32, #tpu.memory_space<vmem>>, vector<16xf32>,
        %mul3A_601 = arith.constant 512 : i32
        %mul3A_602 = arith.muli %while3A_215, %mul3A_601 : i32
        %add3A_603 = arith.constant 480 : i32
        %add3A_604 = arith.addi %mul3A_602, %add3A_603 : i32
        %swap3A_605 = arith.index_cast %add3A_604 : i32 to index
        %swap3A_606 = tpu.vector_load %arg6[%swap3A_605] {strides = array<i32>} : memref<8192xf32, #tpu.memory_space<vmem>>, vector<16xf32>,
        %swap3A_607 = vector.shape_cast %swap3A_606 : vector<16xf32> to vector<16xf32>
        %swap3A_608 = vector.shape_cast %while3A_246 : vector<16xf32> to vector<16xf32>
        tpu.vector_store %arg6[%swap3A_605], %swap3A_608 {strides = array<i32>} : memref<8192xf32, #tpu.memory_space<vmem>>, vector<16xf32>,
        %mul3A_609 = arith.constant 512 : i32
        %mul3A_610 = arith.muli %while3A_215, %mul3A_609 : i32
        %add3A_611 = arith.constant 496 : i32
        %add3A_612 = arith.addi %mul3A_610, %add3A_611 : i32
        %swap3A_613 = arith.index_cast %add3A_612 : i32 to index
        %swap3A_614 = tpu.vector_load %arg6[%swap3A_613] {strides = array<i32>} : memref<8192xf32, #tpu.memory_space<vmem>>, vector<16xf32>,
        %swap3A_615 = vector.shape_cast %swap3A_614 : vector<16xf32> to vector<16xf32>
        %swap3A_616 = vector.shape_cast %while3A_247 : vector<16xf32> to vector<16xf32>
        tpu.vector_store %arg6[%swap3A_613], %swap3A_616 {strides = array<i32>} : memref<8192xf32, #tpu.memory_space<vmem>>, vector<16xf32>,
      } else {
      }
      %eq3A = arith.cmpi eq, %get3A_251, %while3A_215 : i32
      %convert_element_type3A_263 = arith.extui %eq3A : i1 to i32
      %convert_element_type3A_264 = arith.sitofp %convert_element_type3A_263 : i32 to f32
      %mul3A_265 = vector.broadcast %convert_element_type3A_264 : f32 to vector<16xf32>
      %mul3A_266 = arith.mulf %while3A_216, %mul3A_265 : vector<16xf32>
      %mul3A_267 = vector.broadcast %convert_element_type3A_264 : f32 to vector<16xf32>
      %mul3A_268 = arith.mulf %while3A_217, %mul3A_267 : vector<16xf32>
      %mul3A_269 = vector.broadcast %convert_element_type3A_264 : f32 to vector<16xf32>
      %mul3A_270 = arith.mulf %while3A_218, %mul3A_269 : vector<16xf32>
      %mul3A_271 = vector.broadcast %convert_element_type3A_264 : f32 to vector<16xf32>
      %mul3A_272 = arith.mulf %while3A_219, %mul3A_271 : vector<16xf32>
      %mul3A_273 = vector.broadcast %convert_element_type3A_264 : f32 to vector<16xf32>
      %mul3A_274 = arith.mulf %while3A_220, %mul3A_273 : vector<16xf32>
      %mul3A_275 = vector.broadcast %convert_element_type3A_264 : f32 to vector<16xf32>
      %mul3A_276 = arith.mulf %while3A_221, %mul3A_275 : vector<16xf32>
      %mul3A_277 = vector.broadcast %convert_element_type3A_264 : f32 to vector<16xf32>
      %mul3A_278 = arith.mulf %while3A_222, %mul3A_277 : vector<16xf32>
      %mul3A_279 = vector.broadcast %convert_element_type3A_264 : f32 to vector<16xf32>
      %mul3A_280 = arith.mulf %while3A_223, %mul3A_279 : vector<16xf32>
      %mul3A_281 = vector.broadcast %convert_element_type3A_264 : f32 to vector<16xf32>
      %mul3A_282 = arith.mulf %while3A_224, %mul3A_281 : vector<16xf32>
      %mul3A_283 = vector.broadcast %convert_element_type3A_264 : f32 to vector<16xf32>
      %mul3A_284 = arith.mulf %while3A_225, %mul3A_283 : vector<16xf32>
      %mul3A_285 = vector.broadcast %convert_element_type3A_264 : f32 to vector<16xf32>
      %mul3A_286 = arith.mulf %while3A_226, %mul3A_285 : vector<16xf32>
      %mul3A_287 = vector.broadcast %convert_element_type3A_264 : f32 to vector<16xf32>
      %mul3A_288 = arith.mulf %while3A_227, %mul3A_287 : vector<16xf32>
      %mul3A_289 = vector.broadcast %convert_element_type3A_264 : f32 to vector<16xf32>
      %mul3A_290 = arith.mulf %while3A_228, %mul3A_289 : vector<16xf32>
      %mul3A_291 = vector.broadcast %convert_element_type3A_264 : f32 to vector<16xf32>
      %mul3A_292 = arith.mulf %while3A_229, %mul3A_291 : vector<16xf32>
      %mul3A_293 = vector.broadcast %convert_element_type3A_264 : f32 to vector<16xf32>
      %mul3A_294 = arith.mulf %while3A_230, %mul3A_293 : vector<16xf32>
      %mul3A_295 = vector.broadcast %convert_element_type3A_264 : f32 to vector<16xf32>
      %mul3A_296 = arith.mulf %while3A_231, %mul3A_295 : vector<16xf32>
      %mul3A_297 = vector.broadcast %convert_element_type3A_264 : f32 to vector<16xf32>
      %mul3A_298 = arith.mulf %while3A_232, %mul3A_297 : vector<16xf32>
      %mul3A_299 = vector.broadcast %convert_element_type3A_264 : f32 to vector<16xf32>
      %mul3A_300 = arith.mulf %while3A_233, %mul3A_299 : vector<16xf32>
      %mul3A_301 = vector.broadcast %convert_element_type3A_264 : f32 to vector<16xf32>
      %mul3A_302 = arith.mulf %while3A_234, %mul3A_301 : vector<16xf32>
      %mul3A_303 = vector.broadcast %convert_element_type3A_264 : f32 to vector<16xf32>
      %mul3A_304 = arith.mulf %while3A_235, %mul3A_303 : vector<16xf32>
      %mul3A_305 = vector.broadcast %convert_element_type3A_264 : f32 to vector<16xf32>
      %mul3A_306 = arith.mulf %while3A_236, %mul3A_305 : vector<16xf32>
      %mul3A_307 = vector.broadcast %convert_element_type3A_264 : f32 to vector<16xf32>
      %mul3A_308 = arith.mulf %while3A_237, %mul3A_307 : vector<16xf32>
      %mul3A_309 = vector.broadcast %convert_element_type3A_264 : f32 to vector<16xf32>
      %mul3A_310 = arith.mulf %while3A_238, %mul3A_309 : vector<16xf32>
      %mul3A_311 = vector.broadcast %convert_element_type3A_264 : f32 to vector<16xf32>
      %mul3A_312 = arith.mulf %while3A_239, %mul3A_311 : vector<16xf32>
      %mul3A_313 = vector.broadcast %convert_element_type3A_264 : f32 to vector<16xf32>
      %mul3A_314 = arith.mulf %while3A_240, %mul3A_313 : vector<16xf32>
      %mul3A_315 = vector.broadcast %convert_element_type3A_264 : f32 to vector<16xf32>
      %mul3A_316 = arith.mulf %while3A_241, %mul3A_315 : vector<16xf32>
      %mul3A_317 = vector.broadcast %convert_element_type3A_264 : f32 to vector<16xf32>
      %mul3A_318 = arith.mulf %while3A_242, %mul3A_317 : vector<16xf32>
      %mul3A_319 = vector.broadcast %convert_element_type3A_264 : f32 to vector<16xf32>
      %mul3A_320 = arith.mulf %while3A_243, %mul3A_319 : vector<16xf32>
      %mul3A_321 = vector.broadcast %convert_element_type3A_264 : f32 to vector<16xf32>
      %mul3A_322 = arith.mulf %while3A_244, %mul3A_321 : vector<16xf32>
      %mul3A_323 = vector.broadcast %convert_element_type3A_264 : f32 to vector<16xf32>
      %mul3A_324 = arith.mulf %while3A_245, %mul3A_323 : vector<16xf32>
      %mul3A_325 = vector.broadcast %convert_element_type3A_264 : f32 to vector<16xf32>
      %mul3A_326 = arith.mulf %while3A_246, %mul3A_325 : vector<16xf32>
      %mul3A_327 = vector.broadcast %convert_element_type3A_264 : f32 to vector<16xf32>
      %mul3A_328 = arith.mulf %while3A_247, %mul3A_327 : vector<16xf32>
      %rem3A = arith.constant 3 : i32
      %rem3A_329 = arith.remsi %while3A_214, %rem3A : i32
      %eq3A_330 = arith.constant 0 : i32
      %eq3A_331 = arith.cmpi eq, %rem3A_329, %eq3A_330 : i32
      %convert_element_type3A_332 = arith.extui %eq3A_331 : i1 to i32
      %cond3A_333 = arith.constant 0 : i32
      %cond3A_334 = arith.cmpi ne, %convert_element_type3A_332, %cond3A_333 : i32
      scf.if %cond3A_334 {
        %dma_wait3A = arith.constant 0 : i32
        %dma_wait3A_361 = arith.constant 0 : i32
        %dma_wait3A_362 = arith.constant 0 : i32
        %dma_wait3A_363 = arith.constant 0 : i32
        %dma_wait3A_364 = tpu.memref_slice %arg5[%dma_wait3A_361, %dma_wait3A_362, %dma_wait3A_363] : memref<3x64x512xf32, #tpu.memory_space<vmem>> -> memref<1x64x512xf32, #tpu.memory_space<vmem>>
        %dma_wait3A_365 = tpu.memref_squeeze %dma_wait3A_364 : memref<1x64x512xf32, #tpu.memory_space<vmem>> -> memref<64x512xf32, #tpu.memory_space<vmem>>
        %dma_wait3A_366 = arith.constant 0 : i32
        %dma_wait3A_367 = arith.constant 0 : i32
        %dma_wait3A_368 = tpu.memref_slice %arg2[%dma_wait3A, %dma_wait3A_366, %dma_wait3A_367] : memref<16x2048x1024xf32, #tpu.memory_space<hbm>> -> memref<1x64x512xf32, #tpu.memory_space<hbm>>
        %dma_wait3A_369 = tpu.memref_squeeze %dma_wait3A_368 : memref<1x64x512xf32, #tpu.memory_space<hbm>> -> memref<64x512xf32, #tpu.memory_space<hbm>>
        %dma_wait3A_370 = arith.constant 0 : i32
        %dma_wait3A_371 = arith.constant 0 : i32
        %dma_wait3A_372 = tpu.memref_slice %arg5[%dma_wait3A_361, %dma_wait3A_370, %dma_wait3A_371] : memref<3x64x512xf32, #tpu.memory_space<vmem>> -> memref<1x64x512xf32, #tpu.memory_space<vmem>>
        %dma_wait3A_373 = tpu.memref_squeeze %dma_wait3A_372 : memref<1x64x512xf32, #tpu.memory_space<vmem>> -> memref<64x512xf32, #tpu.memory_space<vmem>>
        %dma_wait3A_374 = arith.constant 0 : i32
        %dma_wait3A_375 = arith.constant 0 : i32
        %dma_wait3A_376 = tpu.memref_slice %arg2[%dma_wait3A, %dma_wait3A_374, %dma_wait3A_375] : memref<16x2048x1024xf32, #tpu.memory_space<hbm>> -> memref<1x64x512xf32, #tpu.memory_space<hbm>>
        %dma_wait3A_377 = tpu.memref_squeeze %dma_wait3A_376 : memref<1x64x512xf32, #tpu.memory_space<hbm>> -> memref<64x512xf32, #tpu.memory_space<hbm>>
        tpu.wait_dma2 semaphore(%arg12 : memref<!tpu.dma_semaphore, #tpu.memory_space<semaphore_mem>>) src(%dma_wait3A_377 : memref<64x512xf32, #tpu.memory_space<hbm>>) dst(%dma_wait3A_373 : memref<64x512xf32, #tpu.memory_space<vmem>>)
      } else {
      }
      %eq3A_335 = arith.constant 1 : i32
      %eq3A_336 = arith.cmpi eq, %rem3A_329, %eq3A_335 : i32
      %convert_element_type3A_337 = arith.extui %eq3A_336 : i1 to i32
      %cond3A_338 = arith.constant 0 : i32
      %cond3A_339 = arith.cmpi ne, %convert_element_type3A_337, %cond3A_338 : i32
      scf.if %cond3A_339 {
        %dma_wait3A = arith.constant 0 : i32
        %dma_wait3A_361 = arith.constant 1 : i32
        %dma_wait3A_362 = arith.constant 0 : i32
        %dma_wait3A_363 = arith.constant 0 : i32
        %dma_wait3A_364 = tpu.memref_slice %arg5[%dma_wait3A_361, %dma_wait3A_362, %dma_wait3A_363] : memref<3x64x512xf32, #tpu.memory_space<vmem>> -> memref<1x64x512xf32, #tpu.memory_space<vmem>>
        %dma_wait3A_365 = tpu.memref_squeeze %dma_wait3A_364 : memref<1x64x512xf32, #tpu.memory_space<vmem>> -> memref<64x512xf32, #tpu.memory_space<vmem>>
        %dma_wait3A_366 = arith.constant 0 : i32
        %dma_wait3A_367 = arith.constant 0 : i32
        %dma_wait3A_368 = tpu.memref_slice %arg2[%dma_wait3A, %dma_wait3A_366, %dma_wait3A_367] : memref<16x2048x1024xf32, #tpu.memory_space<hbm>> -> memref<1x64x512xf32, #tpu.memory_space<hbm>>
        %dma_wait3A_369 = tpu.memref_squeeze %dma_wait3A_368 : memref<1x64x512xf32, #tpu.memory_space<hbm>> -> memref<64x512xf32, #tpu.memory_space<hbm>>
        %dma_wait3A_370 = arith.constant 0 : i32
        %dma_wait3A_371 = arith.constant 0 : i32
        %dma_wait3A_372 = tpu.memref_slice %arg5[%dma_wait3A_361, %dma_wait3A_370, %dma_wait3A_371] : memref<3x64x512xf32, #tpu.memory_space<vmem>> -> memref<1x64x512xf32, #tpu.memory_space<vmem>>
        %dma_wait3A_373 = tpu.memref_squeeze %dma_wait3A_372 : memref<1x64x512xf32, #tpu.memory_space<vmem>> -> memref<64x512xf32, #tpu.memory_space<vmem>>
        %dma_wait3A_374 = arith.constant 0 : i32
        %dma_wait3A_375 = arith.constant 0 : i32
        %dma_wait3A_376 = tpu.memref_slice %arg2[%dma_wait3A, %dma_wait3A_374, %dma_wait3A_375] : memref<16x2048x1024xf32, #tpu.memory_space<hbm>> -> memref<1x64x512xf32, #tpu.memory_space<hbm>>
        %dma_wait3A_377 = tpu.memref_squeeze %dma_wait3A_376 : memref<1x64x512xf32, #tpu.memory_space<hbm>> -> memref<64x512xf32, #tpu.memory_space<hbm>>
        tpu.wait_dma2 semaphore(%arg13 : memref<!tpu.dma_semaphore, #tpu.memory_space<semaphore_mem>>) src(%dma_wait3A_377 : memref<64x512xf32, #tpu.memory_space<hbm>>) dst(%dma_wait3A_373 : memref<64x512xf32, #tpu.memory_space<vmem>>)
      } else {
      }
      %eq3A_340 = arith.constant 2 : i32
      %eq3A_341 = arith.cmpi eq, %rem3A_329, %eq3A_340 : i32
      %convert_element_type3A_342 = arith.extui %eq3A_341 : i1 to i32
      %cond3A_343 = arith.constant 0 : i32
      %cond3A_344 = arith.cmpi ne, %convert_element_type3A_342, %cond3A_343 : i32
      scf.if %cond3A_344 {
        %dma_wait3A = arith.constant 0 : i32
        %dma_wait3A_361 = arith.constant 2 : i32
        %dma_wait3A_362 = arith.constant 0 : i32
        %dma_wait3A_363 = arith.constant 0 : i32
        %dma_wait3A_364 = tpu.memref_slice %arg5[%dma_wait3A_361, %dma_wait3A_362, %dma_wait3A_363] : memref<3x64x512xf32, #tpu.memory_space<vmem>> -> memref<1x64x512xf32, #tpu.memory_space<vmem>>
        %dma_wait3A_365 = tpu.memref_squeeze %dma_wait3A_364 : memref<1x64x512xf32, #tpu.memory_space<vmem>> -> memref<64x512xf32, #tpu.memory_space<vmem>>
        %dma_wait3A_366 = arith.constant 0 : i32
        %dma_wait3A_367 = arith.constant 0 : i32
        %dma_wait3A_368 = tpu.memref_slice %arg2[%dma_wait3A, %dma_wait3A_366, %dma_wait3A_367] : memref<16x2048x1024xf32, #tpu.memory_space<hbm>> -> memref<1x64x512xf32, #tpu.memory_space<hbm>>
        %dma_wait3A_369 = tpu.memref_squeeze %dma_wait3A_368 : memref<1x64x512xf32, #tpu.memory_space<hbm>> -> memref<64x512xf32, #tpu.memory_space<hbm>>
        %dma_wait3A_370 = arith.constant 0 : i32
        %dma_wait3A_371 = arith.constant 0 : i32
        %dma_wait3A_372 = tpu.memref_slice %arg5[%dma_wait3A_361, %dma_wait3A_370, %dma_wait3A_371] : memref<3x64x512xf32, #tpu.memory_space<vmem>> -> memref<1x64x512xf32, #tpu.memory_space<vmem>>
        %dma_wait3A_373 = tpu.memref_squeeze %dma_wait3A_372 : memref<1x64x512xf32, #tpu.memory_space<vmem>> -> memref<64x512xf32, #tpu.memory_space<vmem>>
        %dma_wait3A_374 = arith.constant 0 : i32
        %dma_wait3A_375 = arith.constant 0 : i32
        %dma_wait3A_376 = tpu.memref_slice %arg2[%dma_wait3A, %dma_wait3A_374, %dma_wait3A_375] : memref<16x2048x1024xf32, #tpu.memory_space<hbm>> -> memref<1x64x512xf32, #tpu.memory_space<hbm>>
        %dma_wait3A_377 = tpu.memref_squeeze %dma_wait3A_376 : memref<1x64x512xf32, #tpu.memory_space<hbm>> -> memref<64x512xf32, #tpu.memory_space<hbm>>
        tpu.wait_dma2 semaphore(%arg14 : memref<!tpu.dma_semaphore, #tpu.memory_space<semaphore_mem>>) src(%dma_wait3A_377 : memref<64x512xf32, #tpu.memory_space<hbm>>) dst(%dma_wait3A_373 : memref<64x512xf32, #tpu.memory_space<vmem>>)
      } else {
      }
      %add3A = arith.constant 2 : i32
      %add3A_345 = arith.addi %while3A_214, %add3A : i32
      %lt3A = arith.cmpi slt, %add3A_345, %scan3A_6 : i32
      %convert_element_type3A_346 = arith.extui %lt3A : i1 to i32
      %cond3A_347 = arith.constant 0 : i32
      %cond3A_348 = arith.cmpi ne, %convert_element_type3A_346, %cond3A_347 : i32
      scf.if %cond3A_348 {
        %add3A_361 = arith.constant 2 : i32
        %add3A_362 = arith.addi %while3A_214, %add3A_361 : i32
        %get3A_363 = arith.constant 1 : i32
        %get3A_364 = arith.index_cast %get3A_363 : i32 to index
        %get3A_365 = arith.index_cast %add3A_362 : i32 to index
        %get3A_366 = memref.load %arg11[%get3A_364, %get3A_365] : memref<4x128xi32, #tpu.memory_space<smem>>
        %multiple_of3A = tpu.assume_multiple %get3A_366, 8 : i32
        %get3A_367 = arith.constant 0 : i32
        %get3A_368 = arith.index_cast %get3A_367 : i32 to index
        %get3A_369 = arith.index_cast %add3A_362 : i32 to index
        %get3A_370 = memref.load %arg11[%get3A_368, %get3A_369] : memref<4x128xi32, #tpu.memory_space<smem>>
        %rem3A_371 = arith.constant 3 : i32
        %rem3A_372 = arith.remsi %add3A_362, %rem3A_371 : i32
        %eq3A_373 = arith.constant 0 : i32
        %eq3A_374 = arith.cmpi eq, %rem3A_372, %eq3A_373 : i32
        %convert_element_type3A_375 = arith.extui %eq3A_374 : i1 to i32
        %cond3A_376 = arith.constant 0 : i32
        %cond3A_377 = arith.cmpi ne, %convert_element_type3A_375, %cond3A_376 : i32
        scf.if %cond3A_377 {
          %dma_start3A = arith.constant 0 : i32
          %dma_start3A_388 = arith.constant 0 : i32
          %dma_start3A_389 = arith.constant 0 : i32
          %dma_start3A_390 = tpu.memref_slice %arg5[%dma_start3A, %dma_start3A_388, %dma_start3A_389] : memref<3x64x512xf32, #tpu.memory_space<vmem>> -> memref<1x64x512xf32, #tpu.memory_space<vmem>>
          %dma_start3A_391 = tpu.memref_squeeze %dma_start3A_390 : memref<1x64x512xf32, #tpu.memory_space<vmem>> -> memref<64x512xf32, #tpu.memory_space<vmem>>
          %dma_start3A_392 = tpu.memref_slice %arg2[%get3A_370, %multiple_of3A, %mul3A_0] : memref<16x2048x1024xf32, #tpu.memory_space<hbm>> -> memref<1x64x512xf32, #tpu.memory_space<hbm>>
          %dma_start3A_393 = tpu.memref_squeeze %dma_start3A_392 : memref<1x64x512xf32, #tpu.memory_space<hbm>> -> memref<64x512xf32, #tpu.memory_space<hbm>>
          %dma_start3A_394 = arith.constant 0 : i32
          %dma_start3A_395 = arith.constant 0 : i32
          %dma_start3A_396 = tpu.memref_slice %arg5[%dma_start3A, %dma_start3A_394, %dma_start3A_395] : memref<3x64x512xf32, #tpu.memory_space<vmem>> -> memref<1x64x512xf32, #tpu.memory_space<vmem>>
          %dma_start3A_397 = tpu.memref_squeeze %dma_start3A_396 : memref<1x64x512xf32, #tpu.memory_space<vmem>> -> memref<64x512xf32, #tpu.memory_space<vmem>>
          %dma_start3A_398 = tpu.memref_slice %arg2[%get3A_370, %multiple_of3A, %mul3A_0] : memref<16x2048x1024xf32, #tpu.memory_space<hbm>> -> memref<1x64x512xf32, #tpu.memory_space<hbm>>
          %dma_start3A_399 = tpu.memref_squeeze %dma_start3A_398 : memref<1x64x512xf32, #tpu.memory_space<hbm>> -> memref<64x512xf32, #tpu.memory_space<hbm>>
          tpu.enqueue_dma source(%dma_start3A_399 : memref<64x512xf32, #tpu.memory_space<hbm>>) target(%dma_start3A_397 : memref<64x512xf32, #tpu.memory_space<vmem>>) target_semaphore(%arg12 : memref<!tpu.dma_semaphore, #tpu.memory_space<semaphore_mem>>)
        } else {
        }
        %eq3A_378 = arith.constant 1 : i32
        %eq3A_379 = arith.cmpi eq, %rem3A_372, %eq3A_378 : i32
        %convert_element_type3A_380 = arith.extui %eq3A_379 : i1 to i32
        %cond3A_381 = arith.constant 0 : i32
        %cond3A_382 = arith.cmpi ne, %convert_element_type3A_380, %cond3A_381 : i32
        scf.if %cond3A_382 {
          %dma_start3A = arith.constant 1 : i32
          %dma_start3A_388 = arith.constant 0 : i32
          %dma_start3A_389 = arith.constant 0 : i32
          %dma_start3A_390 = tpu.memref_slice %arg5[%dma_start3A, %dma_start3A_388, %dma_start3A_389] : memref<3x64x512xf32, #tpu.memory_space<vmem>> -> memref<1x64x512xf32, #tpu.memory_space<vmem>>
          %dma_start3A_391 = tpu.memref_squeeze %dma_start3A_390 : memref<1x64x512xf32, #tpu.memory_space<vmem>> -> memref<64x512xf32, #tpu.memory_space<vmem>>
          %dma_start3A_392 = tpu.memref_slice %arg2[%get3A_370, %multiple_of3A, %mul3A_0] : memref<16x2048x1024xf32, #tpu.memory_space<hbm>> -> memref<1x64x512xf32, #tpu.memory_space<hbm>>
          %dma_start3A_393 = tpu.memref_squeeze %dma_start3A_392 : memref<1x64x512xf32, #tpu.memory_space<hbm>> -> memref<64x512xf32, #tpu.memory_space<hbm>>
          %dma_start3A_394 = arith.constant 0 : i32
          %dma_start3A_395 = arith.constant 0 : i32
          %dma_start3A_396 = tpu.memref_slice %arg5[%dma_start3A, %dma_start3A_394, %dma_start3A_395] : memref<3x64x512xf32, #tpu.memory_space<vmem>> -> memref<1x64x512xf32, #tpu.memory_space<vmem>>
          %dma_start3A_397 = tpu.memref_squeeze %dma_start3A_396 : memref<1x64x512xf32, #tpu.memory_space<vmem>> -> memref<64x512xf32, #tpu.memory_space<vmem>>
          %dma_start3A_398 = tpu.memref_slice %arg2[%get3A_370, %multiple_of3A, %mul3A_0] : memref<16x2048x1024xf32, #tpu.memory_space<hbm>> -> memref<1x64x512xf32, #tpu.memory_space<hbm>>
          %dma_start3A_399 = tpu.memref_squeeze %dma_start3A_398 : memref<1x64x512xf32, #tpu.memory_space<hbm>> -> memref<64x512xf32, #tpu.memory_space<hbm>>
          tpu.enqueue_dma source(%dma_start3A_399 : memref<64x512xf32, #tpu.memory_space<hbm>>) target(%dma_start3A_397 : memref<64x512xf32, #tpu.memory_space<vmem>>) target_semaphore(%arg13 : memref<!tpu.dma_semaphore, #tpu.memory_space<semaphore_mem>>)
        } else {
        }
        %eq3A_383 = arith.constant 2 : i32
        %eq3A_384 = arith.cmpi eq, %rem3A_372, %eq3A_383 : i32
        %convert_element_type3A_385 = arith.extui %eq3A_384 : i1 to i32
        %cond3A_386 = arith.constant 0 : i32
        %cond3A_387 = arith.cmpi ne, %convert_element_type3A_385, %cond3A_386 : i32
        scf.if %cond3A_387 {
          %dma_start3A = arith.constant 2 : i32
          %dma_start3A_388 = arith.constant 0 : i32
          %dma_start3A_389 = arith.constant 0 : i32
          %dma_start3A_390 = tpu.memref_slice %arg5[%dma_start3A, %dma_start3A_388, %dma_start3A_389] : memref<3x64x512xf32, #tpu.memory_space<vmem>> -> memref<1x64x512xf32, #tpu.memory_space<vmem>>
          %dma_start3A_391 = tpu.memref_squeeze %dma_start3A_390 : memref<1x64x512xf32, #tpu.memory_space<vmem>> -> memref<64x512xf32, #tpu.memory_space<vmem>>
          %dma_start3A_392 = tpu.memref_slice %arg2[%get3A_370, %multiple_of3A, %mul3A_0] : memref<16x2048x1024xf32, #tpu.memory_space<hbm>> -> memref<1x64x512xf32, #tpu.memory_space<hbm>>
          %dma_start3A_393 = tpu.memref_squeeze %dma_start3A_392 : memref<1x64x512xf32, #tpu.memory_space<hbm>> -> memref<64x512xf32, #tpu.memory_space<hbm>>
          %dma_start3A_394 = arith.constant 0 : i32
          %dma_start3A_395 = arith.constant 0 : i32
          %dma_start3A_396 = tpu.memref_slice %arg5[%dma_start3A, %dma_start3A_394, %dma_start3A_395] : memref<3x64x512xf32, #tpu.memory_space<vmem>> -> memref<1x64x512xf32, #tpu.memory_space<vmem>>
          %dma_start3A_397 = tpu.memref_squeeze %dma_start3A_396 : memref<1x64x512xf32, #tpu.memory_space<vmem>> -> memref<64x512xf32, #tpu.memory_space<vmem>>
          %dma_start3A_398 = tpu.memref_slice %arg2[%get3A_370, %multiple_of3A, %mul3A_0] : memref<16x2048x1024xf32, #tpu.memory_space<hbm>> -> memref<1x64x512xf32, #tpu.memory_space<hbm>>
          %dma_start3A_399 = tpu.memref_squeeze %dma_start3A_398 : memref<1x64x512xf32, #tpu.memory_space<hbm>> -> memref<64x512xf32, #tpu.memory_space<hbm>>
          tpu.enqueue_dma source(%dma_start3A_399 : memref<64x512xf32, #tpu.memory_space<hbm>>) target(%dma_start3A_397 : memref<64x512xf32, #tpu.memory_space<vmem>>) target_semaphore(%arg14 : memref<!tpu.dma_semaphore, #tpu.memory_space<semaphore_mem>>)
        } else {
        }
      } else {
      }
      %rem3A_349 = arith.constant 3 : i32
      %rem3A_350 = arith.remsi %while3A_214, %rem3A_349 : i32
      %while3A_351 = arith.subi %get3A_259, %get3A_255 : i32
      %while3A_352 = arith.addi %get3A_255, %while3A_351 : i32
      %while3A_353 = arith.constant 1 : i32
      %while3A_354 = arith.divsi %while3A_351, %while3A_353 : i32
      %while3A_355 = arith.muli %while3A_354, %while3A_353 : i32
      %while3A_356 = arith.addi %get3A_255, %while3A_355 : i32
      %while3A_357 = arith.constant 1 : i32
      %while3A_358:32 = scf.for %while3A_361 = %get3A_255 to %while3A_356 step %while3A_357 iter_args(%while3A_362 = %mul3A_266, %while3A_363 = %mul3A_268, %while3A_364 = %mul3A_270, %while3A_365 = %mul3A_272, %while3A_366 = %mul3A_274, %while3A_367 = %mul3A_276, %while3A_368 = %mul3A_278, %while3A_369 = %mul3A_280, %while3A_370 = %mul3A_282, %while3A_371 = %mul3A_284, %while3A_372 = %mul3A_286, %while3A_373 = %mul3A_288, %while3A_374 = %mul3A_290, %while3A_375 = %mul3A_292, %while3A_376 = %mul3A_294, %while3A_377 = %mul3A_296, %while3A_378 = %mul3A_298, %while3A_379 = %mul3A_300, %while3A_380 = %mul3A_302, %while3A_381 = %mul3A_304, %while3A_382 = %mul3A_306, %while3A_383 = %mul3A_308, %while3A_384 = %mul3A_310, %while3A_385 = %mul3A_312, %while3A_386 = %mul3A_314, %while3A_387 = %mul3A_316, %while3A_388 = %mul3A_318, %while3A_389 = %mul3A_320, %while3A_390 = %mul3A_322, %while3A_391 = %mul3A_324, %while3A_392 = %mul3A_326, %while3A_393 = %mul3A_328) -> (vector<16xf32>, vector<16xf32>, vector<16xf32>, vector<16xf32>, vector<16xf32>, vector<16xf32>, vector<16xf32>, vector<16xf32>, vector<16xf32>, vector<16xf32>, vector<16xf32>, vector<16xf32>, vector<16xf32>, vector<16xf32>, vector<16xf32>, vector<16xf32>, vector<16xf32>, vector<16xf32>, vector<16xf32>, vector<16xf32>, vector<16xf32>, vector<16xf32>, vector<16xf32>, vector<16xf32>, vector<16xf32>, vector<16xf32>, vector<16xf32>, vector<16xf32>, vector<16xf32>, vector<16xf32>, vector<16xf32>, vector<16xf32>)  : i32 {
        %get3A_394 = arith.index_cast %rem3A_350 : i32 to index
        %get3A_395 = arith.index_cast %while3A_361 : i32 to index
        %get3A_396 = arith.constant 0 : index
        %get3A_397 = tpu.vector_load %arg5[%get3A_394, %get3A_395, %get3A_396] {strides = array<i32>} : memref<3x64x512xf32, #tpu.memory_space<vmem>>, vector<1x1x16xf32>,
        %get3A_398 = vector.shape_cast %get3A_397 : vector<1x1x16xf32> to vector<16xf32>
        %add3A_399 = arith.addf %while3A_362, %get3A_398 : vector<16xf32>
        %get3A_400 = arith.index_cast %rem3A_350 : i32 to index
        %get3A_401 = arith.index_cast %while3A_361 : i32 to index
        %get3A_402 = arith.constant 16 : index
        %get3A_403 = tpu.vector_load %arg5[%get3A_400, %get3A_401, %get3A_402] {strides = array<i32>} : memref<3x64x512xf32, #tpu.memory_space<vmem>>, vector<1x1x16xf32>,
        %get3A_404 = vector.shape_cast %get3A_403 : vector<1x1x16xf32> to vector<16xf32>
        %add3A_405 = arith.addf %while3A_363, %get3A_404 : vector<16xf32>
        %get3A_406 = arith.index_cast %rem3A_350 : i32 to index
        %get3A_407 = arith.index_cast %while3A_361 : i32 to index
        %get3A_408 = arith.constant 32 : index
        %get3A_409 = tpu.vector_load %arg5[%get3A_406, %get3A_407, %get3A_408] {strides = array<i32>} : memref<3x64x512xf32, #tpu.memory_space<vmem>>, vector<1x1x16xf32>,
        %get3A_410 = vector.shape_cast %get3A_409 : vector<1x1x16xf32> to vector<16xf32>
        %add3A_411 = arith.addf %while3A_364, %get3A_410 : vector<16xf32>
        %get3A_412 = arith.index_cast %rem3A_350 : i32 to index
        %get3A_413 = arith.index_cast %while3A_361 : i32 to index
        %get3A_414 = arith.constant 48 : index
        %get3A_415 = tpu.vector_load %arg5[%get3A_412, %get3A_413, %get3A_414] {strides = array<i32>} : memref<3x64x512xf32, #tpu.memory_space<vmem>>, vector<1x1x16xf32>,
        %get3A_416 = vector.shape_cast %get3A_415 : vector<1x1x16xf32> to vector<16xf32>
        %add3A_417 = arith.addf %while3A_365, %get3A_416 : vector<16xf32>
        %get3A_418 = arith.index_cast %rem3A_350 : i32 to index
        %get3A_419 = arith.index_cast %while3A_361 : i32 to index
        %get3A_420 = arith.constant 64 : index
        %get3A_421 = tpu.vector_load %arg5[%get3A_418, %get3A_419, %get3A_420] {strides = array<i32>} : memref<3x64x512xf32, #tpu.memory_space<vmem>>, vector<1x1x16xf32>,
        %get3A_422 = vector.shape_cast %get3A_421 : vector<1x1x16xf32> to vector<16xf32>
        %add3A_423 = arith.addf %while3A_366, %get3A_422 : vector<16xf32>
        %get3A_424 = arith.index_cast %rem3A_350 : i32 to index
        %get3A_425 = arith.index_cast %while3A_361 : i32 to index
        %get3A_426 = arith.constant 80 : index
        %get3A_427 = tpu.vector_load %arg5[%get3A_424, %get3A_425, %get3A_426] {strides = array<i32>} : memref<3x64x512xf32, #tpu.memory_space<vmem>>, vector<1x1x16xf32>,
        %get3A_428 = vector.shape_cast %get3A_427 : vector<1x1x16xf32> to vector<16xf32>
        %add3A_429 = arith.addf %while3A_367, %get3A_428 : vector<16xf32>
        %get3A_430 = arith.index_cast %rem3A_350 : i32 to index
        %get3A_431 = arith.index_cast %while3A_361 : i32 to index
        %get3A_432 = arith.constant 96 : index
        %get3A_433 = tpu.vector_load %arg5[%get3A_430, %get3A_431, %get3A_432] {strides = array<i32>} : memref<3x64x512xf32, #tpu.memory_space<vmem>>, vector<1x1x16xf32>,
        %get3A_434 = vector.shape_cast %get3A_433 : vector<1x1x16xf32> to vector<16xf32>
        %add3A_435 = arith.addf %while3A_368, %get3A_434 : vector<16xf32>
        %get3A_436 = arith.index_cast %rem3A_350 : i32 to index
        %get3A_437 = arith.index_cast %while3A_361 : i32 to index
        %get3A_438 = arith.constant 112 : index
        %get3A_439 = tpu.vector_load %arg5[%get3A_436, %get3A_437, %get3A_438] {strides = array<i32>} : memref<3x64x512xf32, #tpu.memory_space<vmem>>, vector<1x1x16xf32>,
        %get3A_440 = vector.shape_cast %get3A_439 : vector<1x1x16xf32> to vector<16xf32>
        %add3A_441 = arith.addf %while3A_369, %get3A_440 : vector<16xf32>
        %get3A_442 = arith.index_cast %rem3A_350 : i32 to index
        %get3A_443 = arith.index_cast %while3A_361 : i32 to index
        %get3A_444 = arith.constant 128 : index
        %get3A_445 = tpu.vector_load %arg5[%get3A_442, %get3A_443, %get3A_444] {strides = array<i32>} : memref<3x64x512xf32, #tpu.memory_space<vmem>>, vector<1x1x16xf32>,
        %get3A_446 = vector.shape_cast %get3A_445 : vector<1x1x16xf32> to vector<16xf32>
        %add3A_447 = arith.addf %while3A_370, %get3A_446 : vector<16xf32>
        %get3A_448 = arith.index_cast %rem3A_350 : i32 to index
        %get3A_449 = arith.index_cast %while3A_361 : i32 to index
        %get3A_450 = arith.constant 144 : index
        %get3A_451 = tpu.vector_load %arg5[%get3A_448, %get3A_449, %get3A_450] {strides = array<i32>} : memref<3x64x512xf32, #tpu.memory_space<vmem>>, vector<1x1x16xf32>,
        %get3A_452 = vector.shape_cast %get3A_451 : vector<1x1x16xf32> to vector<16xf32>
        %add3A_453 = arith.addf %while3A_371, %get3A_452 : vector<16xf32>
        %get3A_454 = arith.index_cast %rem3A_350 : i32 to index
        %get3A_455 = arith.index_cast %while3A_361 : i32 to index
        %get3A_456 = arith.constant 160 : index
        %get3A_457 = tpu.vector_load %arg5[%get3A_454, %get3A_455, %get3A_456] {strides = array<i32>} : memref<3x64x512xf32, #tpu.memory_space<vmem>>, vector<1x1x16xf32>,
        %get3A_458 = vector.shape_cast %get3A_457 : vector<1x1x16xf32> to vector<16xf32>
        %add3A_459 = arith.addf %while3A_372, %get3A_458 : vector<16xf32>
        %get3A_460 = arith.index_cast %rem3A_350 : i32 to index
        %get3A_461 = arith.index_cast %while3A_361 : i32 to index
        %get3A_462 = arith.constant 176 : index
        %get3A_463 = tpu.vector_load %arg5[%get3A_460, %get3A_461, %get3A_462] {strides = array<i32>} : memref<3x64x512xf32, #tpu.memory_space<vmem>>, vector<1x1x16xf32>,
        %get3A_464 = vector.shape_cast %get3A_463 : vector<1x1x16xf32> to vector<16xf32>
        %add3A_465 = arith.addf %while3A_373, %get3A_464 : vector<16xf32>
        %get3A_466 = arith.index_cast %rem3A_350 : i32 to index
        %get3A_467 = arith.index_cast %while3A_361 : i32 to index
        %get3A_468 = arith.constant 192 : index
        %get3A_469 = tpu.vector_load %arg5[%get3A_466, %get3A_467, %get3A_468] {strides = array<i32>} : memref<3x64x512xf32, #tpu.memory_space<vmem>>, vector<1x1x16xf32>,
        %get3A_470 = vector.shape_cast %get3A_469 : vector<1x1x16xf32> to vector<16xf32>
        %add3A_471 = arith.addf %while3A_374, %get3A_470 : vector<16xf32>
        %get3A_472 = arith.index_cast %rem3A_350 : i32 to index
        %get3A_473 = arith.index_cast %while3A_361 : i32 to index
        %get3A_474 = arith.constant 208 : index
        %get3A_475 = tpu.vector_load %arg5[%get3A_472, %get3A_473, %get3A_474] {strides = array<i32>} : memref<3x64x512xf32, #tpu.memory_space<vmem>>, vector<1x1x16xf32>,
        %get3A_476 = vector.shape_cast %get3A_475 : vector<1x1x16xf32> to vector<16xf32>
        %add3A_477 = arith.addf %while3A_375, %get3A_476 : vector<16xf32>
        %get3A_478 = arith.index_cast %rem3A_350 : i32 to index
        %get3A_479 = arith.index_cast %while3A_361 : i32 to index
        %get3A_480 = arith.constant 224 : index
        %get3A_481 = tpu.vector_load %arg5[%get3A_478, %get3A_479, %get3A_480] {strides = array<i32>} : memref<3x64x512xf32, #tpu.memory_space<vmem>>, vector<1x1x16xf32>,
        %get3A_482 = vector.shape_cast %get3A_481 : vector<1x1x16xf32> to vector<16xf32>
        %add3A_483 = arith.addf %while3A_376, %get3A_482 : vector<16xf32>
        %get3A_484 = arith.index_cast %rem3A_350 : i32 to index
        %get3A_485 = arith.index_cast %while3A_361 : i32 to index
        %get3A_486 = arith.constant 240 : index
        %get3A_487 = tpu.vector_load %arg5[%get3A_484, %get3A_485, %get3A_486] {strides = array<i32>} : memref<3x64x512xf32, #tpu.memory_space<vmem>>, vector<1x1x16xf32>,
        %get3A_488 = vector.shape_cast %get3A_487 : vector<1x1x16xf32> to vector<16xf32>
        %add3A_489 = arith.addf %while3A_377, %get3A_488 : vector<16xf32>
        %get3A_490 = arith.index_cast %rem3A_350 : i32 to index
        %get3A_491 = arith.index_cast %while3A_361 : i32 to index
        %get3A_492 = arith.constant 256 : index
        %get3A_493 = tpu.vector_load %arg5[%get3A_490, %get3A_491, %get3A_492] {strides = array<i32>} : memref<3x64x512xf32, #tpu.memory_space<vmem>>, vector<1x1x16xf32>,
        %get3A_494 = vector.shape_cast %get3A_493 : vector<1x1x16xf32> to vector<16xf32>
        %add3A_495 = arith.addf %while3A_378, %get3A_494 : vector<16xf32>
        %get3A_496 = arith.index_cast %rem3A_350 : i32 to index
        %get3A_497 = arith.index_cast %while3A_361 : i32 to index
        %get3A_498 = arith.constant 272 : index
        %get3A_499 = tpu.vector_load %arg5[%get3A_496, %get3A_497, %get3A_498] {strides = array<i32>} : memref<3x64x512xf32, #tpu.memory_space<vmem>>, vector<1x1x16xf32>,
        %get3A_500 = vector.shape_cast %get3A_499 : vector<1x1x16xf32> to vector<16xf32>
        %add3A_501 = arith.addf %while3A_379, %get3A_500 : vector<16xf32>
        %get3A_502 = arith.index_cast %rem3A_350 : i32 to index
        %get3A_503 = arith.index_cast %while3A_361 : i32 to index
        %get3A_504 = arith.constant 288 : index
        %get3A_505 = tpu.vector_load %arg5[%get3A_502, %get3A_503, %get3A_504] {strides = array<i32>} : memref<3x64x512xf32, #tpu.memory_space<vmem>>, vector<1x1x16xf32>,
        %get3A_506 = vector.shape_cast %get3A_505 : vector<1x1x16xf32> to vector<16xf32>
        %add3A_507 = arith.addf %while3A_380, %get3A_506 : vector<16xf32>
        %get3A_508 = arith.index_cast %rem3A_350 : i32 to index
        %get3A_509 = arith.index_cast %while3A_361 : i32 to index
        %get3A_510 = arith.constant 304 : index
        %get3A_511 = tpu.vector_load %arg5[%get3A_508, %get3A_509, %get3A_510] {strides = array<i32>} : memref<3x64x512xf32, #tpu.memory_space<vmem>>, vector<1x1x16xf32>,
        %get3A_512 = vector.shape_cast %get3A_511 : vector<1x1x16xf32> to vector<16xf32>
        %add3A_513 = arith.addf %while3A_381, %get3A_512 : vector<16xf32>
        %get3A_514 = arith.index_cast %rem3A_350 : i32 to index
        %get3A_515 = arith.index_cast %while3A_361 : i32 to index
        %get3A_516 = arith.constant 320 : index
        %get3A_517 = tpu.vector_load %arg5[%get3A_514, %get3A_515, %get3A_516] {strides = array<i32>} : memref<3x64x512xf32, #tpu.memory_space<vmem>>, vector<1x1x16xf32>,
        %get3A_518 = vector.shape_cast %get3A_517 : vector<1x1x16xf32> to vector<16xf32>
        %add3A_519 = arith.addf %while3A_382, %get3A_518 : vector<16xf32>
        %get3A_520 = arith.index_cast %rem3A_350 : i32 to index
        %get3A_521 = arith.index_cast %while3A_361 : i32 to index
        %get3A_522 = arith.constant 336 : index
        %get3A_523 = tpu.vector_load %arg5[%get3A_520, %get3A_521, %get3A_522] {strides = array<i32>} : memref<3x64x512xf32, #tpu.memory_space<vmem>>, vector<1x1x16xf32>,
        %get3A_524 = vector.shape_cast %get3A_523 : vector<1x1x16xf32> to vector<16xf32>
        %add3A_525 = arith.addf %while3A_383, %get3A_524 : vector<16xf32>
        %get3A_526 = arith.index_cast %rem3A_350 : i32 to index
        %get3A_527 = arith.index_cast %while3A_361 : i32 to index
        %get3A_528 = arith.constant 352 : index
        %get3A_529 = tpu.vector_load %arg5[%get3A_526, %get3A_527, %get3A_528] {strides = array<i32>} : memref<3x64x512xf32, #tpu.memory_space<vmem>>, vector<1x1x16xf32>,
        %get3A_530 = vector.shape_cast %get3A_529 : vector<1x1x16xf32> to vector<16xf32>
        %add3A_531 = arith.addf %while3A_384, %get3A_530 : vector<16xf32>
        %get3A_532 = arith.index_cast %rem3A_350 : i32 to index
        %get3A_533 = arith.index_cast %while3A_361 : i32 to index
        %get3A_534 = arith.constant 368 : index
        %get3A_535 = tpu.vector_load %arg5[%get3A_532, %get3A_533, %get3A_534] {strides = array<i32>} : memref<3x64x512xf32, #tpu.memory_space<vmem>>, vector<1x1x16xf32>,
        %get3A_536 = vector.shape_cast %get3A_535 : vector<1x1x16xf32> to vector<16xf32>
        %add3A_537 = arith.addf %while3A_385, %get3A_536 : vector<16xf32>
        %get3A_538 = arith.index_cast %rem3A_350 : i32 to index
        %get3A_539 = arith.index_cast %while3A_361 : i32 to index
        %get3A_540 = arith.constant 384 : index
        %get3A_541 = tpu.vector_load %arg5[%get3A_538, %get3A_539, %get3A_540] {strides = array<i32>} : memref<3x64x512xf32, #tpu.memory_space<vmem>>, vector<1x1x16xf32>,
        %get3A_542 = vector.shape_cast %get3A_541 : vector<1x1x16xf32> to vector<16xf32>
        %add3A_543 = arith.addf %while3A_386, %get3A_542 : vector<16xf32>
        %get3A_544 = arith.index_cast %rem3A_350 : i32 to index
        %get3A_545 = arith.index_cast %while3A_361 : i32 to index
        %get3A_546 = arith.constant 400 : index
        %get3A_547 = tpu.vector_load %arg5[%get3A_544, %get3A_545, %get3A_546] {strides = array<i32>} : memref<3x64x512xf32, #tpu.memory_space<vmem>>, vector<1x1x16xf32>,
        %get3A_548 = vector.shape_cast %get3A_547 : vector<1x1x16xf32> to vector<16xf32>
        %add3A_549 = arith.addf %while3A_387, %get3A_548 : vector<16xf32>
        %get3A_550 = arith.index_cast %rem3A_350 : i32 to index
        %get3A_551 = arith.index_cast %while3A_361 : i32 to index
        %get3A_552 = arith.constant 416 : index
        %get3A_553 = tpu.vector_load %arg5[%get3A_550, %get3A_551, %get3A_552] {strides = array<i32>} : memref<3x64x512xf32, #tpu.memory_space<vmem>>, vector<1x1x16xf32>,
        %get3A_554 = vector.shape_cast %get3A_553 : vector<1x1x16xf32> to vector<16xf32>
        %add3A_555 = arith.addf %while3A_388, %get3A_554 : vector<16xf32>
        %get3A_556 = arith.index_cast %rem3A_350 : i32 to index
        %get3A_557 = arith.index_cast %while3A_361 : i32 to index
        %get3A_558 = arith.constant 432 : index
        %get3A_559 = tpu.vector_load %arg5[%get3A_556, %get3A_557, %get3A_558] {strides = array<i32>} : memref<3x64x512xf32, #tpu.memory_space<vmem>>, vector<1x1x16xf32>,
        %get3A_560 = vector.shape_cast %get3A_559 : vector<1x1x16xf32> to vector<16xf32>
        %add3A_561 = arith.addf %while3A_389, %get3A_560 : vector<16xf32>
        %get3A_562 = arith.index_cast %rem3A_350 : i32 to index
        %get3A_563 = arith.index_cast %while3A_361 : i32 to index
        %get3A_564 = arith.constant 448 : index
        %get3A_565 = tpu.vector_load %arg5[%get3A_562, %get3A_563, %get3A_564] {strides = array<i32>} : memref<3x64x512xf32, #tpu.memory_space<vmem>>, vector<1x1x16xf32>,
        %get3A_566 = vector.shape_cast %get3A_565 : vector<1x1x16xf32> to vector<16xf32>
        %add3A_567 = arith.addf %while3A_390, %get3A_566 : vector<16xf32>
        %get3A_568 = arith.index_cast %rem3A_350 : i32 to index
        %get3A_569 = arith.index_cast %while3A_361 : i32 to index
        %get3A_570 = arith.constant 464 : index
        %get3A_571 = tpu.vector_load %arg5[%get3A_568, %get3A_569, %get3A_570] {strides = array<i32>} : memref<3x64x512xf32, #tpu.memory_space<vmem>>, vector<1x1x16xf32>,
        %get3A_572 = vector.shape_cast %get3A_571 : vector<1x1x16xf32> to vector<16xf32>
        %add3A_573 = arith.addf %while3A_391, %get3A_572 : vector<16xf32>
        %get3A_574 = arith.index_cast %rem3A_350 : i32 to index
        %get3A_575 = arith.index_cast %while3A_361 : i32 to index
        %get3A_576 = arith.constant 480 : index
        %get3A_577 = tpu.vector_load %arg5[%get3A_574, %get3A_575, %get3A_576] {strides = array<i32>} : memref<3x64x512xf32, #tpu.memory_space<vmem>>, vector<1x1x16xf32>,
        %get3A_578 = vector.shape_cast %get3A_577 : vector<1x1x16xf32> to vector<16xf32>
        %add3A_579 = arith.addf %while3A_392, %get3A_578 : vector<16xf32>
        %get3A_580 = arith.index_cast %rem3A_350 : i32 to index
        %get3A_581 = arith.index_cast %while3A_361 : i32 to index
        %get3A_582 = arith.constant 496 : index
        %get3A_583 = tpu.vector_load %arg5[%get3A_580, %get3A_581, %get3A_582] {strides = array<i32>} : memref<3x64x512xf32, #tpu.memory_space<vmem>>, vector<1x1x16xf32>,
        %get3A_584 = vector.shape_cast %get3A_583 : vector<1x1x16xf32> to vector<16xf32>
        %add3A_585 = arith.addf %while3A_393, %get3A_584 : vector<16xf32>
        scf.yield %add3A_399, %add3A_405, %add3A_411, %add3A_417, %add3A_423, %add3A_429, %add3A_435, %add3A_441, %add3A_447, %add3A_453, %add3A_459, %add3A_465, %add3A_471, %add3A_477, %add3A_483, %add3A_489, %add3A_495, %add3A_501, %add3A_507, %add3A_513, %add3A_519, %add3A_525, %add3A_531, %add3A_537, %add3A_543, %add3A_549, %add3A_555, %add3A_561, %add3A_567, %add3A_573, %add3A_579, %add3A_585 : vector<16xf32>, vector<16xf32>, vector<16xf32>, vector<16xf32>, vector<16xf32>, vector<16xf32>, vector<16xf32>, vector<16xf32>, vector<16xf32>, vector<16xf32>, vector<16xf32>, vector<16xf32>, vector<16xf32>, vector<16xf32>, vector<16xf32>, vector<16xf32>, vector<16xf32>, vector<16xf32>, vector<16xf32>, vector<16xf32>, vector<16xf32>, vector<16xf32>, vector<16xf32>, vector<16xf32>, vector<16xf32>, vector<16xf32>, vector<16xf32>, vector<16xf32>, vector<16xf32>, vector<16xf32>, vector<16xf32>, vector<16xf32>
      }
      %while3A_359 = arith.constant 1 : i32
      %while3A_360:32 = scf.for %while3A_361 = %while3A_356 to %while3A_352 step %while3A_359 iter_args(%while3A_362 = %while3A_358#0, %while3A_363 = %while3A_358#1, %while3A_364 = %while3A_358#2, %while3A_365 = %while3A_358#3, %while3A_366 = %while3A_358#4, %while3A_367 = %while3A_358#5, %while3A_368 = %while3A_358#6, %while3A_369 = %while3A_358#7, %while3A_370 = %while3A_358#8, %while3A_371 = %while3A_358#9, %while3A_372 = %while3A_358#10, %while3A_373 = %while3A_358#11, %while3A_374 = %while3A_358#12, %while3A_375 = %while3A_358#13, %while3A_376 = %while3A_358#14, %while3A_377 = %while3A_358#15, %while3A_378 = %while3A_358#16, %while3A_379 = %while3A_358#17, %while3A_380 = %while3A_358#18, %while3A_381 = %while3A_358#19, %while3A_382 = %while3A_358#20, %while3A_383 = %while3A_358#21, %while3A_384 = %while3A_358#22, %while3A_385 = %while3A_358#23, %while3A_386 = %while3A_358#24, %while3A_387 = %while3A_358#25, %while3A_388 = %while3A_358#26, %while3A_389 = %while3A_358#27, %while3A_390 = %while3A_358#28, %while3A_391 = %while3A_358#29, %while3A_392 = %while3A_358#30, %while3A_393 = %while3A_358#31) -> (vector<16xf32>, vector<16xf32>, vector<16xf32>, vector<16xf32>, vector<16xf32>, vector<16xf32>, vector<16xf32>, vector<16xf32>, vector<16xf32>, vector<16xf32>, vector<16xf32>, vector<16xf32>, vector<16xf32>, vector<16xf32>, vector<16xf32>, vector<16xf32>, vector<16xf32>, vector<16xf32>, vector<16xf32>, vector<16xf32>, vector<16xf32>, vector<16xf32>, vector<16xf32>, vector<16xf32>, vector<16xf32>, vector<16xf32>, vector<16xf32>, vector<16xf32>, vector<16xf32>, vector<16xf32>, vector<16xf32>, vector<16xf32>)  : i32 {
        %get3A_394 = arith.index_cast %rem3A_350 : i32 to index
        %get3A_395 = arith.index_cast %while3A_361 : i32 to index
        %get3A_396 = arith.constant 0 : index
        %get3A_397 = tpu.vector_load %arg5[%get3A_394, %get3A_395, %get3A_396] {strides = array<i32>} : memref<3x64x512xf32, #tpu.memory_space<vmem>>, vector<1x1x16xf32>,
        %get3A_398 = vector.shape_cast %get3A_397 : vector<1x1x16xf32> to vector<16xf32>
        %add3A_399 = arith.addf %while3A_362, %get3A_398 : vector<16xf32>
        %get3A_400 = arith.index_cast %rem3A_350 : i32 to index
        %get3A_401 = arith.index_cast %while3A_361 : i32 to index
        %get3A_402 = arith.constant 16 : index
        %get3A_403 = tpu.vector_load %arg5[%get3A_400, %get3A_401, %get3A_402] {strides = array<i32>} : memref<3x64x512xf32, #tpu.memory_space<vmem>>, vector<1x1x16xf32>,
        %get3A_404 = vector.shape_cast %get3A_403 : vector<1x1x16xf32> to vector<16xf32>
        %add3A_405 = arith.addf %while3A_363, %get3A_404 : vector<16xf32>
        %get3A_406 = arith.index_cast %rem3A_350 : i32 to index
        %get3A_407 = arith.index_cast %while3A_361 : i32 to index
        %get3A_408 = arith.constant 32 : index
        %get3A_409 = tpu.vector_load %arg5[%get3A_406, %get3A_407, %get3A_408] {strides = array<i32>} : memref<3x64x512xf32, #tpu.memory_space<vmem>>, vector<1x1x16xf32>,
        %get3A_410 = vector.shape_cast %get3A_409 : vector<1x1x16xf32> to vector<16xf32>
        %add3A_411 = arith.addf %while3A_364, %get3A_410 : vector<16xf32>
        %get3A_412 = arith.index_cast %rem3A_350 : i32 to index
        %get3A_413 = arith.index_cast %while3A_361 : i32 to index
        %get3A_414 = arith.constant 48 : index
        %get3A_415 = tpu.vector_load %arg5[%get3A_412, %get3A_413, %get3A_414] {strides = array<i32>} : memref<3x64x512xf32, #tpu.memory_space<vmem>>, vector<1x1x16xf32>,
        %get3A_416 = vector.shape_cast %get3A_415 : vector<1x1x16xf32> to vector<16xf32>
        %add3A_417 = arith.addf %while3A_365, %get3A_416 : vector<16xf32>
        %get3A_418 = arith.index_cast %rem3A_350 : i32 to index
        %get3A_419 = arith.index_cast %while3A_361 : i32 to index
        %get3A_420 = arith.constant 64 : index
        %get3A_421 = tpu.vector_load %arg5[%get3A_418, %get3A_419, %get3A_420] {strides = array<i32>} : memref<3x64x512xf32, #tpu.memory_space<vmem>>, vector<1x1x16xf32>,
        %get3A_422 = vector.shape_cast %get3A_421 : vector<1x1x16xf32> to vector<16xf32>
        %add3A_423 = arith.addf %while3A_366, %get3A_422 : vector<16xf32>
        %get3A_424 = arith.index_cast %rem3A_350 : i32 to index
        %get3A_425 = arith.index_cast %while3A_361 : i32 to index
        %get3A_426 = arith.constant 80 : index
        %get3A_427 = tpu.vector_load %arg5[%get3A_424, %get3A_425, %get3A_426] {strides = array<i32>} : memref<3x64x512xf32, #tpu.memory_space<vmem>>, vector<1x1x16xf32>,
        %get3A_428 = vector.shape_cast %get3A_427 : vector<1x1x16xf32> to vector<16xf32>
        %add3A_429 = arith.addf %while3A_367, %get3A_428 : vector<16xf32>
        %get3A_430 = arith.index_cast %rem3A_350 : i32 to index
        %get3A_431 = arith.index_cast %while3A_361 : i32 to index
        %get3A_432 = arith.constant 96 : index
        %get3A_433 = tpu.vector_load %arg5[%get3A_430, %get3A_431, %get3A_432] {strides = array<i32>} : memref<3x64x512xf32, #tpu.memory_space<vmem>>, vector<1x1x16xf32>,
        %get3A_434 = vector.shape_cast %get3A_433 : vector<1x1x16xf32> to vector<16xf32>
        %add3A_435 = arith.addf %while3A_368, %get3A_434 : vector<16xf32>
        %get3A_436 = arith.index_cast %rem3A_350 : i32 to index
        %get3A_437 = arith.index_cast %while3A_361 : i32 to index
        %get3A_438 = arith.constant 112 : index
        %get3A_439 = tpu.vector_load %arg5[%get3A_436, %get3A_437, %get3A_438] {strides = array<i32>} : memref<3x64x512xf32, #tpu.memory_space<vmem>>, vector<1x1x16xf32>,
        %get3A_440 = vector.shape_cast %get3A_439 : vector<1x1x16xf32> to vector<16xf32>
        %add3A_441 = arith.addf %while3A_369, %get3A_440 : vector<16xf32>
        %get3A_442 = arith.index_cast %rem3A_350 : i32 to index
        %get3A_443 = arith.index_cast %while3A_361 : i32 to index
        %get3A_444 = arith.constant 128 : index
        %get3A_445 = tpu.vector_load %arg5[%get3A_442, %get3A_443, %get3A_444] {strides = array<i32>} : memref<3x64x512xf32, #tpu.memory_space<vmem>>, vector<1x1x16xf32>,
        %get3A_446 = vector.shape_cast %get3A_445 : vector<1x1x16xf32> to vector<16xf32>
        %add3A_447 = arith.addf %while3A_370, %get3A_446 : vector<16xf32>
        %get3A_448 = arith.index_cast %rem3A_350 : i32 to index
        %get3A_449 = arith.index_cast %while3A_361 : i32 to index
        %get3A_450 = arith.constant 144 : index
        %get3A_451 = tpu.vector_load %arg5[%get3A_448, %get3A_449, %get3A_450] {strides = array<i32>} : memref<3x64x512xf32, #tpu.memory_space<vmem>>, vector<1x1x16xf32>,
        %get3A_452 = vector.shape_cast %get3A_451 : vector<1x1x16xf32> to vector<16xf32>
        %add3A_453 = arith.addf %while3A_371, %get3A_452 : vector<16xf32>
        %get3A_454 = arith.index_cast %rem3A_350 : i32 to index
        %get3A_455 = arith.index_cast %while3A_361 : i32 to index
        %get3A_456 = arith.constant 160 : index
        %get3A_457 = tpu.vector_load %arg5[%get3A_454, %get3A_455, %get3A_456] {strides = array<i32>} : memref<3x64x512xf32, #tpu.memory_space<vmem>>, vector<1x1x16xf32>,
        %get3A_458 = vector.shape_cast %get3A_457 : vector<1x1x16xf32> to vector<16xf32>
        %add3A_459 = arith.addf %while3A_372, %get3A_458 : vector<16xf32>
        %get3A_460 = arith.index_cast %rem3A_350 : i32 to index
        %get3A_461 = arith.index_cast %while3A_361 : i32 to index
        %get3A_462 = arith.constant 176 : index
        %get3A_463 = tpu.vector_load %arg5[%get3A_460, %get3A_461, %get3A_462] {strides = array<i32>} : memref<3x64x512xf32, #tpu.memory_space<vmem>>, vector<1x1x16xf32>,
        %get3A_464 = vector.shape_cast %get3A_463 : vector<1x1x16xf32> to vector<16xf32>
        %add3A_465 = arith.addf %while3A_373, %get3A_464 : vector<16xf32>
        %get3A_466 = arith.index_cast %rem3A_350 : i32 to index
        %get3A_467 = arith.index_cast %while3A_361 : i32 to index
        %get3A_468 = arith.constant 192 : index
        %get3A_469 = tpu.vector_load %arg5[%get3A_466, %get3A_467, %get3A_468] {strides = array<i32>} : memref<3x64x512xf32, #tpu.memory_space<vmem>>, vector<1x1x16xf32>,
        %get3A_470 = vector.shape_cast %get3A_469 : vector<1x1x16xf32> to vector<16xf32>
        %add3A_471 = arith.addf %while3A_374, %get3A_470 : vector<16xf32>
        %get3A_472 = arith.index_cast %rem3A_350 : i32 to index
        %get3A_473 = arith.index_cast %while3A_361 : i32 to index
        %get3A_474 = arith.constant 208 : index
        %get3A_475 = tpu.vector_load %arg5[%get3A_472, %get3A_473, %get3A_474] {strides = array<i32>} : memref<3x64x512xf32, #tpu.memory_space<vmem>>, vector<1x1x16xf32>,
        %get3A_476 = vector.shape_cast %get3A_475 : vector<1x1x16xf32> to vector<16xf32>
        %add3A_477 = arith.addf %while3A_375, %get3A_476 : vector<16xf32>
        %get3A_478 = arith.index_cast %rem3A_350 : i32 to index
        %get3A_479 = arith.index_cast %while3A_361 : i32 to index
        %get3A_480 = arith.constant 224 : index
        %get3A_481 = tpu.vector_load %arg5[%get3A_478, %get3A_479, %get3A_480] {strides = array<i32>} : memref<3x64x512xf32, #tpu.memory_space<vmem>>, vector<1x1x16xf32>,
        %get3A_482 = vector.shape_cast %get3A_481 : vector<1x1x16xf32> to vector<16xf32>
        %add3A_483 = arith.addf %while3A_376, %get3A_482 : vector<16xf32>
        %get3A_484 = arith.index_cast %rem3A_350 : i32 to index
        %get3A_485 = arith.index_cast %while3A_361 : i32 to index
        %get3A_486 = arith.constant 240 : index
        %get3A_487 = tpu.vector_load %arg5[%get3A_484, %get3A_485, %get3A_486] {strides = array<i32>} : memref<3x64x512xf32, #tpu.memory_space<vmem>>, vector<1x1x16xf32>,
        %get3A_488 = vector.shape_cast %get3A_487 : vector<1x1x16xf32> to vector<16xf32>
        %add3A_489 = arith.addf %while3A_377, %get3A_488 : vector<16xf32>
        %get3A_490 = arith.index_cast %rem3A_350 : i32 to index
        %get3A_491 = arith.index_cast %while3A_361 : i32 to index
        %get3A_492 = arith.constant 256 : index
        %get3A_493 = tpu.vector_load %arg5[%get3A_490, %get3A_491, %get3A_492] {strides = array<i32>} : memref<3x64x512xf32, #tpu.memory_space<vmem>>, vector<1x1x16xf32>,
        %get3A_494 = vector.shape_cast %get3A_493 : vector<1x1x16xf32> to vector<16xf32>
        %add3A_495 = arith.addf %while3A_378, %get3A_494 : vector<16xf32>
        %get3A_496 = arith.index_cast %rem3A_350 : i32 to index
        %get3A_497 = arith.index_cast %while3A_361 : i32 to index
        %get3A_498 = arith.constant 272 : index
        %get3A_499 = tpu.vector_load %arg5[%get3A_496, %get3A_497, %get3A_498] {strides = array<i32>} : memref<3x64x512xf32, #tpu.memory_space<vmem>>, vector<1x1x16xf32>,
        %get3A_500 = vector.shape_cast %get3A_499 : vector<1x1x16xf32> to vector<16xf32>
        %add3A_501 = arith.addf %while3A_379, %get3A_500 : vector<16xf32>
        %get3A_502 = arith.index_cast %rem3A_350 : i32 to index
        %get3A_503 = arith.index_cast %while3A_361 : i32 to index
        %get3A_504 = arith.constant 288 : index
        %get3A_505 = tpu.vector_load %arg5[%get3A_502, %get3A_503, %get3A_504] {strides = array<i32>} : memref<3x64x512xf32, #tpu.memory_space<vmem>>, vector<1x1x16xf32>,
        %get3A_506 = vector.shape_cast %get3A_505 : vector<1x1x16xf32> to vector<16xf32>
        %add3A_507 = arith.addf %while3A_380, %get3A_506 : vector<16xf32>
        %get3A_508 = arith.index_cast %rem3A_350 : i32 to index
        %get3A_509 = arith.index_cast %while3A_361 : i32 to index
        %get3A_510 = arith.constant 304 : index
        %get3A_511 = tpu.vector_load %arg5[%get3A_508, %get3A_509, %get3A_510] {strides = array<i32>} : memref<3x64x512xf32, #tpu.memory_space<vmem>>, vector<1x1x16xf32>,
        %get3A_512 = vector.shape_cast %get3A_511 : vector<1x1x16xf32> to vector<16xf32>
        %add3A_513 = arith.addf %while3A_381, %get3A_512 : vector<16xf32>
        %get3A_514 = arith.index_cast %rem3A_350 : i32 to index
        %get3A_515 = arith.index_cast %while3A_361 : i32 to index
        %get3A_516 = arith.constant 320 : index
        %get3A_517 = tpu.vector_load %arg5[%get3A_514, %get3A_515, %get3A_516] {strides = array<i32>} : memref<3x64x512xf32, #tpu.memory_space<vmem>>, vector<1x1x16xf32>,
        %get3A_518 = vector.shape_cast %get3A_517 : vector<1x1x16xf32> to vector<16xf32>
        %add3A_519 = arith.addf %while3A_382, %get3A_518 : vector<16xf32>
        %get3A_520 = arith.index_cast %rem3A_350 : i32 to index
        %get3A_521 = arith.index_cast %while3A_361 : i32 to index
        %get3A_522 = arith.constant 336 : index
        %get3A_523 = tpu.vector_load %arg5[%get3A_520, %get3A_521, %get3A_522] {strides = array<i32>} : memref<3x64x512xf32, #tpu.memory_space<vmem>>, vector<1x1x16xf32>,
        %get3A_524 = vector.shape_cast %get3A_523 : vector<1x1x16xf32> to vector<16xf32>
        %add3A_525 = arith.addf %while3A_383, %get3A_524 : vector<16xf32>
        %get3A_526 = arith.index_cast %rem3A_350 : i32 to index
        %get3A_527 = arith.index_cast %while3A_361 : i32 to index
        %get3A_528 = arith.constant 352 : index
        %get3A_529 = tpu.vector_load %arg5[%get3A_526, %get3A_527, %get3A_528] {strides = array<i32>} : memref<3x64x512xf32, #tpu.memory_space<vmem>>, vector<1x1x16xf32>,
        %get3A_530 = vector.shape_cast %get3A_529 : vector<1x1x16xf32> to vector<16xf32>
        %add3A_531 = arith.addf %while3A_384, %get3A_530 : vector<16xf32>
        %get3A_532 = arith.index_cast %rem3A_350 : i32 to index
        %get3A_533 = arith.index_cast %while3A_361 : i32 to index
        %get3A_534 = arith.constant 368 : index
        %get3A_535 = tpu.vector_load %arg5[%get3A_532, %get3A_533, %get3A_534] {strides = array<i32>} : memref<3x64x512xf32, #tpu.memory_space<vmem>>, vector<1x1x16xf32>,
        %get3A_536 = vector.shape_cast %get3A_535 : vector<1x1x16xf32> to vector<16xf32>
        %add3A_537 = arith.addf %while3A_385, %get3A_536 : vector<16xf32>
        %get3A_538 = arith.index_cast %rem3A_350 : i32 to index
        %get3A_539 = arith.index_cast %while3A_361 : i32 to index
        %get3A_540 = arith.constant 384 : index
        %get3A_541 = tpu.vector_load %arg5[%get3A_538, %get3A_539, %get3A_540] {strides = array<i32>} : memref<3x64x512xf32, #tpu.memory_space<vmem>>, vector<1x1x16xf32>,
        %get3A_542 = vector.shape_cast %get3A_541 : vector<1x1x16xf32> to vector<16xf32>
        %add3A_543 = arith.addf %while3A_386, %get3A_542 : vector<16xf32>
        %get3A_544 = arith.index_cast %rem3A_350 : i32 to index
        %get3A_545 = arith.index_cast %while3A_361 : i32 to index
        %get3A_546 = arith.constant 400 : index
        %get3A_547 = tpu.vector_load %arg5[%get3A_544, %get3A_545, %get3A_546] {strides = array<i32>} : memref<3x64x512xf32, #tpu.memory_space<vmem>>, vector<1x1x16xf32>,
        %get3A_548 = vector.shape_cast %get3A_547 : vector<1x1x16xf32> to vector<16xf32>
        %add3A_549 = arith.addf %while3A_387, %get3A_548 : vector<16xf32>
        %get3A_550 = arith.index_cast %rem3A_350 : i32 to index
        %get3A_551 = arith.index_cast %while3A_361 : i32 to index
        %get3A_552 = arith.constant 416 : index
        %get3A_553 = tpu.vector_load %arg5[%get3A_550, %get3A_551, %get3A_552] {strides = array<i32>} : memref<3x64x512xf32, #tpu.memory_space<vmem>>, vector<1x1x16xf32>,
        %get3A_554 = vector.shape_cast %get3A_553 : vector<1x1x16xf32> to vector<16xf32>
        %add3A_555 = arith.addf %while3A_388, %get3A_554 : vector<16xf32>
        %get3A_556 = arith.index_cast %rem3A_350 : i32 to index
        %get3A_557 = arith.index_cast %while3A_361 : i32 to index
        %get3A_558 = arith.constant 432 : index
        %get3A_559 = tpu.vector_load %arg5[%get3A_556, %get3A_557, %get3A_558] {strides = array<i32>} : memref<3x64x512xf32, #tpu.memory_space<vmem>>, vector<1x1x16xf32>,
        %get3A_560 = vector.shape_cast %get3A_559 : vector<1x1x16xf32> to vector<16xf32>
        %add3A_561 = arith.addf %while3A_389, %get3A_560 : vector<16xf32>
        %get3A_562 = arith.index_cast %rem3A_350 : i32 to index
        %get3A_563 = arith.index_cast %while3A_361 : i32 to index
        %get3A_564 = arith.constant 448 : index
        %get3A_565 = tpu.vector_load %arg5[%get3A_562, %get3A_563, %get3A_564] {strides = array<i32>} : memref<3x64x512xf32, #tpu.memory_space<vmem>>, vector<1x1x16xf32>,
        %get3A_566 = vector.shape_cast %get3A_565 : vector<1x1x16xf32> to vector<16xf32>
        %add3A_567 = arith.addf %while3A_390, %get3A_566 : vector<16xf32>
        %get3A_568 = arith.index_cast %rem3A_350 : i32 to index
        %get3A_569 = arith.index_cast %while3A_361 : i32 to index
        %get3A_570 = arith.constant 464 : index
        %get3A_571 = tpu.vector_load %arg5[%get3A_568, %get3A_569, %get3A_570] {strides = array<i32>} : memref<3x64x512xf32, #tpu.memory_space<vmem>>, vector<1x1x16xf32>,
        %get3A_572 = vector.shape_cast %get3A_571 : vector<1x1x16xf32> to vector<16xf32>
        %add3A_573 = arith.addf %while3A_391, %get3A_572 : vector<16xf32>
        %get3A_574 = arith.index_cast %rem3A_350 : i32 to index
        %get3A_575 = arith.index_cast %while3A_361 : i32 to index
        %get3A_576 = arith.constant 480 : index
        %get3A_577 = tpu.vector_load %arg5[%get3A_574, %get3A_575, %get3A_576] {strides = array<i32>} : memref<3x64x512xf32, #tpu.memory_space<vmem>>, vector<1x1x16xf32>,
        %get3A_578 = vector.shape_cast %get3A_577 : vector<1x1x16xf32> to vector<16xf32>
        %add3A_579 = arith.addf %while3A_392, %get3A_578 : vector<16xf32>
        %get3A_580 = arith.index_cast %rem3A_350 : i32 to index
        %get3A_581 = arith.index_cast %while3A_361 : i32 to index
        %get3A_582 = arith.constant 496 : index
        %get3A_583 = tpu.vector_load %arg5[%get3A_580, %get3A_581, %get3A_582] {strides = array<i32>} : memref<3x64x512xf32, #tpu.memory_space<vmem>>, vector<1x1x16xf32>,
        %get3A_584 = vector.shape_cast %get3A_583 : vector<1x1x16xf32> to vector<16xf32>
        %add3A_585 = arith.addf %while3A_393, %get3A_584 : vector<16xf32>
        scf.yield %add3A_399, %add3A_405, %add3A_411, %add3A_417, %add3A_423, %add3A_429, %add3A_435, %add3A_441, %add3A_447, %add3A_453, %add3A_459, %add3A_465, %add3A_471, %add3A_477, %add3A_483, %add3A_489, %add3A_495, %add3A_501, %add3A_507, %add3A_513, %add3A_519, %add3A_525, %add3A_531, %add3A_537, %add3A_543, %add3A_549, %add3A_555, %add3A_561, %add3A_567, %add3A_573, %add3A_579, %add3A_585 : vector<16xf32>, vector<16xf32>, vector<16xf32>, vector<16xf32>, vector<16xf32>, vector<16xf32>, vector<16xf32>, vector<16xf32>, vector<16xf32>, vector<16xf32>, vector<16xf32>, vector<16xf32>, vector<16xf32>, vector<16xf32>, vector<16xf32>, vector<16xf32>, vector<16xf32>, vector<16xf32>, vector<16xf32>, vector<16xf32>, vector<16xf32>, vector<16xf32>, vector<16xf32>, vector<16xf32>, vector<16xf32>, vector<16xf32>, vector<16xf32>, vector<16xf32>, vector<16xf32>, vector<16xf32>, vector<16xf32>, vector<16xf32>
      }
      scf.yield %get3A_251, %while3A_360#0, %while3A_360#1, %while3A_360#2, %while3A_360#3, %while3A_360#4, %while3A_360#5, %while3A_360#6, %while3A_360#7, %while3A_360#8, %while3A_360#9, %while3A_360#10, %while3A_360#11, %while3A_360#12, %while3A_360#13, %while3A_360#14, %while3A_360#15, %while3A_360#16, %while3A_360#17, %while3A_360#18, %while3A_360#19, %while3A_360#20, %while3A_360#21, %while3A_360#22, %while3A_360#23, %while3A_360#24, %while3A_360#25, %while3A_360#26, %while3A_360#27, %while3A_360#28, %while3A_360#29, %while3A_360#30, %while3A_360#31 : i32, vector<16xf32>, vector<16xf32>, vector<16xf32>, vector<16xf32>, vector<16xf32>, vector<16xf32>, vector<16xf32>, vector<16xf32>, vector<16xf32>, vector<16xf32>, vector<16xf32>, vector<16xf32>, vector<16xf32>, vector<16xf32>, vector<16xf32>, vector<16xf32>, vector<16xf32>, vector<16xf32>, vector<16xf32>, vector<16xf32>, vector<16xf32>, vector<16xf32>, vector<16xf32>, vector<16xf32>, vector<16xf32>, vector<16xf32>, vector<16xf32>, vector<16xf32>, vector<16xf32>, vector<16xf32>, vector<16xf32>, vector<16xf32>
    }
    %while3A_33 = arith.constant 1 : i32
    %while3A_34:33 = scf.for %while3A_214 = %while3A_30 to %while3A_26 step %while3A_33 iter_args(%while3A_215 = %while3A_32#0, %while3A_216 = %while3A_32#1, %while3A_217 = %while3A_32#2, %while3A_218 = %while3A_32#3, %while3A_219 = %while3A_32#4, %while3A_220 = %while3A_32#5, %while3A_221 = %while3A_32#6, %while3A_222 = %while3A_32#7, %while3A_223 = %while3A_32#8, %while3A_224 = %while3A_32#9, %while3A_225 = %while3A_32#10, %while3A_226 = %while3A_32#11, %while3A_227 = %while3A_32#12, %while3A_228 = %while3A_32#13, %while3A_229 = %while3A_32#14, %while3A_230 = %while3A_32#15, %while3A_231 = %while3A_32#16, %while3A_232 = %while3A_32#17, %while3A_233 = %while3A_32#18, %while3A_234 = %while3A_32#19, %while3A_235 = %while3A_32#20, %while3A_236 = %while3A_32#21, %while3A_237 = %while3A_32#22, %while3A_238 = %while3A_32#23, %while3A_239 = %while3A_32#24, %while3A_240 = %while3A_32#25, %while3A_241 = %while3A_32#26, %while3A_242 = %while3A_32#27, %while3A_243 = %while3A_32#28, %while3A_244 = %while3A_32#29, %while3A_245 = %while3A_32#30, %while3A_246 = %while3A_32#31, %while3A_247 = %while3A_32#32) -> (i32, vector<16xf32>, vector<16xf32>, vector<16xf32>, vector<16xf32>, vector<16xf32>, vector<16xf32>, vector<16xf32>, vector<16xf32>, vector<16xf32>, vector<16xf32>, vector<16xf32>, vector<16xf32>, vector<16xf32>, vector<16xf32>, vector<16xf32>, vector<16xf32>, vector<16xf32>, vector<16xf32>, vector<16xf32>, vector<16xf32>, vector<16xf32>, vector<16xf32>, vector<16xf32>, vector<16xf32>, vector<16xf32>, vector<16xf32>, vector<16xf32>, vector<16xf32>, vector<16xf32>, vector<16xf32>, vector<16xf32>, vector<16xf32>)  : i32 {
      %get3A_248 = arith.constant 0 : i32
      %get3A_249 = arith.index_cast %get3A_248 : i32 to index
      %get3A_250 = arith.index_cast %while3A_214 : i32 to index
      %get3A_251 = memref.load %arg11[%get3A_249, %get3A_250] : memref<4x128xi32, #tpu.memory_space<smem>>
      %get3A_252 = arith.constant 2 : i32
      %get3A_253 = arith.index_cast %get3A_252 : i32 to index
      %get3A_254 = arith.index_cast %while3A_214 : i32 to index
      %get3A_255 = memref.load %arg11[%get3A_253, %get3A_254] : memref<4x128xi32, #tpu.memory_space<smem>>
      %get3A_256 = arith.constant 3 : i32
      %get3A_257 = arith.index_cast %get3A_256 : i32 to index
      %get3A_258 = arith.index_cast %while3A_214 : i32 to index
      %get3A_259 = memref.load %arg11[%get3A_257, %get3A_258] : memref<4x128xi32, #tpu.memory_space<smem>>
      %ne3A = arith.cmpi ne, %get3A_251, %while3A_215 : i32
      %convert_element_type3A_260 = arith.extui %ne3A : i1 to i32
      %cond3A_261 = arith.constant 0 : i32
      %cond3A_262 = arith.cmpi ne, %convert_element_type3A_260, %cond3A_261 : i32
      scf.if %cond3A_262 {
        %mul3A_361 = arith.constant 512 : i32
        %mul3A_362 = arith.muli %while3A_215, %mul3A_361 : i32
        %add3A_363 = arith.constant 0 : i32
        %add3A_364 = arith.addi %mul3A_362, %add3A_363 : i32
        %swap3A_365 = arith.index_cast %add3A_364 : i32 to index
        %swap3A_366 = tpu.vector_load %arg6[%swap3A_365] {strides = array<i32>} : memref<8192xf32, #tpu.memory_space<vmem>>, vector<16xf32>,
        %swap3A_367 = vector.shape_cast %swap3A_366 : vector<16xf32> to vector<16xf32>
        %swap3A_368 = vector.shape_cast %while3A_216 : vector<16xf32> to vector<16xf32>
        tpu.vector_store %arg6[%swap3A_365], %swap3A_368 {strides = array<i32>} : memref<8192xf32, #tpu.memory_space<vmem>>, vector<16xf32>,
        %mul3A_369 = arith.constant 512 : i32
        %mul3A_370 = arith.muli %while3A_215, %mul3A_369 : i32
        %add3A_371 = arith.constant 16 : i32
        %add3A_372 = arith.addi %mul3A_370, %add3A_371 : i32
        %swap3A_373 = arith.index_cast %add3A_372 : i32 to index
        %swap3A_374 = tpu.vector_load %arg6[%swap3A_373] {strides = array<i32>} : memref<8192xf32, #tpu.memory_space<vmem>>, vector<16xf32>,
        %swap3A_375 = vector.shape_cast %swap3A_374 : vector<16xf32> to vector<16xf32>
        %swap3A_376 = vector.shape_cast %while3A_217 : vector<16xf32> to vector<16xf32>
        tpu.vector_store %arg6[%swap3A_373], %swap3A_376 {strides = array<i32>} : memref<8192xf32, #tpu.memory_space<vmem>>, vector<16xf32>,
        %mul3A_377 = arith.constant 512 : i32
        %mul3A_378 = arith.muli %while3A_215, %mul3A_377 : i32
        %add3A_379 = arith.constant 32 : i32
        %add3A_380 = arith.addi %mul3A_378, %add3A_379 : i32
        %swap3A_381 = arith.index_cast %add3A_380 : i32 to index
        %swap3A_382 = tpu.vector_load %arg6[%swap3A_381] {strides = array<i32>} : memref<8192xf32, #tpu.memory_space<vmem>>, vector<16xf32>,
        %swap3A_383 = vector.shape_cast %swap3A_382 : vector<16xf32> to vector<16xf32>
        %swap3A_384 = vector.shape_cast %while3A_218 : vector<16xf32> to vector<16xf32>
        tpu.vector_store %arg6[%swap3A_381], %swap3A_384 {strides = array<i32>} : memref<8192xf32, #tpu.memory_space<vmem>>, vector<16xf32>,
        %mul3A_385 = arith.constant 512 : i32
        %mul3A_386 = arith.muli %while3A_215, %mul3A_385 : i32
        %add3A_387 = arith.constant 48 : i32
        %add3A_388 = arith.addi %mul3A_386, %add3A_387 : i32
        %swap3A_389 = arith.index_cast %add3A_388 : i32 to index
        %swap3A_390 = tpu.vector_load %arg6[%swap3A_389] {strides = array<i32>} : memref<8192xf32, #tpu.memory_space<vmem>>, vector<16xf32>,
        %swap3A_391 = vector.shape_cast %swap3A_390 : vector<16xf32> to vector<16xf32>
        %swap3A_392 = vector.shape_cast %while3A_219 : vector<16xf32> to vector<16xf32>
        tpu.vector_store %arg6[%swap3A_389], %swap3A_392 {strides = array<i32>} : memref<8192xf32, #tpu.memory_space<vmem>>, vector<16xf32>,
        %mul3A_393 = arith.constant 512 : i32
        %mul3A_394 = arith.muli %while3A_215, %mul3A_393 : i32
        %add3A_395 = arith.constant 64 : i32
        %add3A_396 = arith.addi %mul3A_394, %add3A_395 : i32
        %swap3A_397 = arith.index_cast %add3A_396 : i32 to index
        %swap3A_398 = tpu.vector_load %arg6[%swap3A_397] {strides = array<i32>} : memref<8192xf32, #tpu.memory_space<vmem>>, vector<16xf32>,
        %swap3A_399 = vector.shape_cast %swap3A_398 : vector<16xf32> to vector<16xf32>
        %swap3A_400 = vector.shape_cast %while3A_220 : vector<16xf32> to vector<16xf32>
        tpu.vector_store %arg6[%swap3A_397], %swap3A_400 {strides = array<i32>} : memref<8192xf32, #tpu.memory_space<vmem>>, vector<16xf32>,
        %mul3A_401 = arith.constant 512 : i32
        %mul3A_402 = arith.muli %while3A_215, %mul3A_401 : i32
        %add3A_403 = arith.constant 80 : i32
        %add3A_404 = arith.addi %mul3A_402, %add3A_403 : i32
        %swap3A_405 = arith.index_cast %add3A_404 : i32 to index
        %swap3A_406 = tpu.vector_load %arg6[%swap3A_405] {strides = array<i32>} : memref<8192xf32, #tpu.memory_space<vmem>>, vector<16xf32>,
        %swap3A_407 = vector.shape_cast %swap3A_406 : vector<16xf32> to vector<16xf32>
        %swap3A_408 = vector.shape_cast %while3A_221 : vector<16xf32> to vector<16xf32>
        tpu.vector_store %arg6[%swap3A_405], %swap3A_408 {strides = array<i32>} : memref<8192xf32, #tpu.memory_space<vmem>>, vector<16xf32>,
        %mul3A_409 = arith.constant 512 : i32
        %mul3A_410 = arith.muli %while3A_215, %mul3A_409 : i32
        %add3A_411 = arith.constant 96 : i32
        %add3A_412 = arith.addi %mul3A_410, %add3A_411 : i32
        %swap3A_413 = arith.index_cast %add3A_412 : i32 to index
        %swap3A_414 = tpu.vector_load %arg6[%swap3A_413] {strides = array<i32>} : memref<8192xf32, #tpu.memory_space<vmem>>, vector<16xf32>,
        %swap3A_415 = vector.shape_cast %swap3A_414 : vector<16xf32> to vector<16xf32>
        %swap3A_416 = vector.shape_cast %while3A_222 : vector<16xf32> to vector<16xf32>
        tpu.vector_store %arg6[%swap3A_413], %swap3A_416 {strides = array<i32>} : memref<8192xf32, #tpu.memory_space<vmem>>, vector<16xf32>,
        %mul3A_417 = arith.constant 512 : i32
        %mul3A_418 = arith.muli %while3A_215, %mul3A_417 : i32
        %add3A_419 = arith.constant 112 : i32
        %add3A_420 = arith.addi %mul3A_418, %add3A_419 : i32
        %swap3A_421 = arith.index_cast %add3A_420 : i32 to index
        %swap3A_422 = tpu.vector_load %arg6[%swap3A_421] {strides = array<i32>} : memref<8192xf32, #tpu.memory_space<vmem>>, vector<16xf32>,
        %swap3A_423 = vector.shape_cast %swap3A_422 : vector<16xf32> to vector<16xf32>
        %swap3A_424 = vector.shape_cast %while3A_223 : vector<16xf32> to vector<16xf32>
        tpu.vector_store %arg6[%swap3A_421], %swap3A_424 {strides = array<i32>} : memref<8192xf32, #tpu.memory_space<vmem>>, vector<16xf32>,
        %mul3A_425 = arith.constant 512 : i32
        %mul3A_426 = arith.muli %while3A_215, %mul3A_425 : i32
        %add3A_427 = arith.constant 128 : i32
        %add3A_428 = arith.addi %mul3A_426, %add3A_427 : i32
        %swap3A_429 = arith.index_cast %add3A_428 : i32 to index
        %swap3A_430 = tpu.vector_load %arg6[%swap3A_429] {strides = array<i32>} : memref<8192xf32, #tpu.memory_space<vmem>>, vector<16xf32>,
        %swap3A_431 = vector.shape_cast %swap3A_430 : vector<16xf32> to vector<16xf32>
        %swap3A_432 = vector.shape_cast %while3A_224 : vector<16xf32> to vector<16xf32>
        tpu.vector_store %arg6[%swap3A_429], %swap3A_432 {strides = array<i32>} : memref<8192xf32, #tpu.memory_space<vmem>>, vector<16xf32>,
        %mul3A_433 = arith.constant 512 : i32
        %mul3A_434 = arith.muli %while3A_215, %mul3A_433 : i32
        %add3A_435 = arith.constant 144 : i32
        %add3A_436 = arith.addi %mul3A_434, %add3A_435 : i32
        %swap3A_437 = arith.index_cast %add3A_436 : i32 to index
        %swap3A_438 = tpu.vector_load %arg6[%swap3A_437] {strides = array<i32>} : memref<8192xf32, #tpu.memory_space<vmem>>, vector<16xf32>,
        %swap3A_439 = vector.shape_cast %swap3A_438 : vector<16xf32> to vector<16xf32>
        %swap3A_440 = vector.shape_cast %while3A_225 : vector<16xf32> to vector<16xf32>
        tpu.vector_store %arg6[%swap3A_437], %swap3A_440 {strides = array<i32>} : memref<8192xf32, #tpu.memory_space<vmem>>, vector<16xf32>,
        %mul3A_441 = arith.constant 512 : i32
        %mul3A_442 = arith.muli %while3A_215, %mul3A_441 : i32
        %add3A_443 = arith.constant 160 : i32
        %add3A_444 = arith.addi %mul3A_442, %add3A_443 : i32
        %swap3A_445 = arith.index_cast %add3A_444 : i32 to index
        %swap3A_446 = tpu.vector_load %arg6[%swap3A_445] {strides = array<i32>} : memref<8192xf32, #tpu.memory_space<vmem>>, vector<16xf32>,
        %swap3A_447 = vector.shape_cast %swap3A_446 : vector<16xf32> to vector<16xf32>
        %swap3A_448 = vector.shape_cast %while3A_226 : vector<16xf32> to vector<16xf32>
        tpu.vector_store %arg6[%swap3A_445], %swap3A_448 {strides = array<i32>} : memref<8192xf32, #tpu.memory_space<vmem>>, vector<16xf32>,
        %mul3A_449 = arith.constant 512 : i32
        %mul3A_450 = arith.muli %while3A_215, %mul3A_449 : i32
        %add3A_451 = arith.constant 176 : i32
        %add3A_452 = arith.addi %mul3A_450, %add3A_451 : i32
        %swap3A_453 = arith.index_cast %add3A_452 : i32 to index
        %swap3A_454 = tpu.vector_load %arg6[%swap3A_453] {strides = array<i32>} : memref<8192xf32, #tpu.memory_space<vmem>>, vector<16xf32>,
        %swap3A_455 = vector.shape_cast %swap3A_454 : vector<16xf32> to vector<16xf32>
        %swap3A_456 = vector.shape_cast %while3A_227 : vector<16xf32> to vector<16xf32>
        tpu.vector_store %arg6[%swap3A_453], %swap3A_456 {strides = array<i32>} : memref<8192xf32, #tpu.memory_space<vmem>>, vector<16xf32>,
        %mul3A_457 = arith.constant 512 : i32
        %mul3A_458 = arith.muli %while3A_215, %mul3A_457 : i32
        %add3A_459 = arith.constant 192 : i32
        %add3A_460 = arith.addi %mul3A_458, %add3A_459 : i32
        %swap3A_461 = arith.index_cast %add3A_460 : i32 to index
        %swap3A_462 = tpu.vector_load %arg6[%swap3A_461] {strides = array<i32>} : memref<8192xf32, #tpu.memory_space<vmem>>, vector<16xf32>,
        %swap3A_463 = vector.shape_cast %swap3A_462 : vector<16xf32> to vector<16xf32>
        %swap3A_464 = vector.shape_cast %while3A_228 : vector<16xf32> to vector<16xf32>
        tpu.vector_store %arg6[%swap3A_461], %swap3A_464 {strides = array<i32>} : memref<8192xf32, #tpu.memory_space<vmem>>, vector<16xf32>,
        %mul3A_465 = arith.constant 512 : i32
        %mul3A_466 = arith.muli %while3A_215, %mul3A_465 : i32
        %add3A_467 = arith.constant 208 : i32
        %add3A_468 = arith.addi %mul3A_466, %add3A_467 : i32
        %swap3A_469 = arith.index_cast %add3A_468 : i32 to index
        %swap3A_470 = tpu.vector_load %arg6[%swap3A_469] {strides = array<i32>} : memref<8192xf32, #tpu.memory_space<vmem>>, vector<16xf32>,
        %swap3A_471 = vector.shape_cast %swap3A_470 : vector<16xf32> to vector<16xf32>
        %swap3A_472 = vector.shape_cast %while3A_229 : vector<16xf32> to vector<16xf32>
        tpu.vector_store %arg6[%swap3A_469], %swap3A_472 {strides = array<i32>} : memref<8192xf32, #tpu.memory_space<vmem>>, vector<16xf32>,
        %mul3A_473 = arith.constant 512 : i32
        %mul3A_474 = arith.muli %while3A_215, %mul3A_473 : i32
        %add3A_475 = arith.constant 224 : i32
        %add3A_476 = arith.addi %mul3A_474, %add3A_475 : i32
        %swap3A_477 = arith.index_cast %add3A_476 : i32 to index
        %swap3A_478 = tpu.vector_load %arg6[%swap3A_477] {strides = array<i32>} : memref<8192xf32, #tpu.memory_space<vmem>>, vector<16xf32>,
        %swap3A_479 = vector.shape_cast %swap3A_478 : vector<16xf32> to vector<16xf32>
        %swap3A_480 = vector.shape_cast %while3A_230 : vector<16xf32> to vector<16xf32>
        tpu.vector_store %arg6[%swap3A_477], %swap3A_480 {strides = array<i32>} : memref<8192xf32, #tpu.memory_space<vmem>>, vector<16xf32>,
        %mul3A_481 = arith.constant 512 : i32
        %mul3A_482 = arith.muli %while3A_215, %mul3A_481 : i32
        %add3A_483 = arith.constant 240 : i32
        %add3A_484 = arith.addi %mul3A_482, %add3A_483 : i32
        %swap3A_485 = arith.index_cast %add3A_484 : i32 to index
        %swap3A_486 = tpu.vector_load %arg6[%swap3A_485] {strides = array<i32>} : memref<8192xf32, #tpu.memory_space<vmem>>, vector<16xf32>,
        %swap3A_487 = vector.shape_cast %swap3A_486 : vector<16xf32> to vector<16xf32>
        %swap3A_488 = vector.shape_cast %while3A_231 : vector<16xf32> to vector<16xf32>
        tpu.vector_store %arg6[%swap3A_485], %swap3A_488 {strides = array<i32>} : memref<8192xf32, #tpu.memory_space<vmem>>, vector<16xf32>,
        %mul3A_489 = arith.constant 512 : i32
        %mul3A_490 = arith.muli %while3A_215, %mul3A_489 : i32
        %add3A_491 = arith.constant 256 : i32
        %add3A_492 = arith.addi %mul3A_490, %add3A_491 : i32
        %swap3A_493 = arith.index_cast %add3A_492 : i32 to index
        %swap3A_494 = tpu.vector_load %arg6[%swap3A_493] {strides = array<i32>} : memref<8192xf32, #tpu.memory_space<vmem>>, vector<16xf32>,
        %swap3A_495 = vector.shape_cast %swap3A_494 : vector<16xf32> to vector<16xf32>
        %swap3A_496 = vector.shape_cast %while3A_232 : vector<16xf32> to vector<16xf32>
        tpu.vector_store %arg6[%swap3A_493], %swap3A_496 {strides = array<i32>} : memref<8192xf32, #tpu.memory_space<vmem>>, vector<16xf32>,
        %mul3A_497 = arith.constant 512 : i32
        %mul3A_498 = arith.muli %while3A_215, %mul3A_497 : i32
        %add3A_499 = arith.constant 272 : i32
        %add3A_500 = arith.addi %mul3A_498, %add3A_499 : i32
        %swap3A_501 = arith.index_cast %add3A_500 : i32 to index
        %swap3A_502 = tpu.vector_load %arg6[%swap3A_501] {strides = array<i32>} : memref<8192xf32, #tpu.memory_space<vmem>>, vector<16xf32>,
        %swap3A_503 = vector.shape_cast %swap3A_502 : vector<16xf32> to vector<16xf32>
        %swap3A_504 = vector.shape_cast %while3A_233 : vector<16xf32> to vector<16xf32>
        tpu.vector_store %arg6[%swap3A_501], %swap3A_504 {strides = array<i32>} : memref<8192xf32, #tpu.memory_space<vmem>>, vector<16xf32>,
        %mul3A_505 = arith.constant 512 : i32
        %mul3A_506 = arith.muli %while3A_215, %mul3A_505 : i32
        %add3A_507 = arith.constant 288 : i32
        %add3A_508 = arith.addi %mul3A_506, %add3A_507 : i32
        %swap3A_509 = arith.index_cast %add3A_508 : i32 to index
        %swap3A_510 = tpu.vector_load %arg6[%swap3A_509] {strides = array<i32>} : memref<8192xf32, #tpu.memory_space<vmem>>, vector<16xf32>,
        %swap3A_511 = vector.shape_cast %swap3A_510 : vector<16xf32> to vector<16xf32>
        %swap3A_512 = vector.shape_cast %while3A_234 : vector<16xf32> to vector<16xf32>
        tpu.vector_store %arg6[%swap3A_509], %swap3A_512 {strides = array<i32>} : memref<8192xf32, #tpu.memory_space<vmem>>, vector<16xf32>,
        %mul3A_513 = arith.constant 512 : i32
        %mul3A_514 = arith.muli %while3A_215, %mul3A_513 : i32
        %add3A_515 = arith.constant 304 : i32
        %add3A_516 = arith.addi %mul3A_514, %add3A_515 : i32
        %swap3A_517 = arith.index_cast %add3A_516 : i32 to index
        %swap3A_518 = tpu.vector_load %arg6[%swap3A_517] {strides = array<i32>} : memref<8192xf32, #tpu.memory_space<vmem>>, vector<16xf32>,
        %swap3A_519 = vector.shape_cast %swap3A_518 : vector<16xf32> to vector<16xf32>
        %swap3A_520 = vector.shape_cast %while3A_235 : vector<16xf32> to vector<16xf32>
        tpu.vector_store %arg6[%swap3A_517], %swap3A_520 {strides = array<i32>} : memref<8192xf32, #tpu.memory_space<vmem>>, vector<16xf32>,
        %mul3A_521 = arith.constant 512 : i32
        %mul3A_522 = arith.muli %while3A_215, %mul3A_521 : i32
        %add3A_523 = arith.constant 320 : i32
        %add3A_524 = arith.addi %mul3A_522, %add3A_523 : i32
        %swap3A_525 = arith.index_cast %add3A_524 : i32 to index
        %swap3A_526 = tpu.vector_load %arg6[%swap3A_525] {strides = array<i32>} : memref<8192xf32, #tpu.memory_space<vmem>>, vector<16xf32>,
        %swap3A_527 = vector.shape_cast %swap3A_526 : vector<16xf32> to vector<16xf32>
        %swap3A_528 = vector.shape_cast %while3A_236 : vector<16xf32> to vector<16xf32>
        tpu.vector_store %arg6[%swap3A_525], %swap3A_528 {strides = array<i32>} : memref<8192xf32, #tpu.memory_space<vmem>>, vector<16xf32>,
        %mul3A_529 = arith.constant 512 : i32
        %mul3A_530 = arith.muli %while3A_215, %mul3A_529 : i32
        %add3A_531 = arith.constant 336 : i32
        %add3A_532 = arith.addi %mul3A_530, %add3A_531 : i32
        %swap3A_533 = arith.index_cast %add3A_532 : i32 to index
        %swap3A_534 = tpu.vector_load %arg6[%swap3A_533] {strides = array<i32>} : memref<8192xf32, #tpu.memory_space<vmem>>, vector<16xf32>,
        %swap3A_535 = vector.shape_cast %swap3A_534 : vector<16xf32> to vector<16xf32>
        %swap3A_536 = vector.shape_cast %while3A_237 : vector<16xf32> to vector<16xf32>
        tpu.vector_store %arg6[%swap3A_533], %swap3A_536 {strides = array<i32>} : memref<8192xf32, #tpu.memory_space<vmem>>, vector<16xf32>,
        %mul3A_537 = arith.constant 512 : i32
        %mul3A_538 = arith.muli %while3A_215, %mul3A_537 : i32
        %add3A_539 = arith.constant 352 : i32
        %add3A_540 = arith.addi %mul3A_538, %add3A_539 : i32
        %swap3A_541 = arith.index_cast %add3A_540 : i32 to index
        %swap3A_542 = tpu.vector_load %arg6[%swap3A_541] {strides = array<i32>} : memref<8192xf32, #tpu.memory_space<vmem>>, vector<16xf32>,
        %swap3A_543 = vector.shape_cast %swap3A_542 : vector<16xf32> to vector<16xf32>
        %swap3A_544 = vector.shape_cast %while3A_238 : vector<16xf32> to vector<16xf32>
        tpu.vector_store %arg6[%swap3A_541], %swap3A_544 {strides = array<i32>} : memref<8192xf32, #tpu.memory_space<vmem>>, vector<16xf32>,
        %mul3A_545 = arith.constant 512 : i32
        %mul3A_546 = arith.muli %while3A_215, %mul3A_545 : i32
        %add3A_547 = arith.constant 368 : i32
        %add3A_548 = arith.addi %mul3A_546, %add3A_547 : i32
        %swap3A_549 = arith.index_cast %add3A_548 : i32 to index
        %swap3A_550 = tpu.vector_load %arg6[%swap3A_549] {strides = array<i32>} : memref<8192xf32, #tpu.memory_space<vmem>>, vector<16xf32>,
        %swap3A_551 = vector.shape_cast %swap3A_550 : vector<16xf32> to vector<16xf32>
        %swap3A_552 = vector.shape_cast %while3A_239 : vector<16xf32> to vector<16xf32>
        tpu.vector_store %arg6[%swap3A_549], %swap3A_552 {strides = array<i32>} : memref<8192xf32, #tpu.memory_space<vmem>>, vector<16xf32>,
        %mul3A_553 = arith.constant 512 : i32
        %mul3A_554 = arith.muli %while3A_215, %mul3A_553 : i32
        %add3A_555 = arith.constant 384 : i32
        %add3A_556 = arith.addi %mul3A_554, %add3A_555 : i32
        %swap3A_557 = arith.index_cast %add3A_556 : i32 to index
        %swap3A_558 = tpu.vector_load %arg6[%swap3A_557] {strides = array<i32>} : memref<8192xf32, #tpu.memory_space<vmem>>, vector<16xf32>,
        %swap3A_559 = vector.shape_cast %swap3A_558 : vector<16xf32> to vector<16xf32>
        %swap3A_560 = vector.shape_cast %while3A_240 : vector<16xf32> to vector<16xf32>
        tpu.vector_store %arg6[%swap3A_557], %swap3A_560 {strides = array<i32>} : memref<8192xf32, #tpu.memory_space<vmem>>, vector<16xf32>,
        %mul3A_561 = arith.constant 512 : i32
        %mul3A_562 = arith.muli %while3A_215, %mul3A_561 : i32
        %add3A_563 = arith.constant 400 : i32
        %add3A_564 = arith.addi %mul3A_562, %add3A_563 : i32
        %swap3A_565 = arith.index_cast %add3A_564 : i32 to index
        %swap3A_566 = tpu.vector_load %arg6[%swap3A_565] {strides = array<i32>} : memref<8192xf32, #tpu.memory_space<vmem>>, vector<16xf32>,
        %swap3A_567 = vector.shape_cast %swap3A_566 : vector<16xf32> to vector<16xf32>
        %swap3A_568 = vector.shape_cast %while3A_241 : vector<16xf32> to vector<16xf32>
        tpu.vector_store %arg6[%swap3A_565], %swap3A_568 {strides = array<i32>} : memref<8192xf32, #tpu.memory_space<vmem>>, vector<16xf32>,
        %mul3A_569 = arith.constant 512 : i32
        %mul3A_570 = arith.muli %while3A_215, %mul3A_569 : i32
        %add3A_571 = arith.constant 416 : i32
        %add3A_572 = arith.addi %mul3A_570, %add3A_571 : i32
        %swap3A_573 = arith.index_cast %add3A_572 : i32 to index
        %swap3A_574 = tpu.vector_load %arg6[%swap3A_573] {strides = array<i32>} : memref<8192xf32, #tpu.memory_space<vmem>>, vector<16xf32>,
        %swap3A_575 = vector.shape_cast %swap3A_574 : vector<16xf32> to vector<16xf32>
        %swap3A_576 = vector.shape_cast %while3A_242 : vector<16xf32> to vector<16xf32>
        tpu.vector_store %arg6[%swap3A_573], %swap3A_576 {strides = array<i32>} : memref<8192xf32, #tpu.memory_space<vmem>>, vector<16xf32>,
        %mul3A_577 = arith.constant 512 : i32
        %mul3A_578 = arith.muli %while3A_215, %mul3A_577 : i32
        %add3A_579 = arith.constant 432 : i32
        %add3A_580 = arith.addi %mul3A_578, %add3A_579 : i32
        %swap3A_581 = arith.index_cast %add3A_580 : i32 to index
        %swap3A_582 = tpu.vector_load %arg6[%swap3A_581] {strides = array<i32>} : memref<8192xf32, #tpu.memory_space<vmem>>, vector<16xf32>,
        %swap3A_583 = vector.shape_cast %swap3A_582 : vector<16xf32> to vector<16xf32>
        %swap3A_584 = vector.shape_cast %while3A_243 : vector<16xf32> to vector<16xf32>
        tpu.vector_store %arg6[%swap3A_581], %swap3A_584 {strides = array<i32>} : memref<8192xf32, #tpu.memory_space<vmem>>, vector<16xf32>,
        %mul3A_585 = arith.constant 512 : i32
        %mul3A_586 = arith.muli %while3A_215, %mul3A_585 : i32
        %add3A_587 = arith.constant 448 : i32
        %add3A_588 = arith.addi %mul3A_586, %add3A_587 : i32
        %swap3A_589 = arith.index_cast %add3A_588 : i32 to index
        %swap3A_590 = tpu.vector_load %arg6[%swap3A_589] {strides = array<i32>} : memref<8192xf32, #tpu.memory_space<vmem>>, vector<16xf32>,
        %swap3A_591 = vector.shape_cast %swap3A_590 : vector<16xf32> to vector<16xf32>
        %swap3A_592 = vector.shape_cast %while3A_244 : vector<16xf32> to vector<16xf32>
        tpu.vector_store %arg6[%swap3A_589], %swap3A_592 {strides = array<i32>} : memref<8192xf32, #tpu.memory_space<vmem>>, vector<16xf32>,
        %mul3A_593 = arith.constant 512 : i32
        %mul3A_594 = arith.muli %while3A_215, %mul3A_593 : i32
        %add3A_595 = arith.constant 464 : i32
        %add3A_596 = arith.addi %mul3A_594, %add3A_595 : i32
        %swap3A_597 = arith.index_cast %add3A_596 : i32 to index
        %swap3A_598 = tpu.vector_load %arg6[%swap3A_597] {strides = array<i32>} : memref<8192xf32, #tpu.memory_space<vmem>>, vector<16xf32>,
        %swap3A_599 = vector.shape_cast %swap3A_598 : vector<16xf32> to vector<16xf32>
        %swap3A_600 = vector.shape_cast %while3A_245 : vector<16xf32> to vector<16xf32>
        tpu.vector_store %arg6[%swap3A_597], %swap3A_600 {strides = array<i32>} : memref<8192xf32, #tpu.memory_space<vmem>>, vector<16xf32>,
        %mul3A_601 = arith.constant 512 : i32
        %mul3A_602 = arith.muli %while3A_215, %mul3A_601 : i32
        %add3A_603 = arith.constant 480 : i32
        %add3A_604 = arith.addi %mul3A_602, %add3A_603 : i32
        %swap3A_605 = arith.index_cast %add3A_604 : i32 to index
        %swap3A_606 = tpu.vector_load %arg6[%swap3A_605] {strides = array<i32>} : memref<8192xf32, #tpu.memory_space<vmem>>, vector<16xf32>,
        %swap3A_607 = vector.shape_cast %swap3A_606 : vector<16xf32> to vector<16xf32>
        %swap3A_608 = vector.shape_cast %while3A_246 : vector<16xf32> to vector<16xf32>
        tpu.vector_store %arg6[%swap3A_605], %swap3A_608 {strides = array<i32>} : memref<8192xf32, #tpu.memory_space<vmem>>, vector<16xf32>,
        %mul3A_609 = arith.constant 512 : i32
        %mul3A_610 = arith.muli %while3A_215, %mul3A_609 : i32
        %add3A_611 = arith.constant 496 : i32
        %add3A_612 = arith.addi %mul3A_610, %add3A_611 : i32
        %swap3A_613 = arith.index_cast %add3A_612 : i32 to index
        %swap3A_614 = tpu.vector_load %arg6[%swap3A_613] {strides = array<i32>} : memref<8192xf32, #tpu.memory_space<vmem>>, vector<16xf32>,
        %swap3A_615 = vector.shape_cast %swap3A_614 : vector<16xf32> to vector<16xf32>
        %swap3A_616 = vector.shape_cast %while3A_247 : vector<16xf32> to vector<16xf32>
        tpu.vector_store %arg6[%swap3A_613], %swap3A_616 {strides = array<i32>} : memref<8192xf32, #tpu.memory_space<vmem>>, vector<16xf32>,
      } else {
      }
      %eq3A = arith.cmpi eq, %get3A_251, %while3A_215 : i32
      %convert_element_type3A_263 = arith.extui %eq3A : i1 to i32
      %convert_element_type3A_264 = arith.sitofp %convert_element_type3A_263 : i32 to f32
      %mul3A_265 = vector.broadcast %convert_element_type3A_264 : f32 to vector<16xf32>
      %mul3A_266 = arith.mulf %while3A_216, %mul3A_265 : vector<16xf32>
      %mul3A_267 = vector.broadcast %convert_element_type3A_264 : f32 to vector<16xf32>
      %mul3A_268 = arith.mulf %while3A_217, %mul3A_267 : vector<16xf32>
      %mul3A_269 = vector.broadcast %convert_element_type3A_264 : f32 to vector<16xf32>
      %mul3A_270 = arith.mulf %while3A_218, %mul3A_269 : vector<16xf32>
      %mul3A_271 = vector.broadcast %convert_element_type3A_264 : f32 to vector<16xf32>
      %mul3A_272 = arith.mulf %while3A_219, %mul3A_271 : vector<16xf32>
      %mul3A_273 = vector.broadcast %convert_element_type3A_264 : f32 to vector<16xf32>
      %mul3A_274 = arith.mulf %while3A_220, %mul3A_273 : vector<16xf32>
      %mul3A_275 = vector.broadcast %convert_element_type3A_264 : f32 to vector<16xf32>
      %mul3A_276 = arith.mulf %while3A_221, %mul3A_275 : vector<16xf32>
      %mul3A_277 = vector.broadcast %convert_element_type3A_264 : f32 to vector<16xf32>
      %mul3A_278 = arith.mulf %while3A_222, %mul3A_277 : vector<16xf32>
      %mul3A_279 = vector.broadcast %convert_element_type3A_264 : f32 to vector<16xf32>
      %mul3A_280 = arith.mulf %while3A_223, %mul3A_279 : vector<16xf32>
      %mul3A_281 = vector.broadcast %convert_element_type3A_264 : f32 to vector<16xf32>
      %mul3A_282 = arith.mulf %while3A_224, %mul3A_281 : vector<16xf32>
      %mul3A_283 = vector.broadcast %convert_element_type3A_264 : f32 to vector<16xf32>
      %mul3A_284 = arith.mulf %while3A_225, %mul3A_283 : vector<16xf32>
      %mul3A_285 = vector.broadcast %convert_element_type3A_264 : f32 to vector<16xf32>
      %mul3A_286 = arith.mulf %while3A_226, %mul3A_285 : vector<16xf32>
      %mul3A_287 = vector.broadcast %convert_element_type3A_264 : f32 to vector<16xf32>
      %mul3A_288 = arith.mulf %while3A_227, %mul3A_287 : vector<16xf32>
      %mul3A_289 = vector.broadcast %convert_element_type3A_264 : f32 to vector<16xf32>
      %mul3A_290 = arith.mulf %while3A_228, %mul3A_289 : vector<16xf32>
      %mul3A_291 = vector.broadcast %convert_element_type3A_264 : f32 to vector<16xf32>
      %mul3A_292 = arith.mulf %while3A_229, %mul3A_291 : vector<16xf32>
      %mul3A_293 = vector.broadcast %convert_element_type3A_264 : f32 to vector<16xf32>
      %mul3A_294 = arith.mulf %while3A_230, %mul3A_293 : vector<16xf32>
      %mul3A_295 = vector.broadcast %convert_element_type3A_264 : f32 to vector<16xf32>
      %mul3A_296 = arith.mulf %while3A_231, %mul3A_295 : vector<16xf32>
      %mul3A_297 = vector.broadcast %convert_element_type3A_264 : f32 to vector<16xf32>
      %mul3A_298 = arith.mulf %while3A_232, %mul3A_297 : vector<16xf32>
      %mul3A_299 = vector.broadcast %convert_element_type3A_264 : f32 to vector<16xf32>
      %mul3A_300 = arith.mulf %while3A_233, %mul3A_299 : vector<16xf32>
      %mul3A_301 = vector.broadcast %convert_element_type3A_264 : f32 to vector<16xf32>
      %mul3A_302 = arith.mulf %while3A_234, %mul3A_301 : vector<16xf32>
      %mul3A_303 = vector.broadcast %convert_element_type3A_264 : f32 to vector<16xf32>
      %mul3A_304 = arith.mulf %while3A_235, %mul3A_303 : vector<16xf32>
      %mul3A_305 = vector.broadcast %convert_element_type3A_264 : f32 to vector<16xf32>
      %mul3A_306 = arith.mulf %while3A_236, %mul3A_305 : vector<16xf32>
      %mul3A_307 = vector.broadcast %convert_element_type3A_264 : f32 to vector<16xf32>
      %mul3A_308 = arith.mulf %while3A_237, %mul3A_307 : vector<16xf32>
      %mul3A_309 = vector.broadcast %convert_element_type3A_264 : f32 to vector<16xf32>
      %mul3A_310 = arith.mulf %while3A_238, %mul3A_309 : vector<16xf32>
      %mul3A_311 = vector.broadcast %convert_element_type3A_264 : f32 to vector<16xf32>
      %mul3A_312 = arith.mulf %while3A_239, %mul3A_311 : vector<16xf32>
      %mul3A_313 = vector.broadcast %convert_element_type3A_264 : f32 to vector<16xf32>
      %mul3A_314 = arith.mulf %while3A_240, %mul3A_313 : vector<16xf32>
      %mul3A_315 = vector.broadcast %convert_element_type3A_264 : f32 to vector<16xf32>
      %mul3A_316 = arith.mulf %while3A_241, %mul3A_315 : vector<16xf32>
      %mul3A_317 = vector.broadcast %convert_element_type3A_264 : f32 to vector<16xf32>
      %mul3A_318 = arith.mulf %while3A_242, %mul3A_317 : vector<16xf32>
      %mul3A_319 = vector.broadcast %convert_element_type3A_264 : f32 to vector<16xf32>
      %mul3A_320 = arith.mulf %while3A_243, %mul3A_319 : vector<16xf32>
      %mul3A_321 = vector.broadcast %convert_element_type3A_264 : f32 to vector<16xf32>
      %mul3A_322 = arith.mulf %while3A_244, %mul3A_321 : vector<16xf32>
      %mul3A_323 = vector.broadcast %convert_element_type3A_264 : f32 to vector<16xf32>
      %mul3A_324 = arith.mulf %while3A_245, %mul3A_323 : vector<16xf32>
      %mul3A_325 = vector.broadcast %convert_element_type3A_264 : f32 to vector<16xf32>
      %mul3A_326 = arith.mulf %while3A_246, %mul3A_325 : vector<16xf32>
      %mul3A_327 = vector.broadcast %convert_element_type3A_264 : f32 to vector<16xf32>
      %mul3A_328 = arith.mulf %while3A_247, %mul3A_327 : vector<16xf32>
      %rem3A = arith.constant 3 : i32
      %rem3A_329 = arith.remsi %while3A_214, %rem3A : i32
      %eq3A_330 = arith.constant 0 : i32
      %eq3A_331 = arith.cmpi eq, %rem3A_329, %eq3A_330 : i32
      %convert_element_type3A_332 = arith.extui %eq3A_331 : i1 to i32
      %cond3A_333 = arith.constant 0 : i32
      %cond3A_334 = arith.cmpi ne, %convert_element_type3A_332, %cond3A_333 : i32
      scf.if %cond3A_334 {
        %dma_wait3A = arith.constant 0 : i32
        %dma_wait3A_361 = arith.constant 0 : i32
        %dma_wait3A_362 = arith.constant 0 : i32
        %dma_wait3A_363 = arith.constant 0 : i32
        %dma_wait3A_364 = tpu.memref_slice %arg5[%dma_wait3A_361, %dma_wait3A_362, %dma_wait3A_363] : memref<3x64x512xf32, #tpu.memory_space<vmem>> -> memref<1x64x512xf32, #tpu.memory_space<vmem>>
        %dma_wait3A_365 = tpu.memref_squeeze %dma_wait3A_364 : memref<1x64x512xf32, #tpu.memory_space<vmem>> -> memref<64x512xf32, #tpu.memory_space<vmem>>
        %dma_wait3A_366 = arith.constant 0 : i32
        %dma_wait3A_367 = arith.constant 0 : i32
        %dma_wait3A_368 = tpu.memref_slice %arg2[%dma_wait3A, %dma_wait3A_366, %dma_wait3A_367] : memref<16x2048x1024xf32, #tpu.memory_space<hbm>> -> memref<1x64x512xf32, #tpu.memory_space<hbm>>
        %dma_wait3A_369 = tpu.memref_squeeze %dma_wait3A_368 : memref<1x64x512xf32, #tpu.memory_space<hbm>> -> memref<64x512xf32, #tpu.memory_space<hbm>>
        %dma_wait3A_370 = arith.constant 0 : i32
        %dma_wait3A_371 = arith.constant 0 : i32
        %dma_wait3A_372 = tpu.memref_slice %arg5[%dma_wait3A_361, %dma_wait3A_370, %dma_wait3A_371] : memref<3x64x512xf32, #tpu.memory_space<vmem>> -> memref<1x64x512xf32, #tpu.memory_space<vmem>>
        %dma_wait3A_373 = tpu.memref_squeeze %dma_wait3A_372 : memref<1x64x512xf32, #tpu.memory_space<vmem>> -> memref<64x512xf32, #tpu.memory_space<vmem>>
        %dma_wait3A_374 = arith.constant 0 : i32
        %dma_wait3A_375 = arith.constant 0 : i32
        %dma_wait3A_376 = tpu.memref_slice %arg2[%dma_wait3A, %dma_wait3A_374, %dma_wait3A_375] : memref<16x2048x1024xf32, #tpu.memory_space<hbm>> -> memref<1x64x512xf32, #tpu.memory_space<hbm>>
        %dma_wait3A_377 = tpu.memref_squeeze %dma_wait3A_376 : memref<1x64x512xf32, #tpu.memory_space<hbm>> -> memref<64x512xf32, #tpu.memory_space<hbm>>
        tpu.wait_dma2 semaphore(%arg12 : memref<!tpu.dma_semaphore, #tpu.memory_space<semaphore_mem>>) src(%dma_wait3A_377 : memref<64x512xf32, #tpu.memory_space<hbm>>) dst(%dma_wait3A_373 : memref<64x512xf32, #tpu.memory_space<vmem>>)
      } else {
      }
      %eq3A_335 = arith.constant 1 : i32
      %eq3A_336 = arith.cmpi eq, %rem3A_329, %eq3A_335 : i32
      %convert_element_type3A_337 = arith.extui %eq3A_336 : i1 to i32
      %cond3A_338 = arith.constant 0 : i32
      %cond3A_339 = arith.cmpi ne, %convert_element_type3A_337, %cond3A_338 : i32
      scf.if %cond3A_339 {
        %dma_wait3A = arith.constant 0 : i32
        %dma_wait3A_361 = arith.constant 1 : i32
        %dma_wait3A_362 = arith.constant 0 : i32
        %dma_wait3A_363 = arith.constant 0 : i32
        %dma_wait3A_364 = tpu.memref_slice %arg5[%dma_wait3A_361, %dma_wait3A_362, %dma_wait3A_363] : memref<3x64x512xf32, #tpu.memory_space<vmem>> -> memref<1x64x512xf32, #tpu.memory_space<vmem>>
        %dma_wait3A_365 = tpu.memref_squeeze %dma_wait3A_364 : memref<1x64x512xf32, #tpu.memory_space<vmem>> -> memref<64x512xf32, #tpu.memory_space<vmem>>
        %dma_wait3A_366 = arith.constant 0 : i32
        %dma_wait3A_367 = arith.constant 0 : i32
        %dma_wait3A_368 = tpu.memref_slice %arg2[%dma_wait3A, %dma_wait3A_366, %dma_wait3A_367] : memref<16x2048x1024xf32, #tpu.memory_space<hbm>> -> memref<1x64x512xf32, #tpu.memory_space<hbm>>
        %dma_wait3A_369 = tpu.memref_squeeze %dma_wait3A_368 : memref<1x64x512xf32, #tpu.memory_space<hbm>> -> memref<64x512xf32, #tpu.memory_space<hbm>>
        %dma_wait3A_370 = arith.constant 0 : i32
        %dma_wait3A_371 = arith.constant 0 : i32
        %dma_wait3A_372 = tpu.memref_slice %arg5[%dma_wait3A_361, %dma_wait3A_370, %dma_wait3A_371] : memref<3x64x512xf32, #tpu.memory_space<vmem>> -> memref<1x64x512xf32, #tpu.memory_space<vmem>>
        %dma_wait3A_373 = tpu.memref_squeeze %dma_wait3A_372 : memref<1x64x512xf32, #tpu.memory_space<vmem>> -> memref<64x512xf32, #tpu.memory_space<vmem>>
        %dma_wait3A_374 = arith.constant 0 : i32
        %dma_wait3A_375 = arith.constant 0 : i32
        %dma_wait3A_376 = tpu.memref_slice %arg2[%dma_wait3A, %dma_wait3A_374, %dma_wait3A_375] : memref<16x2048x1024xf32, #tpu.memory_space<hbm>> -> memref<1x64x512xf32, #tpu.memory_space<hbm>>
        %dma_wait3A_377 = tpu.memref_squeeze %dma_wait3A_376 : memref<1x64x512xf32, #tpu.memory_space<hbm>> -> memref<64x512xf32, #tpu.memory_space<hbm>>
        tpu.wait_dma2 semaphore(%arg13 : memref<!tpu.dma_semaphore, #tpu.memory_space<semaphore_mem>>) src(%dma_wait3A_377 : memref<64x512xf32, #tpu.memory_space<hbm>>) dst(%dma_wait3A_373 : memref<64x512xf32, #tpu.memory_space<vmem>>)
      } else {
      }
      %eq3A_340 = arith.constant 2 : i32
      %eq3A_341 = arith.cmpi eq, %rem3A_329, %eq3A_340 : i32
      %convert_element_type3A_342 = arith.extui %eq3A_341 : i1 to i32
      %cond3A_343 = arith.constant 0 : i32
      %cond3A_344 = arith.cmpi ne, %convert_element_type3A_342, %cond3A_343 : i32
      scf.if %cond3A_344 {
        %dma_wait3A = arith.constant 0 : i32
        %dma_wait3A_361 = arith.constant 2 : i32
        %dma_wait3A_362 = arith.constant 0 : i32
        %dma_wait3A_363 = arith.constant 0 : i32
        %dma_wait3A_364 = tpu.memref_slice %arg5[%dma_wait3A_361, %dma_wait3A_362, %dma_wait3A_363] : memref<3x64x512xf32, #tpu.memory_space<vmem>> -> memref<1x64x512xf32, #tpu.memory_space<vmem>>
        %dma_wait3A_365 = tpu.memref_squeeze %dma_wait3A_364 : memref<1x64x512xf32, #tpu.memory_space<vmem>> -> memref<64x512xf32, #tpu.memory_space<vmem>>
        %dma_wait3A_366 = arith.constant 0 : i32
        %dma_wait3A_367 = arith.constant 0 : i32
        %dma_wait3A_368 = tpu.memref_slice %arg2[%dma_wait3A, %dma_wait3A_366, %dma_wait3A_367] : memref<16x2048x1024xf32, #tpu.memory_space<hbm>> -> memref<1x64x512xf32, #tpu.memory_space<hbm>>
        %dma_wait3A_369 = tpu.memref_squeeze %dma_wait3A_368 : memref<1x64x512xf32, #tpu.memory_space<hbm>> -> memref<64x512xf32, #tpu.memory_space<hbm>>
        %dma_wait3A_370 = arith.constant 0 : i32
        %dma_wait3A_371 = arith.constant 0 : i32
        %dma_wait3A_372 = tpu.memref_slice %arg5[%dma_wait3A_361, %dma_wait3A_370, %dma_wait3A_371] : memref<3x64x512xf32, #tpu.memory_space<vmem>> -> memref<1x64x512xf32, #tpu.memory_space<vmem>>
        %dma_wait3A_373 = tpu.memref_squeeze %dma_wait3A_372 : memref<1x64x512xf32, #tpu.memory_space<vmem>> -> memref<64x512xf32, #tpu.memory_space<vmem>>
        %dma_wait3A_374 = arith.constant 0 : i32
        %dma_wait3A_375 = arith.constant 0 : i32
        %dma_wait3A_376 = tpu.memref_slice %arg2[%dma_wait3A, %dma_wait3A_374, %dma_wait3A_375] : memref<16x2048x1024xf32, #tpu.memory_space<hbm>> -> memref<1x64x512xf32, #tpu.memory_space<hbm>>
        %dma_wait3A_377 = tpu.memref_squeeze %dma_wait3A_376 : memref<1x64x512xf32, #tpu.memory_space<hbm>> -> memref<64x512xf32, #tpu.memory_space<hbm>>
        tpu.wait_dma2 semaphore(%arg14 : memref<!tpu.dma_semaphore, #tpu.memory_space<semaphore_mem>>) src(%dma_wait3A_377 : memref<64x512xf32, #tpu.memory_space<hbm>>) dst(%dma_wait3A_373 : memref<64x512xf32, #tpu.memory_space<vmem>>)
      } else {
      }
      %add3A = arith.constant 2 : i32
      %add3A_345 = arith.addi %while3A_214, %add3A : i32
      %lt3A = arith.cmpi slt, %add3A_345, %scan3A_6 : i32
      %convert_element_type3A_346 = arith.extui %lt3A : i1 to i32
      %cond3A_347 = arith.constant 0 : i32
      %cond3A_348 = arith.cmpi ne, %convert_element_type3A_346, %cond3A_347 : i32
      scf.if %cond3A_348 {
        %add3A_361 = arith.constant 2 : i32
        %add3A_362 = arith.addi %while3A_214, %add3A_361 : i32
        %get3A_363 = arith.constant 1 : i32
        %get3A_364 = arith.index_cast %get3A_363 : i32 to index
        %get3A_365 = arith.index_cast %add3A_362 : i32 to index
        %get3A_366 = memref.load %arg11[%get3A_364, %get3A_365] : memref<4x128xi32, #tpu.memory_space<smem>>
        %multiple_of3A = tpu.assume_multiple %get3A_366, 8 : i32
        %get3A_367 = arith.constant 0 : i32
        %get3A_368 = arith.index_cast %get3A_367 : i32 to index
        %get3A_369 = arith.index_cast %add3A_362 : i32 to index
        %get3A_370 = memref.load %arg11[%get3A_368, %get3A_369] : memref<4x128xi32, #tpu.memory_space<smem>>
        %rem3A_371 = arith.constant 3 : i32
        %rem3A_372 = arith.remsi %add3A_362, %rem3A_371 : i32
        %eq3A_373 = arith.constant 0 : i32
        %eq3A_374 = arith.cmpi eq, %rem3A_372, %eq3A_373 : i32
        %convert_element_type3A_375 = arith.extui %eq3A_374 : i1 to i32
        %cond3A_376 = arith.constant 0 : i32
        %cond3A_377 = arith.cmpi ne, %convert_element_type3A_375, %cond3A_376 : i32
        scf.if %cond3A_377 {
          %dma_start3A = arith.constant 0 : i32
          %dma_start3A_388 = arith.constant 0 : i32
          %dma_start3A_389 = arith.constant 0 : i32
          %dma_start3A_390 = tpu.memref_slice %arg5[%dma_start3A, %dma_start3A_388, %dma_start3A_389] : memref<3x64x512xf32, #tpu.memory_space<vmem>> -> memref<1x64x512xf32, #tpu.memory_space<vmem>>
          %dma_start3A_391 = tpu.memref_squeeze %dma_start3A_390 : memref<1x64x512xf32, #tpu.memory_space<vmem>> -> memref<64x512xf32, #tpu.memory_space<vmem>>
          %dma_start3A_392 = tpu.memref_slice %arg2[%get3A_370, %multiple_of3A, %mul3A_0] : memref<16x2048x1024xf32, #tpu.memory_space<hbm>> -> memref<1x64x512xf32, #tpu.memory_space<hbm>>
          %dma_start3A_393 = tpu.memref_squeeze %dma_start3A_392 : memref<1x64x512xf32, #tpu.memory_space<hbm>> -> memref<64x512xf32, #tpu.memory_space<hbm>>
          %dma_start3A_394 = arith.constant 0 : i32
          %dma_start3A_395 = arith.constant 0 : i32
          %dma_start3A_396 = tpu.memref_slice %arg5[%dma_start3A, %dma_start3A_394, %dma_start3A_395] : memref<3x64x512xf32, #tpu.memory_space<vmem>> -> memref<1x64x512xf32, #tpu.memory_space<vmem>>
          %dma_start3A_397 = tpu.memref_squeeze %dma_start3A_396 : memref<1x64x512xf32, #tpu.memory_space<vmem>> -> memref<64x512xf32, #tpu.memory_space<vmem>>
          %dma_start3A_398 = tpu.memref_slice %arg2[%get3A_370, %multiple_of3A, %mul3A_0] : memref<16x2048x1024xf32, #tpu.memory_space<hbm>> -> memref<1x64x512xf32, #tpu.memory_space<hbm>>
          %dma_start3A_399 = tpu.memref_squeeze %dma_start3A_398 : memref<1x64x512xf32, #tpu.memory_space<hbm>> -> memref<64x512xf32, #tpu.memory_space<hbm>>
          tpu.enqueue_dma source(%dma_start3A_399 : memref<64x512xf32, #tpu.memory_space<hbm>>) target(%dma_start3A_397 : memref<64x512xf32, #tpu.memory_space<vmem>>) target_semaphore(%arg12 : memref<!tpu.dma_semaphore, #tpu.memory_space<semaphore_mem>>)
        } else {
        }
        %eq3A_378 = arith.constant 1 : i32
        %eq3A_379 = arith.cmpi eq, %rem3A_372, %eq3A_378 : i32
        %convert_element_type3A_380 = arith.extui %eq3A_379 : i1 to i32
        %cond3A_381 = arith.constant 0 : i32
        %cond3A_382 = arith.cmpi ne, %convert_element_type3A_380, %cond3A_381 : i32
        scf.if %cond3A_382 {
          %dma_start3A = arith.constant 1 : i32
          %dma_start3A_388 = arith.constant 0 : i32
          %dma_start3A_389 = arith.constant 0 : i32
          %dma_start3A_390 = tpu.memref_slice %arg5[%dma_start3A, %dma_start3A_388, %dma_start3A_389] : memref<3x64x512xf32, #tpu.memory_space<vmem>> -> memref<1x64x512xf32, #tpu.memory_space<vmem>>
          %dma_start3A_391 = tpu.memref_squeeze %dma_start3A_390 : memref<1x64x512xf32, #tpu.memory_space<vmem>> -> memref<64x512xf32, #tpu.memory_space<vmem>>
          %dma_start3A_392 = tpu.memref_slice %arg2[%get3A_370, %multiple_of3A, %mul3A_0] : memref<16x2048x1024xf32, #tpu.memory_space<hbm>> -> memref<1x64x512xf32, #tpu.memory_space<hbm>>
          %dma_start3A_393 = tpu.memref_squeeze %dma_start3A_392 : memref<1x64x512xf32, #tpu.memory_space<hbm>> -> memref<64x512xf32, #tpu.memory_space<hbm>>
          %dma_start3A_394 = arith.constant 0 : i32
          %dma_start3A_395 = arith.constant 0 : i32
          %dma_start3A_396 = tpu.memref_slice %arg5[%dma_start3A, %dma_start3A_394, %dma_start3A_395] : memref<3x64x512xf32, #tpu.memory_space<vmem>> -> memref<1x64x512xf32, #tpu.memory_space<vmem>>
          %dma_start3A_397 = tpu.memref_squeeze %dma_start3A_396 : memref<1x64x512xf32, #tpu.memory_space<vmem>> -> memref<64x512xf32, #tpu.memory_space<vmem>>
          %dma_start3A_398 = tpu.memref_slice %arg2[%get3A_370, %multiple_of3A, %mul3A_0] : memref<16x2048x1024xf32, #tpu.memory_space<hbm>> -> memref<1x64x512xf32, #tpu.memory_space<hbm>>
          %dma_start3A_399 = tpu.memref_squeeze %dma_start3A_398 : memref<1x64x512xf32, #tpu.memory_space<hbm>> -> memref<64x512xf32, #tpu.memory_space<hbm>>
          tpu.enqueue_dma source(%dma_start3A_399 : memref<64x512xf32, #tpu.memory_space<hbm>>) target(%dma_start3A_397 : memref<64x512xf32, #tpu.memory_space<vmem>>) target_semaphore(%arg13 : memref<!tpu.dma_semaphore, #tpu.memory_space<semaphore_mem>>)
        } else {
        }
        %eq3A_383 = arith.constant 2 : i32
        %eq3A_384 = arith.cmpi eq, %rem3A_372, %eq3A_383 : i32
        %convert_element_type3A_385 = arith.extui %eq3A_384 : i1 to i32
        %cond3A_386 = arith.constant 0 : i32
        %cond3A_387 = arith.cmpi ne, %convert_element_type3A_385, %cond3A_386 : i32
        scf.if %cond3A_387 {
          %dma_start3A = arith.constant 2 : i32
          %dma_start3A_388 = arith.constant 0 : i32
          %dma_start3A_389 = arith.constant 0 : i32
          %dma_start3A_390 = tpu.memref_slice %arg5[%dma_start3A, %dma_start3A_388, %dma_start3A_389] : memref<3x64x512xf32, #tpu.memory_space<vmem>> -> memref<1x64x512xf32, #tpu.memory_space<vmem>>
          %dma_start3A_391 = tpu.memref_squeeze %dma_start3A_390 : memref<1x64x512xf32, #tpu.memory_space<vmem>> -> memref<64x512xf32, #tpu.memory_space<vmem>>
          %dma_start3A_392 = tpu.memref_slice %arg2[%get3A_370, %multiple_of3A, %mul3A_0] : memref<16x2048x1024xf32, #tpu.memory_space<hbm>> -> memref<1x64x512xf32, #tpu.memory_space<hbm>>
          %dma_start3A_393 = tpu.memref_squeeze %dma_start3A_392 : memref<1x64x512xf32, #tpu.memory_space<hbm>> -> memref<64x512xf32, #tpu.memory_space<hbm>>
          %dma_start3A_394 = arith.constant 0 : i32
          %dma_start3A_395 = arith.constant 0 : i32
          %dma_start3A_396 = tpu.memref_slice %arg5[%dma_start3A, %dma_start3A_394, %dma_start3A_395] : memref<3x64x512xf32, #tpu.memory_space<vmem>> -> memref<1x64x512xf32, #tpu.memory_space<vmem>>
          %dma_start3A_397 = tpu.memref_squeeze %dma_start3A_396 : memref<1x64x512xf32, #tpu.memory_space<vmem>> -> memref<64x512xf32, #tpu.memory_space<vmem>>
          %dma_start3A_398 = tpu.memref_slice %arg2[%get3A_370, %multiple_of3A, %mul3A_0] : memref<16x2048x1024xf32, #tpu.memory_space<hbm>> -> memref<1x64x512xf32, #tpu.memory_space<hbm>>
          %dma_start3A_399 = tpu.memref_squeeze %dma_start3A_398 : memref<1x64x512xf32, #tpu.memory_space<hbm>> -> memref<64x512xf32, #tpu.memory_space<hbm>>
          tpu.enqueue_dma source(%dma_start3A_399 : memref<64x512xf32, #tpu.memory_space<hbm>>) target(%dma_start3A_397 : memref<64x512xf32, #tpu.memory_space<vmem>>) target_semaphore(%arg14 : memref<!tpu.dma_semaphore, #tpu.memory_space<semaphore_mem>>)
        } else {
        }
      } else {
      }
      %rem3A_349 = arith.constant 3 : i32
      %rem3A_350 = arith.remsi %while3A_214, %rem3A_349 : i32
      %while3A_351 = arith.subi %get3A_259, %get3A_255 : i32
      %while3A_352 = arith.addi %get3A_255, %while3A_351 : i32
      %while3A_353 = arith.constant 1 : i32
      %while3A_354 = arith.divsi %while3A_351, %while3A_353 : i32
      %while3A_355 = arith.muli %while3A_354, %while3A_353 : i32
      %while3A_356 = arith.addi %get3A_255, %while3A_355 : i32
      %while3A_357 = arith.constant 1 : i32
      %while3A_358:32 = scf.for %while3A_361 = %get3A_255 to %while3A_356 step %while3A_357 iter_args(%while3A_362 = %mul3A_266, %while3A_363 = %mul3A_268, %while3A_364 = %mul3A_270, %while3A_365 = %mul3A_272, %while3A_366 = %mul3A_274, %while3A_367 = %mul3A_276, %while3A_368 = %mul3A_278, %while3A_369 = %mul3A_280, %while3A_370 = %mul3A_282, %while3A_371 = %mul3A_284, %while3A_372 = %mul3A_286, %while3A_373 = %mul3A_288, %while3A_374 = %mul3A_290, %while3A_375 = %mul3A_292, %while3A_376 = %mul3A_294, %while3A_377 = %mul3A_296, %while3A_378 = %mul3A_298, %while3A_379 = %mul3A_300, %while3A_380 = %mul3A_302, %while3A_381 = %mul3A_304, %while3A_382 = %mul3A_306, %while3A_383 = %mul3A_308, %while3A_384 = %mul3A_310, %while3A_385 = %mul3A_312, %while3A_386 = %mul3A_314, %while3A_387 = %mul3A_316, %while3A_388 = %mul3A_318, %while3A_389 = %mul3A_320, %while3A_390 = %mul3A_322, %while3A_391 = %mul3A_324, %while3A_392 = %mul3A_326, %while3A_393 = %mul3A_328) -> (vector<16xf32>, vector<16xf32>, vector<16xf32>, vector<16xf32>, vector<16xf32>, vector<16xf32>, vector<16xf32>, vector<16xf32>, vector<16xf32>, vector<16xf32>, vector<16xf32>, vector<16xf32>, vector<16xf32>, vector<16xf32>, vector<16xf32>, vector<16xf32>, vector<16xf32>, vector<16xf32>, vector<16xf32>, vector<16xf32>, vector<16xf32>, vector<16xf32>, vector<16xf32>, vector<16xf32>, vector<16xf32>, vector<16xf32>, vector<16xf32>, vector<16xf32>, vector<16xf32>, vector<16xf32>, vector<16xf32>, vector<16xf32>)  : i32 {
        %get3A_394 = arith.index_cast %rem3A_350 : i32 to index
        %get3A_395 = arith.index_cast %while3A_361 : i32 to index
        %get3A_396 = arith.constant 0 : index
        %get3A_397 = tpu.vector_load %arg5[%get3A_394, %get3A_395, %get3A_396] {strides = array<i32>} : memref<3x64x512xf32, #tpu.memory_space<vmem>>, vector<1x1x16xf32>,
        %get3A_398 = vector.shape_cast %get3A_397 : vector<1x1x16xf32> to vector<16xf32>
        %add3A_399 = arith.addf %while3A_362, %get3A_398 : vector<16xf32>
        %get3A_400 = arith.index_cast %rem3A_350 : i32 to index
        %get3A_401 = arith.index_cast %while3A_361 : i32 to index
        %get3A_402 = arith.constant 16 : index
        %get3A_403 = tpu.vector_load %arg5[%get3A_400, %get3A_401, %get3A_402] {strides = array<i32>} : memref<3x64x512xf32, #tpu.memory_space<vmem>>, vector<1x1x16xf32>,
        %get3A_404 = vector.shape_cast %get3A_403 : vector<1x1x16xf32> to vector<16xf32>
        %add3A_405 = arith.addf %while3A_363, %get3A_404 : vector<16xf32>
        %get3A_406 = arith.index_cast %rem3A_350 : i32 to index
        %get3A_407 = arith.index_cast %while3A_361 : i32 to index
        %get3A_408 = arith.constant 32 : index
        %get3A_409 = tpu.vector_load %arg5[%get3A_406, %get3A_407, %get3A_408] {strides = array<i32>} : memref<3x64x512xf32, #tpu.memory_space<vmem>>, vector<1x1x16xf32>,
        %get3A_410 = vector.shape_cast %get3A_409 : vector<1x1x16xf32> to vector<16xf32>
        %add3A_411 = arith.addf %while3A_364, %get3A_410 : vector<16xf32>
        %get3A_412 = arith.index_cast %rem3A_350 : i32 to index
        %get3A_413 = arith.index_cast %while3A_361 : i32 to index
        %get3A_414 = arith.constant 48 : index
        %get3A_415 = tpu.vector_load %arg5[%get3A_412, %get3A_413, %get3A_414] {strides = array<i32>} : memref<3x64x512xf32, #tpu.memory_space<vmem>>, vector<1x1x16xf32>,
        %get3A_416 = vector.shape_cast %get3A_415 : vector<1x1x16xf32> to vector<16xf32>
        %add3A_417 = arith.addf %while3A_365, %get3A_416 : vector<16xf32>
        %get3A_418 = arith.index_cast %rem3A_350 : i32 to index
        %get3A_419 = arith.index_cast %while3A_361 : i32 to index
        %get3A_420 = arith.constant 64 : index
        %get3A_421 = tpu.vector_load %arg5[%get3A_418, %get3A_419, %get3A_420] {strides = array<i32>} : memref<3x64x512xf32, #tpu.memory_space<vmem>>, vector<1x1x16xf32>,
        %get3A_422 = vector.shape_cast %get3A_421 : vector<1x1x16xf32> to vector<16xf32>
        %add3A_423 = arith.addf %while3A_366, %get3A_422 : vector<16xf32>
        %get3A_424 = arith.index_cast %rem3A_350 : i32 to index
        %get3A_425 = arith.index_cast %while3A_361 : i32 to index
        %get3A_426 = arith.constant 80 : index
        %get3A_427 = tpu.vector_load %arg5[%get3A_424, %get3A_425, %get3A_426] {strides = array<i32>} : memref<3x64x512xf32, #tpu.memory_space<vmem>>, vector<1x1x16xf32>,
        %get3A_428 = vector.shape_cast %get3A_427 : vector<1x1x16xf32> to vector<16xf32>
        %add3A_429 = arith.addf %while3A_367, %get3A_428 : vector<16xf32>
        %get3A_430 = arith.index_cast %rem3A_350 : i32 to index
        %get3A_431 = arith.index_cast %while3A_361 : i32 to index
        %get3A_432 = arith.constant 96 : index
        %get3A_433 = tpu.vector_load %arg5[%get3A_430, %get3A_431, %get3A_432] {strides = array<i32>} : memref<3x64x512xf32, #tpu.memory_space<vmem>>, vector<1x1x16xf32>,
        %get3A_434 = vector.shape_cast %get3A_433 : vector<1x1x16xf32> to vector<16xf32>
        %add3A_435 = arith.addf %while3A_368, %get3A_434 : vector<16xf32>
        %get3A_436 = arith.index_cast %rem3A_350 : i32 to index
        %get3A_437 = arith.index_cast %while3A_361 : i32 to index
        %get3A_438 = arith.constant 112 : index
        %get3A_439 = tpu.vector_load %arg5[%get3A_436, %get3A_437, %get3A_438] {strides = array<i32>} : memref<3x64x512xf32, #tpu.memory_space<vmem>>, vector<1x1x16xf32>,
        %get3A_440 = vector.shape_cast %get3A_439 : vector<1x1x16xf32> to vector<16xf32>
        %add3A_441 = arith.addf %while3A_369, %get3A_440 : vector<16xf32>
        %get3A_442 = arith.index_cast %rem3A_350 : i32 to index
        %get3A_443 = arith.index_cast %while3A_361 : i32 to index
        %get3A_444 = arith.constant 128 : index
        %get3A_445 = tpu.vector_load %arg5[%get3A_442, %get3A_443, %get3A_444] {strides = array<i32>} : memref<3x64x512xf32, #tpu.memory_space<vmem>>, vector<1x1x16xf32>,
        %get3A_446 = vector.shape_cast %get3A_445 : vector<1x1x16xf32> to vector<16xf32>
        %add3A_447 = arith.addf %while3A_370, %get3A_446 : vector<16xf32>
        %get3A_448 = arith.index_cast %rem3A_350 : i32 to index
        %get3A_449 = arith.index_cast %while3A_361 : i32 to index
        %get3A_450 = arith.constant 144 : index
        %get3A_451 = tpu.vector_load %arg5[%get3A_448, %get3A_449, %get3A_450] {strides = array<i32>} : memref<3x64x512xf32, #tpu.memory_space<vmem>>, vector<1x1x16xf32>,
        %get3A_452 = vector.shape_cast %get3A_451 : vector<1x1x16xf32> to vector<16xf32>
        %add3A_453 = arith.addf %while3A_371, %get3A_452 : vector<16xf32>
        %get3A_454 = arith.index_cast %rem3A_350 : i32 to index
        %get3A_455 = arith.index_cast %while3A_361 : i32 to index
        %get3A_456 = arith.constant 160 : index
        %get3A_457 = tpu.vector_load %arg5[%get3A_454, %get3A_455, %get3A_456] {strides = array<i32>} : memref<3x64x512xf32, #tpu.memory_space<vmem>>, vector<1x1x16xf32>,
        %get3A_458 = vector.shape_cast %get3A_457 : vector<1x1x16xf32> to vector<16xf32>
        %add3A_459 = arith.addf %while3A_372, %get3A_458 : vector<16xf32>
        %get3A_460 = arith.index_cast %rem3A_350 : i32 to index
        %get3A_461 = arith.index_cast %while3A_361 : i32 to index
        %get3A_462 = arith.constant 176 : index
        %get3A_463 = tpu.vector_load %arg5[%get3A_460, %get3A_461, %get3A_462] {strides = array<i32>} : memref<3x64x512xf32, #tpu.memory_space<vmem>>, vector<1x1x16xf32>,
        %get3A_464 = vector.shape_cast %get3A_463 : vector<1x1x16xf32> to vector<16xf32>
        %add3A_465 = arith.addf %while3A_373, %get3A_464 : vector<16xf32>
        %get3A_466 = arith.index_cast %rem3A_350 : i32 to index
        %get3A_467 = arith.index_cast %while3A_361 : i32 to index
        %get3A_468 = arith.constant 192 : index
        %get3A_469 = tpu.vector_load %arg5[%get3A_466, %get3A_467, %get3A_468] {strides = array<i32>} : memref<3x64x512xf32, #tpu.memory_space<vmem>>, vector<1x1x16xf32>,
        %get3A_470 = vector.shape_cast %get3A_469 : vector<1x1x16xf32> to vector<16xf32>
        %add3A_471 = arith.addf %while3A_374, %get3A_470 : vector<16xf32>
        %get3A_472 = arith.index_cast %rem3A_350 : i32 to index
        %get3A_473 = arith.index_cast %while3A_361 : i32 to index
        %get3A_474 = arith.constant 208 : index
        %get3A_475 = tpu.vector_load %arg5[%get3A_472, %get3A_473, %get3A_474] {strides = array<i32>} : memref<3x64x512xf32, #tpu.memory_space<vmem>>, vector<1x1x16xf32>,
        %get3A_476 = vector.shape_cast %get3A_475 : vector<1x1x16xf32> to vector<16xf32>
        %add3A_477 = arith.addf %while3A_375, %get3A_476 : vector<16xf32>
        %get3A_478 = arith.index_cast %rem3A_350 : i32 to index
        %get3A_479 = arith.index_cast %while3A_361 : i32 to index
        %get3A_480 = arith.constant 224 : index
        %get3A_481 = tpu.vector_load %arg5[%get3A_478, %get3A_479, %get3A_480] {strides = array<i32>} : memref<3x64x512xf32, #tpu.memory_space<vmem>>, vector<1x1x16xf32>,
        %get3A_482 = vector.shape_cast %get3A_481 : vector<1x1x16xf32> to vector<16xf32>
        %add3A_483 = arith.addf %while3A_376, %get3A_482 : vector<16xf32>
        %get3A_484 = arith.index_cast %rem3A_350 : i32 to index
        %get3A_485 = arith.index_cast %while3A_361 : i32 to index
        %get3A_486 = arith.constant 240 : index
        %get3A_487 = tpu.vector_load %arg5[%get3A_484, %get3A_485, %get3A_486] {strides = array<i32>} : memref<3x64x512xf32, #tpu.memory_space<vmem>>, vector<1x1x16xf32>,
        %get3A_488 = vector.shape_cast %get3A_487 : vector<1x1x16xf32> to vector<16xf32>
        %add3A_489 = arith.addf %while3A_377, %get3A_488 : vector<16xf32>
        %get3A_490 = arith.index_cast %rem3A_350 : i32 to index
        %get3A_491 = arith.index_cast %while3A_361 : i32 to index
        %get3A_492 = arith.constant 256 : index
        %get3A_493 = tpu.vector_load %arg5[%get3A_490, %get3A_491, %get3A_492] {strides = array<i32>} : memref<3x64x512xf32, #tpu.memory_space<vmem>>, vector<1x1x16xf32>,
        %get3A_494 = vector.shape_cast %get3A_493 : vector<1x1x16xf32> to vector<16xf32>
        %add3A_495 = arith.addf %while3A_378, %get3A_494 : vector<16xf32>
        %get3A_496 = arith.index_cast %rem3A_350 : i32 to index
        %get3A_497 = arith.index_cast %while3A_361 : i32 to index
        %get3A_498 = arith.constant 272 : index
        %get3A_499 = tpu.vector_load %arg5[%get3A_496, %get3A_497, %get3A_498] {strides = array<i32>} : memref<3x64x512xf32, #tpu.memory_space<vmem>>, vector<1x1x16xf32>,
        %get3A_500 = vector.shape_cast %get3A_499 : vector<1x1x16xf32> to vector<16xf32>
        %add3A_501 = arith.addf %while3A_379, %get3A_500 : vector<16xf32>
        %get3A_502 = arith.index_cast %rem3A_350 : i32 to index
        %get3A_503 = arith.index_cast %while3A_361 : i32 to index
        %get3A_504 = arith.constant 288 : index
        %get3A_505 = tpu.vector_load %arg5[%get3A_502, %get3A_503, %get3A_504] {strides = array<i32>} : memref<3x64x512xf32, #tpu.memory_space<vmem>>, vector<1x1x16xf32>,
        %get3A_506 = vector.shape_cast %get3A_505 : vector<1x1x16xf32> to vector<16xf32>
        %add3A_507 = arith.addf %while3A_380, %get3A_506 : vector<16xf32>
        %get3A_508 = arith.index_cast %rem3A_350 : i32 to index
        %get3A_509 = arith.index_cast %while3A_361 : i32 to index
        %get3A_510 = arith.constant 304 : index
        %get3A_511 = tpu.vector_load %arg5[%get3A_508, %get3A_509, %get3A_510] {strides = array<i32>} : memref<3x64x512xf32, #tpu.memory_space<vmem>>, vector<1x1x16xf32>,
        %get3A_512 = vector.shape_cast %get3A_511 : vector<1x1x16xf32> to vector<16xf32>
        %add3A_513 = arith.addf %while3A_381, %get3A_512 : vector<16xf32>
        %get3A_514 = arith.index_cast %rem3A_350 : i32 to index
        %get3A_515 = arith.index_cast %while3A_361 : i32 to index
        %get3A_516 = arith.constant 320 : index
        %get3A_517 = tpu.vector_load %arg5[%get3A_514, %get3A_515, %get3A_516] {strides = array<i32>} : memref<3x64x512xf32, #tpu.memory_space<vmem>>, vector<1x1x16xf32>,
        %get3A_518 = vector.shape_cast %get3A_517 : vector<1x1x16xf32> to vector<16xf32>
        %add3A_519 = arith.addf %while3A_382, %get3A_518 : vector<16xf32>
        %get3A_520 = arith.index_cast %rem3A_350 : i32 to index
        %get3A_521 = arith.index_cast %while3A_361 : i32 to index
        %get3A_522 = arith.constant 336 : index
        %get3A_523 = tpu.vector_load %arg5[%get3A_520, %get3A_521, %get3A_522] {strides = array<i32>} : memref<3x64x512xf32, #tpu.memory_space<vmem>>, vector<1x1x16xf32>,
        %get3A_524 = vector.shape_cast %get3A_523 : vector<1x1x16xf32> to vector<16xf32>
        %add3A_525 = arith.addf %while3A_383, %get3A_524 : vector<16xf32>
        %get3A_526 = arith.index_cast %rem3A_350 : i32 to index
        %get3A_527 = arith.index_cast %while3A_361 : i32 to index
        %get3A_528 = arith.constant 352 : index
        %get3A_529 = tpu.vector_load %arg5[%get3A_526, %get3A_527, %get3A_528] {strides = array<i32>} : memref<3x64x512xf32, #tpu.memory_space<vmem>>, vector<1x1x16xf32>,
        %get3A_530 = vector.shape_cast %get3A_529 : vector<1x1x16xf32> to vector<16xf32>
        %add3A_531 = arith.addf %while3A_384, %get3A_530 : vector<16xf32>
        %get3A_532 = arith.index_cast %rem3A_350 : i32 to index
        %get3A_533 = arith.index_cast %while3A_361 : i32 to index
        %get3A_534 = arith.constant 368 : index
        %get3A_535 = tpu.vector_load %arg5[%get3A_532, %get3A_533, %get3A_534] {strides = array<i32>} : memref<3x64x512xf32, #tpu.memory_space<vmem>>, vector<1x1x16xf32>,
        %get3A_536 = vector.shape_cast %get3A_535 : vector<1x1x16xf32> to vector<16xf32>
        %add3A_537 = arith.addf %while3A_385, %get3A_536 : vector<16xf32>
        %get3A_538 = arith.index_cast %rem3A_350 : i32 to index
        %get3A_539 = arith.index_cast %while3A_361 : i32 to index
        %get3A_540 = arith.constant 384 : index
        %get3A_541 = tpu.vector_load %arg5[%get3A_538, %get3A_539, %get3A_540] {strides = array<i32>} : memref<3x64x512xf32, #tpu.memory_space<vmem>>, vector<1x1x16xf32>,
        %get3A_542 = vector.shape_cast %get3A_541 : vector<1x1x16xf32> to vector<16xf32>
        %add3A_543 = arith.addf %while3A_386, %get3A_542 : vector<16xf32>
        %get3A_544 = arith.index_cast %rem3A_350 : i32 to index
        %get3A_545 = arith.index_cast %while3A_361 : i32 to index
        %get3A_546 = arith.constant 400 : index
        %get3A_547 = tpu.vector_load %arg5[%get3A_544, %get3A_545, %get3A_546] {strides = array<i32>} : memref<3x64x512xf32, #tpu.memory_space<vmem>>, vector<1x1x16xf32>,
        %get3A_548 = vector.shape_cast %get3A_547 : vector<1x1x16xf32> to vector<16xf32>
        %add3A_549 = arith.addf %while3A_387, %get3A_548 : vector<16xf32>
        %get3A_550 = arith.index_cast %rem3A_350 : i32 to index
        %get3A_551 = arith.index_cast %while3A_361 : i32 to index
        %get3A_552 = arith.constant 416 : index
        %get3A_553 = tpu.vector_load %arg5[%get3A_550, %get3A_551, %get3A_552] {strides = array<i32>} : memref<3x64x512xf32, #tpu.memory_space<vmem>>, vector<1x1x16xf32>,
        %get3A_554 = vector.shape_cast %get3A_553 : vector<1x1x16xf32> to vector<16xf32>
        %add3A_555 = arith.addf %while3A_388, %get3A_554 : vector<16xf32>
        %get3A_556 = arith.index_cast %rem3A_350 : i32 to index
        %get3A_557 = arith.index_cast %while3A_361 : i32 to index
        %get3A_558 = arith.constant 432 : index
        %get3A_559 = tpu.vector_load %arg5[%get3A_556, %get3A_557, %get3A_558] {strides = array<i32>} : memref<3x64x512xf32, #tpu.memory_space<vmem>>, vector<1x1x16xf32>,
        %get3A_560 = vector.shape_cast %get3A_559 : vector<1x1x16xf32> to vector<16xf32>
        %add3A_561 = arith.addf %while3A_389, %get3A_560 : vector<16xf32>
        %get3A_562 = arith.index_cast %rem3A_350 : i32 to index
        %get3A_563 = arith.index_cast %while3A_361 : i32 to index
        %get3A_564 = arith.constant 448 : index
        %get3A_565 = tpu.vector_load %arg5[%get3A_562, %get3A_563, %get3A_564] {strides = array<i32>} : memref<3x64x512xf32, #tpu.memory_space<vmem>>, vector<1x1x16xf32>,
        %get3A_566 = vector.shape_cast %get3A_565 : vector<1x1x16xf32> to vector<16xf32>
        %add3A_567 = arith.addf %while3A_390, %get3A_566 : vector<16xf32>
        %get3A_568 = arith.index_cast %rem3A_350 : i32 to index
        %get3A_569 = arith.index_cast %while3A_361 : i32 to index
        %get3A_570 = arith.constant 464 : index
        %get3A_571 = tpu.vector_load %arg5[%get3A_568, %get3A_569, %get3A_570] {strides = array<i32>} : memref<3x64x512xf32, #tpu.memory_space<vmem>>, vector<1x1x16xf32>,
        %get3A_572 = vector.shape_cast %get3A_571 : vector<1x1x16xf32> to vector<16xf32>
        %add3A_573 = arith.addf %while3A_391, %get3A_572 : vector<16xf32>
        %get3A_574 = arith.index_cast %rem3A_350 : i32 to index
        %get3A_575 = arith.index_cast %while3A_361 : i32 to index
        %get3A_576 = arith.constant 480 : index
        %get3A_577 = tpu.vector_load %arg5[%get3A_574, %get3A_575, %get3A_576] {strides = array<i32>} : memref<3x64x512xf32, #tpu.memory_space<vmem>>, vector<1x1x16xf32>,
        %get3A_578 = vector.shape_cast %get3A_577 : vector<1x1x16xf32> to vector<16xf32>
        %add3A_579 = arith.addf %while3A_392, %get3A_578 : vector<16xf32>
        %get3A_580 = arith.index_cast %rem3A_350 : i32 to index
        %get3A_581 = arith.index_cast %while3A_361 : i32 to index
        %get3A_582 = arith.constant 496 : index
        %get3A_583 = tpu.vector_load %arg5[%get3A_580, %get3A_581, %get3A_582] {strides = array<i32>} : memref<3x64x512xf32, #tpu.memory_space<vmem>>, vector<1x1x16xf32>,
        %get3A_584 = vector.shape_cast %get3A_583 : vector<1x1x16xf32> to vector<16xf32>
        %add3A_585 = arith.addf %while3A_393, %get3A_584 : vector<16xf32>
        scf.yield %add3A_399, %add3A_405, %add3A_411, %add3A_417, %add3A_423, %add3A_429, %add3A_435, %add3A_441, %add3A_447, %add3A_453, %add3A_459, %add3A_465, %add3A_471, %add3A_477, %add3A_483, %add3A_489, %add3A_495, %add3A_501, %add3A_507, %add3A_513, %add3A_519, %add3A_525, %add3A_531, %add3A_537, %add3A_543, %add3A_549, %add3A_555, %add3A_561, %add3A_567, %add3A_573, %add3A_579, %add3A_585 : vector<16xf32>, vector<16xf32>, vector<16xf32>, vector<16xf32>, vector<16xf32>, vector<16xf32>, vector<16xf32>, vector<16xf32>, vector<16xf32>, vector<16xf32>, vector<16xf32>, vector<16xf32>, vector<16xf32>, vector<16xf32>, vector<16xf32>, vector<16xf32>, vector<16xf32>, vector<16xf32>, vector<16xf32>, vector<16xf32>, vector<16xf32>, vector<16xf32>, vector<16xf32>, vector<16xf32>, vector<16xf32>, vector<16xf32>, vector<16xf32>, vector<16xf32>, vector<16xf32>, vector<16xf32>, vector<16xf32>, vector<16xf32>
      }
      %while3A_359 = arith.constant 1 : i32
      %while3A_360:32 = scf.for %while3A_361 = %while3A_356 to %while3A_352 step %while3A_359 iter_args(%while3A_362 = %while3A_358#0, %while3A_363 = %while3A_358#1, %while3A_364 = %while3A_358#2, %while3A_365 = %while3A_358#3, %while3A_366 = %while3A_358#4, %while3A_367 = %while3A_358#5, %while3A_368 = %while3A_358#6, %while3A_369 = %while3A_358#7, %while3A_370 = %while3A_358#8, %while3A_371 = %while3A_358#9, %while3A_372 = %while3A_358#10, %while3A_373 = %while3A_358#11, %while3A_374 = %while3A_358#12, %while3A_375 = %while3A_358#13, %while3A_376 = %while3A_358#14, %while3A_377 = %while3A_358#15, %while3A_378 = %while3A_358#16, %while3A_379 = %while3A_358#17, %while3A_380 = %while3A_358#18, %while3A_381 = %while3A_358#19, %while3A_382 = %while3A_358#20, %while3A_383 = %while3A_358#21, %while3A_384 = %while3A_358#22, %while3A_385 = %while3A_358#23, %while3A_386 = %while3A_358#24, %while3A_387 = %while3A_358#25, %while3A_388 = %while3A_358#26, %while3A_389 = %while3A_358#27, %while3A_390 = %while3A_358#28, %while3A_391 = %while3A_358#29, %while3A_392 = %while3A_358#30, %while3A_393 = %while3A_358#31) -> (vector<16xf32>, vector<16xf32>, vector<16xf32>, vector<16xf32>, vector<16xf32>, vector<16xf32>, vector<16xf32>, vector<16xf32>, vector<16xf32>, vector<16xf32>, vector<16xf32>, vector<16xf32>, vector<16xf32>, vector<16xf32>, vector<16xf32>, vector<16xf32>, vector<16xf32>, vector<16xf32>, vector<16xf32>, vector<16xf32>, vector<16xf32>, vector<16xf32>, vector<16xf32>, vector<16xf32>, vector<16xf32>, vector<16xf32>, vector<16xf32>, vector<16xf32>, vector<16xf32>, vector<16xf32>, vector<16xf32>, vector<16xf32>)  : i32 {
        %get3A_394 = arith.index_cast %rem3A_350 : i32 to index
        %get3A_395 = arith.index_cast %while3A_361 : i32 to index
        %get3A_396 = arith.constant 0 : index
        %get3A_397 = tpu.vector_load %arg5[%get3A_394, %get3A_395, %get3A_396] {strides = array<i32>} : memref<3x64x512xf32, #tpu.memory_space<vmem>>, vector<1x1x16xf32>,
        %get3A_398 = vector.shape_cast %get3A_397 : vector<1x1x16xf32> to vector<16xf32>
        %add3A_399 = arith.addf %while3A_362, %get3A_398 : vector<16xf32>
        %get3A_400 = arith.index_cast %rem3A_350 : i32 to index
        %get3A_401 = arith.index_cast %while3A_361 : i32 to index
        %get3A_402 = arith.constant 16 : index
        %get3A_403 = tpu.vector_load %arg5[%get3A_400, %get3A_401, %get3A_402] {strides = array<i32>} : memref<3x64x512xf32, #tpu.memory_space<vmem>>, vector<1x1x16xf32>,
        %get3A_404 = vector.shape_cast %get3A_403 : vector<1x1x16xf32> to vector<16xf32>
        %add3A_405 = arith.addf %while3A_363, %get3A_404 : vector<16xf32>
        %get3A_406 = arith.index_cast %rem3A_350 : i32 to index
        %get3A_407 = arith.index_cast %while3A_361 : i32 to index
        %get3A_408 = arith.constant 32 : index
        %get3A_409 = tpu.vector_load %arg5[%get3A_406, %get3A_407, %get3A_408] {strides = array<i32>} : memref<3x64x512xf32, #tpu.memory_space<vmem>>, vector<1x1x16xf32>,
        %get3A_410 = vector.shape_cast %get3A_409 : vector<1x1x16xf32> to vector<16xf32>
        %add3A_411 = arith.addf %while3A_364, %get3A_410 : vector<16xf32>
        %get3A_412 = arith.index_cast %rem3A_350 : i32 to index
        %get3A_413 = arith.index_cast %while3A_361 : i32 to index
        %get3A_414 = arith.constant 48 : index
        %get3A_415 = tpu.vector_load %arg5[%get3A_412, %get3A_413, %get3A_414] {strides = array<i32>} : memref<3x64x512xf32, #tpu.memory_space<vmem>>, vector<1x1x16xf32>,
        %get3A_416 = vector.shape_cast %get3A_415 : vector<1x1x16xf32> to vector<16xf32>
        %add3A_417 = arith.addf %while3A_365, %get3A_416 : vector<16xf32>
        %get3A_418 = arith.index_cast %rem3A_350 : i32 to index
        %get3A_419 = arith.index_cast %while3A_361 : i32 to index
        %get3A_420 = arith.constant 64 : index
        %get3A_421 = tpu.vector_load %arg5[%get3A_418, %get3A_419, %get3A_420] {strides = array<i32>} : memref<3x64x512xf32, #tpu.memory_space<vmem>>, vector<1x1x16xf32>,
        %get3A_422 = vector.shape_cast %get3A_421 : vector<1x1x16xf32> to vector<16xf32>
        %add3A_423 = arith.addf %while3A_366, %get3A_422 : vector<16xf32>
        %get3A_424 = arith.index_cast %rem3A_350 : i32 to index
        %get3A_425 = arith.index_cast %while3A_361 : i32 to index
        %get3A_426 = arith.constant 80 : index
        %get3A_427 = tpu.vector_load %arg5[%get3A_424, %get3A_425, %get3A_426] {strides = array<i32>} : memref<3x64x512xf32, #tpu.memory_space<vmem>>, vector<1x1x16xf32>,
        %get3A_428 = vector.shape_cast %get3A_427 : vector<1x1x16xf32> to vector<16xf32>
        %add3A_429 = arith.addf %while3A_367, %get3A_428 : vector<16xf32>
        %get3A_430 = arith.index_cast %rem3A_350 : i32 to index
        %get3A_431 = arith.index_cast %while3A_361 : i32 to index
        %get3A_432 = arith.constant 96 : index
        %get3A_433 = tpu.vector_load %arg5[%get3A_430, %get3A_431, %get3A_432] {strides = array<i32>} : memref<3x64x512xf32, #tpu.memory_space<vmem>>, vector<1x1x16xf32>,
        %get3A_434 = vector.shape_cast %get3A_433 : vector<1x1x16xf32> to vector<16xf32>
        %add3A_435 = arith.addf %while3A_368, %get3A_434 : vector<16xf32>
        %get3A_436 = arith.index_cast %rem3A_350 : i32 to index
        %get3A_437 = arith.index_cast %while3A_361 : i32 to index
        %get3A_438 = arith.constant 112 : index
        %get3A_439 = tpu.vector_load %arg5[%get3A_436, %get3A_437, %get3A_438] {strides = array<i32>} : memref<3x64x512xf32, #tpu.memory_space<vmem>>, vector<1x1x16xf32>,
        %get3A_440 = vector.shape_cast %get3A_439 : vector<1x1x16xf32> to vector<16xf32>
        %add3A_441 = arith.addf %while3A_369, %get3A_440 : vector<16xf32>
        %get3A_442 = arith.index_cast %rem3A_350 : i32 to index
        %get3A_443 = arith.index_cast %while3A_361 : i32 to index
        %get3A_444 = arith.constant 128 : index
        %get3A_445 = tpu.vector_load %arg5[%get3A_442, %get3A_443, %get3A_444] {strides = array<i32>} : memref<3x64x512xf32, #tpu.memory_space<vmem>>, vector<1x1x16xf32>,
        %get3A_446 = vector.shape_cast %get3A_445 : vector<1x1x16xf32> to vector<16xf32>
        %add3A_447 = arith.addf %while3A_370, %get3A_446 : vector<16xf32>
        %get3A_448 = arith.index_cast %rem3A_350 : i32 to index
        %get3A_449 = arith.index_cast %while3A_361 : i32 to index
        %get3A_450 = arith.constant 144 : index
        %get3A_451 = tpu.vector_load %arg5[%get3A_448, %get3A_449, %get3A_450] {strides = array<i32>} : memref<3x64x512xf32, #tpu.memory_space<vmem>>, vector<1x1x16xf32>,
        %get3A_452 = vector.shape_cast %get3A_451 : vector<1x1x16xf32> to vector<16xf32>
        %add3A_453 = arith.addf %while3A_371, %get3A_452 : vector<16xf32>
        %get3A_454 = arith.index_cast %rem3A_350 : i32 to index
        %get3A_455 = arith.index_cast %while3A_361 : i32 to index
        %get3A_456 = arith.constant 160 : index
        %get3A_457 = tpu.vector_load %arg5[%get3A_454, %get3A_455, %get3A_456] {strides = array<i32>} : memref<3x64x512xf32, #tpu.memory_space<vmem>>, vector<1x1x16xf32>,
        %get3A_458 = vector.shape_cast %get3A_457 : vector<1x1x16xf32> to vector<16xf32>
        %add3A_459 = arith.addf %while3A_372, %get3A_458 : vector<16xf32>
        %get3A_460 = arith.index_cast %rem3A_350 : i32 to index
        %get3A_461 = arith.index_cast %while3A_361 : i32 to index
        %get3A_462 = arith.constant 176 : index
        %get3A_463 = tpu.vector_load %arg5[%get3A_460, %get3A_461, %get3A_462] {strides = array<i32>} : memref<3x64x512xf32, #tpu.memory_space<vmem>>, vector<1x1x16xf32>,
        %get3A_464 = vector.shape_cast %get3A_463 : vector<1x1x16xf32> to vector<16xf32>
        %add3A_465 = arith.addf %while3A_373, %get3A_464 : vector<16xf32>
        %get3A_466 = arith.index_cast %rem3A_350 : i32 to index
        %get3A_467 = arith.index_cast %while3A_361 : i32 to index
        %get3A_468 = arith.constant 192 : index
        %get3A_469 = tpu.vector_load %arg5[%get3A_466, %get3A_467, %get3A_468] {strides = array<i32>} : memref<3x64x512xf32, #tpu.memory_space<vmem>>, vector<1x1x16xf32>,
        %get3A_470 = vector.shape_cast %get3A_469 : vector<1x1x16xf32> to vector<16xf32>
        %add3A_471 = arith.addf %while3A_374, %get3A_470 : vector<16xf32>
        %get3A_472 = arith.index_cast %rem3A_350 : i32 to index
        %get3A_473 = arith.index_cast %while3A_361 : i32 to index
        %get3A_474 = arith.constant 208 : index
        %get3A_475 = tpu.vector_load %arg5[%get3A_472, %get3A_473, %get3A_474] {strides = array<i32>} : memref<3x64x512xf32, #tpu.memory_space<vmem>>, vector<1x1x16xf32>,
        %get3A_476 = vector.shape_cast %get3A_475 : vector<1x1x16xf32> to vector<16xf32>
        %add3A_477 = arith.addf %while3A_375, %get3A_476 : vector<16xf32>
        %get3A_478 = arith.index_cast %rem3A_350 : i32 to index
        %get3A_479 = arith.index_cast %while3A_361 : i32 to index
        %get3A_480 = arith.constant 224 : index
        %get3A_481 = tpu.vector_load %arg5[%get3A_478, %get3A_479, %get3A_480] {strides = array<i32>} : memref<3x64x512xf32, #tpu.memory_space<vmem>>, vector<1x1x16xf32>,
        %get3A_482 = vector.shape_cast %get3A_481 : vector<1x1x16xf32> to vector<16xf32>
        %add3A_483 = arith.addf %while3A_376, %get3A_482 : vector<16xf32>
        %get3A_484 = arith.index_cast %rem3A_350 : i32 to index
        %get3A_485 = arith.index_cast %while3A_361 : i32 to index
        %get3A_486 = arith.constant 240 : index
        %get3A_487 = tpu.vector_load %arg5[%get3A_484, %get3A_485, %get3A_486] {strides = array<i32>} : memref<3x64x512xf32, #tpu.memory_space<vmem>>, vector<1x1x16xf32>,
        %get3A_488 = vector.shape_cast %get3A_487 : vector<1x1x16xf32> to vector<16xf32>
        %add3A_489 = arith.addf %while3A_377, %get3A_488 : vector<16xf32>
        %get3A_490 = arith.index_cast %rem3A_350 : i32 to index
        %get3A_491 = arith.index_cast %while3A_361 : i32 to index
        %get3A_492 = arith.constant 256 : index
        %get3A_493 = tpu.vector_load %arg5[%get3A_490, %get3A_491, %get3A_492] {strides = array<i32>} : memref<3x64x512xf32, #tpu.memory_space<vmem>>, vector<1x1x16xf32>,
        %get3A_494 = vector.shape_cast %get3A_493 : vector<1x1x16xf32> to vector<16xf32>
        %add3A_495 = arith.addf %while3A_378, %get3A_494 : vector<16xf32>
        %get3A_496 = arith.index_cast %rem3A_350 : i32 to index
        %get3A_497 = arith.index_cast %while3A_361 : i32 to index
        %get3A_498 = arith.constant 272 : index
        %get3A_499 = tpu.vector_load %arg5[%get3A_496, %get3A_497, %get3A_498] {strides = array<i32>} : memref<3x64x512xf32, #tpu.memory_space<vmem>>, vector<1x1x16xf32>,
        %get3A_500 = vector.shape_cast %get3A_499 : vector<1x1x16xf32> to vector<16xf32>
        %add3A_501 = arith.addf %while3A_379, %get3A_500 : vector<16xf32>
        %get3A_502 = arith.index_cast %rem3A_350 : i32 to index
        %get3A_503 = arith.index_cast %while3A_361 : i32 to index
        %get3A_504 = arith.constant 288 : index
        %get3A_505 = tpu.vector_load %arg5[%get3A_502, %get3A_503, %get3A_504] {strides = array<i32>} : memref<3x64x512xf32, #tpu.memory_space<vmem>>, vector<1x1x16xf32>,
        %get3A_506 = vector.shape_cast %get3A_505 : vector<1x1x16xf32> to vector<16xf32>
        %add3A_507 = arith.addf %while3A_380, %get3A_506 : vector<16xf32>
        %get3A_508 = arith.index_cast %rem3A_350 : i32 to index
        %get3A_509 = arith.index_cast %while3A_361 : i32 to index
        %get3A_510 = arith.constant 304 : index
        %get3A_511 = tpu.vector_load %arg5[%get3A_508, %get3A_509, %get3A_510] {strides = array<i32>} : memref<3x64x512xf32, #tpu.memory_space<vmem>>, vector<1x1x16xf32>,
        %get3A_512 = vector.shape_cast %get3A_511 : vector<1x1x16xf32> to vector<16xf32>
        %add3A_513 = arith.addf %while3A_381, %get3A_512 : vector<16xf32>
        %get3A_514 = arith.index_cast %rem3A_350 : i32 to index
        %get3A_515 = arith.index_cast %while3A_361 : i32 to index
        %get3A_516 = arith.constant 320 : index
        %get3A_517 = tpu.vector_load %arg5[%get3A_514, %get3A_515, %get3A_516] {strides = array<i32>} : memref<3x64x512xf32, #tpu.memory_space<vmem>>, vector<1x1x16xf32>,
        %get3A_518 = vector.shape_cast %get3A_517 : vector<1x1x16xf32> to vector<16xf32>
        %add3A_519 = arith.addf %while3A_382, %get3A_518 : vector<16xf32>
        %get3A_520 = arith.index_cast %rem3A_350 : i32 to index
        %get3A_521 = arith.index_cast %while3A_361 : i32 to index
        %get3A_522 = arith.constant 336 : index
        %get3A_523 = tpu.vector_load %arg5[%get3A_520, %get3A_521, %get3A_522] {strides = array<i32>} : memref<3x64x512xf32, #tpu.memory_space<vmem>>, vector<1x1x16xf32>,
        %get3A_524 = vector.shape_cast %get3A_523 : vector<1x1x16xf32> to vector<16xf32>
        %add3A_525 = arith.addf %while3A_383, %get3A_524 : vector<16xf32>
        %get3A_526 = arith.index_cast %rem3A_350 : i32 to index
        %get3A_527 = arith.index_cast %while3A_361 : i32 to index
        %get3A_528 = arith.constant 352 : index
        %get3A_529 = tpu.vector_load %arg5[%get3A_526, %get3A_527, %get3A_528] {strides = array<i32>} : memref<3x64x512xf32, #tpu.memory_space<vmem>>, vector<1x1x16xf32>,
        %get3A_530 = vector.shape_cast %get3A_529 : vector<1x1x16xf32> to vector<16xf32>
        %add3A_531 = arith.addf %while3A_384, %get3A_530 : vector<16xf32>
        %get3A_532 = arith.index_cast %rem3A_350 : i32 to index
        %get3A_533 = arith.index_cast %while3A_361 : i32 to index
        %get3A_534 = arith.constant 368 : index
        %get3A_535 = tpu.vector_load %arg5[%get3A_532, %get3A_533, %get3A_534] {strides = array<i32>} : memref<3x64x512xf32, #tpu.memory_space<vmem>>, vector<1x1x16xf32>,
        %get3A_536 = vector.shape_cast %get3A_535 : vector<1x1x16xf32> to vector<16xf32>
        %add3A_537 = arith.addf %while3A_385, %get3A_536 : vector<16xf32>
        %get3A_538 = arith.index_cast %rem3A_350 : i32 to index
        %get3A_539 = arith.index_cast %while3A_361 : i32 to index
        %get3A_540 = arith.constant 384 : index
        %get3A_541 = tpu.vector_load %arg5[%get3A_538, %get3A_539, %get3A_540] {strides = array<i32>} : memref<3x64x512xf32, #tpu.memory_space<vmem>>, vector<1x1x16xf32>,
        %get3A_542 = vector.shape_cast %get3A_541 : vector<1x1x16xf32> to vector<16xf32>
        %add3A_543 = arith.addf %while3A_386, %get3A_542 : vector<16xf32>
        %get3A_544 = arith.index_cast %rem3A_350 : i32 to index
        %get3A_545 = arith.index_cast %while3A_361 : i32 to index
        %get3A_546 = arith.constant 400 : index
        %get3A_547 = tpu.vector_load %arg5[%get3A_544, %get3A_545, %get3A_546] {strides = array<i32>} : memref<3x64x512xf32, #tpu.memory_space<vmem>>, vector<1x1x16xf32>,
        %get3A_548 = vector.shape_cast %get3A_547 : vector<1x1x16xf32> to vector<16xf32>
        %add3A_549 = arith.addf %while3A_387, %get3A_548 : vector<16xf32>
        %get3A_550 = arith.index_cast %rem3A_350 : i32 to index
        %get3A_551 = arith.index_cast %while3A_361 : i32 to index
        %get3A_552 = arith.constant 416 : index
        %get3A_553 = tpu.vector_load %arg5[%get3A_550, %get3A_551, %get3A_552] {strides = array<i32>} : memref<3x64x512xf32, #tpu.memory_space<vmem>>, vector<1x1x16xf32>,
        %get3A_554 = vector.shape_cast %get3A_553 : vector<1x1x16xf32> to vector<16xf32>
        %add3A_555 = arith.addf %while3A_388, %get3A_554 : vector<16xf32>
        %get3A_556 = arith.index_cast %rem3A_350 : i32 to index
        %get3A_557 = arith.index_cast %while3A_361 : i32 to index
        %get3A_558 = arith.constant 432 : index
        %get3A_559 = tpu.vector_load %arg5[%get3A_556, %get3A_557, %get3A_558] {strides = array<i32>} : memref<3x64x512xf32, #tpu.memory_space<vmem>>, vector<1x1x16xf32>,
        %get3A_560 = vector.shape_cast %get3A_559 : vector<1x1x16xf32> to vector<16xf32>
        %add3A_561 = arith.addf %while3A_389, %get3A_560 : vector<16xf32>
        %get3A_562 = arith.index_cast %rem3A_350 : i32 to index
        %get3A_563 = arith.index_cast %while3A_361 : i32 to index
        %get3A_564 = arith.constant 448 : index
        %get3A_565 = tpu.vector_load %arg5[%get3A_562, %get3A_563, %get3A_564] {strides = array<i32>} : memref<3x64x512xf32, #tpu.memory_space<vmem>>, vector<1x1x16xf32>,
        %get3A_566 = vector.shape_cast %get3A_565 : vector<1x1x16xf32> to vector<16xf32>
        %add3A_567 = arith.addf %while3A_390, %get3A_566 : vector<16xf32>
        %get3A_568 = arith.index_cast %rem3A_350 : i32 to index
        %get3A_569 = arith.index_cast %while3A_361 : i32 to index
        %get3A_570 = arith.constant 464 : index
        %get3A_571 = tpu.vector_load %arg5[%get3A_568, %get3A_569, %get3A_570] {strides = array<i32>} : memref<3x64x512xf32, #tpu.memory_space<vmem>>, vector<1x1x16xf32>,
        %get3A_572 = vector.shape_cast %get3A_571 : vector<1x1x16xf32> to vector<16xf32>
        %add3A_573 = arith.addf %while3A_391, %get3A_572 : vector<16xf32>
        %get3A_574 = arith.index_cast %rem3A_350 : i32 to index
        %get3A_575 = arith.index_cast %while3A_361 : i32 to index
        %get3A_576 = arith.constant 480 : index
        %get3A_577 = tpu.vector_load %arg5[%get3A_574, %get3A_575, %get3A_576] {strides = array<i32>} : memref<3x64x512xf32, #tpu.memory_space<vmem>>, vector<1x1x16xf32>,
        %get3A_578 = vector.shape_cast %get3A_577 : vector<1x1x16xf32> to vector<16xf32>
        %add3A_579 = arith.addf %while3A_392, %get3A_578 : vector<16xf32>
        %get3A_580 = arith.index_cast %rem3A_350 : i32 to index
        %get3A_581 = arith.index_cast %while3A_361 : i32 to index
        %get3A_582 = arith.constant 496 : index
        %get3A_583 = tpu.vector_load %arg5[%get3A_580, %get3A_581, %get3A_582] {strides = array<i32>} : memref<3x64x512xf32, #tpu.memory_space<vmem>>, vector<1x1x16xf32>,
        %get3A_584 = vector.shape_cast %get3A_583 : vector<1x1x16xf32> to vector<16xf32>
        %add3A_585 = arith.addf %while3A_393, %get3A_584 : vector<16xf32>
        scf.yield %add3A_399, %add3A_405, %add3A_411, %add3A_417, %add3A_423, %add3A_429, %add3A_435, %add3A_441, %add3A_447, %add3A_453, %add3A_459, %add3A_465, %add3A_471, %add3A_477, %add3A_483, %add3A_489, %add3A_495, %add3A_501, %add3A_507, %add3A_513, %add3A_519, %add3A_525, %add3A_531, %add3A_537, %add3A_543, %add3A_549, %add3A_555, %add3A_561, %add3A_567, %add3A_573, %add3A_579, %add3A_585 : vector<16xf32>, vector<16xf32>, vector<16xf32>, vector<16xf32>, vector<16xf32>, vector<16xf32>, vector<16xf32>, vector<16xf32>, vector<16xf32>, vector<16xf32>, vector<16xf32>, vector<16xf32>, vector<16xf32>, vector<16xf32>, vector<16xf32>, vector<16xf32>, vector<16xf32>, vector<16xf32>, vector<16xf32>, vector<16xf32>, vector<16xf32>, vector<16xf32>, vector<16xf32>, vector<16xf32>, vector<16xf32>, vector<16xf32>, vector<16xf32>, vector<16xf32>, vector<16xf32>, vector<16xf32>, vector<16xf32>, vector<16xf32>
      }
      scf.yield %get3A_251, %while3A_360#0, %while3A_360#1, %while3A_360#2, %while3A_360#3, %while3A_360#4, %while3A_360#5, %while3A_360#6, %while3A_360#7, %while3A_360#8, %while3A_360#9, %while3A_360#10, %while3A_360#11, %while3A_360#12, %while3A_360#13, %while3A_360#14, %while3A_360#15, %while3A_360#16, %while3A_360#17, %while3A_360#18, %while3A_360#19, %while3A_360#20, %while3A_360#21, %while3A_360#22, %while3A_360#23, %while3A_360#24, %while3A_360#25, %while3A_360#26, %while3A_360#27, %while3A_360#28, %while3A_360#29, %while3A_360#30, %while3A_360#31 : i32, vector<16xf32>, vector<16xf32>, vector<16xf32>, vector<16xf32>, vector<16xf32>, vector<16xf32>, vector<16xf32>, vector<16xf32>, vector<16xf32>, vector<16xf32>, vector<16xf32>, vector<16xf32>, vector<16xf32>, vector<16xf32>, vector<16xf32>, vector<16xf32>, vector<16xf32>, vector<16xf32>, vector<16xf32>, vector<16xf32>, vector<16xf32>, vector<16xf32>, vector<16xf32>, vector<16xf32>, vector<16xf32>, vector<16xf32>, vector<16xf32>, vector<16xf32>, vector<16xf32>, vector<16xf32>, vector<16xf32>, vector<16xf32>
    }
    %gt3A_35 = arith.constant 0 : i32
    %gt3A_36 = arith.cmpi sgt, %scan3A_6, %gt3A_35 : i32
    %convert_element_type3A_37 = arith.extui %gt3A_36 : i1 to i32
    %cond3A_38 = arith.constant 0 : i32
    %cond3A_39 = arith.cmpi ne, %convert_element_type3A_37, %cond3A_38 : i32
    scf.if %cond3A_39 {
      %mul3A_214 = arith.constant 512 : i32
      %mul3A_215 = arith.muli %while3A_34#0, %mul3A_214 : i32
      %add3A = arith.constant 0 : i32
      %add3A_216 = arith.addi %mul3A_215, %add3A : i32
      %swap3A_217 = arith.index_cast %add3A_216 : i32 to index
      %swap3A_218 = tpu.vector_load %arg6[%swap3A_217] {strides = array<i32>} : memref<8192xf32, #tpu.memory_space<vmem>>, vector<16xf32>,
      %swap3A_219 = vector.shape_cast %swap3A_218 : vector<16xf32> to vector<16xf32>
      %swap3A_220 = vector.shape_cast %while3A_34#1 : vector<16xf32> to vector<16xf32>
      tpu.vector_store %arg6[%swap3A_217], %swap3A_220 {strides = array<i32>} : memref<8192xf32, #tpu.memory_space<vmem>>, vector<16xf32>,
      %mul3A_221 = arith.constant 512 : i32
      %mul3A_222 = arith.muli %while3A_34#0, %mul3A_221 : i32
      %add3A_223 = arith.constant 16 : i32
      %add3A_224 = arith.addi %mul3A_222, %add3A_223 : i32
      %swap3A_225 = arith.index_cast %add3A_224 : i32 to index
      %swap3A_226 = tpu.vector_load %arg6[%swap3A_225] {strides = array<i32>} : memref<8192xf32, #tpu.memory_space<vmem>>, vector<16xf32>,
      %swap3A_227 = vector.shape_cast %swap3A_226 : vector<16xf32> to vector<16xf32>
      %swap3A_228 = vector.shape_cast %while3A_34#2 : vector<16xf32> to vector<16xf32>
      tpu.vector_store %arg6[%swap3A_225], %swap3A_228 {strides = array<i32>} : memref<8192xf32, #tpu.memory_space<vmem>>, vector<16xf32>,
      %mul3A_229 = arith.constant 512 : i32
      %mul3A_230 = arith.muli %while3A_34#0, %mul3A_229 : i32
      %add3A_231 = arith.constant 32 : i32
      %add3A_232 = arith.addi %mul3A_230, %add3A_231 : i32
      %swap3A_233 = arith.index_cast %add3A_232 : i32 to index
      %swap3A_234 = tpu.vector_load %arg6[%swap3A_233] {strides = array<i32>} : memref<8192xf32, #tpu.memory_space<vmem>>, vector<16xf32>,
      %swap3A_235 = vector.shape_cast %swap3A_234 : vector<16xf32> to vector<16xf32>
      %swap3A_236 = vector.shape_cast %while3A_34#3 : vector<16xf32> to vector<16xf32>
      tpu.vector_store %arg6[%swap3A_233], %swap3A_236 {strides = array<i32>} : memref<8192xf32, #tpu.memory_space<vmem>>, vector<16xf32>,
      %mul3A_237 = arith.constant 512 : i32
      %mul3A_238 = arith.muli %while3A_34#0, %mul3A_237 : i32
      %add3A_239 = arith.constant 48 : i32
      %add3A_240 = arith.addi %mul3A_238, %add3A_239 : i32
      %swap3A_241 = arith.index_cast %add3A_240 : i32 to index
      %swap3A_242 = tpu.vector_load %arg6[%swap3A_241] {strides = array<i32>} : memref<8192xf32, #tpu.memory_space<vmem>>, vector<16xf32>,
      %swap3A_243 = vector.shape_cast %swap3A_242 : vector<16xf32> to vector<16xf32>
      %swap3A_244 = vector.shape_cast %while3A_34#4 : vector<16xf32> to vector<16xf32>
      tpu.vector_store %arg6[%swap3A_241], %swap3A_244 {strides = array<i32>} : memref<8192xf32, #tpu.memory_space<vmem>>, vector<16xf32>,
      %mul3A_245 = arith.constant 512 : i32
      %mul3A_246 = arith.muli %while3A_34#0, %mul3A_245 : i32
      %add3A_247 = arith.constant 64 : i32
      %add3A_248 = arith.addi %mul3A_246, %add3A_247 : i32
      %swap3A_249 = arith.index_cast %add3A_248 : i32 to index
      %swap3A_250 = tpu.vector_load %arg6[%swap3A_249] {strides = array<i32>} : memref<8192xf32, #tpu.memory_space<vmem>>, vector<16xf32>,
      %swap3A_251 = vector.shape_cast %swap3A_250 : vector<16xf32> to vector<16xf32>
      %swap3A_252 = vector.shape_cast %while3A_34#5 : vector<16xf32> to vector<16xf32>
      tpu.vector_store %arg6[%swap3A_249], %swap3A_252 {strides = array<i32>} : memref<8192xf32, #tpu.memory_space<vmem>>, vector<16xf32>,
      %mul3A_253 = arith.constant 512 : i32
      %mul3A_254 = arith.muli %while3A_34#0, %mul3A_253 : i32
      %add3A_255 = arith.constant 80 : i32
      %add3A_256 = arith.addi %mul3A_254, %add3A_255 : i32
      %swap3A_257 = arith.index_cast %add3A_256 : i32 to index
      %swap3A_258 = tpu.vector_load %arg6[%swap3A_257] {strides = array<i32>} : memref<8192xf32, #tpu.memory_space<vmem>>, vector<16xf32>,
      %swap3A_259 = vector.shape_cast %swap3A_258 : vector<16xf32> to vector<16xf32>
      %swap3A_260 = vector.shape_cast %while3A_34#6 : vector<16xf32> to vector<16xf32>
      tpu.vector_store %arg6[%swap3A_257], %swap3A_260 {strides = array<i32>} : memref<8192xf32, #tpu.memory_space<vmem>>, vector<16xf32>,
      %mul3A_261 = arith.constant 512 : i32
      %mul3A_262 = arith.muli %while3A_34#0, %mul3A_261 : i32
      %add3A_263 = arith.constant 96 : i32
      %add3A_264 = arith.addi %mul3A_262, %add3A_263 : i32
      %swap3A_265 = arith.index_cast %add3A_264 : i32 to index
      %swap3A_266 = tpu.vector_load %arg6[%swap3A_265] {strides = array<i32>} : memref<8192xf32, #tpu.memory_space<vmem>>, vector<16xf32>,
      %swap3A_267 = vector.shape_cast %swap3A_266 : vector<16xf32> to vector<16xf32>
      %swap3A_268 = vector.shape_cast %while3A_34#7 : vector<16xf32> to vector<16xf32>
      tpu.vector_store %arg6[%swap3A_265], %swap3A_268 {strides = array<i32>} : memref<8192xf32, #tpu.memory_space<vmem>>, vector<16xf32>,
      %mul3A_269 = arith.constant 512 : i32
      %mul3A_270 = arith.muli %while3A_34#0, %mul3A_269 : i32
      %add3A_271 = arith.constant 112 : i32
      %add3A_272 = arith.addi %mul3A_270, %add3A_271 : i32
      %swap3A_273 = arith.index_cast %add3A_272 : i32 to index
      %swap3A_274 = tpu.vector_load %arg6[%swap3A_273] {strides = array<i32>} : memref<8192xf32, #tpu.memory_space<vmem>>, vector<16xf32>,
      %swap3A_275 = vector.shape_cast %swap3A_274 : vector<16xf32> to vector<16xf32>
      %swap3A_276 = vector.shape_cast %while3A_34#8 : vector<16xf32> to vector<16xf32>
      tpu.vector_store %arg6[%swap3A_273], %swap3A_276 {strides = array<i32>} : memref<8192xf32, #tpu.memory_space<vmem>>, vector<16xf32>,
      %mul3A_277 = arith.constant 512 : i32
      %mul3A_278 = arith.muli %while3A_34#0, %mul3A_277 : i32
      %add3A_279 = arith.constant 128 : i32
      %add3A_280 = arith.addi %mul3A_278, %add3A_279 : i32
      %swap3A_281 = arith.index_cast %add3A_280 : i32 to index
      %swap3A_282 = tpu.vector_load %arg6[%swap3A_281] {strides = array<i32>} : memref<8192xf32, #tpu.memory_space<vmem>>, vector<16xf32>,
      %swap3A_283 = vector.shape_cast %swap3A_282 : vector<16xf32> to vector<16xf32>
      %swap3A_284 = vector.shape_cast %while3A_34#9 : vector<16xf32> to vector<16xf32>
      tpu.vector_store %arg6[%swap3A_281], %swap3A_284 {strides = array<i32>} : memref<8192xf32, #tpu.memory_space<vmem>>, vector<16xf32>,
      %mul3A_285 = arith.constant 512 : i32
      %mul3A_286 = arith.muli %while3A_34#0, %mul3A_285 : i32
      %add3A_287 = arith.constant 144 : i32
      %add3A_288 = arith.addi %mul3A_286, %add3A_287 : i32
      %swap3A_289 = arith.index_cast %add3A_288 : i32 to index
      %swap3A_290 = tpu.vector_load %arg6[%swap3A_289] {strides = array<i32>} : memref<8192xf32, #tpu.memory_space<vmem>>, vector<16xf32>,
      %swap3A_291 = vector.shape_cast %swap3A_290 : vector<16xf32> to vector<16xf32>
      %swap3A_292 = vector.shape_cast %while3A_34#10 : vector<16xf32> to vector<16xf32>
      tpu.vector_store %arg6[%swap3A_289], %swap3A_292 {strides = array<i32>} : memref<8192xf32, #tpu.memory_space<vmem>>, vector<16xf32>,
      %mul3A_293 = arith.constant 512 : i32
      %mul3A_294 = arith.muli %while3A_34#0, %mul3A_293 : i32
      %add3A_295 = arith.constant 160 : i32
      %add3A_296 = arith.addi %mul3A_294, %add3A_295 : i32
      %swap3A_297 = arith.index_cast %add3A_296 : i32 to index
      %swap3A_298 = tpu.vector_load %arg6[%swap3A_297] {strides = array<i32>} : memref<8192xf32, #tpu.memory_space<vmem>>, vector<16xf32>,
      %swap3A_299 = vector.shape_cast %swap3A_298 : vector<16xf32> to vector<16xf32>
      %swap3A_300 = vector.shape_cast %while3A_34#11 : vector<16xf32> to vector<16xf32>
      tpu.vector_store %arg6[%swap3A_297], %swap3A_300 {strides = array<i32>} : memref<8192xf32, #tpu.memory_space<vmem>>, vector<16xf32>,
      %mul3A_301 = arith.constant 512 : i32
      %mul3A_302 = arith.muli %while3A_34#0, %mul3A_301 : i32
      %add3A_303 = arith.constant 176 : i32
      %add3A_304 = arith.addi %mul3A_302, %add3A_303 : i32
      %swap3A_305 = arith.index_cast %add3A_304 : i32 to index
      %swap3A_306 = tpu.vector_load %arg6[%swap3A_305] {strides = array<i32>} : memref<8192xf32, #tpu.memory_space<vmem>>, vector<16xf32>,
      %swap3A_307 = vector.shape_cast %swap3A_306 : vector<16xf32> to vector<16xf32>
      %swap3A_308 = vector.shape_cast %while3A_34#12 : vector<16xf32> to vector<16xf32>
      tpu.vector_store %arg6[%swap3A_305], %swap3A_308 {strides = array<i32>} : memref<8192xf32, #tpu.memory_space<vmem>>, vector<16xf32>,
      %mul3A_309 = arith.constant 512 : i32
      %mul3A_310 = arith.muli %while3A_34#0, %mul3A_309 : i32
      %add3A_311 = arith.constant 192 : i32
      %add3A_312 = arith.addi %mul3A_310, %add3A_311 : i32
      %swap3A_313 = arith.index_cast %add3A_312 : i32 to index
      %swap3A_314 = tpu.vector_load %arg6[%swap3A_313] {strides = array<i32>} : memref<8192xf32, #tpu.memory_space<vmem>>, vector<16xf32>,
      %swap3A_315 = vector.shape_cast %swap3A_314 : vector<16xf32> to vector<16xf32>
      %swap3A_316 = vector.shape_cast %while3A_34#13 : vector<16xf32> to vector<16xf32>
      tpu.vector_store %arg6[%swap3A_313], %swap3A_316 {strides = array<i32>} : memref<8192xf32, #tpu.memory_space<vmem>>, vector<16xf32>,
      %mul3A_317 = arith.constant 512 : i32
      %mul3A_318 = arith.muli %while3A_34#0, %mul3A_317 : i32
      %add3A_319 = arith.constant 208 : i32
      %add3A_320 = arith.addi %mul3A_318, %add3A_319 : i32
      %swap3A_321 = arith.index_cast %add3A_320 : i32 to index
      %swap3A_322 = tpu.vector_load %arg6[%swap3A_321] {strides = array<i32>} : memref<8192xf32, #tpu.memory_space<vmem>>, vector<16xf32>,
      %swap3A_323 = vector.shape_cast %swap3A_322 : vector<16xf32> to vector<16xf32>
      %swap3A_324 = vector.shape_cast %while3A_34#14 : vector<16xf32> to vector<16xf32>
      tpu.vector_store %arg6[%swap3A_321], %swap3A_324 {strides = array<i32>} : memref<8192xf32, #tpu.memory_space<vmem>>, vector<16xf32>,
      %mul3A_325 = arith.constant 512 : i32
      %mul3A_326 = arith.muli %while3A_34#0, %mul3A_325 : i32
      %add3A_327 = arith.constant 224 : i32
      %add3A_328 = arith.addi %mul3A_326, %add3A_327 : i32
      %swap3A_329 = arith.index_cast %add3A_328 : i32 to index
      %swap3A_330 = tpu.vector_load %arg6[%swap3A_329] {strides = array<i32>} : memref<8192xf32, #tpu.memory_space<vmem>>, vector<16xf32>,
      %swap3A_331 = vector.shape_cast %swap3A_330 : vector<16xf32> to vector<16xf32>
      %swap3A_332 = vector.shape_cast %while3A_34#15 : vector<16xf32> to vector<16xf32>
      tpu.vector_store %arg6[%swap3A_329], %swap3A_332 {strides = array<i32>} : memref<8192xf32, #tpu.memory_space<vmem>>, vector<16xf32>,
      %mul3A_333 = arith.constant 512 : i32
      %mul3A_334 = arith.muli %while3A_34#0, %mul3A_333 : i32
      %add3A_335 = arith.constant 240 : i32
      %add3A_336 = arith.addi %mul3A_334, %add3A_335 : i32
      %swap3A_337 = arith.index_cast %add3A_336 : i32 to index
      %swap3A_338 = tpu.vector_load %arg6[%swap3A_337] {strides = array<i32>} : memref<8192xf32, #tpu.memory_space<vmem>>, vector<16xf32>,
      %swap3A_339 = vector.shape_cast %swap3A_338 : vector<16xf32> to vector<16xf32>
      %swap3A_340 = vector.shape_cast %while3A_34#16 : vector<16xf32> to vector<16xf32>
      tpu.vector_store %arg6[%swap3A_337], %swap3A_340 {strides = array<i32>} : memref<8192xf32, #tpu.memory_space<vmem>>, vector<16xf32>,
      %mul3A_341 = arith.constant 512 : i32
      %mul3A_342 = arith.muli %while3A_34#0, %mul3A_341 : i32
      %add3A_343 = arith.constant 256 : i32
      %add3A_344 = arith.addi %mul3A_342, %add3A_343 : i32
      %swap3A_345 = arith.index_cast %add3A_344 : i32 to index
      %swap3A_346 = tpu.vector_load %arg6[%swap3A_345] {strides = array<i32>} : memref<8192xf32, #tpu.memory_space<vmem>>, vector<16xf32>,
      %swap3A_347 = vector.shape_cast %swap3A_346 : vector<16xf32> to vector<16xf32>
      %swap3A_348 = vector.shape_cast %while3A_34#17 : vector<16xf32> to vector<16xf32>
      tpu.vector_store %arg6[%swap3A_345], %swap3A_348 {strides = array<i32>} : memref<8192xf32, #tpu.memory_space<vmem>>, vector<16xf32>,
      %mul3A_349 = arith.constant 512 : i32
      %mul3A_350 = arith.muli %while3A_34#0, %mul3A_349 : i32
      %add3A_351 = arith.constant 272 : i32
      %add3A_352 = arith.addi %mul3A_350, %add3A_351 : i32
      %swap3A_353 = arith.index_cast %add3A_352 : i32 to index
      %swap3A_354 = tpu.vector_load %arg6[%swap3A_353] {strides = array<i32>} : memref<8192xf32, #tpu.memory_space<vmem>>, vector<16xf32>,
      %swap3A_355 = vector.shape_cast %swap3A_354 : vector<16xf32> to vector<16xf32>
      %swap3A_356 = vector.shape_cast %while3A_34#18 : vector<16xf32> to vector<16xf32>
      tpu.vector_store %arg6[%swap3A_353], %swap3A_356 {strides = array<i32>} : memref<8192xf32, #tpu.memory_space<vmem>>, vector<16xf32>,
      %mul3A_357 = arith.constant 512 : i32
      %mul3A_358 = arith.muli %while3A_34#0, %mul3A_357 : i32
      %add3A_359 = arith.constant 288 : i32
      %add3A_360 = arith.addi %mul3A_358, %add3A_359 : i32
      %swap3A_361 = arith.index_cast %add3A_360 : i32 to index
      %swap3A_362 = tpu.vector_load %arg6[%swap3A_361] {strides = array<i32>} : memref<8192xf32, #tpu.memory_space<vmem>>, vector<16xf32>,
      %swap3A_363 = vector.shape_cast %swap3A_362 : vector<16xf32> to vector<16xf32>
      %swap3A_364 = vector.shape_cast %while3A_34#19 : vector<16xf32> to vector<16xf32>
      tpu.vector_store %arg6[%swap3A_361], %swap3A_364 {strides = array<i32>} : memref<8192xf32, #tpu.memory_space<vmem>>, vector<16xf32>,
      %mul3A_365 = arith.constant 512 : i32
      %mul3A_366 = arith.muli %while3A_34#0, %mul3A_365 : i32
      %add3A_367 = arith.constant 304 : i32
      %add3A_368 = arith.addi %mul3A_366, %add3A_367 : i32
      %swap3A_369 = arith.index_cast %add3A_368 : i32 to index
      %swap3A_370 = tpu.vector_load %arg6[%swap3A_369] {strides = array<i32>} : memref<8192xf32, #tpu.memory_space<vmem>>, vector<16xf32>,
      %swap3A_371 = vector.shape_cast %swap3A_370 : vector<16xf32> to vector<16xf32>
      %swap3A_372 = vector.shape_cast %while3A_34#20 : vector<16xf32> to vector<16xf32>
      tpu.vector_store %arg6[%swap3A_369], %swap3A_372 {strides = array<i32>} : memref<8192xf32, #tpu.memory_space<vmem>>, vector<16xf32>,
      %mul3A_373 = arith.constant 512 : i32
      %mul3A_374 = arith.muli %while3A_34#0, %mul3A_373 : i32
      %add3A_375 = arith.constant 320 : i32
      %add3A_376 = arith.addi %mul3A_374, %add3A_375 : i32
      %swap3A_377 = arith.index_cast %add3A_376 : i32 to index
      %swap3A_378 = tpu.vector_load %arg6[%swap3A_377] {strides = array<i32>} : memref<8192xf32, #tpu.memory_space<vmem>>, vector<16xf32>,
      %swap3A_379 = vector.shape_cast %swap3A_378 : vector<16xf32> to vector<16xf32>
      %swap3A_380 = vector.shape_cast %while3A_34#21 : vector<16xf32> to vector<16xf32>
      tpu.vector_store %arg6[%swap3A_377], %swap3A_380 {strides = array<i32>} : memref<8192xf32, #tpu.memory_space<vmem>>, vector<16xf32>,
      %mul3A_381 = arith.constant 512 : i32
      %mul3A_382 = arith.muli %while3A_34#0, %mul3A_381 : i32
      %add3A_383 = arith.constant 336 : i32
      %add3A_384 = arith.addi %mul3A_382, %add3A_383 : i32
      %swap3A_385 = arith.index_cast %add3A_384 : i32 to index
      %swap3A_386 = tpu.vector_load %arg6[%swap3A_385] {strides = array<i32>} : memref<8192xf32, #tpu.memory_space<vmem>>, vector<16xf32>,
      %swap3A_387 = vector.shape_cast %swap3A_386 : vector<16xf32> to vector<16xf32>
      %swap3A_388 = vector.shape_cast %while3A_34#22 : vector<16xf32> to vector<16xf32>
      tpu.vector_store %arg6[%swap3A_385], %swap3A_388 {strides = array<i32>} : memref<8192xf32, #tpu.memory_space<vmem>>, vector<16xf32>,
      %mul3A_389 = arith.constant 512 : i32
      %mul3A_390 = arith.muli %while3A_34#0, %mul3A_389 : i32
      %add3A_391 = arith.constant 352 : i32
      %add3A_392 = arith.addi %mul3A_390, %add3A_391 : i32
      %swap3A_393 = arith.index_cast %add3A_392 : i32 to index
      %swap3A_394 = tpu.vector_load %arg6[%swap3A_393] {strides = array<i32>} : memref<8192xf32, #tpu.memory_space<vmem>>, vector<16xf32>,
      %swap3A_395 = vector.shape_cast %swap3A_394 : vector<16xf32> to vector<16xf32>
      %swap3A_396 = vector.shape_cast %while3A_34#23 : vector<16xf32> to vector<16xf32>
      tpu.vector_store %arg6[%swap3A_393], %swap3A_396 {strides = array<i32>} : memref<8192xf32, #tpu.memory_space<vmem>>, vector<16xf32>,
      %mul3A_397 = arith.constant 512 : i32
      %mul3A_398 = arith.muli %while3A_34#0, %mul3A_397 : i32
      %add3A_399 = arith.constant 368 : i32
      %add3A_400 = arith.addi %mul3A_398, %add3A_399 : i32
      %swap3A_401 = arith.index_cast %add3A_400 : i32 to index
      %swap3A_402 = tpu.vector_load %arg6[%swap3A_401] {strides = array<i32>} : memref<8192xf32, #tpu.memory_space<vmem>>, vector<16xf32>,
      %swap3A_403 = vector.shape_cast %swap3A_402 : vector<16xf32> to vector<16xf32>
      %swap3A_404 = vector.shape_cast %while3A_34#24 : vector<16xf32> to vector<16xf32>
      tpu.vector_store %arg6[%swap3A_401], %swap3A_404 {strides = array<i32>} : memref<8192xf32, #tpu.memory_space<vmem>>, vector<16xf32>,
      %mul3A_405 = arith.constant 512 : i32
      %mul3A_406 = arith.muli %while3A_34#0, %mul3A_405 : i32
      %add3A_407 = arith.constant 384 : i32
      %add3A_408 = arith.addi %mul3A_406, %add3A_407 : i32
      %swap3A_409 = arith.index_cast %add3A_408 : i32 to index
      %swap3A_410 = tpu.vector_load %arg6[%swap3A_409] {strides = array<i32>} : memref<8192xf32, #tpu.memory_space<vmem>>, vector<16xf32>,
      %swap3A_411 = vector.shape_cast %swap3A_410 : vector<16xf32> to vector<16xf32>
      %swap3A_412 = vector.shape_cast %while3A_34#25 : vector<16xf32> to vector<16xf32>
      tpu.vector_store %arg6[%swap3A_409], %swap3A_412 {strides = array<i32>} : memref<8192xf32, #tpu.memory_space<vmem>>, vector<16xf32>,
      %mul3A_413 = arith.constant 512 : i32
      %mul3A_414 = arith.muli %while3A_34#0, %mul3A_413 : i32
      %add3A_415 = arith.constant 400 : i32
      %add3A_416 = arith.addi %mul3A_414, %add3A_415 : i32
      %swap3A_417 = arith.index_cast %add3A_416 : i32 to index
      %swap3A_418 = tpu.vector_load %arg6[%swap3A_417] {strides = array<i32>} : memref<8192xf32, #tpu.memory_space<vmem>>, vector<16xf32>,
      %swap3A_419 = vector.shape_cast %swap3A_418 : vector<16xf32> to vector<16xf32>
      %swap3A_420 = vector.shape_cast %while3A_34#26 : vector<16xf32> to vector<16xf32>
      tpu.vector_store %arg6[%swap3A_417], %swap3A_420 {strides = array<i32>} : memref<8192xf32, #tpu.memory_space<vmem>>, vector<16xf32>,
      %mul3A_421 = arith.constant 512 : i32
      %mul3A_422 = arith.muli %while3A_34#0, %mul3A_421 : i32
      %add3A_423 = arith.constant 416 : i32
      %add3A_424 = arith.addi %mul3A_422, %add3A_423 : i32
      %swap3A_425 = arith.index_cast %add3A_424 : i32 to index
      %swap3A_426 = tpu.vector_load %arg6[%swap3A_425] {strides = array<i32>} : memref<8192xf32, #tpu.memory_space<vmem>>, vector<16xf32>,
      %swap3A_427 = vector.shape_cast %swap3A_426 : vector<16xf32> to vector<16xf32>
      %swap3A_428 = vector.shape_cast %while3A_34#27 : vector<16xf32> to vector<16xf32>
      tpu.vector_store %arg6[%swap3A_425], %swap3A_428 {strides = array<i32>} : memref<8192xf32, #tpu.memory_space<vmem>>, vector<16xf32>,
      %mul3A_429 = arith.constant 512 : i32
      %mul3A_430 = arith.muli %while3A_34#0, %mul3A_429 : i32
      %add3A_431 = arith.constant 432 : i32
      %add3A_432 = arith.addi %mul3A_430, %add3A_431 : i32
      %swap3A_433 = arith.index_cast %add3A_432 : i32 to index
      %swap3A_434 = tpu.vector_load %arg6[%swap3A_433] {strides = array<i32>} : memref<8192xf32, #tpu.memory_space<vmem>>, vector<16xf32>,
      %swap3A_435 = vector.shape_cast %swap3A_434 : vector<16xf32> to vector<16xf32>
      %swap3A_436 = vector.shape_cast %while3A_34#28 : vector<16xf32> to vector<16xf32>
      tpu.vector_store %arg6[%swap3A_433], %swap3A_436 {strides = array<i32>} : memref<8192xf32, #tpu.memory_space<vmem>>, vector<16xf32>,
      %mul3A_437 = arith.constant 512 : i32
      %mul3A_438 = arith.muli %while3A_34#0, %mul3A_437 : i32
      %add3A_439 = arith.constant 448 : i32
      %add3A_440 = arith.addi %mul3A_438, %add3A_439 : i32
      %swap3A_441 = arith.index_cast %add3A_440 : i32 to index
      %swap3A_442 = tpu.vector_load %arg6[%swap3A_441] {strides = array<i32>} : memref<8192xf32, #tpu.memory_space<vmem>>, vector<16xf32>,
      %swap3A_443 = vector.shape_cast %swap3A_442 : vector<16xf32> to vector<16xf32>
      %swap3A_444 = vector.shape_cast %while3A_34#29 : vector<16xf32> to vector<16xf32>
      tpu.vector_store %arg6[%swap3A_441], %swap3A_444 {strides = array<i32>} : memref<8192xf32, #tpu.memory_space<vmem>>, vector<16xf32>,
      %mul3A_445 = arith.constant 512 : i32
      %mul3A_446 = arith.muli %while3A_34#0, %mul3A_445 : i32
      %add3A_447 = arith.constant 464 : i32
      %add3A_448 = arith.addi %mul3A_446, %add3A_447 : i32
      %swap3A_449 = arith.index_cast %add3A_448 : i32 to index
      %swap3A_450 = tpu.vector_load %arg6[%swap3A_449] {strides = array<i32>} : memref<8192xf32, #tpu.memory_space<vmem>>, vector<16xf32>,
      %swap3A_451 = vector.shape_cast %swap3A_450 : vector<16xf32> to vector<16xf32>
      %swap3A_452 = vector.shape_cast %while3A_34#30 : vector<16xf32> to vector<16xf32>
      tpu.vector_store %arg6[%swap3A_449], %swap3A_452 {strides = array<i32>} : memref<8192xf32, #tpu.memory_space<vmem>>, vector<16xf32>,
      %mul3A_453 = arith.constant 512 : i32
      %mul3A_454 = arith.muli %while3A_34#0, %mul3A_453 : i32
      %add3A_455 = arith.constant 480 : i32
      %add3A_456 = arith.addi %mul3A_454, %add3A_455 : i32
      %swap3A_457 = arith.index_cast %add3A_456 : i32 to index
      %swap3A_458 = tpu.vector_load %arg6[%swap3A_457] {strides = array<i32>} : memref<8192xf32, #tpu.memory_space<vmem>>, vector<16xf32>,
      %swap3A_459 = vector.shape_cast %swap3A_458 : vector<16xf32> to vector<16xf32>
      %swap3A_460 = vector.shape_cast %while3A_34#31 : vector<16xf32> to vector<16xf32>
      tpu.vector_store %arg6[%swap3A_457], %swap3A_460 {strides = array<i32>} : memref<8192xf32, #tpu.memory_space<vmem>>, vector<16xf32>,
      %mul3A_461 = arith.constant 512 : i32
      %mul3A_462 = arith.muli %while3A_34#0, %mul3A_461 : i32
      %add3A_463 = arith.constant 496 : i32
      %add3A_464 = arith.addi %mul3A_462, %add3A_463 : i32
      %swap3A_465 = arith.index_cast %add3A_464 : i32 to index
      %swap3A_466 = tpu.vector_load %arg6[%swap3A_465] {strides = array<i32>} : memref<8192xf32, #tpu.memory_space<vmem>>, vector<16xf32>,
      %swap3A_467 = vector.shape_cast %swap3A_466 : vector<16xf32> to vector<16xf32>
      %swap3A_468 = vector.shape_cast %while3A_34#32 : vector<16xf32> to vector<16xf32>
      tpu.vector_store %arg6[%swap3A_465], %swap3A_468 {strides = array<i32>} : memref<8192xf32, #tpu.memory_space<vmem>>, vector<16xf32>,
    } else {
    }
    "tpu.region"() ({
      %run_scoped3A = tpu.sem_alloc : memref<!tpu.dma_semaphore, #tpu.memory_space<semaphore_mem>>
      %dma_start3A = arith.constant 0 : i32
      %dma_start3A_214 = tpu.memref_slice %arg10[%arg1, %dma_start3A] : memref<16x8192xf32, #tpu.memory_space<vmem_shared>> -> memref<1x8192xf32, #tpu.memory_space<vmem_shared>>
      %dma_start3A_215 = tpu.memref_squeeze %dma_start3A_214 : memref<1x8192xf32, #tpu.memory_space<vmem_shared>> -> memref<8192xf32, #tpu.memory_space<vmem_shared>>
      %dma_start3A_216 = arith.constant 0 : i32
      %dma_start3A_217 = tpu.memref_slice %arg10[%arg1, %dma_start3A_216] : memref<16x8192xf32, #tpu.memory_space<vmem_shared>> -> memref<1x8192xf32, #tpu.memory_space<vmem_shared>>
      %dma_start3A_218 = tpu.memref_squeeze %dma_start3A_217 : memref<1x8192xf32, #tpu.memory_space<vmem_shared>> -> memref<8192xf32, #tpu.memory_space<vmem_shared>>
      tpu.enqueue_dma source(%arg6 : memref<8192xf32, #tpu.memory_space<vmem>>) target(%dma_start3A_218 : memref<8192xf32, #tpu.memory_space<vmem_shared>>) target_semaphore(%run_scoped3A : memref<!tpu.dma_semaphore, #tpu.memory_space<semaphore_mem>>)
      %dma_wait3A = arith.constant 0 : i32
      %dma_wait3A_219 = tpu.memref_slice %arg10[%arg1, %dma_wait3A] : memref<16x8192xf32, #tpu.memory_space<vmem_shared>> -> memref<1x8192xf32, #tpu.memory_space<vmem_shared>>
      %dma_wait3A_220 = tpu.memref_squeeze %dma_wait3A_219 : memref<1x8192xf32, #tpu.memory_space<vmem_shared>> -> memref<8192xf32, #tpu.memory_space<vmem_shared>>
      %dma_wait3A_221 = arith.constant 0 : i32
      %dma_wait3A_222 = tpu.memref_slice %arg10[%arg1, %dma_wait3A_221] : memref<16x8192xf32, #tpu.memory_space<vmem_shared>> -> memref<1x8192xf32, #tpu.memory_space<vmem_shared>>
      %dma_wait3A_223 = tpu.memref_squeeze %dma_wait3A_222 : memref<1x8192xf32, #tpu.memory_space<vmem_shared>> -> memref<8192xf32, #tpu.memory_space<vmem_shared>>
      tpu.wait_dma2 semaphore(%run_scoped3A : memref<!tpu.dma_semaphore, #tpu.memory_space<semaphore_mem>>) src(%arg6 : memref<8192xf32, #tpu.memory_space<vmem>>) dst(%dma_wait3A_223 : memref<8192xf32, #tpu.memory_space<vmem_shared>>)
      tpu.yield
    }) : () -> ()
    %barrier3A = arith.constant 0 : index
    tpu.barrier barrier_id(%barrier3A)
    %mul3A_40 = arith.constant 512 : i32
    %mul3A_41 = arith.muli %arg1, %mul3A_40 : i32
    "tpu.region"() ({
      %run_scoped3A = tpu.sem_alloc : memref<!tpu.dma_semaphore, #tpu.memory_space<semaphore_mem>>
      %dma_start3A = arith.constant 0 : i32
      %dma_start3A_214 = tpu.memref_slice %arg10[%dma_start3A, %mul3A_41] : memref<16x8192xf32, #tpu.memory_space<vmem_shared>> -> memref<16x512xf32, #tpu.memory_space<vmem_shared>>
      %dma_start3A_215 = arith.constant 0 : i32
      %dma_start3A_216 = tpu.memref_slice %arg10[%dma_start3A_215, %mul3A_41] : memref<16x8192xf32, #tpu.memory_space<vmem_shared>> -> memref<16x512xf32, #tpu.memory_space<vmem_shared>>
      tpu.enqueue_dma source(%dma_start3A_216 : memref<16x512xf32, #tpu.memory_space<vmem_shared>>) target(%arg8 : memref<16x512xf32, #tpu.memory_space<vmem>>) target_semaphore(%run_scoped3A : memref<!tpu.dma_semaphore, #tpu.memory_space<semaphore_mem>>)
      %dma_wait3A = arith.constant 0 : i32
      %dma_wait3A_217 = tpu.memref_slice %arg10[%dma_wait3A, %mul3A_41] : memref<16x8192xf32, #tpu.memory_space<vmem_shared>> -> memref<16x512xf32, #tpu.memory_space<vmem_shared>>
      %dma_wait3A_218 = arith.constant 0 : i32
      %dma_wait3A_219 = tpu.memref_slice %arg10[%dma_wait3A_218, %mul3A_41] : memref<16x8192xf32, #tpu.memory_space<vmem_shared>> -> memref<16x512xf32, #tpu.memory_space<vmem_shared>>
      tpu.wait_dma2 semaphore(%run_scoped3A : memref<!tpu.dma_semaphore, #tpu.memory_space<semaphore_mem>>) src(%dma_wait3A_219 : memref<16x512xf32, #tpu.memory_space<vmem_shared>>) dst(%arg8 : memref<16x512xf32, #tpu.memory_space<vmem>>)
      tpu.yield
    }) : () -> ()
    %scan3A_42 = arith.constant 0 : i32
    %scan3A_43 = arith.constant 16 : i32
    %scan3A_44 = arith.addi %scan3A_42, %scan3A_43 : i32
    %scan3A_45 = arith.constant 1 : i32
    %scan3A_46:32 = scf.for %scan3A_214 = %scan3A_42 to %scan3A_44 step %scan3A_45 iter_args(%scan3A_215 = %broadcast_in_dim3A_1, %scan3A_216 = %broadcast_in_dim3A_1, %scan3A_217 = %broadcast_in_dim3A_1, %scan3A_218 = %broadcast_in_dim3A_1, %scan3A_219 = %broadcast_in_dim3A_1, %scan3A_220 = %broadcast_in_dim3A_1, %scan3A_221 = %broadcast_in_dim3A_1, %scan3A_222 = %broadcast_in_dim3A_1, %scan3A_223 = %broadcast_in_dim3A_1, %scan3A_224 = %broadcast_in_dim3A_1, %scan3A_225 = %broadcast_in_dim3A_1, %scan3A_226 = %broadcast_in_dim3A_1, %scan3A_227 = %broadcast_in_dim3A_1, %scan3A_228 = %broadcast_in_dim3A_1, %scan3A_229 = %broadcast_in_dim3A_1, %scan3A_230 = %broadcast_in_dim3A_1, %scan3A_231 = %broadcast_in_dim3A_1, %scan3A_232 = %broadcast_in_dim3A_1, %scan3A_233 = %broadcast_in_dim3A_1, %scan3A_234 = %broadcast_in_dim3A_1, %scan3A_235 = %broadcast_in_dim3A_1, %scan3A_236 = %broadcast_in_dim3A_1, %scan3A_237 = %broadcast_in_dim3A_1, %scan3A_238 = %broadcast_in_dim3A_1, %scan3A_239 = %broadcast_in_dim3A_1, %scan3A_240 = %broadcast_in_dim3A_1, %scan3A_241 = %broadcast_in_dim3A_1, %scan3A_242 = %broadcast_in_dim3A_1, %scan3A_243 = %broadcast_in_dim3A_1, %scan3A_244 = %broadcast_in_dim3A_1, %scan3A_245 = %broadcast_in_dim3A_1, %scan3A_246 = %broadcast_in_dim3A_1) -> (vector<16xf32>, vector<16xf32>, vector<16xf32>, vector<16xf32>, vector<16xf32>, vector<16xf32>, vector<16xf32>, vector<16xf32>, vector<16xf32>, vector<16xf32>, vector<16xf32>, vector<16xf32>, vector<16xf32>, vector<16xf32>, vector<16xf32>, vector<16xf32>, vector<16xf32>, vector<16xf32>, vector<16xf32>, vector<16xf32>, vector<16xf32>, vector<16xf32>, vector<16xf32>, vector<16xf32>, vector<16xf32>, vector<16xf32>, vector<16xf32>, vector<16xf32>, vector<16xf32>, vector<16xf32>, vector<16xf32>, vector<16xf32>)  : i32 {
      %get3A_247 = arith.index_cast %scan3A_214 : i32 to index
      %get3A_248 = arith.constant 0 : index
      %get3A_249 = tpu.vector_load %arg8[%get3A_247, %get3A_248] {strides = array<i32>} : memref<16x512xf32, #tpu.memory_space<vmem>>, vector<1x16xf32>,
      %get3A_250 = vector.shape_cast %get3A_249 : vector<1x16xf32> to vector<16xf32>
      %add3A = arith.addf %scan3A_215, %get3A_250 : vector<16xf32>
      %get3A_251 = arith.index_cast %scan3A_214 : i32 to index
      %get3A_252 = arith.constant 16 : index
      %get3A_253 = tpu.vector_load %arg8[%get3A_251, %get3A_252] {strides = array<i32>} : memref<16x512xf32, #tpu.memory_space<vmem>>, vector<1x16xf32>,
      %get3A_254 = vector.shape_cast %get3A_253 : vector<1x16xf32> to vector<16xf32>
      %add3A_255 = arith.addf %scan3A_216, %get3A_254 : vector<16xf32>
      %get3A_256 = arith.index_cast %scan3A_214 : i32 to index
      %get3A_257 = arith.constant 32 : index
      %get3A_258 = tpu.vector_load %arg8[%get3A_256, %get3A_257] {strides = array<i32>} : memref<16x512xf32, #tpu.memory_space<vmem>>, vector<1x16xf32>,
      %get3A_259 = vector.shape_cast %get3A_258 : vector<1x16xf32> to vector<16xf32>
      %add3A_260 = arith.addf %scan3A_217, %get3A_259 : vector<16xf32>
      %get3A_261 = arith.index_cast %scan3A_214 : i32 to index
      %get3A_262 = arith.constant 48 : index
      %get3A_263 = tpu.vector_load %arg8[%get3A_261, %get3A_262] {strides = array<i32>} : memref<16x512xf32, #tpu.memory_space<vmem>>, vector<1x16xf32>,
      %get3A_264 = vector.shape_cast %get3A_263 : vector<1x16xf32> to vector<16xf32>
      %add3A_265 = arith.addf %scan3A_218, %get3A_264 : vector<16xf32>
      %get3A_266 = arith.index_cast %scan3A_214 : i32 to index
      %get3A_267 = arith.constant 64 : index
      %get3A_268 = tpu.vector_load %arg8[%get3A_266, %get3A_267] {strides = array<i32>} : memref<16x512xf32, #tpu.memory_space<vmem>>, vector<1x16xf32>,
      %get3A_269 = vector.shape_cast %get3A_268 : vector<1x16xf32> to vector<16xf32>
      %add3A_270 = arith.addf %scan3A_219, %get3A_269 : vector<16xf32>
      %get3A_271 = arith.index_cast %scan3A_214 : i32 to index
      %get3A_272 = arith.constant 80 : index
      %get3A_273 = tpu.vector_load %arg8[%get3A_271, %get3A_272] {strides = array<i32>} : memref<16x512xf32, #tpu.memory_space<vmem>>, vector<1x16xf32>,
      %get3A_274 = vector.shape_cast %get3A_273 : vector<1x16xf32> to vector<16xf32>
      %add3A_275 = arith.addf %scan3A_220, %get3A_274 : vector<16xf32>
      %get3A_276 = arith.index_cast %scan3A_214 : i32 to index
      %get3A_277 = arith.constant 96 : index
      %get3A_278 = tpu.vector_load %arg8[%get3A_276, %get3A_277] {strides = array<i32>} : memref<16x512xf32, #tpu.memory_space<vmem>>, vector<1x16xf32>,
      %get3A_279 = vector.shape_cast %get3A_278 : vector<1x16xf32> to vector<16xf32>
      %add3A_280 = arith.addf %scan3A_221, %get3A_279 : vector<16xf32>
      %get3A_281 = arith.index_cast %scan3A_214 : i32 to index
      %get3A_282 = arith.constant 112 : index
      %get3A_283 = tpu.vector_load %arg8[%get3A_281, %get3A_282] {strides = array<i32>} : memref<16x512xf32, #tpu.memory_space<vmem>>, vector<1x16xf32>,
      %get3A_284 = vector.shape_cast %get3A_283 : vector<1x16xf32> to vector<16xf32>
      %add3A_285 = arith.addf %scan3A_222, %get3A_284 : vector<16xf32>
      %get3A_286 = arith.index_cast %scan3A_214 : i32 to index
      %get3A_287 = arith.constant 128 : index
      %get3A_288 = tpu.vector_load %arg8[%get3A_286, %get3A_287] {strides = array<i32>} : memref<16x512xf32, #tpu.memory_space<vmem>>, vector<1x16xf32>,
      %get3A_289 = vector.shape_cast %get3A_288 : vector<1x16xf32> to vector<16xf32>
      %add3A_290 = arith.addf %scan3A_223, %get3A_289 : vector<16xf32>
      %get3A_291 = arith.index_cast %scan3A_214 : i32 to index
      %get3A_292 = arith.constant 144 : index
      %get3A_293 = tpu.vector_load %arg8[%get3A_291, %get3A_292] {strides = array<i32>} : memref<16x512xf32, #tpu.memory_space<vmem>>, vector<1x16xf32>,
      %get3A_294 = vector.shape_cast %get3A_293 : vector<1x16xf32> to vector<16xf32>
      %add3A_295 = arith.addf %scan3A_224, %get3A_294 : vector<16xf32>
      %get3A_296 = arith.index_cast %scan3A_214 : i32 to index
      %get3A_297 = arith.constant 160 : index
      %get3A_298 = tpu.vector_load %arg8[%get3A_296, %get3A_297] {strides = array<i32>} : memref<16x512xf32, #tpu.memory_space<vmem>>, vector<1x16xf32>,
      %get3A_299 = vector.shape_cast %get3A_298 : vector<1x16xf32> to vector<16xf32>
      %add3A_300 = arith.addf %scan3A_225, %get3A_299 : vector<16xf32>
      %get3A_301 = arith.index_cast %scan3A_214 : i32 to index
      %get3A_302 = arith.constant 176 : index
      %get3A_303 = tpu.vector_load %arg8[%get3A_301, %get3A_302] {strides = array<i32>} : memref<16x512xf32, #tpu.memory_space<vmem>>, vector<1x16xf32>,
      %get3A_304 = vector.shape_cast %get3A_303 : vector<1x16xf32> to vector<16xf32>
      %add3A_305 = arith.addf %scan3A_226, %get3A_304 : vector<16xf32>
      %get3A_306 = arith.index_cast %scan3A_214 : i32 to index
      %get3A_307 = arith.constant 192 : index
      %get3A_308 = tpu.vector_load %arg8[%get3A_306, %get3A_307] {strides = array<i32>} : memref<16x512xf32, #tpu.memory_space<vmem>>, vector<1x16xf32>,
      %get3A_309 = vector.shape_cast %get3A_308 : vector<1x16xf32> to vector<16xf32>
      %add3A_310 = arith.addf %scan3A_227, %get3A_309 : vector<16xf32>
      %get3A_311 = arith.index_cast %scan3A_214 : i32 to index
      %get3A_312 = arith.constant 208 : index
      %get3A_313 = tpu.vector_load %arg8[%get3A_311, %get3A_312] {strides = array<i32>} : memref<16x512xf32, #tpu.memory_space<vmem>>, vector<1x16xf32>,
      %get3A_314 = vector.shape_cast %get3A_313 : vector<1x16xf32> to vector<16xf32>
      %add3A_315 = arith.addf %scan3A_228, %get3A_314 : vector<16xf32>
      %get3A_316 = arith.index_cast %scan3A_214 : i32 to index
      %get3A_317 = arith.constant 224 : index
      %get3A_318 = tpu.vector_load %arg8[%get3A_316, %get3A_317] {strides = array<i32>} : memref<16x512xf32, #tpu.memory_space<vmem>>, vector<1x16xf32>,
      %get3A_319 = vector.shape_cast %get3A_318 : vector<1x16xf32> to vector<16xf32>
      %add3A_320 = arith.addf %scan3A_229, %get3A_319 : vector<16xf32>
      %get3A_321 = arith.index_cast %scan3A_214 : i32 to index
      %get3A_322 = arith.constant 240 : index
      %get3A_323 = tpu.vector_load %arg8[%get3A_321, %get3A_322] {strides = array<i32>} : memref<16x512xf32, #tpu.memory_space<vmem>>, vector<1x16xf32>,
      %get3A_324 = vector.shape_cast %get3A_323 : vector<1x16xf32> to vector<16xf32>
      %add3A_325 = arith.addf %scan3A_230, %get3A_324 : vector<16xf32>
      %get3A_326 = arith.index_cast %scan3A_214 : i32 to index
      %get3A_327 = arith.constant 256 : index
      %get3A_328 = tpu.vector_load %arg8[%get3A_326, %get3A_327] {strides = array<i32>} : memref<16x512xf32, #tpu.memory_space<vmem>>, vector<1x16xf32>,
      %get3A_329 = vector.shape_cast %get3A_328 : vector<1x16xf32> to vector<16xf32>
      %add3A_330 = arith.addf %scan3A_231, %get3A_329 : vector<16xf32>
      %get3A_331 = arith.index_cast %scan3A_214 : i32 to index
      %get3A_332 = arith.constant 272 : index
      %get3A_333 = tpu.vector_load %arg8[%get3A_331, %get3A_332] {strides = array<i32>} : memref<16x512xf32, #tpu.memory_space<vmem>>, vector<1x16xf32>,
      %get3A_334 = vector.shape_cast %get3A_333 : vector<1x16xf32> to vector<16xf32>
      %add3A_335 = arith.addf %scan3A_232, %get3A_334 : vector<16xf32>
      %get3A_336 = arith.index_cast %scan3A_214 : i32 to index
      %get3A_337 = arith.constant 288 : index
      %get3A_338 = tpu.vector_load %arg8[%get3A_336, %get3A_337] {strides = array<i32>} : memref<16x512xf32, #tpu.memory_space<vmem>>, vector<1x16xf32>,
      %get3A_339 = vector.shape_cast %get3A_338 : vector<1x16xf32> to vector<16xf32>
      %add3A_340 = arith.addf %scan3A_233, %get3A_339 : vector<16xf32>
      %get3A_341 = arith.index_cast %scan3A_214 : i32 to index
      %get3A_342 = arith.constant 304 : index
      %get3A_343 = tpu.vector_load %arg8[%get3A_341, %get3A_342] {strides = array<i32>} : memref<16x512xf32, #tpu.memory_space<vmem>>, vector<1x16xf32>,
      %get3A_344 = vector.shape_cast %get3A_343 : vector<1x16xf32> to vector<16xf32>
      %add3A_345 = arith.addf %scan3A_234, %get3A_344 : vector<16xf32>
      %get3A_346 = arith.index_cast %scan3A_214 : i32 to index
      %get3A_347 = arith.constant 320 : index
      %get3A_348 = tpu.vector_load %arg8[%get3A_346, %get3A_347] {strides = array<i32>} : memref<16x512xf32, #tpu.memory_space<vmem>>, vector<1x16xf32>,
      %get3A_349 = vector.shape_cast %get3A_348 : vector<1x16xf32> to vector<16xf32>
      %add3A_350 = arith.addf %scan3A_235, %get3A_349 : vector<16xf32>
      %get3A_351 = arith.index_cast %scan3A_214 : i32 to index
      %get3A_352 = arith.constant 336 : index
      %get3A_353 = tpu.vector_load %arg8[%get3A_351, %get3A_352] {strides = array<i32>} : memref<16x512xf32, #tpu.memory_space<vmem>>, vector<1x16xf32>,
      %get3A_354 = vector.shape_cast %get3A_353 : vector<1x16xf32> to vector<16xf32>
      %add3A_355 = arith.addf %scan3A_236, %get3A_354 : vector<16xf32>
      %get3A_356 = arith.index_cast %scan3A_214 : i32 to index
      %get3A_357 = arith.constant 352 : index
      %get3A_358 = tpu.vector_load %arg8[%get3A_356, %get3A_357] {strides = array<i32>} : memref<16x512xf32, #tpu.memory_space<vmem>>, vector<1x16xf32>,
      %get3A_359 = vector.shape_cast %get3A_358 : vector<1x16xf32> to vector<16xf32>
      %add3A_360 = arith.addf %scan3A_237, %get3A_359 : vector<16xf32>
      %get3A_361 = arith.index_cast %scan3A_214 : i32 to index
      %get3A_362 = arith.constant 368 : index
      %get3A_363 = tpu.vector_load %arg8[%get3A_361, %get3A_362] {strides = array<i32>} : memref<16x512xf32, #tpu.memory_space<vmem>>, vector<1x16xf32>,
      %get3A_364 = vector.shape_cast %get3A_363 : vector<1x16xf32> to vector<16xf32>
      %add3A_365 = arith.addf %scan3A_238, %get3A_364 : vector<16xf32>
      %get3A_366 = arith.index_cast %scan3A_214 : i32 to index
      %get3A_367 = arith.constant 384 : index
      %get3A_368 = tpu.vector_load %arg8[%get3A_366, %get3A_367] {strides = array<i32>} : memref<16x512xf32, #tpu.memory_space<vmem>>, vector<1x16xf32>,
      %get3A_369 = vector.shape_cast %get3A_368 : vector<1x16xf32> to vector<16xf32>
      %add3A_370 = arith.addf %scan3A_239, %get3A_369 : vector<16xf32>
      %get3A_371 = arith.index_cast %scan3A_214 : i32 to index
      %get3A_372 = arith.constant 400 : index
      %get3A_373 = tpu.vector_load %arg8[%get3A_371, %get3A_372] {strides = array<i32>} : memref<16x512xf32, #tpu.memory_space<vmem>>, vector<1x16xf32>,
      %get3A_374 = vector.shape_cast %get3A_373 : vector<1x16xf32> to vector<16xf32>
      %add3A_375 = arith.addf %scan3A_240, %get3A_374 : vector<16xf32>
      %get3A_376 = arith.index_cast %scan3A_214 : i32 to index
      %get3A_377 = arith.constant 416 : index
      %get3A_378 = tpu.vector_load %arg8[%get3A_376, %get3A_377] {strides = array<i32>} : memref<16x512xf32, #tpu.memory_space<vmem>>, vector<1x16xf32>,
      %get3A_379 = vector.shape_cast %get3A_378 : vector<1x16xf32> to vector<16xf32>
      %add3A_380 = arith.addf %scan3A_241, %get3A_379 : vector<16xf32>
      %get3A_381 = arith.index_cast %scan3A_214 : i32 to index
      %get3A_382 = arith.constant 432 : index
      %get3A_383 = tpu.vector_load %arg8[%get3A_381, %get3A_382] {strides = array<i32>} : memref<16x512xf32, #tpu.memory_space<vmem>>, vector<1x16xf32>,
      %get3A_384 = vector.shape_cast %get3A_383 : vector<1x16xf32> to vector<16xf32>
      %add3A_385 = arith.addf %scan3A_242, %get3A_384 : vector<16xf32>
      %get3A_386 = arith.index_cast %scan3A_214 : i32 to index
      %get3A_387 = arith.constant 448 : index
      %get3A_388 = tpu.vector_load %arg8[%get3A_386, %get3A_387] {strides = array<i32>} : memref<16x512xf32, #tpu.memory_space<vmem>>, vector<1x16xf32>,
      %get3A_389 = vector.shape_cast %get3A_388 : vector<1x16xf32> to vector<16xf32>
      %add3A_390 = arith.addf %scan3A_243, %get3A_389 : vector<16xf32>
      %get3A_391 = arith.index_cast %scan3A_214 : i32 to index
      %get3A_392 = arith.constant 464 : index
      %get3A_393 = tpu.vector_load %arg8[%get3A_391, %get3A_392] {strides = array<i32>} : memref<16x512xf32, #tpu.memory_space<vmem>>, vector<1x16xf32>,
      %get3A_394 = vector.shape_cast %get3A_393 : vector<1x16xf32> to vector<16xf32>
      %add3A_395 = arith.addf %scan3A_244, %get3A_394 : vector<16xf32>
      %get3A_396 = arith.index_cast %scan3A_214 : i32 to index
      %get3A_397 = arith.constant 480 : index
      %get3A_398 = tpu.vector_load %arg8[%get3A_396, %get3A_397] {strides = array<i32>} : memref<16x512xf32, #tpu.memory_space<vmem>>, vector<1x16xf32>,
      %get3A_399 = vector.shape_cast %get3A_398 : vector<1x16xf32> to vector<16xf32>
      %add3A_400 = arith.addf %scan3A_245, %get3A_399 : vector<16xf32>
      %get3A_401 = arith.index_cast %scan3A_214 : i32 to index
      %get3A_402 = arith.constant 496 : index
      %get3A_403 = tpu.vector_load %arg8[%get3A_401, %get3A_402] {strides = array<i32>} : memref<16x512xf32, #tpu.memory_space<vmem>>, vector<1x16xf32>,
      %get3A_404 = vector.shape_cast %get3A_403 : vector<1x16xf32> to vector<16xf32>
      %add3A_405 = arith.addf %scan3A_246, %get3A_404 : vector<16xf32>
      scf.yield %add3A, %add3A_255, %add3A_260, %add3A_265, %add3A_270, %add3A_275, %add3A_280, %add3A_285, %add3A_290, %add3A_295, %add3A_300, %add3A_305, %add3A_310, %add3A_315, %add3A_320, %add3A_325, %add3A_330, %add3A_335, %add3A_340, %add3A_345, %add3A_350, %add3A_355, %add3A_360, %add3A_365, %add3A_370, %add3A_375, %add3A_380, %add3A_385, %add3A_390, %add3A_395, %add3A_400, %add3A_405 : vector<16xf32>, vector<16xf32>, vector<16xf32>, vector<16xf32>, vector<16xf32>, vector<16xf32>, vector<16xf32>, vector<16xf32>, vector<16xf32>, vector<16xf32>, vector<16xf32>, vector<16xf32>, vector<16xf32>, vector<16xf32>, vector<16xf32>, vector<16xf32>, vector<16xf32>, vector<16xf32>, vector<16xf32>, vector<16xf32>, vector<16xf32>, vector<16xf32>, vector<16xf32>, vector<16xf32>, vector<16xf32>, vector<16xf32>, vector<16xf32>, vector<16xf32>, vector<16xf32>, vector<16xf32>, vector<16xf32>, vector<16xf32>
    }
    %scan3A_47 = arith.constant 16 : i32
    %get3A_48 = arith.index_cast %arg1 : i32 to index
    %get3A_49 = tpu.vector_load %arg7[%get3A_48] {strides = array<i32>} : memref<32xi32, #tpu.memory_space<vmem>>, vector<16xi32>,
    %get3A_50 = vector.shape_cast %get3A_49 : vector<16xi32> to vector<16xi32>
    %slice3A = vector.extract_strided_slice %get3A_50 {offsets = [0], sizes = [1], strides = [1]} : vector<16xi32> to vector<1xi32>
    %squeeze3A = vector.extract %slice3A[0] : i32 from vector<1xi32>
    %broadcast_in_dim3A_51 = arith.constant 1.000000e+00 : f32
    %broadcast_in_dim3A_52 = vector.broadcast %broadcast_in_dim3A_51 : f32 to vector<16xf32>
    %convert_element_type3A_53 = arith.sitofp %squeeze3A : i32 to f32
    %div3A = vector.broadcast %convert_element_type3A_53 : f32 to vector<16xf32>
    %div3A_54 = arith.divf %broadcast_in_dim3A_52, %div3A : vector<16xf32>
    %mul3A_55 = arith.mulf %scan3A_46#0, %div3A_54 : vector<16xf32>
    %swap3A = arith.constant 0 : index
    %swap3A_56 = tpu.vector_load %arg9[%swap3A] {strides = array<i32>} : memref<512xf32, #tpu.memory_space<vmem>>, vector<16xf32>,
    %swap3A_57 = vector.shape_cast %swap3A_56 : vector<16xf32> to vector<16xf32>
    %swap3A_58 = vector.shape_cast %mul3A_55 : vector<16xf32> to vector<16xf32>
    tpu.vector_store %arg9[%swap3A], %swap3A_58 {strides = array<i32>} : memref<512xf32, #tpu.memory_space<vmem>>, vector<16xf32>,
    %mul3A_59 = arith.mulf %scan3A_46#1, %div3A_54 : vector<16xf32>
    %swap3A_60 = arith.constant 16 : index
    %swap3A_61 = tpu.vector_load %arg9[%swap3A_60] {strides = array<i32>} : memref<512xf32, #tpu.memory_space<vmem>>, vector<16xf32>,
    %swap3A_62 = vector.shape_cast %swap3A_61 : vector<16xf32> to vector<16xf32>
    %swap3A_63 = vector.shape_cast %mul3A_59 : vector<16xf32> to vector<16xf32>
    tpu.vector_store %arg9[%swap3A_60], %swap3A_63 {strides = array<i32>} : memref<512xf32, #tpu.memory_space<vmem>>, vector<16xf32>,
    %mul3A_64 = arith.mulf %scan3A_46#2, %div3A_54 : vector<16xf32>
    %swap3A_65 = arith.constant 32 : index
    %swap3A_66 = tpu.vector_load %arg9[%swap3A_65] {strides = array<i32>} : memref<512xf32, #tpu.memory_space<vmem>>, vector<16xf32>,
    %swap3A_67 = vector.shape_cast %swap3A_66 : vector<16xf32> to vector<16xf32>
    %swap3A_68 = vector.shape_cast %mul3A_64 : vector<16xf32> to vector<16xf32>
    tpu.vector_store %arg9[%swap3A_65], %swap3A_68 {strides = array<i32>} : memref<512xf32, #tpu.memory_space<vmem>>, vector<16xf32>,
    %mul3A_69 = arith.mulf %scan3A_46#3, %div3A_54 : vector<16xf32>
    %swap3A_70 = arith.constant 48 : index
    %swap3A_71 = tpu.vector_load %arg9[%swap3A_70] {strides = array<i32>} : memref<512xf32, #tpu.memory_space<vmem>>, vector<16xf32>,
    %swap3A_72 = vector.shape_cast %swap3A_71 : vector<16xf32> to vector<16xf32>
    %swap3A_73 = vector.shape_cast %mul3A_69 : vector<16xf32> to vector<16xf32>
    tpu.vector_store %arg9[%swap3A_70], %swap3A_73 {strides = array<i32>} : memref<512xf32, #tpu.memory_space<vmem>>, vector<16xf32>,
    %mul3A_74 = arith.mulf %scan3A_46#4, %div3A_54 : vector<16xf32>
    %swap3A_75 = arith.constant 64 : index
    %swap3A_76 = tpu.vector_load %arg9[%swap3A_75] {strides = array<i32>} : memref<512xf32, #tpu.memory_space<vmem>>, vector<16xf32>,
    %swap3A_77 = vector.shape_cast %swap3A_76 : vector<16xf32> to vector<16xf32>
    %swap3A_78 = vector.shape_cast %mul3A_74 : vector<16xf32> to vector<16xf32>
    tpu.vector_store %arg9[%swap3A_75], %swap3A_78 {strides = array<i32>} : memref<512xf32, #tpu.memory_space<vmem>>, vector<16xf32>,
    %mul3A_79 = arith.mulf %scan3A_46#5, %div3A_54 : vector<16xf32>
    %swap3A_80 = arith.constant 80 : index
    %swap3A_81 = tpu.vector_load %arg9[%swap3A_80] {strides = array<i32>} : memref<512xf32, #tpu.memory_space<vmem>>, vector<16xf32>,
    %swap3A_82 = vector.shape_cast %swap3A_81 : vector<16xf32> to vector<16xf32>
    %swap3A_83 = vector.shape_cast %mul3A_79 : vector<16xf32> to vector<16xf32>
    tpu.vector_store %arg9[%swap3A_80], %swap3A_83 {strides = array<i32>} : memref<512xf32, #tpu.memory_space<vmem>>, vector<16xf32>,
    %mul3A_84 = arith.mulf %scan3A_46#6, %div3A_54 : vector<16xf32>
    %swap3A_85 = arith.constant 96 : index
    %swap3A_86 = tpu.vector_load %arg9[%swap3A_85] {strides = array<i32>} : memref<512xf32, #tpu.memory_space<vmem>>, vector<16xf32>,
    %swap3A_87 = vector.shape_cast %swap3A_86 : vector<16xf32> to vector<16xf32>
    %swap3A_88 = vector.shape_cast %mul3A_84 : vector<16xf32> to vector<16xf32>
    tpu.vector_store %arg9[%swap3A_85], %swap3A_88 {strides = array<i32>} : memref<512xf32, #tpu.memory_space<vmem>>, vector<16xf32>,
    %mul3A_89 = arith.mulf %scan3A_46#7, %div3A_54 : vector<16xf32>
    %swap3A_90 = arith.constant 112 : index
    %swap3A_91 = tpu.vector_load %arg9[%swap3A_90] {strides = array<i32>} : memref<512xf32, #tpu.memory_space<vmem>>, vector<16xf32>,
    %swap3A_92 = vector.shape_cast %swap3A_91 : vector<16xf32> to vector<16xf32>
    %swap3A_93 = vector.shape_cast %mul3A_89 : vector<16xf32> to vector<16xf32>
    tpu.vector_store %arg9[%swap3A_90], %swap3A_93 {strides = array<i32>} : memref<512xf32, #tpu.memory_space<vmem>>, vector<16xf32>,
    %mul3A_94 = arith.mulf %scan3A_46#8, %div3A_54 : vector<16xf32>
    %swap3A_95 = arith.constant 128 : index
    %swap3A_96 = tpu.vector_load %arg9[%swap3A_95] {strides = array<i32>} : memref<512xf32, #tpu.memory_space<vmem>>, vector<16xf32>,
    %swap3A_97 = vector.shape_cast %swap3A_96 : vector<16xf32> to vector<16xf32>
    %swap3A_98 = vector.shape_cast %mul3A_94 : vector<16xf32> to vector<16xf32>
    tpu.vector_store %arg9[%swap3A_95], %swap3A_98 {strides = array<i32>} : memref<512xf32, #tpu.memory_space<vmem>>, vector<16xf32>,
    %mul3A_99 = arith.mulf %scan3A_46#9, %div3A_54 : vector<16xf32>
    %swap3A_100 = arith.constant 144 : index
    %swap3A_101 = tpu.vector_load %arg9[%swap3A_100] {strides = array<i32>} : memref<512xf32, #tpu.memory_space<vmem>>, vector<16xf32>,
    %swap3A_102 = vector.shape_cast %swap3A_101 : vector<16xf32> to vector<16xf32>
    %swap3A_103 = vector.shape_cast %mul3A_99 : vector<16xf32> to vector<16xf32>
    tpu.vector_store %arg9[%swap3A_100], %swap3A_103 {strides = array<i32>} : memref<512xf32, #tpu.memory_space<vmem>>, vector<16xf32>,
    %mul3A_104 = arith.mulf %scan3A_46#10, %div3A_54 : vector<16xf32>
    %swap3A_105 = arith.constant 160 : index
    %swap3A_106 = tpu.vector_load %arg9[%swap3A_105] {strides = array<i32>} : memref<512xf32, #tpu.memory_space<vmem>>, vector<16xf32>,
    %swap3A_107 = vector.shape_cast %swap3A_106 : vector<16xf32> to vector<16xf32>
    %swap3A_108 = vector.shape_cast %mul3A_104 : vector<16xf32> to vector<16xf32>
    tpu.vector_store %arg9[%swap3A_105], %swap3A_108 {strides = array<i32>} : memref<512xf32, #tpu.memory_space<vmem>>, vector<16xf32>,
    %mul3A_109 = arith.mulf %scan3A_46#11, %div3A_54 : vector<16xf32>
    %swap3A_110 = arith.constant 176 : index
    %swap3A_111 = tpu.vector_load %arg9[%swap3A_110] {strides = array<i32>} : memref<512xf32, #tpu.memory_space<vmem>>, vector<16xf32>,
    %swap3A_112 = vector.shape_cast %swap3A_111 : vector<16xf32> to vector<16xf32>
    %swap3A_113 = vector.shape_cast %mul3A_109 : vector<16xf32> to vector<16xf32>
    tpu.vector_store %arg9[%swap3A_110], %swap3A_113 {strides = array<i32>} : memref<512xf32, #tpu.memory_space<vmem>>, vector<16xf32>,
    %mul3A_114 = arith.mulf %scan3A_46#12, %div3A_54 : vector<16xf32>
    %swap3A_115 = arith.constant 192 : index
    %swap3A_116 = tpu.vector_load %arg9[%swap3A_115] {strides = array<i32>} : memref<512xf32, #tpu.memory_space<vmem>>, vector<16xf32>,
    %swap3A_117 = vector.shape_cast %swap3A_116 : vector<16xf32> to vector<16xf32>
    %swap3A_118 = vector.shape_cast %mul3A_114 : vector<16xf32> to vector<16xf32>
    tpu.vector_store %arg9[%swap3A_115], %swap3A_118 {strides = array<i32>} : memref<512xf32, #tpu.memory_space<vmem>>, vector<16xf32>,
    %mul3A_119 = arith.mulf %scan3A_46#13, %div3A_54 : vector<16xf32>
    %swap3A_120 = arith.constant 208 : index
    %swap3A_121 = tpu.vector_load %arg9[%swap3A_120] {strides = array<i32>} : memref<512xf32, #tpu.memory_space<vmem>>, vector<16xf32>,
    %swap3A_122 = vector.shape_cast %swap3A_121 : vector<16xf32> to vector<16xf32>
    %swap3A_123 = vector.shape_cast %mul3A_119 : vector<16xf32> to vector<16xf32>
    tpu.vector_store %arg9[%swap3A_120], %swap3A_123 {strides = array<i32>} : memref<512xf32, #tpu.memory_space<vmem>>, vector<16xf32>,
    %mul3A_124 = arith.mulf %scan3A_46#14, %div3A_54 : vector<16xf32>
    %swap3A_125 = arith.constant 224 : index
    %swap3A_126 = tpu.vector_load %arg9[%swap3A_125] {strides = array<i32>} : memref<512xf32, #tpu.memory_space<vmem>>, vector<16xf32>,
    %swap3A_127 = vector.shape_cast %swap3A_126 : vector<16xf32> to vector<16xf32>
    %swap3A_128 = vector.shape_cast %mul3A_124 : vector<16xf32> to vector<16xf32>
    tpu.vector_store %arg9[%swap3A_125], %swap3A_128 {strides = array<i32>} : memref<512xf32, #tpu.memory_space<vmem>>, vector<16xf32>,
    %mul3A_129 = arith.mulf %scan3A_46#15, %div3A_54 : vector<16xf32>
    %swap3A_130 = arith.constant 240 : index
    %swap3A_131 = tpu.vector_load %arg9[%swap3A_130] {strides = array<i32>} : memref<512xf32, #tpu.memory_space<vmem>>, vector<16xf32>,
    %swap3A_132 = vector.shape_cast %swap3A_131 : vector<16xf32> to vector<16xf32>
    %swap3A_133 = vector.shape_cast %mul3A_129 : vector<16xf32> to vector<16xf32>
    tpu.vector_store %arg9[%swap3A_130], %swap3A_133 {strides = array<i32>} : memref<512xf32, #tpu.memory_space<vmem>>, vector<16xf32>,
    %mul3A_134 = arith.mulf %scan3A_46#16, %div3A_54 : vector<16xf32>
    %swap3A_135 = arith.constant 256 : index
    %swap3A_136 = tpu.vector_load %arg9[%swap3A_135] {strides = array<i32>} : memref<512xf32, #tpu.memory_space<vmem>>, vector<16xf32>,
    %swap3A_137 = vector.shape_cast %swap3A_136 : vector<16xf32> to vector<16xf32>
    %swap3A_138 = vector.shape_cast %mul3A_134 : vector<16xf32> to vector<16xf32>
    tpu.vector_store %arg9[%swap3A_135], %swap3A_138 {strides = array<i32>} : memref<512xf32, #tpu.memory_space<vmem>>, vector<16xf32>,
    %mul3A_139 = arith.mulf %scan3A_46#17, %div3A_54 : vector<16xf32>
    %swap3A_140 = arith.constant 272 : index
    %swap3A_141 = tpu.vector_load %arg9[%swap3A_140] {strides = array<i32>} : memref<512xf32, #tpu.memory_space<vmem>>, vector<16xf32>,
    %swap3A_142 = vector.shape_cast %swap3A_141 : vector<16xf32> to vector<16xf32>
    %swap3A_143 = vector.shape_cast %mul3A_139 : vector<16xf32> to vector<16xf32>
    tpu.vector_store %arg9[%swap3A_140], %swap3A_143 {strides = array<i32>} : memref<512xf32, #tpu.memory_space<vmem>>, vector<16xf32>,
    %mul3A_144 = arith.mulf %scan3A_46#18, %div3A_54 : vector<16xf32>
    %swap3A_145 = arith.constant 288 : index
    %swap3A_146 = tpu.vector_load %arg9[%swap3A_145] {strides = array<i32>} : memref<512xf32, #tpu.memory_space<vmem>>, vector<16xf32>,
    %swap3A_147 = vector.shape_cast %swap3A_146 : vector<16xf32> to vector<16xf32>
    %swap3A_148 = vector.shape_cast %mul3A_144 : vector<16xf32> to vector<16xf32>
    tpu.vector_store %arg9[%swap3A_145], %swap3A_148 {strides = array<i32>} : memref<512xf32, #tpu.memory_space<vmem>>, vector<16xf32>,
    %mul3A_149 = arith.mulf %scan3A_46#19, %div3A_54 : vector<16xf32>
    %swap3A_150 = arith.constant 304 : index
    %swap3A_151 = tpu.vector_load %arg9[%swap3A_150] {strides = array<i32>} : memref<512xf32, #tpu.memory_space<vmem>>, vector<16xf32>,
    %swap3A_152 = vector.shape_cast %swap3A_151 : vector<16xf32> to vector<16xf32>
    %swap3A_153 = vector.shape_cast %mul3A_149 : vector<16xf32> to vector<16xf32>
    tpu.vector_store %arg9[%swap3A_150], %swap3A_153 {strides = array<i32>} : memref<512xf32, #tpu.memory_space<vmem>>, vector<16xf32>,
    %mul3A_154 = arith.mulf %scan3A_46#20, %div3A_54 : vector<16xf32>
    %swap3A_155 = arith.constant 320 : index
    %swap3A_156 = tpu.vector_load %arg9[%swap3A_155] {strides = array<i32>} : memref<512xf32, #tpu.memory_space<vmem>>, vector<16xf32>,
    %swap3A_157 = vector.shape_cast %swap3A_156 : vector<16xf32> to vector<16xf32>
    %swap3A_158 = vector.shape_cast %mul3A_154 : vector<16xf32> to vector<16xf32>
    tpu.vector_store %arg9[%swap3A_155], %swap3A_158 {strides = array<i32>} : memref<512xf32, #tpu.memory_space<vmem>>, vector<16xf32>,
    %mul3A_159 = arith.mulf %scan3A_46#21, %div3A_54 : vector<16xf32>
    %swap3A_160 = arith.constant 336 : index
    %swap3A_161 = tpu.vector_load %arg9[%swap3A_160] {strides = array<i32>} : memref<512xf32, #tpu.memory_space<vmem>>, vector<16xf32>,
    %swap3A_162 = vector.shape_cast %swap3A_161 : vector<16xf32> to vector<16xf32>
    %swap3A_163 = vector.shape_cast %mul3A_159 : vector<16xf32> to vector<16xf32>
    tpu.vector_store %arg9[%swap3A_160], %swap3A_163 {strides = array<i32>} : memref<512xf32, #tpu.memory_space<vmem>>, vector<16xf32>,
    %mul3A_164 = arith.mulf %scan3A_46#22, %div3A_54 : vector<16xf32>
    %swap3A_165 = arith.constant 352 : index
    %swap3A_166 = tpu.vector_load %arg9[%swap3A_165] {strides = array<i32>} : memref<512xf32, #tpu.memory_space<vmem>>, vector<16xf32>,
    %swap3A_167 = vector.shape_cast %swap3A_166 : vector<16xf32> to vector<16xf32>
    %swap3A_168 = vector.shape_cast %mul3A_164 : vector<16xf32> to vector<16xf32>
    tpu.vector_store %arg9[%swap3A_165], %swap3A_168 {strides = array<i32>} : memref<512xf32, #tpu.memory_space<vmem>>, vector<16xf32>,
    %mul3A_169 = arith.mulf %scan3A_46#23, %div3A_54 : vector<16xf32>
    %swap3A_170 = arith.constant 368 : index
    %swap3A_171 = tpu.vector_load %arg9[%swap3A_170] {strides = array<i32>} : memref<512xf32, #tpu.memory_space<vmem>>, vector<16xf32>,
    %swap3A_172 = vector.shape_cast %swap3A_171 : vector<16xf32> to vector<16xf32>
    %swap3A_173 = vector.shape_cast %mul3A_169 : vector<16xf32> to vector<16xf32>
    tpu.vector_store %arg9[%swap3A_170], %swap3A_173 {strides = array<i32>} : memref<512xf32, #tpu.memory_space<vmem>>, vector<16xf32>,
    %mul3A_174 = arith.mulf %scan3A_46#24, %div3A_54 : vector<16xf32>
    %swap3A_175 = arith.constant 384 : index
    %swap3A_176 = tpu.vector_load %arg9[%swap3A_175] {strides = array<i32>} : memref<512xf32, #tpu.memory_space<vmem>>, vector<16xf32>,
    %swap3A_177 = vector.shape_cast %swap3A_176 : vector<16xf32> to vector<16xf32>
    %swap3A_178 = vector.shape_cast %mul3A_174 : vector<16xf32> to vector<16xf32>
    tpu.vector_store %arg9[%swap3A_175], %swap3A_178 {strides = array<i32>} : memref<512xf32, #tpu.memory_space<vmem>>, vector<16xf32>,
    %mul3A_179 = arith.mulf %scan3A_46#25, %div3A_54 : vector<16xf32>
    %swap3A_180 = arith.constant 400 : index
    %swap3A_181 = tpu.vector_load %arg9[%swap3A_180] {strides = array<i32>} : memref<512xf32, #tpu.memory_space<vmem>>, vector<16xf32>,
    %swap3A_182 = vector.shape_cast %swap3A_181 : vector<16xf32> to vector<16xf32>
    %swap3A_183 = vector.shape_cast %mul3A_179 : vector<16xf32> to vector<16xf32>
    tpu.vector_store %arg9[%swap3A_180], %swap3A_183 {strides = array<i32>} : memref<512xf32, #tpu.memory_space<vmem>>, vector<16xf32>,
    %mul3A_184 = arith.mulf %scan3A_46#26, %div3A_54 : vector<16xf32>
    %swap3A_185 = arith.constant 416 : index
    %swap3A_186 = tpu.vector_load %arg9[%swap3A_185] {strides = array<i32>} : memref<512xf32, #tpu.memory_space<vmem>>, vector<16xf32>,
    %swap3A_187 = vector.shape_cast %swap3A_186 : vector<16xf32> to vector<16xf32>
    %swap3A_188 = vector.shape_cast %mul3A_184 : vector<16xf32> to vector<16xf32>
    tpu.vector_store %arg9[%swap3A_185], %swap3A_188 {strides = array<i32>} : memref<512xf32, #tpu.memory_space<vmem>>, vector<16xf32>,
    %mul3A_189 = arith.mulf %scan3A_46#27, %div3A_54 : vector<16xf32>
    %swap3A_190 = arith.constant 432 : index
    %swap3A_191 = tpu.vector_load %arg9[%swap3A_190] {strides = array<i32>} : memref<512xf32, #tpu.memory_space<vmem>>, vector<16xf32>,
    %swap3A_192 = vector.shape_cast %swap3A_191 : vector<16xf32> to vector<16xf32>
    %swap3A_193 = vector.shape_cast %mul3A_189 : vector<16xf32> to vector<16xf32>
    tpu.vector_store %arg9[%swap3A_190], %swap3A_193 {strides = array<i32>} : memref<512xf32, #tpu.memory_space<vmem>>, vector<16xf32>,
    %mul3A_194 = arith.mulf %scan3A_46#28, %div3A_54 : vector<16xf32>
    %swap3A_195 = arith.constant 448 : index
    %swap3A_196 = tpu.vector_load %arg9[%swap3A_195] {strides = array<i32>} : memref<512xf32, #tpu.memory_space<vmem>>, vector<16xf32>,
    %swap3A_197 = vector.shape_cast %swap3A_196 : vector<16xf32> to vector<16xf32>
    %swap3A_198 = vector.shape_cast %mul3A_194 : vector<16xf32> to vector<16xf32>
    tpu.vector_store %arg9[%swap3A_195], %swap3A_198 {strides = array<i32>} : memref<512xf32, #tpu.memory_space<vmem>>, vector<16xf32>,
    %mul3A_199 = arith.mulf %scan3A_46#29, %div3A_54 : vector<16xf32>
    %swap3A_200 = arith.constant 464 : index
    %swap3A_201 = tpu.vector_load %arg9[%swap3A_200] {strides = array<i32>} : memref<512xf32, #tpu.memory_space<vmem>>, vector<16xf32>,
    %swap3A_202 = vector.shape_cast %swap3A_201 : vector<16xf32> to vector<16xf32>
    %swap3A_203 = vector.shape_cast %mul3A_199 : vector<16xf32> to vector<16xf32>
    tpu.vector_store %arg9[%swap3A_200], %swap3A_203 {strides = array<i32>} : memref<512xf32, #tpu.memory_space<vmem>>, vector<16xf32>,
    %mul3A_204 = arith.mulf %scan3A_46#30, %div3A_54 : vector<16xf32>
    %swap3A_205 = arith.constant 480 : index
    %swap3A_206 = tpu.vector_load %arg9[%swap3A_205] {strides = array<i32>} : memref<512xf32, #tpu.memory_space<vmem>>, vector<16xf32>,
    %swap3A_207 = vector.shape_cast %swap3A_206 : vector<16xf32> to vector<16xf32>
    %swap3A_208 = vector.shape_cast %mul3A_204 : vector<16xf32> to vector<16xf32>
    tpu.vector_store %arg9[%swap3A_205], %swap3A_208 {strides = array<i32>} : memref<512xf32, #tpu.memory_space<vmem>>, vector<16xf32>,
    %mul3A_209 = arith.mulf %scan3A_46#31, %div3A_54 : vector<16xf32>
    %swap3A_210 = arith.constant 496 : index
    %swap3A_211 = tpu.vector_load %arg9[%swap3A_210] {strides = array<i32>} : memref<512xf32, #tpu.memory_space<vmem>>, vector<16xf32>,
    %swap3A_212 = vector.shape_cast %swap3A_211 : vector<16xf32> to vector<16xf32>
    %swap3A_213 = vector.shape_cast %mul3A_209 : vector<16xf32> to vector<16xf32>
    tpu.vector_store %arg9[%swap3A_210], %swap3A_213 {strides = array<i32>} : memref<512xf32, #tpu.memory_space<vmem>>, vector<16xf32>,
    "tpu.region"() ({
      %run_scoped3A = tpu.sem_alloc : memref<!tpu.dma_semaphore, #tpu.memory_space<semaphore_mem>>
      %dma_start3A = tpu.memref_slice %arg4[%arg1, %mul3A_0] : memref<16x1024xf32, #tpu.memory_space<hbm>> -> memref<1x512xf32, #tpu.memory_space<hbm>>
      %dma_start3A_214 = tpu.memref_squeeze %dma_start3A : memref<1x512xf32, #tpu.memory_space<hbm>> -> memref<512xf32, #tpu.memory_space<hbm>>
      %dma_start3A_215 = tpu.memref_slice %arg4[%arg1, %mul3A_0] : memref<16x1024xf32, #tpu.memory_space<hbm>> -> memref<1x512xf32, #tpu.memory_space<hbm>>
      %dma_start3A_216 = tpu.memref_squeeze %dma_start3A_215 : memref<1x512xf32, #tpu.memory_space<hbm>> -> memref<512xf32, #tpu.memory_space<hbm>>
      tpu.enqueue_dma source(%arg9 : memref<512xf32, #tpu.memory_space<vmem>>) target(%dma_start3A_216 : memref<512xf32, #tpu.memory_space<hbm>>) target_semaphore(%run_scoped3A : memref<!tpu.dma_semaphore, #tpu.memory_space<semaphore_mem>>)
      %dma_wait3A = tpu.memref_slice %arg4[%arg1, %mul3A_0] : memref<16x1024xf32, #tpu.memory_space<hbm>> -> memref<1x512xf32, #tpu.memory_space<hbm>>
      %dma_wait3A_217 = tpu.memref_squeeze %dma_wait3A : memref<1x512xf32, #tpu.memory_space<hbm>> -> memref<512xf32, #tpu.memory_space<hbm>>
      %dma_wait3A_218 = tpu.memref_slice %arg4[%arg1, %mul3A_0] : memref<16x1024xf32, #tpu.memory_space<hbm>> -> memref<1x512xf32, #tpu.memory_space<hbm>>
      %dma_wait3A_219 = tpu.memref_squeeze %dma_wait3A_218 : memref<1x512xf32, #tpu.memory_space<hbm>> -> memref<512xf32, #tpu.memory_space<hbm>>
      tpu.wait_dma2 semaphore(%run_scoped3A : memref<!tpu.dma_semaphore, #tpu.memory_space<semaphore_mem>>) src(%arg9 : memref<512xf32, #tpu.memory_space<vmem>>) dst(%dma_wait3A_219 : memref<512xf32, #tpu.memory_space<hbm>>)
      tpu.yield
    }) : () -> ()
    return
  }
}

</mosaic_0001>

<sc_bundles>
// kernel: kernel.3.cloned.1.call-start
scs
__scs_entry_jumppad:
0x0: {  	(pc) =	sbr.rel $0x88, $3  }
0x1: {  	(tag) =	ssettag $0x0;
	lr =	simm.s32 $0x1  }
0x2: {  	[smem:$0x3F9F] =	sst lr;
	_ =	strace $0xD0000000  }
0x3: {  	_ = 	snop  }
0x4: {  	_ = 	snop  }
0x5: {  	_ = 	snop  }
0x6: {  	_ = 	snop  }
0x7: {  	_ = 	snop  }
__scs_overlays_trampoline_lowered:
0x8: {  	[smem:$0x3FAE] =	sst s0  }
0x9: {  	[smem:$0x3FAF] =	sst s1  }
0xa: {  	[smem:$0x3FB0] =	sst s2  }
0xb: {  	[smem:$0x3FB1] =	sst s3  }
0xc: {  	[smem:$0x3FB2] =	sst s4  }
0xd: {  	[smem:$0x3FB3] =	sst s5  }
0xe: {  	[smem:$0x3FB4] =	sst s6  }
0xf: {  	[smem:$0x3FB5] =	sst s7  }
0x10: {  	[smem:$0x3FB6] =	sst s8  }
0x11: {  	[smem:$0x3FB7] =	sst s9;
	s0 =	simm.s32 @!p0 $0x0  }
0x12: {  	s1 =	sld [smem:$0x3F9D];
	s0 =	simm.s32 @p0 $0x1  }
0x13: {  	[smem:$0x3FB8] =	sst s0;
	s0 =	simm.s32 @!p1 $0x0  }
0x14: {  	s2 =	sld [smem:$0x3F9C];
	s0 =	simm.s32 @p1 $0x1  }
0x15: {  	[smem:$0x3FB9] =	sst s0;
	s0 =	simm.s32 @!p2 $0x0  }
0x16: {  	s3 =	sld [smem:$0x3FDB];
	s0 =	simm.s32 @p2 $0x1  }
0x17: {  	s4 =	simm.s32 $0x1BF5;
	[smem:$0x3FBB] =	sst s0  }
0x18: {  	s0 =	sld [smem:$0x3F9E];
	_ =	swait.ge [sflag:s4], $0x0  }
0x19: {  	s7 =	sld [smem:$0x3F9F]  }
0x1a: {  	s8 =	sadd.s32 $0xFFFFE003, lr  }
0x1b: {  	s9 =	sadd.s32 $0xFFFFFEF7, lr;
	s5 =	simm.s32 $0xFFFFFFFF;
	p2 =	slt.u32 s8, $0xFFFFF086  }
0x1c: {  	p1 =	slt.u32 s9, $0xF7A;
	s5 =	simm.s32 @!p2 $0x0  }
0x1d: {  	s5 =	simm.s32 @p1 $0x1;
	p0 =	seq.s32 s7, s2  }
0x1e: {  	s7 =	smul.u32 @!p0 $0xF7A, s2;
	p2 =	seq.s32 @!p0 s5, $0x0  }
0x1f: {  	s9 =	smul.u32 $0xF7A, s1;
	s8 =	simm.s32 @!p0 $0x1BF5;
	p2 =	por !p2, p0  }
0x20: {  	[sflag:s8] =	ssyncset.s32 @!p0 $0xFFFFF086;
	s6 =	sadd.s32 @!p0 s3, s7;
	s7 =	simm.s32 @!p0 $0x108  }
0x21: {  	s3 =	sadd.s32 s3, s9;
	s6 =	sadd.s32 @!p0 $0x88, s6;
	s7 =	simm.s32 @p2 $0x1082  }
0x22: {  	[simem:s7], [sflag:s8] =	dma.local @!p0 [hbm:s6], $0xF7A  }
0x23: {  	s9 =	sor.u32 $0xD0000000, s2;
	s6 =	simm.s32 $0x108;
	_ =	swait.ge @!p0 [sflag:s8], $0x0  }
0x24: {  	s3 =	sadd.s32 $0x88, s3;
	s6 =	simm.s32 @!p1 $0x1082;
	[sflag:s4] =	ssyncset.s32 $0xFFFFF086  }
0x25: {  	[simem:s6], [sflag:s4] =	dma.local [hbm:s3], $0xF7A  }
0x26: {  	[smem:$0x3F9F] =	sst s1;
	(tag) =	ssettag s2;
	_ =	strace s9  }
0x27: {  	s1 =	sld [smem:$0x3FAF]  }
0x28: {  	s2 =	sld [smem:$0x3FB0]  }
0x29: {  	s4 =	sld [smem:$0x3FB2]  }
0x2a: {  	p0 =	seq.s32 s5, $0x0;
	s5 =	sld [smem:$0x3FB3]  }
0x2b: {  	s6 =	sld [smem:$0x3FB4]  }
0x2c: {  	s7 =	sld [smem:$0x3FB5]  }
0x2d: {  	s3 =	simm.s32 $0x108;
	s8 =	sld [smem:$0x3FB6]  }
0x2e: {  	s3 =	simm.s32 @!p0 $0x1082;
	s9 =	sld [smem:$0x3FB7]  }
0x2f: {  	lr =	sadd.s32 s0, s3;
	s0 =	sld [smem:$0x3FAE]  }
0x30: {  	s3 =	sld [smem:$0x3FB1]  }
0x31: {  	[smem:$0x3FBA] =	sst s10  }
0x32: {  	s10 =	sld [smem:$0x3FB8];
	_ =	sdelay $0x3  }
0x33: {  	p0 =	seq.s32 s10, $0x1;
	s10 =	sld [smem:$0x3FBA];
	_ =	sdelay $0x3  }
0x34: {  	[smem:$0x3FBA] =	sst s10  }
0x35: {  	s10 =	sld [smem:$0x3FB9];
	_ =	sdelay $0x3  }
0x36: {  	p1 =	seq.s32 s10, $0x1;
	s10 =	sld [smem:$0x3FBA];
	_ =	sdelay $0x3  }
0x37: {  	[smem:$0x3FBA] =	sst s10  }
0x38: {  	s10 =	sld [smem:$0x3FBB]  }
0x39: {  	_ = 	snop;
	(pc) =	sbr.ind lr, $3  }
0x3a: {  	_ = 	snop  }
0x3b: {  	_ = 	snop  }
0x3c: {  	p2 =	seq.s32 s10, $0x1;
	s10 =	sld [smem:$0x3FBA]  }
0x3d: {  	_ =	shalt  }
0x3e: {  	_ =	shalt  }
0x3f: {  	_ =	shalt  }
0x40: {  	_ =	shalt  }
0x41: {  	_ =	shalt  }
0x42: {  	_ =	shalt  }
0x43: {  	_ =	shalt  }
0x44: {  	_ =	shalt  }
0x45: {  	_ =	shalt  }
0x46: {  	_ =	shalt  }
0x47: {  	_ =	shalt  }
0x48: {  	_ =	shalt  }
0x49: {  	_ =	shalt  }
0x4a: {  	_ =	shalt  }
0x4b: {  	_ =	shalt  }
0x4c: {  	_ =	shalt  }
0x4d: {  	_ =	shalt  }
0x4e: {  	_ =	shalt  }
0x4f: {  	_ =	shalt  }
0x50: {  	_ =	shalt  }
0x51: {  	_ =	shalt  }
0x52: {  	_ =	shalt  }
0x53: {  	_ =	shalt  }
0x54: {  	_ =	shalt  }
0x55: {  	_ =	shalt  }
0x56: {  	_ =	shalt  }
0x57: {  	_ =	shalt  }
0x58: {  	_ =	shalt  }
0x59: {  	_ =	shalt  }
0x5a: {  	_ =	shalt  }
0x5b: {  	_ =	shalt  }
0x5c: {  	_ =	shalt  }
0x5d: {  	_ =	shalt  }
0x5e: {  	_ =	shalt  }
0x5f: {  	_ =	shalt  }
0x60: {  	_ =	shalt  }
0x61: {  	_ =	shalt  }
0x62: {  	_ =	shalt  }
0x63: {  	_ =	shalt  }
0x64: {  	_ =	shalt  }
0x65: {  	_ =	shalt  }
0x66: {  	_ =	shalt  }
0x67: {  	_ =	shalt  }
0x68: {  	_ =	shalt  }
0x69: {  	_ =	shalt  }
0x6a: {  	_ =	shalt  }
0x6b: {  	_ =	shalt  }
0x6c: {  	_ =	shalt  }
0x6d: {  	_ =	shalt  }
0x6e: {  	_ =	shalt  }
0x6f: {  	_ =	shalt  }
0x70: {  	_ =	shalt  }
0x71: {  	_ =	shalt  }
0x72: {  	_ =	shalt  }
0x73: {  	_ =	shalt  }
0x74: {  	_ =	shalt  }
0x75: {  	_ =	shalt  }
0x76: {  	_ =	shalt  }
0x77: {  	_ =	shalt  }
0x78: {  	_ =	shalt  }
0x79: {  	_ =	shalt  }
0x7a: {  	_ =	shalt  }
0x7b: {  	_ =	shalt  }
0x7c: {  	_ =	shalt  }
0x7d: {  	_ =	shalt  }
0x7e: {  	_ =	shalt  }
0x7f: {  	_ =	shalt  }
0x80: {  	_ =	shalt  }
0x81: {  	_ =	shalt  }
0x82: {  	_ =	shalt  }
0x83: {  	_ =	shalt  }
0x84: {  	_ =	shalt  }
0x85: {  	_ =	shalt  }
0x86: {  	_ =	shalt  }
0x87: {  	_ =	shalt  }
.Lfunc_end0:
.L_simem_size_0:
called_computation_lowered:
.L_overlay_start_0:
0x88: {  	s2 =	sld [smem:$0x3FD9]  }
0x89: {  	s3 =	sld [smem:$0x3FFE];
	_ =	sdelay $0x1  }
0x8a: {  	s1 =	srdreg.scid  }
0x8b: {  	s0 =	sand.u32 $0x1, s1  }
0x8c: {  	s18 =	sshll.u32 s0, $0xA;
	s2 =	sadd.s32 s3, s2  }
0x8d: {  	s2 =	sadd.s32 s2, s18  }
0x8e: {  	[smem:$0x3FC6] =	sst s2  }
0x8f: {  	_ = 	snop  }
0x90: {  	s2 =	sld [smem:$0x3FC9]  }
0x91: {  	s19 =	sld [smem:$0x3FC8]  }
0x92: {  	s4 =	sld [smem:$0x3FD0];
	(tm) =	ssettm $0x1  }
0x93: {  	s5 =	sld [smem:$0x3FFB];
	_ =	sdelay $0x3  }
0x94: {  	_ =	strace s5  }
0x95: {  	s5 =	sld [smem:$0x3FFC];
	_ =	sdelay $0x3  }
0x96: {  	_ =	strace s5  }
0x97: {  	s5 =	sld [smem:$0x3FFD];
	_ =	sdelay $0x3  }
0x98: {  	_ =	strace s5  }
0x99: {  	_ =	strace $0x8FFFFFFF  }
0x9a: {  	s20 =	sld [smem:$0x3FDB];
	_ =	sdelay $0x1  }
0x9b: {  	s6 =	simm.s32 $_scs_section_size  }
0x9c: {  	s7 =	simm.s32 $_size__tile_overlayer_lowered;
	s8 =	simm.s32 $_tile_overlayer_lowered  }
0x9d: {  	s23 =	simm.s32 $0x1BFF;
	s22 =	sshll.u32 s8, $0x1;
	s5 =	sadd.s32 s6, s20  }
0x9e: {  	s9 =	simm.s32 $0x0;
	s21 =	sshll.u32 s7, $0x1;
	s7 =	sadd.s32 s22, s5  }
0x9f: {  	[timem:s9], [sflag:s23] =	dma.local [hbm:s7], s21  }
0xa0: {  	_ =	swait.ge [sflag:s23], s21  }
0xa1: {  	s6 =	ssub.s32 $0x0, s21;
	[sflag:s23] =	ssyncset.done $0x0  }
0xa2: {  	[sflag:s23] =	ssyncadd.s32 s6;
	_ =	sdelay $0x1  }
0xa3: {  	s24 =	simm.s32 $0x1B8B  }
0xa4: {  	_ =	swait.ge [sflag:s24], $0x1  }
0xa5: {  	[sflag:s24] =	ssyncset.done $0x0  }
0xa6: {  	s25 =	simm.s32 $0x1B8E;
	[sflag:s24] =	ssyncadd.s32 $0xFFFFFFFF  }
0xa7: {  	s26 =	simm.s32 $execute0_lowered;
	[smem:$0x3FD2] =	sst s25  }
0xa8: {  	s6 =	sshll.u32 s26, $0x1;
	_ =	strace $0x80000046;
	[dreg:$0x1] =	wrdreg $0xFFFFFFFF  }
0xa9: {  	s28 =	simm.s32 $_size_execute0_lowered;
	s5 =	sadd.s32 s5, s6;
	[dreg:$0x0] =	wrdreg $0x0  }
0xaa: {  	s6 =	sshll.u32 s28, $0x1;
	[dreg:$0x2] =	wrdreg s5  }
0xab: {  	[dreg:$0x3] =	wrdreg s6  }
0xac: {  	[dreg:$0x4] =	wrdreg $0xC0  }
0xad: {  	_ =	task [dreg:s9], $0x5FFFF  }
0xae: {  	[dreg:$0x1] =	wrdreg $0xFFFFFFFF  }
0xaf: {  	[dreg:$0x0] =	wrdreg $0x60  }
0xb0: {  	[dreg:$0x2] =	wrdreg s2  }
0xb1: {  	[dreg:$0x3] =	wrdreg s19  }
0xb2: {  	[dreg:$0x4] =	wrdreg s4  }
0xb3: {  	[dreg:$0x5] =	wrdreg $0x1C2800  }
0xb4: {  	[dreg:$0x6] =	wrdreg $0x9  }
0xb5: {  	_ =	task.clear_ibuf [dreg:s9], $0x7FFFF;
	_ =	strace $0x90000046  }
0xb6: {  	s29 =	simm.s32 $0x9;
	_ =	strace $0x80000048  }
0xb7: {  	_ =	swait.ge [sflag:s29], $0x1  }
0xb8: {  	[sflag:s29] =	ssyncadd.s32 $0xFFFFFFFF  }
0xb9: {  	_ =	strace $0x90000048  }
0xba: {  	_ =	sfence  }
0xbb: {  	s30 =	sld [smem:$0x0];
	_ =	sdelay $0x2  }
0xbc: {  	s31 =	sshll.u32 s1, $0xD;
	s1 =	sshrl.u32 s1, $0x2  }
0xbd: {  	s3 =	sand.u32 $0x4000, s31;
	s1 =	sadd.s32 s1, s30  }
0xbe: {  	s0 =	sor.u32 s3, s0;
	s1 =	sshll.u32 s1, $0x11  }
0xbf: {  	s0 =	sor.u32 s1, s0  }
0xc0: {  	s0 =	sadd.s32 $0x8F2B, s0  }
0xc1: {  	[sflag:s0] =	ssyncadd.remote.s32 $0x1  }
0xc2: {  	_ =	sfence.sel $0xFFFF  }
0xc3: {  	[dreg:$0x0] =	wrdreg $0xFFFFFFFF;
	(pc) =	sbr.abs _section_cstart, $3  }
0xc4: {  	[dreg:$0x1] =	wrdreg $0xFFFFFFFF  }
0xc5: {  	_ =	task.clear_ibuf [dreg:s9], $0x2FFFF;
	_ =	strace $0x9FFFFFFF  }
0xc6: {  	(tm) =	ssettm $0x7FFFFFFF  }
0xc7: {  	_ =	shalt  }
tec
execute0_lowered:
.L_overlay_start_1:
0x0: {  	(tag) =	ssettag $0x1  }
0x1: {  	s1 =	rddreg [dreg:$0x0]  }
0x2: {  	s8 =	rddreg [dreg:$0x2]  }
0x3: {  	s7 =	rddreg [dreg:$0x3];
	s4 =	simm.s32 $0x0  }
0x4: {  	s5 =	srdreg.scid;
	s3 =	stileid.u32;
	s14 =	simm.s32 $0x80  }
0x5: {  	s15 =	simm.s32 $0x400;
	s16 =	simm.s32 $0x18000;
	s17 =	simm.s32 $0x10000  }
0x6: {  	s18 =	simm.s32 $0x1A080;
	s19 =	simm.s32 $0x1C080;
	s20 =	simm.s32 $0x0  }
0x7: {  	[smem:$0x7FF] =	sst s4;
	s5 =	sand.u32 $0x1, s5;
	s9 =	sshrl.u32 s3, $0x3  }
0x8: {  	s10 =	sshll.u32 s3, $0x7;
	s31 =	sshll.u32 s3, $0xC;
	_ =	strace $0x80000047  }
0x9: {  	s6 =	ssub.s32 $0x2, s5;
	s5 =	sshll.u32 s5, $0xC;
	s11 =	sshll.u32 s9, $0xD  }
0xa: {  	s10 =	sand.u32 $0x380, s10;
	s12 =	sshrl.u32 s6, $0x1;
	s11 =	sor.u32 s5, s11  }
0xb: {  	s29 =	sshll.u32 s9, $0x10;
	s12 =	ssub.s32 s6, s12;
	s30 =	sor.u32 s10, s11  }
0xc: {  	s6 =	sadd.s32 s29, s7;
	s7 =	sadd.s32 s31, s7;
	s11 =	simm.s32 $0x4  }
0xd: {  	s9 =	sshrl.u32 s30, $0x3;
	s6 =	sadd.s32 s10, s6;
	s10 =	simm.s32 $0x1A000  }
0xe: {  	v0 =	vimm.f32 $0.0e+00;
	s8 =	sadd.s32 s8, s9;
	s9 =	smax.u32 s12, $0x1;
	s12 =	simm.s32 $0x1000  }
.LBB2_1:
.Ltmp0:
0xf: {  	s0 =	rddreg [dreg:$0x1];
	(pc) =	sbr.rel .LBB2_2-.Ltmp0, $4  }
0x10: {  	[tilespmem:s10], [sflag:$0x4] =	stream.linear.gather [hbm4b:s0+s4], $0x10, $0x38;
	[tilespmem:$0x1E280] =	vst v63  }
0x11: {  	_ =	swait.ge [sflag:s11], $0x10  }
0x12: {  	s22 =	stileid.u32;
	[sflag:s11] =	ssyncset.done $0x0  }
0x13: {  	s21 =	simm.s32 $0x0;
	s23 =	simm.s32 $0x0;
	[sflag:s11] =	ssyncadd.s32 $0xFFFFFFF0  }
.LBB2_5:
0x14: {  	s21 =	sadd.s32 $0x1, s21  }
.LBB2_6:
0x15: {  	s23 =	sadd.s32 $0x1, s23  }
0x16: {  	p0 =	sne.s32 s23, $0x10  }
.Ltmp1:
0x17: {  	_ = 	snop;
	(pc) =	sbr.rel @!p0 .LBB2_7-.Ltmp1, $2  }
0x18: {  	_ =	sdelay $0x2  }
0x19: {  	s22 =	sadd.s32 $0x1, s22  }
.LBB2_2:
0x1a: {  	v1 =	vld [tilespmem:s23+$0x1A000];
	_ =	sdelay $0x4  }
0x1b: {  	(v2sf) =	vpush v1, $0x0;
	_ =	sdelay $0xe  }
0x1c: {  	s25 =	spop (v2sf)  }
0x1d: {  	s24 =	sadd.s32 $0x3FF, s25  }
0x1e: {  	s26 =	sand.u32 $0x3FF, s24  }
0x1f: {  	s28 =	sshra.s32 s24, $0x1F;
	p0 =	slt.s32 s24, $0x1;
	p1 =	sne.s32 s26, $0x0  }
0x20: {  	s30 =	sshrl.u32 s28, $0x16;
	p0 =	por !p0, !p1  }
0x21: {  	s26 =	simm.s32 $0x1;
	s24 =	sadd.s32 s30, s24;
	p0 =	por !p0, !p0  }
0x22: {  	s24 =	sshra.s32 s24, $0xA;
	s26 =	simm.s32 @!p0 $0x0  }
0x23: {  	s28 =	sadd.s32 s3, s23;
	s26 =	ssub.s32 s24, s26  }
0x24: {  	s28 =	sand.u32 $0xF, s28;
	s24 =	sshll.u32 s26, $0x6  }
0x25: {  	s28 =	smul.u32 s28, s24;
	_ =	sdelay $0x1  }
0x26: {  	s28 =	ssub.s32 s25, s28  }
0x27: {  	p0 =	sgt.s32 s28, $0x0  }
0x28: {  	s28 =	simm.s32 @!p0 $0x0  }
0x29: {  	p0 =	slt.s32 s24, s28  }
0x2a: {  	s28 =	smov.u32 @p0 s24  }
0x2b: {  	s28 =	sadd.s32 $0x3F, s28  }
0x2c: {  	s29 =	sand.u32 $0x3F, s28  }
0x2d: {  	p6 =	slt.s32 s26, $0x0;
	s31 =	sshra.s32 s28, $0x1F;
	p5 =	sne.s32 s29, $0x0  }
0x2e: {  	s29 =	sshrl.u32 s31, $0x1A;
	p0 =	por !p6, !p5  }
0x2f: {  	s28 =	sadd.s32 s29, s28;
	s29 =	simm.s32 $0x1;
	p0 =	por !p0, !p0  }
0x30: {  	s28 =	sshra.s32 s28, $0x6;
	s29 =	simm.s32 @!p0 $0x0  }
0x31: {  	s28 =	ssub.s32 s28, s29  }
0x32: {  	p0 =	slt.s32 s28, $0x1  }
.Ltmp2:
0x33: {  	_ = 	snop;
	(pc) =	sbr.rel @p0 .LBB2_6-.Ltmp2, $1  }
0x34: {  	_ =	sdelay $0x3  }
0x35: {  	s29 =	sand.u32 $0xF, s22  }
0x36: {  	s26 =	smul.u32 s29, s26;
	_ =	sdelay $0x1  }
0x37: {  	s29 =	sshll.u32 s26, $0x6  }
0x38: {  	s25 =	ssub.s32 s25, s29  }
0x39: {  	p0 =	sgt.s32 s25, $0x0  }
0x3a: {  	s31 =	sshll.u32 s21, $0x2;
	s25 =	simm.s32 @!p0 $0x0  }
0x3b: {  	p2 =	sne.s32 s28, $0x1;
	s26 =	sshra.s32 s31, $0x2;
	p0 =	slt.s32 s25, s24  }
0x3c: {  	s30 =	smov.u32 s29;
	s24 =	smov.u32 @p0 s25;
	p0 =	slt.s32 s29, $0x7C0  }
.Ltmp3:
0x3d: {  	p1 =	slt.s32 s24, $0x40;
	s25 =	smov.u32 s24;
	(pc) =	sbr.rel @!p2 .LBB2_5-.Ltmp3, $4  }
0x3e: {  	[smem:s26] =	sst s23;
	s30 =	simm.s32 @!p0 $0x7C0;
	s25 =	simm.s32 @!p1 $0x40  }
0x3f: {  	s0 =	ssub.s32 s29, s30;
	[smem:s21+$0x80] =	sst s30;
	s31 =	sadd.s32 s29, s25  }
0x40: {  	s25 =	sadd.s32 $0xFFFFFFFF, s28;
	[smem:s21+$0x100] =	sst s0;
	s28 =	ssub.s32 s31, s30  }
0x41: {  	s26 =	sadd.s32 $0x1, s26;
	[smem:s21+$0x180] =	sst s28;
	s28 =	sadd.s32 $0x40, s29  }
.LBB2_4:
0x42: {  	p1 =	slt.s32 s28, $0x7C0;
	[smem:s26] =	sst s23;
	s24 =	sadd.s32 $0xFFFFFFC0, s24  }
0x43: {  	p0 =	sne.s32 s25, $0x1;
	s25 =	sadd.s32 $0xFFFFFFFF, s25;
	s29 =	smov.u32 s28  }
.Ltmp4:
0x44: {  	p2 =	slt.s32 s24, $0x40;
	s0 =	smov.u32 s24;
	(pc) =	sbr.rel @p0 .LBB2_4-.Ltmp4, $4  }
0x45: {  	s21 =	sadd.s32 $0x1, s21;
	s29 =	simm.s32 @!p1 $0x7C0;
	s0 =	simm.s32 @!p2 $0x40  }
0x46: {  	s30 =	ssub.s32 s28, s29;
	s0 =	sadd.s32 s28, s0;
	[smem:s21+$0x80] =	sst s29  }
0x47: {  	s0 =	ssub.s32 s0, s29;
	[smem:s21+$0x100] =	sst s30  }
0x48: {  	s26 =	sadd.s32 $0x1, s26;
	s28 =	sadd.s32 $0x40, s28;
	[smem:s21+$0x180] =	sst s0  }
.Ltmp5:
0x49: {  	_ = 	snop;
	(pc) =	sbr.rel .LBB2_5-.Ltmp5, $1  }
0x4a: {  	_ =	sdelay $0x3  }
.LBB2_7:
0x4b: {  	s22 =	simm.s32 $0x0;
	s23 =	simm.s32 $0x800  }
.LBB2_8:
0x4c: {  	p0 =	sne.s32 s23, $0x7800;
	[tilespmem:s22+$0x181F0] =	vst v0  }
0x4d: {  	[tilespmem:s22+$0x18000] =	vst v0  }
0x4e: {  	[tilespmem:s22+$0x18010] =	vst v0  }
0x4f: {  	[tilespmem:s22+$0x18020] =	vst v0  }
0x50: {  	[tilespmem:s22+$0x18030] =	vst v0  }
0x51: {  	[tilespmem:s22+$0x18040] =	vst v0  }
0x52: {  	[tilespmem:s22+$0x18050] =	vst v0  }
0x53: {  	[tilespmem:s22+$0x18060] =	vst v0  }
0x54: {  	[tilespmem:s22+$0x18070] =	vst v0  }
0x55: {  	[tilespmem:s22+$0x18080] =	vst v0  }
0x56: {  	[tilespmem:s22+$0x18090] =	vst v0  }
0x57: {  	[tilespmem:s22+$0x180A0] =	vst v0  }
0x58: {  	[tilespmem:s22+$0x180B0] =	vst v0  }
0x59: {  	[tilespmem:s22+$0x180C0] =	vst v0  }
0x5a: {  	[tilespmem:s22+$0x180D0] =	vst v0  }
0x5b: {  	[tilespmem:s22+$0x180E0] =	vst v0  }
0x5c: {  	[tilespmem:s22+$0x180F0] =	vst v0  }
0x5d: {  	[tilespmem:s22+$0x18100] =	vst v0  }
0x5e: {  	[tilespmem:s22+$0x18110] =	vst v0  }
0x5f: {  	[tilespmem:s22+$0x18120] =	vst v0  }
0x60: {  	[tilespmem:s22+$0x18130] =	vst v0  }
0x61: {  	[tilespmem:s22+$0x18140] =	vst v0  }
0x62: {  	[tilespmem:s22+$0x18150] =	vst v0  }
0x63: {  	[tilespmem:s22+$0x18160] =	vst v0  }
0x64: {  	[tilespmem:s22+$0x18170] =	vst v0  }
0x65: {  	[tilespmem:s22+$0x18180] =	vst v0  }
0x66: {  	[tilespmem:s22+$0x18190] =	vst v0  }
.Ltmp6:
0x67: {  	[tilespmem:s22+$0x181A0] =	vst v0;
	(pc) =	sbr.rel @p0 .LBB2_8-.Ltmp6, $4  }
0x68: {  	[tilespmem:s22+$0x181B0] =	vst v0  }
0x69: {  	[tilespmem:s22+$0x181C0] =	vst v0  }
0x6a: {  	[tilespmem:s22+$0x181D0] =	vst v0  }
0x6b: {  	[tilespmem:s22+$0x181E0] =	vst v0;
	s22 =	sshra.s32 s23, $0x2;
	s23 =	sadd.s32 $0x800, s23  }
0x6c: {  	[tilespmem:s22+$0x181F0] =	vst v0  }
0x6d: {  	[tilespmem:s22+$0x18000] =	vst v0  }
0x6e: {  	[tilespmem:s22+$0x18010] =	vst v0  }
0x6f: {  	[tilespmem:s22+$0x18020] =	vst v0  }
0x70: {  	[tilespmem:s22+$0x18030] =	vst v0  }
0x71: {  	[tilespmem:s22+$0x18040] =	vst v0  }
0x72: {  	[tilespmem:s22+$0x18050] =	vst v0  }
0x73: {  	[tilespmem:s22+$0x18060] =	vst v0  }
0x74: {  	[tilespmem:s22+$0x18070] =	vst v0  }
0x75: {  	[tilespmem:s22+$0x18080] =	vst v0  }
0x76: {  	[tilespmem:s22+$0x18090] =	vst v0  }
0x77: {  	[tilespmem:s22+$0x180A0] =	vst v0  }
0x78: {  	[tilespmem:s22+$0x180B0] =	vst v0  }
0x79: {  	[tilespmem:s22+$0x180C0] =	vst v0  }
0x7a: {  	[tilespmem:s22+$0x180D0] =	vst v0  }
0x7b: {  	[tilespmem:s22+$0x180E0] =	vst v0  }
0x7c: {  	[tilespmem:s22+$0x180F0] =	vst v0  }
0x7d: {  	[tilespmem:s22+$0x18100] =	vst v0  }
0x7e: {  	[tilespmem:s22+$0x18110] =	vst v0  }
0x7f: {  	[tilespmem:s22+$0x18120] =	vst v0  }
0x80: {  	[tilespmem:s22+$0x18130] =	vst v0  }
0x81: {  	[tilespmem:s22+$0x18140] =	vst v0  }
0x82: {  	[tilespmem:s22+$0x18150] =	vst v0  }
0x83: {  	[tilespmem:s22+$0x18160] =	vst v0  }
0x84: {  	[tilespmem:s22+$0x18170] =	vst v0  }
0x85: {  	[tilespmem:s22+$0x18180] =	vst v0  }
0x86: {  	[tilespmem:s22+$0x18190] =	vst v0;
	p0 =	slt.s32 s21, $0x1  }
.Ltmp7:
0x87: {  	[tilespmem:s22+$0x181A0] =	vst v0;
	(pc) =	sbr.rel @p0 .LBB2_22-.Ltmp7, $4  }
0x88: {  	[tilespmem:s22+$0x181B0] =	vst v0  }
0x89: {  	[tilespmem:s22+$0x181C0] =	vst v0  }
0x8a: {  	[tilespmem:s22+$0x181D0] =	vst v0  }
0x8b: {  	[tilespmem:s22+$0x181E0] =	vst v0  }
0x8c: {  	s0 =	sld [smem:$0x80]  }
0x8d: {  	s22 =	sld [smem:$0x0];
	_ =	sdelay $0x1  }
0x8e: {  	s0 =	sshll.u32 s0, $0xA  }
0x8f: {  	s22 =	sshll.u32 s22, $0x15;
	s0 =	sand.u32 $0x7FFFE000, s0  }
0x90: {  	s0 =	sadd.s32 s22, s0  }
0x91: {  	p0 =	seq.s32 s21, $0x1;
	s0 =	sor.u32 s5, s0  }
0x92: {  	v2 =	vimm.f32 $0.0e+00;
	v1 =	vimm.f32 $0.0e+00;
	s22 =	sld @!p0 [smem:$0x81];
	s0 =	sshrl.u32 s0, $0x3  }
0x93: {  	s2 =	simm.s32 $0x2000;
	v3 =	vimm.f32 $0.0e+00;
	v4 =	vimm.f32 $0.0e+00;
	v5 =	vimm.f32 $0.0e+00;
	s23 =	sld @!p0 [smem:$0x1];
	s0 =	sadd.s32 s1, s0  }
0x94: {  	v6 =	vimm.f32 $0.0e+00;
	v7 =	vimm.f32 $0.0e+00;
	v9 =	vimm.f32 $0.0e+00;
	[tilespmem:s4], [sflag:$0x1] =	stream.strided.gather [hbm4b:s0+s12], $0x8000, s2, s12, $0x38;
	[tilespmem:$0x1E280] =	vst v63  }
0x95: {  	v11 =	vimm.f32 $0.0e+00;
	v13 =	vimm.f32 $0.0e+00;
	v8 =	vimm.f32 $0.0e+00;
	s0 =	sshll.u32 @!p0 s22, $0xA  }
0x96: {  	v10 =	vimm.f32 $0.0e+00;
	v12 =	vimm.f32 $0.0e+00;
	v14 =	vimm.f32 $0.0e+00;
	s22 =	sshll.u32 @!p0 s23, $0x15;
	s0 =	sand.u32 @!p0 $0x7FFFE000, s0  }
0x97: {  	v15 =	vimm.f32 $0.0e+00;
	v16 =	vimm.f32 $0.0e+00;
	v17 =	vimm.f32 $0.0e+00;
	s0 =	sadd.s32 @!p0 s22, s0  }
.Ltmp8:
0x98: {  	v18 =	vimm.f32 $0.0e+00;
	v19 =	vimm.f32 $0.0e+00;
	v20 =	vimm.f32 $0.0e+00;
	s0 =	sor.u32 @!p0 s5, s0;
	(pc) =	sbr.rel .LBB2_11-.Ltmp8, $4  }
0x99: {  	v21 =	vimm.f32 $0.0e+00;
	v22 =	vimm.f32 $0.0e+00;
	v23 =	vimm.f32 $0.0e+00;
	s24 =	simm.s32 @!p0 $0x8000;
	s0 =	sshrl.u32 @!p0 s0, $0x3  }
0x9a: {  	v24 =	vimm.f32 $0.0e+00;
	v25 =	vimm.f32 $0.0e+00;
	v26 =	vimm.f32 $0.0e+00;
	s23 =	simm.s32 @!p0 $0x2000;
	s22 =	simm.s32 @!p0 $0x1000;
	s0 =	sadd.s32 @!p0 s1, s0  }
0x9b: {  	v27 =	vimm.f32 $0.0e+00;
	v28 =	vimm.f32 $0.0e+00;
	v29 =	vimm.f32 $0.0e+00;
	[tilespmem:s24], [sflag:$0x2] =	stream.strided.gather @!p0 [hbm4b:s0+s22], $0x8000, s23, s22, $0x38;
	[tilespmem:$0x1E280] =	vst v63  }
0x9c: {  	v30 =	vimm.f32 $0.0e+00;
	v31 =	vimm.f32 $0.0e+00;
	v32 =	vimm.f32 $0.0e+00;
	s22 =	simm.s32 $0x0;
	s23 =	sld [smem:$0x0]  }
.LBB2_15:
0x9d: {  	v33 =	vmovc v13;
	v34 =	vmov v11;
	v35 =	vmov v9;
	v36 =	vmov v7  }
0x9e: {  	s28 =	smov.u32 s25;
	s29 =	smov.u32 s24;
	v37 =	vmovc v6;
	v38 =	vmovc v5;
	v39 =	vmov v4;
	v40 =	vmov v3;
	v41 =	vmov v2  }
.LBB2_19:
0x9f: {  	s0 =	sadd.s32 @p0 $0x200, s28  }
0xa0: {  	v47 =	vld @p0 [tilespmem:s26+$0xC30];
	s25 =	smov.u32 @p0 s0;
	s0 =	sadd.s32 @p0 $0x80, s29  }
0xa1: {  	v48 =	vld @p0 [tilespmem:s26+$0xC40];
	s2 =	sand.u32 $0xFFFFF000, s25;
	s24 =	smov.u32 @p0 s0  }
0xa2: {  	v49 =	vld @p0 [tilespmem:s26+$0xC50];
	s0 =	sand.u32 $0x380, s24;
	s2 =	sadd.s32 s2, s31  }
0xa3: {  	v50 =	vld @p0 [tilespmem:s26+$0xC60];
	s24 =	sadd.s32 s0, s2  }
0xa4: {  	v51 =	vld [tilespmem:s24+$0xC70]  }
0xa5: {  	v52 =	vld [tilespmem:s24+$0x0]  }
0xa6: {  	v53 =	vld [tilespmem:s24+$0x10]  }
0xa7: {  	v54 =	vld [tilespmem:s24+$0x20]  }
0xa8: {  	v55 =	vld [tilespmem:s24+$0x30]  }
0xa9: {  	v56 =	vld [tilespmem:s24+$0x40]  }
0xaa: {  	v57 =	vld [tilespmem:s24+$0x50]  }
0xab: {  	v58 =	vld [tilespmem:s24+$0x60]  }
0xac: {  	v59 =	vld [tilespmem:s24+$0x70]  }
0xad: {  	v60 =	vld [tilespmem:s24+$0x400]  }
0xae: {  	v61 =	vld [tilespmem:s24+$0x410]  }
0xaf: {  	v62 =	vld [tilespmem:s24+$0x420]  }
0xb0: {  	v63 =	vld [tilespmem:s24+$0x430]  }
0xb1: {  	v2 =	vld [tilespmem:s24+$0x440]  }
0xb2: {  	v3 =	vld [tilespmem:s24+$0x450]  }
0xb3: {  	v33 =	vadd.f32 @p0 v42, v33;
	v42 =	vld [tilespmem:s24+$0x460]  }
0xb4: {  	v34 =	vadd.f32 @p0 v43, v34;
	v43 =	vld [tilespmem:s24+$0x470]  }
0xb5: {  	v35 =	vadd.f32 @p0 v44, v35;
	v44 =	vld [tilespmem:s24+$0x800]  }
0xb6: {  	v36 =	vadd.f32 @p0 v45, v36;
	v45 =	vld [tilespmem:s24+$0x810]  }
0xb7: {  	v37 =	vadd.f32 @p0 v46, v37;
	v46 =	vld [tilespmem:s24+$0x820]  }
0xb8: {  	v38 =	vadd.f32 @p0 v47, v38;
	v47 =	vld [tilespmem:s24+$0x830]  }
0xb9: {  	v39 =	vadd.f32 @p0 v48, v39;
	v48 =	vld [tilespmem:s24+$0x840]  }
0xba: {  	v40 =	vadd.f32 @p0 v49, v40;
	v41 =	vadd.f32 @p0 v50, v41;
	v49 =	vld [tilespmem:s24+$0x850]  }
0xbb: {  	v1 =	vadd.f32 v51, v1;
	v28 =	vadd.f32 v56, v28;
	v56 =	vld [tilespmem:s24+$0x860]  }
0xbc: {  	v32 =	vadd.f32 v52, v32;
	v27 =	vadd.f32 v57, v27;
	v57 =	vld [tilespmem:s24+$0x870]  }
0xbd: {  	v31 =	vadd.f32 v53, v31;
	v26 =	vadd.f32 v58, v26;
	v58 =	vld [tilespmem:s24+$0xC00]  }
0xbe: {  	v30 =	vadd.f32 v54, v30;
	v20 =	vadd.f32 v2, v20;
	v2 =	vld [tilespmem:s24+$0xC10]  }
0xbf: {  	v29 =	vadd.f32 v55, v29;
	v19 =	vadd.f32 v3, v19;
	v3 =	vld [tilespmem:s24+$0xC20]  }
0xc0: {  	v25 =	vadd.f32 v59, v25;
	v24 =	vadd.f32 v60, v24;
	v59 =	vld [tilespmem:s24+$0xC30]  }
0xc1: {  	v13 =	vpsel p0, v33, v13;
	v23 =	vadd.f32 v61, v23;
	v22 =	vadd.f32 v62, v22;
	v60 =	vld [tilespmem:s24+$0xC40]  }
0xc2: {  	v11 =	vpsel p0, v34, v11;
	v21 =	vadd.f32 v63, v21;
	v18 =	vadd.f32 v42, v18;
	v61 =	vld [tilespmem:s24+$0xC50]  }
0xc3: {  	v7 =	vpsel p0, v36, v7;
	v17 =	vadd.f32 v43, v17;
	v16 =	vadd.f32 v44, v16;
	v63 =	vld [tilespmem:$0x1FFF0]  }
0xc4: {  	v9 =	vpsel p0, v35, v9;
	v15 =	vadd.f32 v45, v15;
	v7 =	vadd.f32 v2, v7;
	v2 =	vld [tilespmem:$0x1FFE0]  }
0xc5: {  	v6 =	vpsel p0, v37, v6;
	v14 =	vadd.f32 v46, v14;
	v12 =	vadd.f32 v47, v12;
	v62 =	vld [tilespmem:s24+$0xC60]  }
0xc6: {  	v5 =	vpsel p0, v38, v5;
	v10 =	vadd.f32 v48, v10;
	v8 =	vadd.f32 v49, v8  }
0xc7: {  	v4 =	vpsel p0, v39, v4;
	v13 =	vadd.f32 v56, v13;
	v11 =	vadd.f32 v57, v11  }
0xc8: {  	v9 =	vadd.f32 v58, v9;
	v35 =	vpsel p0, v40, v63;
	v6 =	vadd.f32 v3, v6  }
0xc9: {  	v5 =	vadd.f32 v59, v5;
	v4 =	vadd.f32 v60, v4;
	v2 =	vpsel p0, v41, v2  }
0xca: {  	v3 =	vadd.f32 v61, v35;
	v2 =	vadd.f32 v62, v2  }
.LBB2_20:
0xcb: {  	s22 =	sadd.s32 $0x1, s22  }
0xcc: {  	p0 =	sne.s32 s22, s21  }
.Ltmp9:
0xcd: {  	_ = 	snop;
	(pc) =	sbr.rel @!p0 .LBB2_21-.Ltmp9, $1  }
0xce: {  	_ =	sdelay $0x3  }
.LBB2_11:
0xcf: {  	_ =	sdelay $0x1  }
0xd0: {  	s0 =	smov.u32 s23;
	s23 =	sld [smem:s22+$0x0];
	_ =	sdelay $0x2  }
0xd1: {  	p0 =	seq.s32 s23, s0  }
0xd2: {  	s0 =	sshll.u32 @!p0 s0, $0xB  }
0xd3: {  	s25 =	sshra.s32 @!p0 s0, $0x2  }
0xd4: {  	[tilespmem:s25+$0x18000] =	vst @!p0 v32  }
0xd5: {  	[tilespmem:s25+$0x18010] =	vst @!p0 v31  }
0xd6: {  	[tilespmem:s25+$0x18020] =	vst @!p0 v30  }
0xd7: {  	[tilespmem:s25+$0x18030] =	vst @!p0 v29  }
0xd8: {  	[tilespmem:s25+$0x18040] =	vst @!p0 v28  }
0xd9: {  	[tilespmem:s25+$0x18050] =	vst @!p0 v27  }
0xda: {  	[tilespmem:s25+$0x18060] =	vst @!p0 v26  }
0xdb: {  	[tilespmem:s25+$0x18070] =	vst @!p0 v25  }
0xdc: {  	[tilespmem:s25+$0x18080] =	vst @!p0 v24  }
0xdd: {  	[tilespmem:s25+$0x18090] =	vst @!p0 v23  }
0xde: {  	[tilespmem:s25+$0x180A0] =	vst @!p0 v22  }
0xdf: {  	[tilespmem:s25+$0x180B0] =	vst @!p0 v21  }
0xe0: {  	[tilespmem:s25+$0x180C0] =	vst @!p0 v20  }
0xe1: {  	[tilespmem:s25+$0x180D0] =	vst @!p0 v19  }
0xe2: {  	[tilespmem:s25+$0x180E0] =	vst @!p0 v18  }
0xe3: {  	[tilespmem:s25+$0x180F0] =	vst @!p0 v17  }
0xe4: {  	[tilespmem:s25+$0x18100] =	vst @!p0 v16  }
0xe5: {  	[tilespmem:s25+$0x18110] =	vst @!p0 v15  }
0xe6: {  	[tilespmem:s25+$0x18120] =	vst @!p0 v14  }
0xe7: {  	s0 =	simm.f32 $1.000000000e+00;
	[tilespmem:s25+$0x18130] =	vst @!p0 v12  }
0xe8: {  	s0 =	simm.s32 @!p0 $0x0;
	[tilespmem:s25+$0x18140] =	vst @!p0 v10  }
0xe9: {  	[tilespmem:s25+$0x18150] =	vst @!p0 v8;
	v32 =	vmul.f32 s0, v32;
	v31 =	vmul.f32 s0, v31  }
0xea: {  	s24 =	smulhi.u32 $0xAAAAAAAB, s22;
	[tilespmem:s25+$0x18160] =	vst @!p0 v13;
	v30 =	vmul.f32 s0, v30;
	v29 =	vmul.f32 s0, v29  }
0xeb: {  	[tilespmem:s25+$0x18170] =	vst @!p0 v11;
	v28 =	vmul.f32 s0, v28;
	v27 =	vmul.f32 s0, v27  }
0xec: {  	s24 =	sshrl.u32 s24, $0x1;
	[tilespmem:s25+$0x18180] =	vst @!p0 v9;
	v26 =	vmul.f32 s0, v26;
	v25 =	vmul.f32 s0, v25  }
0xed: {  	s24 =	smul.u32 $0x3, s24;
	[tilespmem:s25+$0x18190] =	vst @!p0 v7;
	v24 =	vmul.f32 s0, v24;
	v23 =	vmul.f32 s0, v23  }
0xee: {  	[tilespmem:s25+$0x181A0] =	vst @!p0 v6;
	v22 =	vmul.f32 s0, v22;
	v21 =	vmul.f32 s0, v21  }
0xef: {  	s24 =	ssub.s32 s22, s24;
	[tilespmem:s25+$0x181B0] =	vst @!p0 v5;
	v20 =	vmul.f32 s0, v20;
	v19 =	vmul.f32 s0, v19  }
0xf0: {  	p1 =	seq.s32 s24, $0x0;
	[tilespmem:s25+$0x181C0] =	vst @!p0 v4;
	v18 =	vmul.f32 s0, v18;
	v17 =	vmul.f32 s0, v17  }
0xf1: {  	p2 =	seq.s32 @!p1 s24, $0x2;
	[tilespmem:s25+$0x181D0] =	vst @!p0 v3;
	v16 =	vmul.f32 s0, v16;
	v15 =	vmul.f32 s0, v15  }
0xf2: {  	s29 =	sadd.s32 $0x2, s22;
	p2 =	por !p2, p1;
	[tilespmem:s25+$0x181E0] =	vst @!p0 v2;
	v14 =	vmul.f32 s0, v14;
	v12 =	vmul.f32 s0, v12  }
0xf3: {  	[tilespmem:s25+$0x181F0] =	vst @!p0 v1;
	p0 =	sge.s32 s29, s21;
	v10 =	vmul.f32 s0, v10;
	v8 =	vmul.f32 s0, v8;
	s28 =	simm.s32 @!p2 $0x3  }
.Ltmp10:
0xf4: {  	s26 =	sand.u32 $0x7FFFFFFF, s22;
	v13 =	vmul.f32 s0, v13;
	v11 =	vmul.f32 s0, v11;
	s28 =	simm.s32 @p2 $0x2;
	(pc) =	sbr.rel @p0 .LBB2_13-.Ltmp10, $4  }
0xf5: {  	s25 =	sld [smem:s26+$0x100];
	v9 =	vmul.f32 s0, v9;
	v7 =	vmul.f32 s0, v7;
	s28 =	simm.s32 @p1 $0x1  }
0xf6: {  	s26 =	sld [smem:s26+$0x180];
	v6 =	vmul.f32 s0, v6;
	v5 =	vmul.f32 s0, v5;
	_ =	swait.ge [sflag:s28], $0x8000  }
0xf7: {  	v4 =	vmul.f32 s0, v4;
	v3 =	vmul.f32 s0, v3;
	[sflag:s28] =	ssyncset.done $0x0  }
0xf8: {  	v2 =	vmul.f32 s0, v2;
	v1 =	vmul.f32 s0, v1;
	[sflag:s28] =	ssyncadd.s32 $0xFFFF8000  }
0xf9: {  	s0 =	smulhi.u32 $0x55555556, s29;
	s28 =	sshra.s32 s29, $0x1F  }
0xfa: {  	s28 =	smul.u32 $0x55555556, s28;
	_ =	sdelay $0x1  }
0xfb: {  	s0 =	sadd.s32 s28, s0  }
0xfc: {  	s28 =	sshrl.u32 s0, $0x1F  }
0xfd: {  	s0 =	sadd.s32 s28, s0  }
0xfe: {  	s0 =	smul.u32 $0x3, s0  }
0xff: {  	s28 =	sld [smem:s29+$0x80]  }
0x100: {  	s30 =	sld [smem:s29+$0x0];
	s0 =	ssub.s32 s29, s0  }
0x101: {  	p0 =	seq.s32 s0, $0x2  }
0x102: {  	s29 =	sshll.u32 @p0 s28, $0xA  }
0x103: {  	s31 =	sshll.u32 @p0 s30, $0x15;
	s29 =	sand.u32 @p0 $0x7FFFE000, s29  }
0x104: {  	s29 =	sadd.s32 @p0 s29, s31  }
0x105: {  	s13 =	simm.s32 @p0 $0x2000;
	s29 =	sor.u32 @p0 s5, s29  }
0x106: {  	s2 =	simm.s32 @p0 $0x10000;
	p1 =	seq.s32 @!p0 s0, $0x1;
	s29 =	sshrl.u32 @p0 s29, $0x3  }
0x107: {  	p2 =	por !p1, p0;
	s31 =	simm.s32 @p0 $0x1000;
	s29 =	sadd.s32 @p0 s1, s29  }
0x108: {  	[tilespmem:s2], [sflag:$0x3] =	stream.strided.gather @p0 [hbm4b:s29+s31], $0x8000, s13, s31, $0x38;
	[tilespmem:$0x1E280] =	vst v63  }
0x109: {  	s2 =	sshll.u32 @!p2 s28, $0xA  }
0x10a: {  	s13 =	sshll.u32 @!p2 s30, $0x15;
	s2 =	sand.u32 @!p2 $0x7FFFE000, s2  }
0x10b: {  	s2 =	sadd.s32 @!p2 s2, s13  }
0x10c: {  	s2 =	sor.u32 @!p2 s5, s2  }
0x10d: {  	s29 =	simm.s32 @!p2 $0x2000;
	s2 =	sshrl.u32 @!p2 s2, $0x3  }
0x10e: {  	s31 =	simm.s32 @!p2 $0x8000;
	s13 =	simm.s32 @!p2 $0x1000;
	s2 =	sadd.s32 @!p2 s1, s2  }
0x10f: {  	[tilespmem:s31], [sflag:$0x2] =	stream.strided.gather @!p2 [hbm4b:s2+s13], $0x8000, s29, s13, $0x38;
	[tilespmem:$0x1E280] =	vst v63  }
0x110: {  	p2 =	por p1, p0  }
0x111: {  	p2 =	sne.s32 @!p2 s0, $0x0  }
0x112: {  	p1 =	por @!p0 p2, p1  }
0x113: {  	p0 =	por p1, p0  }
0x114: {  	s0 =	sshll.u32 @!p0 s28, $0xA  }
0x115: {  	s2 =	sshll.u32 @!p0 s30, $0x15;
	s0 =	sand.u32 @!p0 $0x7FFFE000, s0  }
0x116: {  	s0 =	sadd.s32 @!p0 s0, s2  }
0x117: {  	s0 =	sor.u32 @!p0 s5, s0  }
0x118: {  	s13 =	simm.s32 @!p0 $0x2000;
	s0 =	sshrl.u32 @!p0 s0, $0x3  }
0x119: {  	s28 =	simm.s32 @!p0 $0x0;
	s2 =	simm.s32 @!p0 $0x1000;
	s0 =	sadd.s32 @!p0 s1, s0  }
0x11a: {  	[tilespmem:s28], [sflag:$0x1] =	stream.strided.gather @!p0 [hbm4b:s0+s2], $0x8000, s13, s2, $0x38;
	[tilespmem:$0x1E280] =	vst v63  }
.LBB2_13:
0x11b: {  	p0 =	sle.s32 s26, s25  }
.Ltmp11:
0x11c: {  	_ = 	snop;
	(pc) =	sbr.rel @p0 .LBB2_20-.Ltmp11, $1  }
0x11d: {  	_ =	sdelay $0x3  }
0x11e: {  	s30 =	ssub.s32 s26, s25  }
0x11f: {  	p1 =	sne.s32 s30, $0x1  }
.Ltmp12:
0x120: {  	_ = 	snop;
	(pc) =	sbr.rel @!p1 .LBB2_15-.Ltmp12, $4  }
0x121: {  	s0 =	sshll.u32 s24, $0xF  }
0x122: {  	s0 =	sand.u32 $0x3FFF8000, s0  }
0x123: {  	s24 =	sshll.u32 s25, $0x7;
	s25 =	sshll.u32 s25, $0x9;
	[tilespmem:$0x1FFE0] =	vst v2;
	[dreg:$0x5] =	wrdreg s0  }
0x124: {  	p0 =	por $0x0, $0x0;
	[tilespmem:$0x1FFF0] =	vst v3;
	s28 =	sadd.s32 $0xFFFFFFFF, s30;
	s31 =	rddreg [dreg:$0x5]  }
0x125: {  	s0 =	sand.u32 $0xFFFFF000, s25  }
0x126: {  	s2 =	sand.u32 $0x380, s24;
	s0 =	sadd.s32 s0, s31  }
0x127: {  	s26 =	sadd.s32 s2, s0  }
0x128: {  	v33 =	vld [tilespmem:s26+$0xC70]  }
0x129: {  	v34 =	vld [tilespmem:s26+$0x0]  }
0x12a: {  	v35 =	vld [tilespmem:s26+$0x10]  }
0x12b: {  	v36 =	vld [tilespmem:s26+$0x20]  }
0x12c: {  	v37 =	vld [tilespmem:s26+$0x30]  }
0x12d: {  	v38 =	vld [tilespmem:s26+$0x40]  }
0x12e: {  	v39 =	vld [tilespmem:s26+$0x50]  }
0x12f: {  	v40 =	vld [tilespmem:s26+$0x60]  }
0x130: {  	v41 =	vld [tilespmem:s26+$0x70]  }
0x131: {  	v42 =	vld [tilespmem:s26+$0x400]  }
0x132: {  	v43 =	vld [tilespmem:s26+$0x410]  }
0x133: {  	v44 =	vld [tilespmem:s26+$0x420]  }
0x134: {  	v45 =	vld [tilespmem:s26+$0x430]  }
0x135: {  	v46 =	vld [tilespmem:s26+$0x440]  }
0x136: {  	v47 =	vld [tilespmem:s26+$0x450]  }
0x137: {  	v48 =	vld [tilespmem:s26+$0x460]  }
0x138: {  	v57 =	vld [tilespmem:s26+$0x470];
	v1 =	vadd.f32 v33, v1;
	v32 =	vadd.f32 v34, v32  }
0x139: {  	v58 =	vld [tilespmem:s26+$0x800];
	v31 =	vadd.f32 v35, v31;
	v30 =	vadd.f32 v36, v30  }
0x13a: {  	v59 =	vld [tilespmem:s26+$0x810];
	v29 =	vadd.f32 v37, v29;
	v28 =	vadd.f32 v38, v28  }
0x13b: {  	v60 =	vld [tilespmem:s26+$0x820];
	v27 =	vadd.f32 v39, v27;
	v26 =	vadd.f32 v40, v26  }
0x13c: {  	v61 =	vld [tilespmem:s26+$0x830];
	v25 =	vadd.f32 v41, v25;
	v24 =	vadd.f32 v42, v24  }
0x13d: {  	v62 =	vld [tilespmem:s26+$0x840];
	v23 =	vadd.f32 v43, v23;
	v22 =	vadd.f32 v44, v22  }
0x13e: {  	v63 =	vld [tilespmem:s26+$0x850];
	v21 =	vadd.f32 v45, v21;
	v20 =	vadd.f32 v46, v20  }
0x13f: {  	p1 =	sne.s32 s28, $0x1;
	v19 =	vadd.f32 v47, v19;
	v18 =	vadd.f32 v48, v18  }
.Ltmp13:
0x140: {  	v42 =	vld [tilespmem:s26+$0x860];
	v17 =	vadd.f32 v57, v17;
	v16 =	vadd.f32 v58, v16;
	(pc) =	sbr.rel @!p1 .LBB2_17-.Ltmp13, $4  }
0x141: {  	v43 =	vld [tilespmem:s26+$0x870];
	v15 =	vadd.f32 v59, v15;
	v14 =	vadd.f32 v60, v14  }
0x142: {  	v44 =	vld [tilespmem:s26+$0xC00];
	v12 =	vadd.f32 v61, v12;
	v10 =	vadd.f32 v62, v10  }
0x143: {  	s30 =	sadd.s32 $0xFFFFFFFF, s28;
	p0 =	por $0x1, $0x1;
	v45 =	vld [tilespmem:s26+$0xC10];
	v8 =	vadd.f32 v63, v8;
	v33 =	vmovc v13;
	v34 =	vmovc v11;
	v35 =	vmov v9;
	v36 =	vmov v7  }
0x144: {  	s28 =	smov.u32 s25;
	s29 =	smov.u32 s24;
	s31 =	rddreg [dreg:$0x5];
	v46 =	vld [tilespmem:s26+$0xC20];
	v37 =	vmovc v6;
	v38 =	vmovc v5;
	v39 =	vmov v4;
	v40 =	vmov v3;
	v41 =	vmov v2  }
.LBB2_18:
0x145: {  	v54 =	vld [tilespmem:s26+$0xC30];
	s28 =	sadd.s32 $0x200, s28  }
0x146: {  	v55 =	vld [tilespmem:s26+$0xC40];
	s29 =	sadd.s32 $0x80, s29;
	s0 =	sand.u32 $0xFFFFF000, s28  }
0x147: {  	v56 =	vld [tilespmem:s26+$0xC50];
	s2 =	sand.u32 $0x380, s29;
	s0 =	sadd.s32 s0, s31  }
0x148: {  	v57 =	vld [tilespmem:s26+$0xC60];
	s26 =	sadd.s32 s2, s0  }
0x149: {  	v47 =	vld [tilespmem:s26+$0xC70]  }
0x14a: {  	v58 =	vld [tilespmem:s26+$0x0]  }
0x14b: {  	v59 =	vld [tilespmem:s26+$0x10]  }
0x14c: {  	v60 =	vld [tilespmem:s26+$0x20]  }
0x14d: {  	v61 =	vld [tilespmem:s26+$0x30]  }
0x14e: {  	v62 =	vld [tilespmem:s26+$0x40]  }
0x14f: {  	v63 =	vld [tilespmem:s26+$0x50]  }
0x150: {  	v48 =	vld [tilespmem:s26+$0x60]  }
0x151: {  	v49 =	vld [tilespmem:s26+$0x70]  }
0x152: {  	v50 =	vld [tilespmem:s26+$0x400]  }
0x153: {  	v51 =	vld [tilespmem:s26+$0x410]  }
0x154: {  	v52 =	vld [tilespmem:s26+$0x420]  }
0x155: {  	v33 =	vadd.f32 v42, v33;
	v34 =	vadd.f32 v43, v34;
	v53 =	vld [tilespmem:s26+$0x430]  }
0x156: {  	v35 =	vadd.f32 v44, v35;
	v38 =	vadd.f32 v54, v38;
	v54 =	vld [tilespmem:s26+$0x440]  }
0x157: {  	v36 =	vadd.f32 v45, v36;
	v39 =	vadd.f32 v55, v39;
	v55 =	vld [tilespmem:s26+$0x450]  }
0x158: {  	v37 =	vadd.f32 v46, v37;
	v40 =	vadd.f32 v56, v40;
	v56 =	vld [tilespmem:s26+$0x460]  }
0x159: {  	v41 =	vadd.f32 v57, v41;
	v57 =	vld [tilespmem:s26+$0x470];
	v1 =	vadd.f32 v47, v1  }
0x15a: {  	v32 =	vadd.f32 v58, v32;
	v31 =	vadd.f32 v59, v31;
	v58 =	vld [tilespmem:s26+$0x800]  }
0x15b: {  	v30 =	vadd.f32 v60, v30;
	v29 =	vadd.f32 v61, v29;
	v59 =	vld [tilespmem:s26+$0x810]  }
0x15c: {  	v28 =	vadd.f32 v62, v28;
	v27 =	vadd.f32 v63, v27;
	v60 =	vld [tilespmem:s26+$0x820]  }
0x15d: {  	v26 =	vadd.f32 v48, v26;
	v25 =	vadd.f32 v49, v25;
	v61 =	vld [tilespmem:s26+$0x830]  }
0x15e: {  	v24 =	vadd.f32 v50, v24;
	v23 =	vadd.f32 v51, v23;
	v62 =	vld [tilespmem:s26+$0x840]  }
0x15f: {  	p1 =	sne.s32 s30, $0x1;
	v22 =	vadd.f32 v52, v22;
	v21 =	vadd.f32 v53, v21;
	v63 =	vld [tilespmem:s26+$0x850]  }
.Ltmp14:
0x160: {  	v42 =	vld [tilespmem:s26+$0x860];
	v20 =	vadd.f32 v54, v20;
	v19 =	vadd.f32 v55, v19;
	(pc) =	sbr.rel @p1 .LBB2_18-.Ltmp14, $4  }
0x161: {  	v43 =	vld [tilespmem:s26+$0x870];
	v18 =	vadd.f32 v56, v18;
	v17 =	vadd.f32 v57, v17  }
0x162: {  	v44 =	vld [tilespmem:s26+$0xC00];
	v16 =	vadd.f32 v58, v16;
	v15 =	vadd.f32 v59, v15  }
0x163: {  	v45 =	vld [tilespmem:s26+$0xC10];
	v14 =	vadd.f32 v60, v14;
	v12 =	vadd.f32 v61, v12  }
0x164: {  	s30 =	sadd.s32 $0xFFFFFFFF, s30;
	s31 =	rddreg [dreg:$0x5];
	v46 =	vld [tilespmem:s26+$0xC20];
	v10 =	vadd.f32 v62, v10;
	v8 =	vadd.f32 v63, v8  }
.Ltmp15:
0x165: {  	_ = 	snop;
	(pc) =	sbr.rel .LBB2_19-.Ltmp15, $1  }
0x166: {  	_ =	sdelay $0x3  }
.LBB2_17:
.Ltmp16:
0x167: {  	(pc) =	sbr.rel .LBB2_19-.Ltmp16, $3  }
0x168: {  	_ =	sdelay $0x1  }
0x169: {  	v33 =	vmovc v13;
	v34 =	vmov v11;
	v35 =	vmov v9;
	v36 =	vmov v7  }
0x16a: {  	s28 =	smov.u32 s25;
	s29 =	smov.u32 s24;
	v37 =	vmovc v6;
	v38 =	vmovc v5;
	v39 =	vmov v4;
	v40 =	vmov v3;
	v41 =	vmov v2  }
.LBB2_21:
0x16b: {  	s0 =	sshll.u32 s23, $0xB  }
0x16c: {  	s0 =	sshra.s32 s0, $0x2  }
0x16d: {  	[tilespmem:s0+$0x18000] =	vst v32  }
0x16e: {  	[tilespmem:s0+$0x18010] =	vst v31  }
0x16f: {  	[tilespmem:s0+$0x18020] =	vst v30  }
0x170: {  	[tilespmem:s0+$0x18030] =	vst v29  }
0x171: {  	[tilespmem:s0+$0x18040] =	vst v28  }
0x172: {  	[tilespmem:s0+$0x18050] =	vst v27  }
0x173: {  	[tilespmem:s0+$0x18060] =	vst v26  }
0x174: {  	[tilespmem:s0+$0x18070] =	vst v25  }
0x175: {  	[tilespmem:s0+$0x18080] =	vst v24  }
0x176: {  	[tilespmem:s0+$0x18090] =	vst v23  }
0x177: {  	[tilespmem:s0+$0x180A0] =	vst v22  }
0x178: {  	[tilespmem:s0+$0x180B0] =	vst v21  }
0x179: {  	[tilespmem:s0+$0x180C0] =	vst v20  }
0x17a: {  	[tilespmem:s0+$0x180D0] =	vst v19  }
0x17b: {  	[tilespmem:s0+$0x180E0] =	vst v18  }
0x17c: {  	[tilespmem:s0+$0x180F0] =	vst v17  }
0x17d: {  	[tilespmem:s0+$0x18100] =	vst v16  }
0x17e: {  	[tilespmem:s0+$0x18110] =	vst v15  }
0x17f: {  	[tilespmem:s0+$0x18120] =	vst v14  }
0x180: {  	[tilespmem:s0+$0x18130] =	vst v12  }
0x181: {  	[tilespmem:s0+$0x18140] =	vst v10  }
0x182: {  	[tilespmem:s0+$0x18150] =	vst v8  }
0x183: {  	[tilespmem:s0+$0x18160] =	vst v13  }
0x184: {  	[tilespmem:s0+$0x18170] =	vst v11  }
0x185: {  	[tilespmem:s0+$0x18180] =	vst v9  }
0x186: {  	[tilespmem:s0+$0x18190] =	vst v7  }
0x187: {  	[tilespmem:s0+$0x181A0] =	vst v6  }
0x188: {  	[tilespmem:s0+$0x181B0] =	vst v5  }
0x189: {  	[tilespmem:s0+$0x181C0] =	vst v4  }
0x18a: {  	[tilespmem:s0+$0x181D0] =	vst v3  }
0x18b: {  	[tilespmem:s0+$0x181E0] =	vst v2  }
0x18c: {  	[tilespmem:s0+$0x181F0] =	vst v1  }
.LBB2_22:
0x18d: {  	[spmem:s6] =	stream.strided.scatter [tilespmem:s16], [sflag:$0x4], $0x2000, s15, s14, $0x38;
	[tilespmem:$0x1E280] =	vst v63  }
0x18e: {  	_ =	swait.ge [sflag:s11], $0x2000  }
0x18f: {  	[sflag:s11] =	ssyncset.done $0x0  }
0x190: {  	[sflag:s11] =	ssyncadd.s32 $0xFFFFE000  }
0x191: {  	[bflag:$0x0] =	sbarrier.arrive $0xFFFF  }
0x192: {  	[tilespmem:s18], [sflag:$0x4] =	stream.strided.gather [spmem:s7], $0x2000, s17, s12, $0x38;
	[tilespmem:$0x1E280] =	vst v63  }
0x193: {  	s0 =	simm.s32 $0x0;
	_ =	swait.ge [sflag:s11], $0x2000  }
0x194: {  	s2 =	sand.u32 $0x1000, s0;
	s0 =	sand.u32 $0x380, s0;
	[sflag:s11] =	ssyncset.done $0x0  }
0x195: {  	s0 =	sor.u32 s0, s2;
	[sflag:s11] =	ssyncadd.s32 $0xFFFFE000  }
0x196: {  	s21 =	sadd.s32 $0x1A080, s0;
	v1 =	vld [tilespmem:s0+$0x1A080]  }
0x197: {  	v3 =	vld [tilespmem:s21+$0xC70]  }
0x198: {  	v4 =	vld [tilespmem:s21+$0x10]  }
0x199: {  	v5 =	vld [tilespmem:s21+$0x20]  }
0x19a: {  	v6 =	vld [tilespmem:s21+$0x30]  }
0x19b: {  	v7 =	vld [tilespmem:s21+$0x40]  }
0x19c: {  	v8 =	vld [tilespmem:s21+$0x50]  }
0x19d: {  	v9 =	vld [tilespmem:s21+$0x60]  }
0x19e: {  	v10 =	vld [tilespmem:s21+$0x70]  }
0x19f: {  	v11 =	vld [tilespmem:s21+$0x400]  }
0x1a0: {  	v12 =	vld [tilespmem:s21+$0x410]  }
0x1a1: {  	v13 =	vld [tilespmem:s21+$0x420]  }
0x1a2: {  	v14 =	vld [tilespmem:s21+$0x430]  }
0x1a3: {  	v15 =	vld [tilespmem:s21+$0x440]  }
0x1a4: {  	v16 =	vld [tilespmem:s21+$0x450]  }
0x1a5: {  	v17 =	vld [tilespmem:s21+$0x460]  }
0x1a6: {  	v2 =	vimm.f32 $0.0e+00;
	v33 =	vld [tilespmem:s21+$0x470]  }
0x1a7: {  	v34 =	vld [tilespmem:s21+$0x800];
	v30 =	vadd.f32 v1, v2  }
0x1a8: {  	v1 =	vadd.f32 v3, v2;
	v32 =	vadd.f32 v4, v2;
	v3 =	vld [tilespmem:s21+$0x810]  }
0x1a9: {  	v31 =	vadd.f32 v5, v2;
	v29 =	vadd.f32 v6, v2;
	v4 =	vld [tilespmem:s21+$0x820]  }
0x1aa: {  	v28 =	vadd.f32 v7, v2;
	v27 =	vadd.f32 v8, v2;
	v5 =	vld [tilespmem:s21+$0x830]  }
0x1ab: {  	v26 =	vadd.f32 v9, v2;
	v25 =	vadd.f32 v10, v2;
	v6 =	vld [tilespmem:s21+$0x840]  }
0x1ac: {  	v24 =	vadd.f32 v11, v2;
	v23 =	vadd.f32 v12, v2;
	v7 =	vld [tilespmem:s21+$0x850]  }
0x1ad: {  	v22 =	vadd.f32 v13, v2;
	v21 =	vadd.f32 v14, v2;
	v8 =	vld [tilespmem:s21+$0x860]  }
0x1ae: {  	v20 =	vadd.f32 v15, v2;
	v19 =	vadd.f32 v16, v2;
	v9 =	vld [tilespmem:s21+$0x870]  }
0x1af: {  	v37 =	vld [tilespmem:s21+$0xC00];
	v18 =	vadd.f32 v17, v2;
	v17 =	vadd.f32 v33, v2  }
0x1b0: {  	v16 =	vadd.f32 v34, v2;
	v15 =	vadd.f32 v3, v2  }
0x1b1: {  	v36 =	vld [tilespmem:s21+$0xC10];
	v14 =	vadd.f32 v4, v2;
	v13 =	vadd.f32 v5, v2  }
0x1b2: {  	v35 =	vld [tilespmem:s21+$0xC20];
	v12 =	vadd.f32 v6, v2;
	v11 =	vadd.f32 v7, v2  }
0x1b3: {  	v34 =	vld [tilespmem:s21+$0xC30];
	v10 =	vadd.f32 v8, v2;
	v7 =	vadd.f32 v9, v2  }
0x1b4: {  	s31 =	simm.s32 $0x200;
	s22 =	simm.s32 $0x80;
	v33 =	vld [tilespmem:s21+$0xC40];
	v8 =	vadd.f32 v37, v2;
	v9 =	vimm.f32 $0.0e+00;
	v5 =	vimm.f32 $0.0e+00  }
0x1b5: {  	s23 =	simm.s32 $0x400;
	s24 =	sand.u32 $0x1000, s31;
	s25 =	sand.u32 $0x380, s22;
	v37 =	vld [tilespmem:s21+$0xC50];
	v6 =	vimm.f32 $0.0e+00;
	v4 =	vimm.f32 $0.0e+00;
	v3 =	vimm.f32 $0.0e+00  }
.LBB2_23:
0x1b6: {  	p0 =	sne.s32 s23, $0x1E00;
	s0 =	sor.u32 s25, s24;
	v2 =	vadd.f32 v36, v2;
	v36 =	vld [tilespmem:s21+$0xC60]  }
0x1b7: {  	s21 =	sadd.s32 $0x1A080, s0;
	v38 =	vld [tilespmem:s0+$0x1A080];
	v9 =	vadd.f32 v35, v9  }
0x1b8: {  	v35 =	vld [tilespmem:s21+$0xC70];
	v5 =	vadd.f32 v34, v5  }
0x1b9: {  	v34 =	vld [tilespmem:s21+$0x10];
	v6 =	vadd.f32 v33, v6  }
0x1ba: {  	v33 =	vld [tilespmem:s21+$0x20];
	v4 =	vadd.f32 v37, v4  }
0x1bb: {  	v37 =	vld [tilespmem:s21+$0x30];
	v3 =	vadd.f32 v36, v3  }
0x1bc: {  	v30 =	vadd.f32 v38, v30;
	v36 =	vld [tilespmem:s21+$0x40]  }
0x1bd: {  	v38 =	vld [tilespmem:s21+$0x50];
	v1 =	vadd.f32 v35, v1  }
0x1be: {  	v32 =	vadd.f32 v34, v32;
	v34 =	vld [tilespmem:s21+$0x60]  }
0x1bf: {  	v31 =	vadd.f32 v33, v31;
	v33 =	vld [tilespmem:s21+$0x70]  }
0x1c0: {  	v29 =	vadd.f32 v37, v29;
	v35 =	vld [tilespmem:s21+$0x400]  }
0x1c1: {  	v28 =	vadd.f32 v36, v28;
	v36 =	vld [tilespmem:s21+$0x410]  }
0x1c2: {  	v27 =	vadd.f32 v38, v27;
	v37 =	vld [tilespmem:s21+$0x420]  }
0x1c3: {  	v26 =	vadd.f32 v34, v26;
	v34 =	vld [tilespmem:s21+$0x430]  }
0x1c4: {  	v25 =	vadd.f32 v33, v25;
	v33 =	vld [tilespmem:s21+$0x440]  }
0x1c5: {  	v24 =	vadd.f32 v35, v24;
	v35 =	vld [tilespmem:s21+$0x450]  }
0x1c6: {  	v23 =	vadd.f32 v36, v23;
	v36 =	vld [tilespmem:s21+$0x460]  }
0x1c7: {  	v22 =	vadd.f32 v37, v22;
	v37 =	vld [tilespmem:s21+$0x470]  }
0x1c8: {  	v21 =	vadd.f32 v34, v21;
	v34 =	vld [tilespmem:s21+$0x800]  }
0x1c9: {  	v20 =	vadd.f32 v33, v20;
	v33 =	vld [tilespmem:s21+$0x810]  }
0x1ca: {  	v19 =	vadd.f32 v35, v19;
	v35 =	vld [tilespmem:s21+$0x820]  }
0x1cb: {  	v18 =	vadd.f32 v36, v18;
	v36 =	vld [tilespmem:s21+$0x830]  }
0x1cc: {  	v17 =	vadd.f32 v37, v17;
	v37 =	vld [tilespmem:s21+$0x840]  }
0x1cd: {  	v16 =	vadd.f32 v34, v16;
	v34 =	vld [tilespmem:s21+$0x850]  }
0x1ce: {  	v15 =	vadd.f32 v33, v15;
	v33 =	vld [tilespmem:s21+$0x860]  }
0x1cf: {  	v14 =	vadd.f32 v35, v14;
	v38 =	vld [tilespmem:s21+$0x870]  }
0x1d0: {  	v13 =	vadd.f32 v36, v13;
	v39 =	vld [tilespmem:s21+$0xC00]  }
.Ltmp17:
0x1d1: {  	v12 =	vadd.f32 v37, v12;
	v36 =	vld [tilespmem:s21+$0xC10];
	(pc) =	sbr.rel @p0 .LBB2_23-.Ltmp17, $4  }
0x1d2: {  	v11 =	vadd.f32 v34, v11;
	v35 =	vld [tilespmem:s21+$0xC20]  }
0x1d3: {  	v10 =	vadd.f32 v33, v10;
	v34 =	vld [tilespmem:s21+$0xC30]  }
0x1d4: {  	s22 =	sadd.s32 $0x80, s22;
	v7 =	vadd.f32 v38, v7;
	v33 =	vld [tilespmem:s21+$0xC40]  }
0x1d5: {  	s24 =	sand.u32 $0x1000, s23;
	s23 =	sadd.s32 $0x200, s23;
	s25 =	sand.u32 $0x380, s22;
	v8 =	vadd.f32 v39, v8;
	v37 =	vld [tilespmem:s21+$0xC50]  }
0x1d6: {  	v39 =	vld [tilespmem:s3+$0x1A000];
	_ =	sdelay $0x3  }
0x1d7: {  	s0 =	sor.u32 s25, s24;
	v38 =	vld [tilespmem:s21+$0xC60]  }
0x1d8: {  	s2 =	sadd.s32 $0x1A080, s0;
	v41 =	vld [tilespmem:s0+$0x1A080];
	(v2sf) =	vpush v39, $0x0  }
0x1d9: {  	v57 =	vld [tilespmem:s2+$0xC70]  }
0x1da: {  	v42 =	vld [tilespmem:s2+$0x20]  }
0x1db: {  	v43 =	vld [tilespmem:s2+$0x30]  }
0x1dc: {  	v44 =	vld [tilespmem:s2+$0x40]  }
0x1dd: {  	v45 =	vld [tilespmem:s2+$0x50]  }
0x1de: {  	v46 =	vld [tilespmem:s2+$0x60]  }
0x1df: {  	v47 =	vld [tilespmem:s2+$0x70]  }
0x1e0: {  	v48 =	vld [tilespmem:s2+$0x400]  }
0x1e1: {  	v49 =	vld [tilespmem:s2+$0x410]  }
0x1e2: {  	v50 =	vld [tilespmem:s2+$0x420]  }
0x1e3: {  	v51 =	vld [tilespmem:s2+$0x430]  }
0x1e4: {  	v52 =	vld [tilespmem:s2+$0x440]  }
0x1e5: {  	v53 =	vld [tilespmem:s2+$0x450]  }
0x1e6: {  	v54 =	vld [tilespmem:s2+$0x460]  }
0x1e7: {  	v55 =	vld [tilespmem:s2+$0x470];
	s31 =	spop (v2sf)  }
0x1e8: {  	v56 =	vld [tilespmem:s2+$0x800];
	s0 =	scvt.s32.f32 s31  }
0x1e9: {  	[tilespmem:$0x1FFC0] =	vst v38;
	v38 =	vld [tilespmem:s2+$0xC10]  }
0x1ea: {  	v58 =	vld [tilespmem:s2+$0x820];
	v59 =	vmov s0  }
0x1eb: {  	v60 =	vld [tilespmem:s2+$0x830];
	(erf) = vrcp.f32 v59  }
0x1ec: {  	v61 =	vld [tilespmem:s2+$0x850]  }
0x1ed: {  	v62 =	vld [tilespmem:s2+$0x860]  }
0x1ee: {  	[tilespmem:$0x1FFA0] =	vst v38;
	v38 =	vld [tilespmem:s2+$0xC20]  }
0x1ef: {  	v39 =	vld [tilespmem:s2+$0x10]  }
0x1f0: {  	v63 =	vld [tilespmem:s2+$0x870]  }
0x1f1: {  	v40 =	vld [tilespmem:s2+$0xC00]  }
0x1f2: {  	[tilespmem:$0x1FFD0] =	vst v57;
	v57 =	vld [tilespmem:s2+$0x810]  }
0x1f3: {  	v31 =	vadd.f32 v42, v31;
	v42 =	vld [tilespmem:s2+$0xC50];
	[tilespmem:$0x1FFB0] =	vst v38;
	v38 =	vadd.f32 v41, v30  }
0x1f4: {  	v29 =	vadd.f32 v43, v29;
	v43 =	vld [tilespmem:s2+$0xC60];
	v32 =	vadd.f32 v39, v32;
	v30 =	vpop (erf)  }
0x1f5: {  	v39 =	vld [tilespmem:s2+$0xC40];
	v38 =	vmul.f32 v30, v38  }
0x1f6: {  	v41 =	vld [tilespmem:s2+$0xC30];
	v32 =	vmul.f32 v30, v32  }
0x1f7: {  	v28 =	vadd.f32 v44, v28;
	v59 =	vld [tilespmem:s2+$0x840];
	v31 =	vmul.f32 v30, v31;
	[tilespmem:$0x1C080] =	vst v38  }
0x1f8: {  	v27 =	vadd.f32 v45, v27;
	v29 =	vmul.f32 v30, v29;
	[tilespmem:$0x1C090] =	vst v32  }
0x1f9: {  	v26 =	vadd.f32 v46, v26;
	v28 =	vmul.f32 v30, v28;
	[tilespmem:$0x1C0A0] =	vst v31  }
0x1fa: {  	v25 =	vadd.f32 v47, v25;
	v27 =	vmul.f32 v30, v27;
	[tilespmem:$0x1C0B0] =	vst v29  }
0x1fb: {  	v24 =	vadd.f32 v48, v24;
	v26 =	vmul.f32 v30, v26;
	[tilespmem:$0x1C0C0] =	vst v28  }
0x1fc: {  	v23 =	vadd.f32 v49, v23;
	v25 =	vmul.f32 v30, v25;
	[tilespmem:$0x1C0D0] =	vst v27  }
0x1fd: {  	v22 =	vadd.f32 v50, v22;
	v24 =	vmul.f32 v30, v24;
	[tilespmem:$0x1C0E0] =	vst v26  }
0x1fe: {  	v21 =	vadd.f32 v51, v21;
	v23 =	vmul.f32 v30, v23;
	[tilespmem:$0x1C0F0] =	vst v25  }
0x1ff: {  	v20 =	vadd.f32 v52, v20;
	v22 =	vmul.f32 v30, v22;
	[tilespmem:$0x1C100] =	vst v24  }
0x200: {  	v19 =	vadd.f32 v53, v19;
	v21 =	vmul.f32 v30, v21;
	[tilespmem:$0x1C110] =	vst v23  }
0x201: {  	v18 =	vadd.f32 v54, v18;
	v20 =	vmul.f32 v30, v20;
	[tilespmem:$0x1C120] =	vst v22  }
0x202: {  	v17 =	vadd.f32 v55, v17;
	v19 =	vmul.f32 v30, v19;
	[tilespmem:$0x1C130] =	vst v21  }
0x203: {  	v16 =	vadd.f32 v56, v16;
	v18 =	vmul.f32 v30, v18;
	[tilespmem:$0x1C140] =	vst v20  }
0x204: {  	v15 =	vadd.f32 v57, v15;
	v17 =	vmul.f32 v30, v17;
	[tilespmem:$0x1C150] =	vst v19  }
0x205: {  	v14 =	vadd.f32 v58, v14;
	v16 =	vmul.f32 v30, v16;
	[tilespmem:$0x1C160] =	vst v18  }
0x206: {  	v13 =	vadd.f32 v60, v13;
	v60 =	vld [tilespmem:$0x1FFC0];
	v15 =	vmul.f32 v30, v15;
	[tilespmem:$0x1C170] =	vst v17  }
0x207: {  	v58 =	vld [tilespmem:$0x1FFA0];
	v12 =	vadd.f32 v59, v12;
	v14 =	vmul.f32 v30, v14;
	[tilespmem:$0x1C180] =	vst v16  }
0x208: {  	v11 =	vadd.f32 v61, v11;
	v13 =	vmul.f32 v30, v13;
	[tilespmem:$0x1C190] =	vst v15  }
0x209: {  	v10 =	vadd.f32 v62, v10;
	v12 =	vmul.f32 v30, v12;
	[tilespmem:$0x1C1A0] =	vst v14  }
0x20a: {  	v2 =	vadd.f32 v36, v2;
	v7 =	vadd.f32 v63, v7;
	v63 =	vld [tilespmem:$0x1FFD0];
	v11 =	vmul.f32 v30, v11;
	[tilespmem:$0x1C1B0] =	vst v13  }
0x20b: {  	v6 =	vadd.f32 v33, v6;
	v8 =	vadd.f32 v40, v8;
	v10 =	vmul.f32 v30, v10;
	[tilespmem:$0x1C1C0] =	vst v12  }
0x20c: {  	v3 =	vadd.f32 v60, v3;
	v2 =	vadd.f32 v58, v2;
	v59 =	vld [tilespmem:$0x1FFB0];
	v7 =	vmul.f32 v30, v7;
	[tilespmem:$0x1C1D0] =	vst v11  }
0x20d: {  	v6 =	vadd.f32 v39, v6;
	v8 =	vmul.f32 v30, v8;
	[tilespmem:$0x1C1E0] =	vst v10  }
0x20e: {  	v5 =	vadd.f32 v34, v5;
	v3 =	vadd.f32 v43, v3;
	v2 =	vmul.f32 v30, v2;
	[tilespmem:$0x1C1F0] =	vst v7  }
0x20f: {  	v9 =	vadd.f32 v35, v9;
	v1 =	vadd.f32 v63, v1;
	v62 =	vmul.f32 v30, v6;
	[tilespmem:$0x1C200] =	vst v8  }
0x210: {  	v4 =	vadd.f32 v37, v4;
	v5 =	vadd.f32 v41, v5;
	v3 =	vmul.f32 v30, v3;
	[tilespmem:$0x1C210] =	vst v2  }
0x211: {  	v9 =	vadd.f32 v59, v9;
	v1 =	vmul.f32 v30, v1;
	[tilespmem:$0x1C240] =	vst v62  }
0x212: {  	v4 =	vadd.f32 v42, v4;
	v2 =	vmul.f32 v30, v5;
	[tilespmem:$0x1C260] =	vst v3  }
0x213: {  	v61 =	vmul.f32 v30, v9;
	[tilespmem:$0x1C270] =	vst v1  }
0x214: {  	s20 =	sadd.s32 $0x1, s20;
	[tilespmem:$0x1C230] =	vst v2;
	v2 =	vmul.f32 v30, v4  }
0x215: {  	p0 =	sne.s32 s20, s9;
	[tilespmem:$0x1C220] =	vst v61  }
.Ltmp18:
0x216: {  	[tilespmem:$0x1C250] =	vst v2;
	(pc) =	sbr.rel @p0 .LBB2_1-.Ltmp18, $4  }
0x217: {  	[hbm4b:s8+s14] =	stream.strided.scatter [tilespmem:s19], [sflag:$0x4], $0x200, s15, s14, $0x38;
	[tilespmem:$0x1E280] =	vst v63  }
0x218: {  	_ =	swait.ge [sflag:s11], $0x200  }
0x219: {  	[sflag:s11] =	ssyncset.done $0x0  }
0x21a: {  	[sflag:s11] =	ssyncadd.s32 $0xFFFFFE00  }
0x21b: {  	_ =	sfence.sel $0x180000  }
0x21c: {  	[bflag:$0x0] =	sbarrier.arrive $0xFFFF  }
0x21d: {  	_ =	strace $0x90000047  }
0x21e: {  	[bflag:$0x2] =	sbarrier.arrive $0xFFFF  }
0x21f: {  	p0 =	sne.s32 s3, $0x0;
	s0 =	rddreg [dreg:$0x4]  }
0x220: {  	s0 =	sadd.s32 @!p0 $0x100000, s0  }
0x221: {  	[sflag:s0] =	ssyncadd.tile.s32 @!p0 $0x1;
	_ =	shalt  }
.Lfunc_end2:
_tile_overlayer_lowered:
.L_overlay_start_2:
0x222: {  	(tag) =	ssettag $0x2  }
0x223: {  	s0 =	rddreg [dreg:$0x0];
	s2 =	stileid.u32  }
0x224: {  	s1 =	rddreg [dreg:$0x1];
	p0 =	sne.s32 s2, $0x0  }
0x225: {  	s3 =	rddreg [dreg:$0x2];
	[bflag:$0x3] =	sbarrier.arrive $0xFFFF;
	s2 =	simm.s32 @!p0 $0x1C04  }
0x226: {  	[timem:s3], [sflag:s2] =	dma.local @!p0 [hbm:s0], s1  }
0x227: {  	s0 =	simm.s32 @!p0 $0x4  }
0x228: {  	_ =	swait.ge @!p0 [sflag:s0], s1  }
0x229: {  	s1 =	ssub.s32 @!p0 $0x0, s1;
	[sflag:s0] =	ssyncset.done @!p0 $0x0  }
0x22a: {  	[sflag:s0] =	ssyncadd.s32 @!p0 s1  }
0x22b: {  	[bflag:$0x3] =	sbarrier.arrive $0xFFFF  }
0x22c: {  	_ =	shalt  }

</sc_bundles>
